<compile_context>
chip_gen: v7x
topology: tpu7x:2x2x1
jax: 0.10.2.dev20260603
libtpu: 0.0.44.dev20260713+nightly
codegen_flags: <defaults>
</compile_context>

<pallas_src>
import functools

import jax
import jax.numpy as jnp
from jax import lax
from jax.experimental import pallas as pl
from jax.experimental.pallas import tpu as pltpu
from jax.experimental.pallas import tpu_sc as plsc

N = 10000
NPAD = 10112
E = 320000
NC = 2
NS = 16
NW = NC * NS
K = 128
K2 = 64
EPT = 10240
CH = EPT // K2
CHH = CH // 2
EPAD = NW * EPT
NSTR = NPAD // NS


def _mp_kernel(D):
    mesh = plsc.VectorSubcoreMesh(core_axis_name="c", subcore_axis_name="s")

    @functools.partial(
        pl.kernel,
        out_type=jax.ShapeDtypeStruct((2 * NPAD, D), jnp.float32),
        mesh=mesh,
        scratch_types=[
            pltpu.VMEM((CHH, K2), jnp.int32),
            pltpu.VMEM((CHH, K2), jnp.int32),
            pltpu.VMEM((K, D), jnp.float32),
            pltpu.VMEM_SHARED((NPAD, D), jnp.float32),
            pltpu.SemaphoreType.DMA,
            pltpu.SemaphoreType.DMA,
            pltpu.SemaphoreType.DMA,
            pltpu.SemaphoreType.DMA,
        ],
    )
    def mp(t_hbm, gidx_hbm, sidx_hbm, zeros_hbm, out_hbm,
           gi_v, si_v, rows_v, acc_sh, *sems):
        gsem = sems[:2]
        ssem = sems[2:]
        cid = lax.axis_index("c")
        sid = lax.axis_index("s")
        wid = cid * NS + sid
        base = sid * NSTR
        pltpu.sync_copy(zeros_hbm, acc_sh.at[pl.ds(base, NSTR)])
        plsc.subcore_barrier()

        qs = [rows_v.at[pl.ds(b * K2, K2)] for b in range(2)]

        def body(i, carry):
            chs = [2 * i + b for b in range(2)]
            gd = [pltpu.async_copy(t_hbm.at[gi_v.at[chs[b]]], qs[b], gsem[b])
                  for b in range(2)]
            sd = []
            for b in range(2):
                gd[b].wait()
                sd.append(pltpu.async_copy(
                    qs[b], acc_sh.at[si_v.at[chs[b]]], ssem[b], add=True))
            for b in range(2):
                sd[b].wait()
            return carry

        for ph in range(2):
            pltpu.sync_copy(gidx_hbm.at[wid, pl.ds(ph * CHH, CHH)], gi_v)
            pltpu.sync_copy(sidx_hbm.at[wid, pl.ds(ph * CHH, CHH)], si_v)
            lax.fori_loop(0, CHH // 2, body, 0, unroll=False)
        plsc.subcore_barrier()
        pltpu.sync_copy(acc_sh.at[pl.ds(base, NSTR)],
                        out_hbm.at[pl.ds(cid * NPAD + base, NSTR)])

    return mp



def _deg_kernel():
    mesh = plsc.VectorSubcoreMesh(core_axis_name="c", subcore_axis_name="s")

    @functools.partial(
        pl.kernel,
        out_type=jax.ShapeDtypeStruct((2 * NPAD, 128), jnp.float32),
        mesh=mesh,
        scratch_types=[
            pltpu.VMEM((CHH, K2), jnp.int32),
            pltpu.VMEM((K2, 128), jnp.float32),
            pltpu.VMEM_SHARED((NPAD, 128), jnp.float32),
        ],
    )
    def deg(sidx_hbm, ones_hbm, zeros_hbm, out_hbm, si_v, ones_v, acc_sh):
        cid = lax.axis_index("c")
        sid = lax.axis_index("s")
        wid = cid * NS + sid
        base = sid * NSTR
        pltpu.sync_copy(zeros_hbm, acc_sh.at[pl.ds(base, NSTR)])
        pltpu.sync_copy(ones_hbm, ones_v)
        plsc.subcore_barrier()

        def body(ch, carry):
            pltpu.sync_copy(ones_v, acc_sh.at[si_v.at[ch]], add=True)
            return carry

        for ph in range(2):
            pltpu.sync_copy(sidx_hbm.at[wid, pl.ds(ph * CHH, CHH)], si_v)
            lax.fori_loop(0, CHH, body, 0, unroll=False)
        plsc.subcore_barrier()
        pltpu.sync_copy(acc_sh.at[pl.ds(base, NSTR)],
                        out_hbm.at[pl.ds(cid * NPAD + base, NSTR)])

    return deg



def _sig(att_ref, i):
    return jax.nn.sigmoid(att_ref[0:1, i:i + 1])


def _stage_a(dT0, dT1, x, w0, r_o, t0_o):
    dr = dT0[:, 0:1] + dT1[:, 0:1]
    r = lax.rsqrt(jnp.maximum(dr, 1.0))
    r_o[...] = r
    t = jnp.dot(x[...] * r, w0[...], preferred_element_type=jnp.float32)
    t0_o[...] = jnp.concatenate(
        [t[:, :64], jnp.ones((NPAD, 1), jnp.float32),
         jnp.zeros((NPAD, 63), jnp.float32)], axis=1)


def _stage_even_epi0(a0, a1, b, att, q_o, m_o):
    s = _sig(att, 0)
    agg = a0[...] + a1[...]
    q = lax.rsqrt(jnp.maximum(agg[:, 64:65], 1.0))
    q_o[...] = q
    h = jnp.maximum(s * (q * agg + b[...]), 0.0)
    m = q * h
    m_o[...] = jnp.concatenate(
        [m[:, :64], jnp.zeros((NPAD, 64), jnp.float32)], axis=1)


def _stage_even_epi(i, a0, a1, q, b, att, m_o):
    s = _sig(att, i)
    q_ = q[...]
    h = jnp.maximum(s * (q_ * (a0[...] + a1[...]) + b[...]), 0.0)
    m_o[...] = q_ * h


def _stage_odd_epi(i, u0, u1, r, w, b, wn, att, t_o):
    s = _sig(att, i)
    r_ = r[...]
    h = jnp.maximum(
        s * (jnp.dot(r_ * (u0[...] + u1[...]), w[...],
                     preferred_element_type=jnp.float32) + b[...]), 0.0)
    t_o[...] = jnp.dot(h * r_, wn[...], preferred_element_type=jnp.float32)


def _stage_final(u0, u1, r, w5, b5, fcw, fcb, att, out_o):
    s = _sig(att, 5)
    r_ = r[...]
    h = jnp.maximum(
        s * (jnp.dot(r_ * (u0[...] + u1[...]), w5[...],
                     preferred_element_type=jnp.float32) + b5[...]), 0.0)
    out_o[...] = jnp.dot(h, fcw[...], preferred_element_type=jnp.float32) + fcb[...]


def _tc(body, out_shapes, *args):
    return pl.pallas_call(body, out_shape=out_shapes)(*args)


def kernel(x, edge_index, W0, b0, W1, b1, W2, b2, W3, b3, W4, b4, W5, b5,
           att, fcW, fcb):
    f32 = jnp.float32
    src = edge_index[0].astype(jnp.int32)
    dst = edge_index[1].astype(jnp.int32)
    npad_edges = EPAD - E
    par = jnp.arange(npad_edges, dtype=jnp.int32)
    zpad = par % N
    dpad = N + par % (NPAD - N)
    gA = jnp.concatenate([src, zpad]).reshape(NW, CH, K2)
    sA = jnp.concatenate([dst, dpad]).reshape(NW, CH, K2)
    gT = jnp.concatenate([dst, zpad]).reshape(NW, CH, K2)
    sT = jnp.concatenate([src, dpad]).reshape(NW, CH, K2)

    zeros128 = jnp.zeros((NSTR, 128), f32)
    W0p = jnp.pad(W0, ((0, 0), (0, 64)))
    W1p = jnp.pad(W1, ((0, 64), (0, 0)))
    b0p = jnp.pad(b0, (0, 64))
    ones_k = jnp.ones((K2, 128), f32)
    x_p = jnp.pad(x, ((0, NPAD - N), (0, 0)))
    att2 = jnp.pad(att.astype(f32), (0, 2)).reshape(1, 8)
    b1_, b2_, b3_ = b1.reshape(1, -1), b2.reshape(1, -1), b3.reshape(1, -1)
    b4_, b5_ = b4.reshape(1, -1), b5.reshape(1, -1)
    fcb_ = fcb.reshape(1, -1)

    mp128 = _mp_kernel(128)

    dT = _deg_kernel()(sT, ones_k, zeros128)

    sds = jax.ShapeDtypeStruct
    r, t0 = _tc(_stage_a,
                (sds((NPAD, 1), f32), sds((NPAD, 128), f32)),
                dT[:NPAD], dT[NPAD:], x_p, W0p)

    p = mp128(t0, gA, sA, zeros128)
    q, m1 = _tc(_stage_even_epi0,
                (sds((NPAD, 1), f32), sds((NPAD, 128), f32)),
                p[:NPAD], p[NPAD:], b0p.reshape(1, -1), att2)
    p = mp128(m1, gT, sT, zeros128)
    t2 = _tc(functools.partial(_stage_odd_epi, 1),
             sds((NPAD, 128), f32), p[:NPAD], p[NPAD:], r, W1p, b1_, W2, att2)
    p = mp128(t2, gA, sA, zeros128)
    m3 = _tc(functools.partial(_stage_even_epi, 2),
             sds((NPAD, 128), f32), p[:NPAD], p[NPAD:], q, b2_, att2)
    p = mp128(m3, gT, sT, zeros128)
    t4 = _tc(functools.partial(_stage_odd_epi, 3),
             sds((NPAD, 128), f32), p[:NPAD], p[NPAD:], r, W3, b3_, W4, att2)
    p = mp128(t4, gA, sA, zeros128)
    m5 = _tc(functools.partial(_stage_even_epi, 4),
             sds((NPAD, 128), f32), p[:NPAD], p[NPAD:], q, b4_, att2)
    p = mp128(m5, gT, sT, zeros128)
    out = _tc(_stage_final,
              sds((NPAD, 2), f32), p[:NPAD], p[NPAD:], r, W5, b5_, fcW, fcb_,
              att2)
    return out[:N]

# --- scband reference (transcript-rebuilt; emitter-appended) ---
"""Pipeline reference for scband-bipartite-gcn-47751446397296 (READ-ONLY COPY).

The authoritative reference and input builder live on the scoring server;
editing this copy changes nothing except your own understanding.
"""

import jax, jax.numpy as jnp
import numpy as np

N_READ = 10000
N_INTRON = 10000
E = 320000
D_IN = 128
D_OUT = 128
DIMS = [(D_IN, 64), (64, 128), (128, 128), (128, 128), (128, 128), (128, D_OUT)]


def setup_inputs(seed: int = 0):
    key = jax.random.key(seed)
    ks = jax.random.split(key, 32)
    inp = {}
    inp['x'] = jax.random.normal(ks[0], (N_READ, D_IN), dtype=jnp.float32)
    inp['edge_index'] = jax.random.randint(ks[1], (2, E), 0, N_READ, dtype=jnp.int32)
    for i, (di, do) in enumerate(DIMS):
        inp['W%d' % i] = jax.random.normal(ks[2 + 2 * i], (di, do), dtype=jnp.float32) * (1.0 / np.sqrt(di))
        inp['b%d' % i] = jnp.zeros((do,), dtype=jnp.float32)
    inp['att'] = jax.random.normal(ks[20], (6,), dtype=jnp.float32)
    inp['fcW'] = jax.random.normal(ks[21], (D_OUT, 2), dtype=jnp.float32) * (1.0 / np.sqrt(D_OUT))
    inp['fcb'] = jnp.zeros((2,), dtype=jnp.float32)
    return inp


def _graph_conv(x_src, src, dst, n_dst, W, b):
    # DGL GraphConv with norm='both': D_dst^{-1/2} A D_src^{-1/2} X W + b
    deg_out = jnp.clip(jnp.bincount(src, length=x_src.shape[0]), 1, None).astype(jnp.float32)
    deg_in = jnp.clip(jnp.bincount(dst, length=n_dst), 1, None).astype(jnp.float32)
    h = x_src * jax.lax.rsqrt(deg_out)[:, None]
    msg = jnp.take(h, src, axis=0)
    agg = jax.ops.segment_sum(msg, dst, num_segments=n_dst)
    agg = agg * jax.lax.rsqrt(deg_in)[:, None]
    return agg @ W + b


def reference(x, edge_index, W0, b0, W1, b1, W2, b2, W3, b3, W4, b4, W5, b5, att, fcW, fcb):
    Ws = [W0, W1, W2, W3, W4, W5]
    bs = [b0, b1, b2, b3, b4, b5]
    src_read = edge_index[0]
    dst_intron = edge_index[1]
    h_read = x
    h_intron = None
    for i in range(6):
        s = jax.nn.sigmoid(att[i])
        if i % 2 == 0:
            h = _graph_conv(h_read, src_read, dst_intron, N_INTRON, Ws[i], bs[i])
            h_intron = jax.nn.relu(h * s)
        else:
            h = _graph_conv(h_intron, dst_intron, src_read, N_READ, Ws[i], bs[i])
            h_read = jax.nn.relu(h * s)
    out = h_read @ fcW + fcb
    return out

if __name__ == "__main__":
    import jax
    _d = setup_inputs()
    print(jax.jit(kernel)(*tuple(_d.values())))

</pallas_src>

<mosaic_0001>
#map = affine_map<(d0, d1) -> (0, 0, 0)>
#map1 = affine_map<(d0, d1) -> (0, 0)>
module attributes {stable_mosaic.version = 14 : i64} {
  func.func @deg(%arg0: i32, %arg1: i32, %arg2: memref<32x160x64xi32, #tpu.memory_space<hbm>>, %arg3: memref<64x128xf32, #tpu.memory_space<hbm>>, %arg4: memref<632x128xf32, #tpu.memory_space<hbm>>, %arg5: memref<20224x128xf32, #tpu.memory_space<hbm>>, %arg6: memref<80x64xi32, #tpu.memory_space<vmem>>, %arg7: memref<64x128xf32, #tpu.memory_space<vmem>>, %arg8: memref<10112x128xf32, #tpu.memory_space<vmem_shared>>) attributes {dimension_semantics = [#tpu.dimension_semantics<core_parallel>, #tpu.dimension_semantics<subcore_parallel>], iteration_bounds = array<i64: 2, 16>, scalar_prefetch = 0 : i64, scratch_operands = 3 : i64, tpu.core_type = #tpu.core_type<sc_vector_subcore>, window_params = [{transform_indices = #map}, {transform_indices = #map1}, {transform_indices = #map1}, {transform_indices = #map1}]} {
    %mul3A = arith.constant 16 : i32
    %mul3A_0 = arith.muli %arg0, %mul3A : i32
    %add3A = arith.addi %mul3A_0, %arg1 : i32
    %mul3A_1 = arith.constant 632 : i32
    %mul3A_2 = arith.muli %arg1, %mul3A_1 : i32
    "tpu.region"() ({
      %run_scoped3A = tpu.sem_alloc : memref<!tpu.dma_semaphore, #tpu.memory_space<semaphore_mem>>
      %dma_start3A = arith.constant 0 : i32
      %dma_start3A_18 = tpu.memref_slice %arg8[%mul3A_2, %dma_start3A] : memref<10112x128xf32, #tpu.memory_space<vmem_shared>> -> memref<632x128xf32, #tpu.memory_space<vmem_shared>>
      tpu.enqueue_dma source(%arg4 : memref<632x128xf32, #tpu.memory_space<hbm>>) target(%dma_start3A_18 : memref<632x128xf32, #tpu.memory_space<vmem_shared>>) target_semaphore(%run_scoped3A : memref<!tpu.dma_semaphore, #tpu.memory_space<semaphore_mem>>)
      %dma_wait3A = arith.constant 0 : i32
      %dma_wait3A_19 = tpu.memref_slice %arg8[%mul3A_2, %dma_wait3A] : memref<10112x128xf32, #tpu.memory_space<vmem_shared>> -> memref<632x128xf32, #tpu.memory_space<vmem_shared>>
      tpu.wait_dma2 semaphore(%run_scoped3A : memref<!tpu.dma_semaphore, #tpu.memory_space<semaphore_mem>>) src(%arg4 : memref<632x128xf32, #tpu.memory_space<hbm>>) dst(%dma_wait3A_19 : memref<632x128xf32, #tpu.memory_space<vmem_shared>>)
      tpu.yield
    }) : () -> ()
    "tpu.region"() ({
      %run_scoped3A = tpu.sem_alloc : memref<!tpu.dma_semaphore, #tpu.memory_space<semaphore_mem>>
      tpu.enqueue_dma source(%arg3 : memref<64x128xf32, #tpu.memory_space<hbm>>) target(%arg7 : memref<64x128xf32, #tpu.memory_space<vmem>>) target_semaphore(%run_scoped3A : memref<!tpu.dma_semaphore, #tpu.memory_space<semaphore_mem>>)
      tpu.wait_dma2 semaphore(%run_scoped3A : memref<!tpu.dma_semaphore, #tpu.memory_space<semaphore_mem>>) src(%arg3 : memref<64x128xf32, #tpu.memory_space<hbm>>) dst(%arg7 : memref<64x128xf32, #tpu.memory_space<vmem>>)
      tpu.yield
    }) : () -> ()
    %barrier3A = arith.constant 0 : index
    tpu.barrier barrier_id(%barrier3A)
    "tpu.region"() ({
      %run_scoped3A = tpu.sem_alloc : memref<!tpu.dma_semaphore, #tpu.memory_space<semaphore_mem>>
      %dma_start3A = arith.constant 0 : i32
      %dma_start3A_18 = arith.constant 0 : i32
      %dma_start3A_19 = tpu.memref_slice %arg2[%add3A, %dma_start3A, %dma_start3A_18] : memref<32x160x64xi32, #tpu.memory_space<hbm>> -> memref<1x80x64xi32, #tpu.memory_space<hbm>>
      %dma_start3A_20 = tpu.memref_squeeze %dma_start3A_19 : memref<1x80x64xi32, #tpu.memory_space<hbm>> -> memref<80x64xi32, #tpu.memory_space<hbm>>
      %dma_start3A_21 = arith.constant 0 : i32
      %dma_start3A_22 = arith.constant 0 : i32
      %dma_start3A_23 = tpu.memref_slice %arg2[%add3A, %dma_start3A_21, %dma_start3A_22] : memref<32x160x64xi32, #tpu.memory_space<hbm>> -> memref<1x80x64xi32, #tpu.memory_space<hbm>>
      %dma_start3A_24 = tpu.memref_squeeze %dma_start3A_23 : memref<1x80x64xi32, #tpu.memory_space<hbm>> -> memref<80x64xi32, #tpu.memory_space<hbm>>
      tpu.enqueue_dma source(%dma_start3A_24 : memref<80x64xi32, #tpu.memory_space<hbm>>) target(%arg6 : memref<80x64xi32, #tpu.memory_space<vmem>>) target_semaphore(%run_scoped3A : memref<!tpu.dma_semaphore, #tpu.memory_space<semaphore_mem>>)
      %dma_wait3A = arith.constant 0 : i32
      %dma_wait3A_25 = arith.constant 0 : i32
      %dma_wait3A_26 = tpu.memref_slice %arg2[%add3A, %dma_wait3A, %dma_wait3A_25] : memref<32x160x64xi32, #tpu.memory_space<hbm>> -> memref<1x80x64xi32, #tpu.memory_space<hbm>>
      %dma_wait3A_27 = tpu.memref_squeeze %dma_wait3A_26 : memref<1x80x64xi32, #tpu.memory_space<hbm>> -> memref<80x64xi32, #tpu.memory_space<hbm>>
      %dma_wait3A_28 = arith.constant 0 : i32
      %dma_wait3A_29 = arith.constant 0 : i32
      %dma_wait3A_30 = tpu.memref_slice %arg2[%add3A, %dma_wait3A_28, %dma_wait3A_29] : memref<32x160x64xi32, #tpu.memory_space<hbm>> -> memref<1x80x64xi32, #tpu.memory_space<hbm>>
      %dma_wait3A_31 = tpu.memref_squeeze %dma_wait3A_30 : memref<1x80x64xi32, #tpu.memory_space<hbm>> -> memref<80x64xi32, #tpu.memory_space<hbm>>
      tpu.wait_dma2 semaphore(%run_scoped3A : memref<!tpu.dma_semaphore, #tpu.memory_space<semaphore_mem>>) src(%dma_wait3A_31 : memref<80x64xi32, #tpu.memory_space<hbm>>) dst(%arg6 : memref<80x64xi32, #tpu.memory_space<vmem>>)
      tpu.yield
    }) : () -> ()
    %scan3A = arith.constant 0 : i32
    %scan3A_3 = arith.constant 0 : i32
    %scan3A_4 = arith.constant 80 : i32
    %scan3A_5 = arith.addi %scan3A_3, %scan3A_4 : i32
    %scan3A_6 = arith.constant 1 : i32
    scf.for %scan3A_18 = %scan3A_3 to %scan3A_5 step %scan3A_6  : i32 {
      "tpu.region"() ({
        %run_scoped3A = tpu.sem_alloc : memref<!tpu.dma_semaphore, #tpu.memory_space<semaphore_mem>>
        %dma_start3A = arith.constant 0 : i32
        %dma_start3A_19 = tpu.memref_slice %arg6[%scan3A_18, %dma_start3A] : memref<80x64xi32, #tpu.memory_space<vmem>> -> memref<1x64xi32, #tpu.memory_space<vmem>>
        %dma_start3A_20 = tpu.memref_squeeze %dma_start3A_19 : memref<1x64xi32, #tpu.memory_space<vmem>> -> memref<64xi32, #tpu.memory_space<vmem>>
        %dma_start3A_21 = arith.constant 0 : i32
        %dma_start3A_22 = arith.constant 0 : i32
        %dma_start3A_23 = tpu.memref_slice %arg8[%dma_start3A_21, %dma_start3A_22] : memref<10112x128xf32, #tpu.memory_space<vmem_shared>> -> memref<10112x128xf32, #tpu.memory_space<vmem_shared>>
        tpu.enqueue_indirect_dma source(%arg7 : memref<64x128xf32, #tpu.memory_space<vmem>>) target(%dma_start3A_23 : memref<10112x128xf32, #tpu.memory_space<vmem_shared>>) offsets(%dma_start3A_20 : memref<64xi32, #tpu.memory_space<vmem>>) semaphore(%run_scoped3A : memref<!tpu.dma_semaphore, #tpu.memory_space<semaphore_mem>>) {add = true}
        %dma_wait3A = arith.constant 0 : i32
        %dma_wait3A_24 = tpu.memref_slice %arg6[%scan3A_18, %dma_wait3A] : memref<80x64xi32, #tpu.memory_space<vmem>> -> memref<1x64xi32, #tpu.memory_space<vmem>>
        %dma_wait3A_25 = tpu.memref_squeeze %dma_wait3A_24 : memref<1x64xi32, #tpu.memory_space<vmem>> -> memref<64xi32, #tpu.memory_space<vmem>>
        %dma_wait3A_26 = arith.constant 0 : i32
        %dma_wait3A_27 = arith.constant 0 : i32
        %dma_wait3A_28 = tpu.memref_slice %arg8[%dma_wait3A_26, %dma_wait3A_27] : memref<10112x128xf32, #tpu.memory_space<vmem_shared>> -> memref<10112x128xf32, #tpu.memory_space<vmem_shared>>
        tpu.wait_indirect_dma semaphore(%run_scoped3A : memref<!tpu.dma_semaphore, #tpu.memory_space<semaphore_mem>>) src(%arg7 : memref<64x128xf32, #tpu.memory_space<vmem>>) dst(%dma_wait3A_28 : memref<10112x128xf32, #tpu.memory_space<vmem_shared>>)
        tpu.yield
      }) : () -> ()
    }
    %scan3A_7 = arith.constant 80 : i32
    "tpu.region"() ({
      %run_scoped3A = tpu.sem_alloc : memref<!tpu.dma_semaphore, #tpu.memory_space<semaphore_mem>>
      %dma_start3A = arith.constant 80 : i32
      %dma_start3A_18 = arith.constant 0 : i32
      %dma_start3A_19 = tpu.memref_slice %arg2[%add3A, %dma_start3A, %dma_start3A_18] : memref<32x160x64xi32, #tpu.memory_space<hbm>> -> memref<1x80x64xi32, #tpu.memory_space<hbm>>
      %dma_start3A_20 = tpu.memref_squeeze %dma_start3A_19 : memref<1x80x64xi32, #tpu.memory_space<hbm>> -> memref<80x64xi32, #tpu.memory_space<hbm>>
      %dma_start3A_21 = arith.constant 80 : i32
      %dma_start3A_22 = arith.constant 0 : i32
      %dma_start3A_23 = tpu.memref_slice %arg2[%add3A, %dma_start3A_21, %dma_start3A_22] : memref<32x160x64xi32, #tpu.memory_space<hbm>> -> memref<1x80x64xi32, #tpu.memory_space<hbm>>
      %dma_start3A_24 = tpu.memref_squeeze %dma_start3A_23 : memref<1x80x64xi32, #tpu.memory_space<hbm>> -> memref<80x64xi32, #tpu.memory_space<hbm>>
      tpu.enqueue_dma source(%dma_start3A_24 : memref<80x64xi32, #tpu.memory_space<hbm>>) target(%arg6 : memref<80x64xi32, #tpu.memory_space<vmem>>) target_semaphore(%run_scoped3A : memref<!tpu.dma_semaphore, #tpu.memory_space<semaphore_mem>>)
      %dma_wait3A = arith.constant 80 : i32
      %dma_wait3A_25 = arith.constant 0 : i32
      %dma_wait3A_26 = tpu.memref_slice %arg2[%add3A, %dma_wait3A, %dma_wait3A_25] : memref<32x160x64xi32, #tpu.memory_space<hbm>> -> memref<1x80x64xi32, #tpu.memory_space<hbm>>
      %dma_wait3A_27 = tpu.memref_squeeze %dma_wait3A_26 : memref<1x80x64xi32, #tpu.memory_space<hbm>> -> memref<80x64xi32, #tpu.memory_space<hbm>>
      %dma_wait3A_28 = arith.constant 80 : i32
      %dma_wait3A_29 = arith.constant 0 : i32
      %dma_wait3A_30 = tpu.memref_slice %arg2[%add3A, %dma_wait3A_28, %dma_wait3A_29] : memref<32x160x64xi32, #tpu.memory_space<hbm>> -> memref<1x80x64xi32, #tpu.memory_space<hbm>>
      %dma_wait3A_31 = tpu.memref_squeeze %dma_wait3A_30 : memref<1x80x64xi32, #tpu.memory_space<hbm>> -> memref<80x64xi32, #tpu.memory_space<hbm>>
      tpu.wait_dma2 semaphore(%run_scoped3A : memref<!tpu.dma_semaphore, #tpu.memory_space<semaphore_mem>>) src(%dma_wait3A_31 : memref<80x64xi32, #tpu.memory_space<hbm>>) dst(%arg6 : memref<80x64xi32, #tpu.memory_space<vmem>>)
      tpu.yield
    }) : () -> ()
    %scan3A_8 = arith.constant 0 : i32
    %scan3A_9 = arith.constant 0 : i32
    %scan3A_10 = arith.constant 80 : i32
    %scan3A_11 = arith.addi %scan3A_9, %scan3A_10 : i32
    %scan3A_12 = arith.constant 1 : i32
    scf.for %scan3A_18 = %scan3A_9 to %scan3A_11 step %scan3A_12  : i32 {
      "tpu.region"() ({
        %run_scoped3A = tpu.sem_alloc : memref<!tpu.dma_semaphore, #tpu.memory_space<semaphore_mem>>
        %dma_start3A = arith.constant 0 : i32
        %dma_start3A_19 = tpu.memref_slice %arg6[%scan3A_18, %dma_start3A] : memref<80x64xi32, #tpu.memory_space<vmem>> -> memref<1x64xi32, #tpu.memory_space<vmem>>
        %dma_start3A_20 = tpu.memref_squeeze %dma_start3A_19 : memref<1x64xi32, #tpu.memory_space<vmem>> -> memref<64xi32, #tpu.memory_space<vmem>>
        %dma_start3A_21 = arith.constant 0 : i32
        %dma_start3A_22 = arith.constant 0 : i32
        %dma_start3A_23 = tpu.memref_slice %arg8[%dma_start3A_21, %dma_start3A_22] : memref<10112x128xf32, #tpu.memory_space<vmem_shared>> -> memref<10112x128xf32, #tpu.memory_space<vmem_shared>>
        tpu.enqueue_indirect_dma source(%arg7 : memref<64x128xf32, #tpu.memory_space<vmem>>) target(%dma_start3A_23 : memref<10112x128xf32, #tpu.memory_space<vmem_shared>>) offsets(%dma_start3A_20 : memref<64xi32, #tpu.memory_space<vmem>>) semaphore(%run_scoped3A : memref<!tpu.dma_semaphore, #tpu.memory_space<semaphore_mem>>) {add = true}
        %dma_wait3A = arith.constant 0 : i32
        %dma_wait3A_24 = tpu.memref_slice %arg6[%scan3A_18, %dma_wait3A] : memref<80x64xi32, #tpu.memory_space<vmem>> -> memref<1x64xi32, #tpu.memory_space<vmem>>
        %dma_wait3A_25 = tpu.memref_squeeze %dma_wait3A_24 : memref<1x64xi32, #tpu.memory_space<vmem>> -> memref<64xi32, #tpu.memory_space<vmem>>
        %dma_wait3A_26 = arith.constant 0 : i32
        %dma_wait3A_27 = arith.constant 0 : i32
        %dma_wait3A_28 = tpu.memref_slice %arg8[%dma_wait3A_26, %dma_wait3A_27] : memref<10112x128xf32, #tpu.memory_space<vmem_shared>> -> memref<10112x128xf32, #tpu.memory_space<vmem_shared>>
        tpu.wait_indirect_dma semaphore(%run_scoped3A : memref<!tpu.dma_semaphore, #tpu.memory_space<semaphore_mem>>) src(%arg7 : memref<64x128xf32, #tpu.memory_space<vmem>>) dst(%dma_wait3A_28 : memref<10112x128xf32, #tpu.memory_space<vmem_shared>>)
        tpu.yield
      }) : () -> ()
    }
    %scan3A_13 = arith.constant 80 : i32
    %barrier3A_14 = arith.constant 0 : index
    tpu.barrier barrier_id(%barrier3A_14)
    %mul3A_15 = arith.constant 10112 : i32
    %mul3A_16 = arith.muli %arg0, %mul3A_15 : i32
    %add3A_17 = arith.addi %mul3A_16, %mul3A_2 : i32
    "tpu.region"() ({
      %run_scoped3A = tpu.sem_alloc : memref<!tpu.dma_semaphore, #tpu.memory_space<semaphore_mem>>
      %dma_start3A = arith.constant 0 : i32
      %dma_start3A_18 = tpu.memref_slice %arg5[%add3A_17, %dma_start3A] : memref<20224x128xf32, #tpu.memory_space<hbm>> -> memref<632x128xf32, #tpu.memory_space<hbm>>
      %dma_start3A_19 = arith.constant 0 : i32
      %dma_start3A_20 = tpu.memref_slice %arg8[%mul3A_2, %dma_start3A_19] : memref<10112x128xf32, #tpu.memory_space<vmem_shared>> -> memref<632x128xf32, #tpu.memory_space<vmem_shared>>
      tpu.enqueue_dma source(%dma_start3A_20 : memref<632x128xf32, #tpu.memory_space<vmem_shared>>) target(%dma_start3A_18 : memref<632x128xf32, #tpu.memory_space<hbm>>) target_semaphore(%run_scoped3A : memref<!tpu.dma_semaphore, #tpu.memory_space<semaphore_mem>>)
      %dma_wait3A = arith.constant 0 : i32
      %dma_wait3A_21 = tpu.memref_slice %arg5[%add3A_17, %dma_wait3A] : memref<20224x128xf32, #tpu.memory_space<hbm>> -> memref<632x128xf32, #tpu.memory_space<hbm>>
      %dma_wait3A_22 = arith.constant 0 : i32
      %dma_wait3A_23 = tpu.memref_slice %arg8[%mul3A_2, %dma_wait3A_22] : memref<10112x128xf32, #tpu.memory_space<vmem_shared>> -> memref<632x128xf32, #tpu.memory_space<vmem_shared>>
      tpu.wait_dma2 semaphore(%run_scoped3A : memref<!tpu.dma_semaphore, #tpu.memory_space<semaphore_mem>>) src(%dma_wait3A_23 : memref<632x128xf32, #tpu.memory_space<vmem_shared>>) dst(%dma_wait3A_21 : memref<632x128xf32, #tpu.memory_space<hbm>>)
      tpu.yield
    }) : () -> ()
    return
  }
}

#map = affine_map<(d0, d1) -> (0, 0)>
#map1 = affine_map<(d0, d1) -> (0, 0, 0)>
module attributes {stable_mosaic.version = 14 : i64} {
  func.func @mp(%arg0: i32, %arg1: i32, %arg2: memref<10112x128xf32, #tpu.memory_space<hbm>>, %arg3: memref<32x160x64xi32, #tpu.memory_space<hbm>>, %arg4: memref<32x160x64xi32, #tpu.memory_space<hbm>>, %arg5: memref<632x128xf32, #tpu.memory_space<hbm>>, %arg6: memref<20224x128xf32, #tpu.memory_space<hbm>>, %arg7: memref<80x64xi32, #tpu.memory_space<vmem>>, %arg8: memref<80x64xi32, #tpu.memory_space<vmem>>, %arg9: memref<128x128xf32, #tpu.memory_space<vmem>>, %arg10: memref<10112x128xf32, #tpu.memory_space<vmem_shared>>, %arg11: memref<!tpu.dma_semaphore, #tpu.memory_space<semaphore_mem>>, %arg12: memref<!tpu.dma_semaphore, #tpu.memory_space<semaphore_mem>>, %arg13: memref<!tpu.dma_semaphore, #tpu.memory_space<semaphore_mem>>, %arg14: memref<!tpu.dma_semaphore, #tpu.memory_space<semaphore_mem>>) attributes {dimension_semantics = [#tpu.dimension_semantics<core_parallel>, #tpu.dimension_semantics<subcore_parallel>], iteration_bounds = array<i64: 2, 16>, scalar_prefetch = 0 : i64, scratch_operands = 8 : i64, tpu.core_type = #tpu.core_type<sc_vector_subcore>, window_params = [{transform_indices = #map}, {transform_indices = #map1}, {transform_indices = #map1}, {transform_indices = #map}, {transform_indices = #map}]} {
    %mul3A = arith.constant 16 : i32
    %mul3A_0 = arith.muli %arg0, %mul3A : i32
    %add3A = arith.addi %mul3A_0, %arg1 : i32
    %mul3A_1 = arith.constant 632 : i32
    %mul3A_2 = arith.muli %arg1, %mul3A_1 : i32
    "tpu.region"() ({
      %run_scoped3A = tpu.sem_alloc : memref<!tpu.dma_semaphore, #tpu.memory_space<semaphore_mem>>
      %dma_start3A = arith.constant 0 : i32
      %dma_start3A_18 = tpu.memref_slice %arg10[%mul3A_2, %dma_start3A] : memref<10112x128xf32, #tpu.memory_space<vmem_shared>> -> memref<632x128xf32, #tpu.memory_space<vmem_shared>>
      tpu.enqueue_dma source(%arg5 : memref<632x128xf32, #tpu.memory_space<hbm>>) target(%dma_start3A_18 : memref<632x128xf32, #tpu.memory_space<vmem_shared>>) target_semaphore(%run_scoped3A : memref<!tpu.dma_semaphore, #tpu.memory_space<semaphore_mem>>)
      %dma_wait3A = arith.constant 0 : i32
      %dma_wait3A_19 = tpu.memref_slice %arg10[%mul3A_2, %dma_wait3A] : memref<10112x128xf32, #tpu.memory_space<vmem_shared>> -> memref<632x128xf32, #tpu.memory_space<vmem_shared>>
      tpu.wait_dma2 semaphore(%run_scoped3A : memref<!tpu.dma_semaphore, #tpu.memory_space<semaphore_mem>>) src(%arg5 : memref<632x128xf32, #tpu.memory_space<hbm>>) dst(%dma_wait3A_19 : memref<632x128xf32, #tpu.memory_space<vmem_shared>>)
      tpu.yield
    }) : () -> ()
    %barrier3A = arith.constant 0 : index
    tpu.barrier barrier_id(%barrier3A)
    "tpu.region"() ({
      %run_scoped3A = tpu.sem_alloc : memref<!tpu.dma_semaphore, #tpu.memory_space<semaphore_mem>>
      %dma_start3A = arith.constant 0 : i32
      %dma_start3A_18 = arith.constant 0 : i32
      %dma_start3A_19 = tpu.memref_slice %arg3[%add3A, %dma_start3A, %dma_start3A_18] : memref<32x160x64xi32, #tpu.memory_space<hbm>> -> memref<1x80x64xi32, #tpu.memory_space<hbm>>
      %dma_start3A_20 = tpu.memref_squeeze %dma_start3A_19 : memref<1x80x64xi32, #tpu.memory_space<hbm>> -> memref<80x64xi32, #tpu.memory_space<hbm>>
      %dma_start3A_21 = arith.constant 0 : i32
      %dma_start3A_22 = arith.constant 0 : i32
      %dma_start3A_23 = tpu.memref_slice %arg3[%add3A, %dma_start3A_21, %dma_start3A_22] : memref<32x160x64xi32, #tpu.memory_space<hbm>> -> memref<1x80x64xi32, #tpu.memory_space<hbm>>
      %dma_start3A_24 = tpu.memref_squeeze %dma_start3A_23 : memref<1x80x64xi32, #tpu.memory_space<hbm>> -> memref<80x64xi32, #tpu.memory_space<hbm>>
      tpu.enqueue_dma source(%dma_start3A_24 : memref<80x64xi32, #tpu.memory_space<hbm>>) target(%arg7 : memref<80x64xi32, #tpu.memory_space<vmem>>) target_semaphore(%run_scoped3A : memref<!tpu.dma_semaphore, #tpu.memory_space<semaphore_mem>>)
      %dma_wait3A = arith.constant 0 : i32
      %dma_wait3A_25 = arith.constant 0 : i32
      %dma_wait3A_26 = tpu.memref_slice %arg3[%add3A, %dma_wait3A, %dma_wait3A_25] : memref<32x160x64xi32, #tpu.memory_space<hbm>> -> memref<1x80x64xi32, #tpu.memory_space<hbm>>
      %dma_wait3A_27 = tpu.memref_squeeze %dma_wait3A_26 : memref<1x80x64xi32, #tpu.memory_space<hbm>> -> memref<80x64xi32, #tpu.memory_space<hbm>>
      %dma_wait3A_28 = arith.constant 0 : i32
      %dma_wait3A_29 = arith.constant 0 : i32
      %dma_wait3A_30 = tpu.memref_slice %arg3[%add3A, %dma_wait3A_28, %dma_wait3A_29] : memref<32x160x64xi32, #tpu.memory_space<hbm>> -> memref<1x80x64xi32, #tpu.memory_space<hbm>>
      %dma_wait3A_31 = tpu.memref_squeeze %dma_wait3A_30 : memref<1x80x64xi32, #tpu.memory_space<hbm>> -> memref<80x64xi32, #tpu.memory_space<hbm>>
      tpu.wait_dma2 semaphore(%run_scoped3A : memref<!tpu.dma_semaphore, #tpu.memory_space<semaphore_mem>>) src(%dma_wait3A_31 : memref<80x64xi32, #tpu.memory_space<hbm>>) dst(%arg7 : memref<80x64xi32, #tpu.memory_space<vmem>>)
      tpu.yield
    }) : () -> ()
    "tpu.region"() ({
      %run_scoped3A = tpu.sem_alloc : memref<!tpu.dma_semaphore, #tpu.memory_space<semaphore_mem>>
      %dma_start3A = arith.constant 0 : i32
      %dma_start3A_18 = arith.constant 0 : i32
      %dma_start3A_19 = tpu.memref_slice %arg4[%add3A, %dma_start3A, %dma_start3A_18] : memref<32x160x64xi32, #tpu.memory_space<hbm>> -> memref<1x80x64xi32, #tpu.memory_space<hbm>>
      %dma_start3A_20 = tpu.memref_squeeze %dma_start3A_19 : memref<1x80x64xi32, #tpu.memory_space<hbm>> -> memref<80x64xi32, #tpu.memory_space<hbm>>
      %dma_start3A_21 = arith.constant 0 : i32
      %dma_start3A_22 = arith.constant 0 : i32
      %dma_start3A_23 = tpu.memref_slice %arg4[%add3A, %dma_start3A_21, %dma_start3A_22] : memref<32x160x64xi32, #tpu.memory_space<hbm>> -> memref<1x80x64xi32, #tpu.memory_space<hbm>>
      %dma_start3A_24 = tpu.memref_squeeze %dma_start3A_23 : memref<1x80x64xi32, #tpu.memory_space<hbm>> -> memref<80x64xi32, #tpu.memory_space<hbm>>
      tpu.enqueue_dma source(%dma_start3A_24 : memref<80x64xi32, #tpu.memory_space<hbm>>) target(%arg8 : memref<80x64xi32, #tpu.memory_space<vmem>>) target_semaphore(%run_scoped3A : memref<!tpu.dma_semaphore, #tpu.memory_space<semaphore_mem>>)
      %dma_wait3A = arith.constant 0 : i32
      %dma_wait3A_25 = arith.constant 0 : i32
      %dma_wait3A_26 = tpu.memref_slice %arg4[%add3A, %dma_wait3A, %dma_wait3A_25] : memref<32x160x64xi32, #tpu.memory_space<hbm>> -> memref<1x80x64xi32, #tpu.memory_space<hbm>>
      %dma_wait3A_27 = tpu.memref_squeeze %dma_wait3A_26 : memref<1x80x64xi32, #tpu.memory_space<hbm>> -> memref<80x64xi32, #tpu.memory_space<hbm>>
      %dma_wait3A_28 = arith.constant 0 : i32
      %dma_wait3A_29 = arith.constant 0 : i32
      %dma_wait3A_30 = tpu.memref_slice %arg4[%add3A, %dma_wait3A_28, %dma_wait3A_29] : memref<32x160x64xi32, #tpu.memory_space<hbm>> -> memref<1x80x64xi32, #tpu.memory_space<hbm>>
      %dma_wait3A_31 = tpu.memref_squeeze %dma_wait3A_30 : memref<1x80x64xi32, #tpu.memory_space<hbm>> -> memref<80x64xi32, #tpu.memory_space<hbm>>
      tpu.wait_dma2 semaphore(%run_scoped3A : memref<!tpu.dma_semaphore, #tpu.memory_space<semaphore_mem>>) src(%dma_wait3A_31 : memref<80x64xi32, #tpu.memory_space<hbm>>) dst(%arg8 : memref<80x64xi32, #tpu.memory_space<vmem>>)
      tpu.yield
    }) : () -> ()
    %scan3A = arith.constant 0 : i32
    %scan3A_3 = arith.constant 0 : i32
    %scan3A_4 = arith.constant 40 : i32
    %scan3A_5 = arith.addi %scan3A_3, %scan3A_4 : i32
    %scan3A_6 = arith.constant 1 : i32
    scf.for %scan3A_18 = %scan3A_3 to %scan3A_5 step %scan3A_6  : i32 {
      %mul3A_19 = arith.constant 2 : i32
      %mul3A_20 = arith.muli %mul3A_19, %scan3A_18 : i32
      %add3A_21 = arith.constant 0 : i32
      %add3A_22 = arith.addi %mul3A_20, %add3A_21 : i32
      %mul3A_23 = arith.constant 2 : i32
      %mul3A_24 = arith.muli %mul3A_23, %scan3A_18 : i32
      %add3A_25 = arith.constant 1 : i32
      %add3A_26 = arith.addi %mul3A_24, %add3A_25 : i32
      %dma_start3A = arith.constant 0 : i32
      %dma_start3A_27 = arith.constant 0 : i32
      %dma_start3A_28 = tpu.memref_slice %arg9[%dma_start3A, %dma_start3A_27] : memref<128x128xf32, #tpu.memory_space<vmem>> -> memref<64x128xf32, #tpu.memory_space<vmem>>
      %dma_start3A_29 = arith.constant 0 : i32
      %dma_start3A_30 = tpu.memref_slice %arg7[%add3A_22, %dma_start3A_29] : memref<80x64xi32, #tpu.memory_space<vmem>> -> memref<1x64xi32, #tpu.memory_space<vmem>>
      %dma_start3A_31 = tpu.memref_squeeze %dma_start3A_30 : memref<1x64xi32, #tpu.memory_space<vmem>> -> memref<64xi32, #tpu.memory_space<vmem>>
      %dma_start3A_32 = arith.constant 0 : i32
      %dma_start3A_33 = arith.constant 0 : i32
      %dma_start3A_34 = tpu.memref_slice %arg2[%dma_start3A_32, %dma_start3A_33] : memref<10112x128xf32, #tpu.memory_space<hbm>> -> memref<10112x128xf32, #tpu.memory_space<hbm>>
      tpu.enqueue_indirect_dma source(%dma_start3A_34 : memref<10112x128xf32, #tpu.memory_space<hbm>>) target(%dma_start3A_28 : memref<64x128xf32, #tpu.memory_space<vmem>>) offsets(%dma_start3A_31 : memref<64xi32, #tpu.memory_space<vmem>>) semaphore(%arg11 : memref<!tpu.dma_semaphore, #tpu.memory_space<semaphore_mem>>)
      %dma_start3A_35 = arith.constant 64 : i32
      %dma_start3A_36 = arith.constant 0 : i32
      %dma_start3A_37 = tpu.memref_slice %arg9[%dma_start3A_35, %dma_start3A_36] : memref<128x128xf32, #tpu.memory_space<vmem>> -> memref<64x128xf32, #tpu.memory_space<vmem>>
      %dma_start3A_38 = arith.constant 0 : i32
      %dma_start3A_39 = tpu.memref_slice %arg7[%add3A_26, %dma_start3A_38] : memref<80x64xi32, #tpu.memory_space<vmem>> -> memref<1x64xi32, #tpu.memory_space<vmem>>
      %dma_start3A_40 = tpu.memref_squeeze %dma_start3A_39 : memref<1x64xi32, #tpu.memory_space<vmem>> -> memref<64xi32, #tpu.memory_space<vmem>>
      %dma_start3A_41 = arith.constant 0 : i32
      %dma_start3A_42 = arith.constant 0 : i32
      %dma_start3A_43 = tpu.memref_slice %arg2[%dma_start3A_41, %dma_start3A_42] : memref<10112x128xf32, #tpu.memory_space<hbm>> -> memref<10112x128xf32, #tpu.memory_space<hbm>>
      tpu.enqueue_indirect_dma source(%dma_start3A_43 : memref<10112x128xf32, #tpu.memory_space<hbm>>) target(%dma_start3A_37 : memref<64x128xf32, #tpu.memory_space<vmem>>) offsets(%dma_start3A_40 : memref<64xi32, #tpu.memory_space<vmem>>) semaphore(%arg12 : memref<!tpu.dma_semaphore, #tpu.memory_space<semaphore_mem>>)
      %dma_wait3A = arith.constant 0 : i32
      %dma_wait3A_44 = arith.constant 0 : i32
      %dma_wait3A_45 = tpu.memref_slice %arg9[%dma_wait3A, %dma_wait3A_44] : memref<128x128xf32, #tpu.memory_space<vmem>> -> memref<64x128xf32, #tpu.memory_space<vmem>>
      %dma_wait3A_46 = arith.constant 0 : i32
      %dma_wait3A_47 = tpu.memref_slice %arg7[%add3A_22, %dma_wait3A_46] : memref<80x64xi32, #tpu.memory_space<vmem>> -> memref<1x64xi32, #tpu.memory_space<vmem>>
      %dma_wait3A_48 = tpu.memref_squeeze %dma_wait3A_47 : memref<1x64xi32, #tpu.memory_space<vmem>> -> memref<64xi32, #tpu.memory_space<vmem>>
      %dma_wait3A_49 = arith.constant 0 : i32
      %dma_wait3A_50 = arith.constant 0 : i32
      %dma_wait3A_51 = tpu.memref_slice %arg2[%dma_wait3A_49, %dma_wait3A_50] : memref<10112x128xf32, #tpu.memory_space<hbm>> -> memref<10112x128xf32, #tpu.memory_space<hbm>>
      tpu.wait_indirect_dma semaphore(%arg11 : memref<!tpu.dma_semaphore, #tpu.memory_space<semaphore_mem>>) src(%dma_wait3A_51 : memref<10112x128xf32, #tpu.memory_space<hbm>>) dst(%dma_wait3A_45 : memref<64x128xf32, #tpu.memory_space<vmem>>)
      %dma_start3A_52 = arith.constant 0 : i32
      %dma_start3A_53 = arith.constant 0 : i32
      %dma_start3A_54 = tpu.memref_slice %arg9[%dma_start3A_52, %dma_start3A_53] : memref<128x128xf32, #tpu.memory_space<vmem>> -> memref<64x128xf32, #tpu.memory_space<vmem>>
      %dma_start3A_55 = arith.constant 0 : i32
      %dma_start3A_56 = tpu.memref_slice %arg8[%add3A_22, %dma_start3A_55] : memref<80x64xi32, #tpu.memory_space<vmem>> -> memref<1x64xi32, #tpu.memory_space<vmem>>
      %dma_start3A_57 = tpu.memref_squeeze %dma_start3A_56 : memref<1x64xi32, #tpu.memory_space<vmem>> -> memref<64xi32, #tpu.memory_space<vmem>>
      %dma_start3A_58 = arith.constant 0 : i32
      %dma_start3A_59 = arith.constant 0 : i32
      %dma_start3A_60 = tpu.memref_slice %arg10[%dma_start3A_58, %dma_start3A_59] : memref<10112x128xf32, #tpu.memory_space<vmem_shared>> -> memref<10112x128xf32, #tpu.memory_space<vmem_shared>>
      tpu.enqueue_indirect_dma source(%dma_start3A_54 : memref<64x128xf32, #tpu.memory_space<vmem>>) target(%dma_start3A_60 : memref<10112x128xf32, #tpu.memory_space<vmem_shared>>) offsets(%dma_start3A_57 : memref<64xi32, #tpu.memory_space<vmem>>) semaphore(%arg13 : memref<!tpu.dma_semaphore, #tpu.memory_space<semaphore_mem>>) {add = true}
      %dma_wait3A_61 = arith.constant 64 : i32
      %dma_wait3A_62 = arith.constant 0 : i32
      %dma_wait3A_63 = tpu.memref_slice %arg9[%dma_wait3A_61, %dma_wait3A_62] : memref<128x128xf32, #tpu.memory_space<vmem>> -> memref<64x128xf32, #tpu.memory_space<vmem>>
      %dma_wait3A_64 = arith.constant 0 : i32
      %dma_wait3A_65 = tpu.memref_slice %arg7[%add3A_26, %dma_wait3A_64] : memref<80x64xi32, #tpu.memory_space<vmem>> -> memref<1x64xi32, #tpu.memory_space<vmem>>
      %dma_wait3A_66 = tpu.memref_squeeze %dma_wait3A_65 : memref<1x64xi32, #tpu.memory_space<vmem>> -> memref<64xi32, #tpu.memory_space<vmem>>
      %dma_wait3A_67 = arith.constant 0 : i32
      %dma_wait3A_68 = arith.constant 0 : i32
      %dma_wait3A_69 = tpu.memref_slice %arg2[%dma_wait3A_67, %dma_wait3A_68] : memref<10112x128xf32, #tpu.memory_space<hbm>> -> memref<10112x128xf32, #tpu.memory_space<hbm>>
      tpu.wait_indirect_dma semaphore(%arg12 : memref<!tpu.dma_semaphore, #tpu.memory_space<semaphore_mem>>) src(%dma_wait3A_69 : memref<10112x128xf32, #tpu.memory_space<hbm>>) dst(%dma_wait3A_63 : memref<64x128xf32, #tpu.memory_space<vmem>>)
      %dma_start3A_70 = arith.constant 64 : i32
      %dma_start3A_71 = arith.constant 0 : i32
      %dma_start3A_72 = tpu.memref_slice %arg9[%dma_start3A_70, %dma_start3A_71] : memref<128x128xf32, #tpu.memory_space<vmem>> -> memref<64x128xf32, #tpu.memory_space<vmem>>
      %dma_start3A_73 = arith.constant 0 : i32
      %dma_start3A_74 = tpu.memref_slice %arg8[%add3A_26, %dma_start3A_73] : memref<80x64xi32, #tpu.memory_space<vmem>> -> memref<1x64xi32, #tpu.memory_space<vmem>>
      %dma_start3A_75 = tpu.memref_squeeze %dma_start3A_74 : memref<1x64xi32, #tpu.memory_space<vmem>> -> memref<64xi32, #tpu.memory_space<vmem>>
      %dma_start3A_76 = arith.constant 0 : i32
      %dma_start3A_77 = arith.constant 0 : i32
      %dma_start3A_78 = tpu.memref_slice %arg10[%dma_start3A_76, %dma_start3A_77] : memref<10112x128xf32, #tpu.memory_space<vmem_shared>> -> memref<10112x128xf32, #tpu.memory_space<vmem_shared>>
      tpu.enqueue_indirect_dma source(%dma_start3A_72 : memref<64x128xf32, #tpu.memory_space<vmem>>) target(%dma_start3A_78 : memref<10112x128xf32, #tpu.memory_space<vmem_shared>>) offsets(%dma_start3A_75 : memref<64xi32, #tpu.memory_space<vmem>>) semaphore(%arg14 : memref<!tpu.dma_semaphore, #tpu.memory_space<semaphore_mem>>) {add = true}
      %dma_wait3A_79 = arith.constant 0 : i32
      %dma_wait3A_80 = arith.constant 0 : i32
      %dma_wait3A_81 = tpu.memref_slice %arg9[%dma_wait3A_79, %dma_wait3A_80] : memref<128x128xf32, #tpu.memory_space<vmem>> -> memref<64x128xf32, #tpu.memory_space<vmem>>
      %dma_wait3A_82 = arith.constant 0 : i32
      %dma_wait3A_83 = tpu.memref_slice %arg8[%add3A_22, %dma_wait3A_82] : memref<80x64xi32, #tpu.memory_space<vmem>> -> memref<1x64xi32, #tpu.memory_space<vmem>>
      %dma_wait3A_84 = tpu.memref_squeeze %dma_wait3A_83 : memref<1x64xi32, #tpu.memory_space<vmem>> -> memref<64xi32, #tpu.memory_space<vmem>>
      %dma_wait3A_85 = arith.constant 0 : i32
      %dma_wait3A_86 = arith.constant 0 : i32
      %dma_wait3A_87 = tpu.memref_slice %arg10[%dma_wait3A_85, %dma_wait3A_86] : memref<10112x128xf32, #tpu.memory_space<vmem_shared>> -> memref<10112x128xf32, #tpu.memory_space<vmem_shared>>
      tpu.wait_indirect_dma semaphore(%arg13 : memref<!tpu.dma_semaphore, #tpu.memory_space<semaphore_mem>>) src(%dma_wait3A_81 : memref<64x128xf32, #tpu.memory_space<vmem>>) dst(%dma_wait3A_87 : memref<10112x128xf32, #tpu.memory_space<vmem_shared>>)
      %dma_wait3A_88 = arith.constant 64 : i32
      %dma_wait3A_89 = arith.constant 0 : i32
      %dma_wait3A_90 = tpu.memref_slice %arg9[%dma_wait3A_88, %dma_wait3A_89] : memref<128x128xf32, #tpu.memory_space<vmem>> -> memref<64x128xf32, #tpu.memory_space<vmem>>
      %dma_wait3A_91 = arith.constant 0 : i32
      %dma_wait3A_92 = tpu.memref_slice %arg8[%add3A_26, %dma_wait3A_91] : memref<80x64xi32, #tpu.memory_space<vmem>> -> memref<1x64xi32, #tpu.memory_space<vmem>>
      %dma_wait3A_93 = tpu.memref_squeeze %dma_wait3A_92 : memref<1x64xi32, #tpu.memory_space<vmem>> -> memref<64xi32, #tpu.memory_space<vmem>>
      %dma_wait3A_94 = arith.constant 0 : i32
      %dma_wait3A_95 = arith.constant 0 : i32
      %dma_wait3A_96 = tpu.memref_slice %arg10[%dma_wait3A_94, %dma_wait3A_95] : memref<10112x128xf32, #tpu.memory_space<vmem_shared>> -> memref<10112x128xf32, #tpu.memory_space<vmem_shared>>
      tpu.wait_indirect_dma semaphore(%arg14 : memref<!tpu.dma_semaphore, #tpu.memory_space<semaphore_mem>>) src(%dma_wait3A_90 : memref<64x128xf32, #tpu.memory_space<vmem>>) dst(%dma_wait3A_96 : memref<10112x128xf32, #tpu.memory_space<vmem_shared>>)
    }
    %scan3A_7 = arith.constant 40 : i32
    "tpu.region"() ({
      %run_scoped3A = tpu.sem_alloc : memref<!tpu.dma_semaphore, #tpu.memory_space<semaphore_mem>>
      %dma_start3A = arith.constant 80 : i32
      %dma_start3A_18 = arith.constant 0 : i32
      %dma_start3A_19 = tpu.memref_slice %arg3[%add3A, %dma_start3A, %dma_start3A_18] : memref<32x160x64xi32, #tpu.memory_space<hbm>> -> memref<1x80x64xi32, #tpu.memory_space<hbm>>
      %dma_start3A_20 = tpu.memref_squeeze %dma_start3A_19 : memref<1x80x64xi32, #tpu.memory_space<hbm>> -> memref<80x64xi32, #tpu.memory_space<hbm>>
      %dma_start3A_21 = arith.constant 80 : i32
      %dma_start3A_22 = arith.constant 0 : i32
      %dma_start3A_23 = tpu.memref_slice %arg3[%add3A, %dma_start3A_21, %dma_start3A_22] : memref<32x160x64xi32, #tpu.memory_space<hbm>> -> memref<1x80x64xi32, #tpu.memory_space<hbm>>
      %dma_start3A_24 = tpu.memref_squeeze %dma_start3A_23 : memref<1x80x64xi32, #tpu.memory_space<hbm>> -> memref<80x64xi32, #tpu.memory_space<hbm>>
      tpu.enqueue_dma source(%dma_start3A_24 : memref<80x64xi32, #tpu.memory_space<hbm>>) target(%arg7 : memref<80x64xi32, #tpu.memory_space<vmem>>) target_semaphore(%run_scoped3A : memref<!tpu.dma_semaphore, #tpu.memory_space<semaphore_mem>>)
      %dma_wait3A = arith.constant 80 : i32
      %dma_wait3A_25 = arith.constant 0 : i32
      %dma_wait3A_26 = tpu.memref_slice %arg3[%add3A, %dma_wait3A, %dma_wait3A_25] : memref<32x160x64xi32, #tpu.memory_space<hbm>> -> memref<1x80x64xi32, #tpu.memory_space<hbm>>
      %dma_wait3A_27 = tpu.memref_squeeze %dma_wait3A_26 : memref<1x80x64xi32, #tpu.memory_space<hbm>> -> memref<80x64xi32, #tpu.memory_space<hbm>>
      %dma_wait3A_28 = arith.constant 80 : i32
      %dma_wait3A_29 = arith.constant 0 : i32
      %dma_wait3A_30 = tpu.memref_slice %arg3[%add3A, %dma_wait3A_28, %dma_wait3A_29] : memref<32x160x64xi32, #tpu.memory_space<hbm>> -> memref<1x80x64xi32, #tpu.memory_space<hbm>>
      %dma_wait3A_31 = tpu.memref_squeeze %dma_wait3A_30 : memref<1x80x64xi32, #tpu.memory_space<hbm>> -> memref<80x64xi32, #tpu.memory_space<hbm>>
      tpu.wait_dma2 semaphore(%run_scoped3A : memref<!tpu.dma_semaphore, #tpu.memory_space<semaphore_mem>>) src(%dma_wait3A_31 : memref<80x64xi32, #tpu.memory_space<hbm>>) dst(%arg7 : memref<80x64xi32, #tpu.memory_space<vmem>>)
      tpu.yield
    }) : () -> ()
    "tpu.region"() ({
      %run_scoped3A = tpu.sem_alloc : memref<!tpu.dma_semaphore, #tpu.memory_space<semaphore_mem>>
      %dma_start3A = arith.constant 80 : i32
      %dma_start3A_18 = arith.constant 0 : i32
      %dma_start3A_19 = tpu.memref_slice %arg4[%add3A, %dma_start3A, %dma_start3A_18] : memref<32x160x64xi32, #tpu.memory_space<hbm>> -> memref<1x80x64xi32, #tpu.memory_space<hbm>>
      %dma_start3A_20 = tpu.memref_squeeze %dma_start3A_19 : memref<1x80x64xi32, #tpu.memory_space<hbm>> -> memref<80x64xi32, #tpu.memory_space<hbm>>
      %dma_start3A_21 = arith.constant 80 : i32
      %dma_start3A_22 = arith.constant 0 : i32
      %dma_start3A_23 = tpu.memref_slice %arg4[%add3A, %dma_start3A_21, %dma_start3A_22] : memref<32x160x64xi32, #tpu.memory_space<hbm>> -> memref<1x80x64xi32, #tpu.memory_space<hbm>>
      %dma_start3A_24 = tpu.memref_squeeze %dma_start3A_23 : memref<1x80x64xi32, #tpu.memory_space<hbm>> -> memref<80x64xi32, #tpu.memory_space<hbm>>
      tpu.enqueue_dma source(%dma_start3A_24 : memref<80x64xi32, #tpu.memory_space<hbm>>) target(%arg8 : memref<80x64xi32, #tpu.memory_space<vmem>>) target_semaphore(%run_scoped3A : memref<!tpu.dma_semaphore, #tpu.memory_space<semaphore_mem>>)
      %dma_wait3A = arith.constant 80 : i32
      %dma_wait3A_25 = arith.constant 0 : i32
      %dma_wait3A_26 = tpu.memref_slice %arg4[%add3A, %dma_wait3A, %dma_wait3A_25] : memref<32x160x64xi32, #tpu.memory_space<hbm>> -> memref<1x80x64xi32, #tpu.memory_space<hbm>>
      %dma_wait3A_27 = tpu.memref_squeeze %dma_wait3A_26 : memref<1x80x64xi32, #tpu.memory_space<hbm>> -> memref<80x64xi32, #tpu.memory_space<hbm>>
      %dma_wait3A_28 = arith.constant 80 : i32
      %dma_wait3A_29 = arith.constant 0 : i32
      %dma_wait3A_30 = tpu.memref_slice %arg4[%add3A, %dma_wait3A_28, %dma_wait3A_29] : memref<32x160x64xi32, #tpu.memory_space<hbm>> -> memref<1x80x64xi32, #tpu.memory_space<hbm>>
      %dma_wait3A_31 = tpu.memref_squeeze %dma_wait3A_30 : memref<1x80x64xi32, #tpu.memory_space<hbm>> -> memref<80x64xi32, #tpu.memory_space<hbm>>
      tpu.wait_dma2 semaphore(%run_scoped3A : memref<!tpu.dma_semaphore, #tpu.memory_space<semaphore_mem>>) src(%dma_wait3A_31 : memref<80x64xi32, #tpu.memory_space<hbm>>) dst(%arg8 : memref<80x64xi32, #tpu.memory_space<vmem>>)
      tpu.yield
    }) : () -> ()
    %scan3A_8 = arith.constant 0 : i32
    %scan3A_9 = arith.constant 0 : i32
    %scan3A_10 = arith.constant 40 : i32
    %scan3A_11 = arith.addi %scan3A_9, %scan3A_10 : i32
    %scan3A_12 = arith.constant 1 : i32
    scf.for %scan3A_18 = %scan3A_9 to %scan3A_11 step %scan3A_12  : i32 {
      %mul3A_19 = arith.constant 2 : i32
      %mul3A_20 = arith.muli %mul3A_19, %scan3A_18 : i32
      %add3A_21 = arith.constant 0 : i32
      %add3A_22 = arith.addi %mul3A_20, %add3A_21 : i32
      %mul3A_23 = arith.constant 2 : i32
      %mul3A_24 = arith.muli %mul3A_23, %scan3A_18 : i32
      %add3A_25 = arith.constant 1 : i32
      %add3A_26 = arith.addi %mul3A_24, %add3A_25 : i32
      %dma_start3A = arith.constant 0 : i32
      %dma_start3A_27 = arith.constant 0 : i32
      %dma_start3A_28 = tpu.memref_slice %arg9[%dma_start3A, %dma_start3A_27] : memref<128x128xf32, #tpu.memory_space<vmem>> -> memref<64x128xf32, #tpu.memory_space<vmem>>
      %dma_start3A_29 = arith.constant 0 : i32
      %dma_start3A_30 = tpu.memref_slice %arg7[%add3A_22, %dma_start3A_29] : memref<80x64xi32, #tpu.memory_space<vmem>> -> memref<1x64xi32, #tpu.memory_space<vmem>>
      %dma_start3A_31 = tpu.memref_squeeze %dma_start3A_30 : memref<1x64xi32, #tpu.memory_space<vmem>> -> memref<64xi32, #tpu.memory_space<vmem>>
      %dma_start3A_32 = arith.constant 0 : i32
      %dma_start3A_33 = arith.constant 0 : i32
      %dma_start3A_34 = tpu.memref_slice %arg2[%dma_start3A_32, %dma_start3A_33] : memref<10112x128xf32, #tpu.memory_space<hbm>> -> memref<10112x128xf32, #tpu.memory_space<hbm>>
      tpu.enqueue_indirect_dma source(%dma_start3A_34 : memref<10112x128xf32, #tpu.memory_space<hbm>>) target(%dma_start3A_28 : memref<64x128xf32, #tpu.memory_space<vmem>>) offsets(%dma_start3A_31 : memref<64xi32, #tpu.memory_space<vmem>>) semaphore(%arg11 : memref<!tpu.dma_semaphore, #tpu.memory_space<semaphore_mem>>)
      %dma_start3A_35 = arith.constant 64 : i32
      %dma_start3A_36 = arith.constant 0 : i32
      %dma_start3A_37 = tpu.memref_slice %arg9[%dma_start3A_35, %dma_start3A_36] : memref<128x128xf32, #tpu.memory_space<vmem>> -> memref<64x128xf32, #tpu.memory_space<vmem>>
      %dma_start3A_38 = arith.constant 0 : i32
      %dma_start3A_39 = tpu.memref_slice %arg7[%add3A_26, %dma_start3A_38] : memref<80x64xi32, #tpu.memory_space<vmem>> -> memref<1x64xi32, #tpu.memory_space<vmem>>
      %dma_start3A_40 = tpu.memref_squeeze %dma_start3A_39 : memref<1x64xi32, #tpu.memory_space<vmem>> -> memref<64xi32, #tpu.memory_space<vmem>>
      %dma_start3A_41 = arith.constant 0 : i32
      %dma_start3A_42 = arith.constant 0 : i32
      %dma_start3A_43 = tpu.memref_slice %arg2[%dma_start3A_41, %dma_start3A_42] : memref<10112x128xf32, #tpu.memory_space<hbm>> -> memref<10112x128xf32, #tpu.memory_space<hbm>>
      tpu.enqueue_indirect_dma source(%dma_start3A_43 : memref<10112x128xf32, #tpu.memory_space<hbm>>) target(%dma_start3A_37 : memref<64x128xf32, #tpu.memory_space<vmem>>) offsets(%dma_start3A_40 : memref<64xi32, #tpu.memory_space<vmem>>) semaphore(%arg12 : memref<!tpu.dma_semaphore, #tpu.memory_space<semaphore_mem>>)
      %dma_wait3A = arith.constant 0 : i32
      %dma_wait3A_44 = arith.constant 0 : i32
      %dma_wait3A_45 = tpu.memref_slice %arg9[%dma_wait3A, %dma_wait3A_44] : memref<128x128xf32, #tpu.memory_space<vmem>> -> memref<64x128xf32, #tpu.memory_space<vmem>>
      %dma_wait3A_46 = arith.constant 0 : i32
      %dma_wait3A_47 = tpu.memref_slice %arg7[%add3A_22, %dma_wait3A_46] : memref<80x64xi32, #tpu.memory_space<vmem>> -> memref<1x64xi32, #tpu.memory_space<vmem>>
      %dma_wait3A_48 = tpu.memref_squeeze %dma_wait3A_47 : memref<1x64xi32, #tpu.memory_space<vmem>> -> memref<64xi32, #tpu.memory_space<vmem>>
      %dma_wait3A_49 = arith.constant 0 : i32
      %dma_wait3A_50 = arith.constant 0 : i32
      %dma_wait3A_51 = tpu.memref_slice %arg2[%dma_wait3A_49, %dma_wait3A_50] : memref<10112x128xf32, #tpu.memory_space<hbm>> -> memref<10112x128xf32, #tpu.memory_space<hbm>>
      tpu.wait_indirect_dma semaphore(%arg11 : memref<!tpu.dma_semaphore, #tpu.memory_space<semaphore_mem>>) src(%dma_wait3A_51 : memref<10112x128xf32, #tpu.memory_space<hbm>>) dst(%dma_wait3A_45 : memref<64x128xf32, #tpu.memory_space<vmem>>)
      %dma_start3A_52 = arith.constant 0 : i32
      %dma_start3A_53 = arith.constant 0 : i32
      %dma_start3A_54 = tpu.memref_slice %arg9[%dma_start3A_52, %dma_start3A_53] : memref<128x128xf32, #tpu.memory_space<vmem>> -> memref<64x128xf32, #tpu.memory_space<vmem>>
      %dma_start3A_55 = arith.constant 0 : i32
      %dma_start3A_56 = tpu.memref_slice %arg8[%add3A_22, %dma_start3A_55] : memref<80x64xi32, #tpu.memory_space<vmem>> -> memref<1x64xi32, #tpu.memory_space<vmem>>
      %dma_start3A_57 = tpu.memref_squeeze %dma_start3A_56 : memref<1x64xi32, #tpu.memory_space<vmem>> -> memref<64xi32, #tpu.memory_space<vmem>>
      %dma_start3A_58 = arith.constant 0 : i32
      %dma_start3A_59 = arith.constant 0 : i32
      %dma_start3A_60 = tpu.memref_slice %arg10[%dma_start3A_58, %dma_start3A_59] : memref<10112x128xf32, #tpu.memory_space<vmem_shared>> -> memref<10112x128xf32, #tpu.memory_space<vmem_shared>>
      tpu.enqueue_indirect_dma source(%dma_start3A_54 : memref<64x128xf32, #tpu.memory_space<vmem>>) target(%dma_start3A_60 : memref<10112x128xf32, #tpu.memory_space<vmem_shared>>) offsets(%dma_start3A_57 : memref<64xi32, #tpu.memory_space<vmem>>) semaphore(%arg13 : memref<!tpu.dma_semaphore, #tpu.memory_space<semaphore_mem>>) {add = true}
      %dma_wait3A_61 = arith.constant 64 : i32
      %dma_wait3A_62 = arith.constant 0 : i32
      %dma_wait3A_63 = tpu.memref_slice %arg9[%dma_wait3A_61, %dma_wait3A_62] : memref<128x128xf32, #tpu.memory_space<vmem>> -> memref<64x128xf32, #tpu.memory_space<vmem>>
      %dma_wait3A_64 = arith.constant 0 : i32
      %dma_wait3A_65 = tpu.memref_slice %arg7[%add3A_26, %dma_wait3A_64] : memref<80x64xi32, #tpu.memory_space<vmem>> -> memref<1x64xi32, #tpu.memory_space<vmem>>
      %dma_wait3A_66 = tpu.memref_squeeze %dma_wait3A_65 : memref<1x64xi32, #tpu.memory_space<vmem>> -> memref<64xi32, #tpu.memory_space<vmem>>
      %dma_wait3A_67 = arith.constant 0 : i32
      %dma_wait3A_68 = arith.constant 0 : i32
      %dma_wait3A_69 = tpu.memref_slice %arg2[%dma_wait3A_67, %dma_wait3A_68] : memref<10112x128xf32, #tpu.memory_space<hbm>> -> memref<10112x128xf32, #tpu.memory_space<hbm>>
      tpu.wait_indirect_dma semaphore(%arg12 : memref<!tpu.dma_semaphore, #tpu.memory_space<semaphore_mem>>) src(%dma_wait3A_69 : memref<10112x128xf32, #tpu.memory_space<hbm>>) dst(%dma_wait3A_63 : memref<64x128xf32, #tpu.memory_space<vmem>>)
      %dma_start3A_70 = arith.constant 64 : i32
      %dma_start3A_71 = arith.constant 0 : i32
      %dma_start3A_72 = tpu.memref_slice %arg9[%dma_start3A_70, %dma_start3A_71] : memref<128x128xf32, #tpu.memory_space<vmem>> -> memref<64x128xf32, #tpu.memory_space<vmem>>
      %dma_start3A_73 = arith.constant 0 : i32
      %dma_start3A_74 = tpu.memref_slice %arg8[%add3A_26, %dma_start3A_73] : memref<80x64xi32, #tpu.memory_space<vmem>> -> memref<1x64xi32, #tpu.memory_space<vmem>>
      %dma_start3A_75 = tpu.memref_squeeze %dma_start3A_74 : memref<1x64xi32, #tpu.memory_space<vmem>> -> memref<64xi32, #tpu.memory_space<vmem>>
      %dma_start3A_76 = arith.constant 0 : i32
      %dma_start3A_77 = arith.constant 0 : i32
      %dma_start3A_78 = tpu.memref_slice %arg10[%dma_start3A_76, %dma_start3A_77] : memref<10112x128xf32, #tpu.memory_space<vmem_shared>> -> memref<10112x128xf32, #tpu.memory_space<vmem_shared>>
      tpu.enqueue_indirect_dma source(%dma_start3A_72 : memref<64x128xf32, #tpu.memory_space<vmem>>) target(%dma_start3A_78 : memref<10112x128xf32, #tpu.memory_space<vmem_shared>>) offsets(%dma_start3A_75 : memref<64xi32, #tpu.memory_space<vmem>>) semaphore(%arg14 : memref<!tpu.dma_semaphore, #tpu.memory_space<semaphore_mem>>) {add = true}
      %dma_wait3A_79 = arith.constant 0 : i32
      %dma_wait3A_80 = arith.constant 0 : i32
      %dma_wait3A_81 = tpu.memref_slice %arg9[%dma_wait3A_79, %dma_wait3A_80] : memref<128x128xf32, #tpu.memory_space<vmem>> -> memref<64x128xf32, #tpu.memory_space<vmem>>
      %dma_wait3A_82 = arith.constant 0 : i32
      %dma_wait3A_83 = tpu.memref_slice %arg8[%add3A_22, %dma_wait3A_82] : memref<80x64xi32, #tpu.memory_space<vmem>> -> memref<1x64xi32, #tpu.memory_space<vmem>>
      %dma_wait3A_84 = tpu.memref_squeeze %dma_wait3A_83 : memref<1x64xi32, #tpu.memory_space<vmem>> -> memref<64xi32, #tpu.memory_space<vmem>>
      %dma_wait3A_85 = arith.constant 0 : i32
      %dma_wait3A_86 = arith.constant 0 : i32
      %dma_wait3A_87 = tpu.memref_slice %arg10[%dma_wait3A_85, %dma_wait3A_86] : memref<10112x128xf32, #tpu.memory_space<vmem_shared>> -> memref<10112x128xf32, #tpu.memory_space<vmem_shared>>
      tpu.wait_indirect_dma semaphore(%arg13 : memref<!tpu.dma_semaphore, #tpu.memory_space<semaphore_mem>>) src(%dma_wait3A_81 : memref<64x128xf32, #tpu.memory_space<vmem>>) dst(%dma_wait3A_87 : memref<10112x128xf32, #tpu.memory_space<vmem_shared>>)
      %dma_wait3A_88 = arith.constant 64 : i32
      %dma_wait3A_89 = arith.constant 0 : i32
      %dma_wait3A_90 = tpu.memref_slice %arg9[%dma_wait3A_88, %dma_wait3A_89] : memref<128x128xf32, #tpu.memory_space<vmem>> -> memref<64x128xf32, #tpu.memory_space<vmem>>
      %dma_wait3A_91 = arith.constant 0 : i32
      %dma_wait3A_92 = tpu.memref_slice %arg8[%add3A_26, %dma_wait3A_91] : memref<80x64xi32, #tpu.memory_space<vmem>> -> memref<1x64xi32, #tpu.memory_space<vmem>>
      %dma_wait3A_93 = tpu.memref_squeeze %dma_wait3A_92 : memref<1x64xi32, #tpu.memory_space<vmem>> -> memref<64xi32, #tpu.memory_space<vmem>>
      %dma_wait3A_94 = arith.constant 0 : i32
      %dma_wait3A_95 = arith.constant 0 : i32
      %dma_wait3A_96 = tpu.memref_slice %arg10[%dma_wait3A_94, %dma_wait3A_95] : memref<10112x128xf32, #tpu.memory_space<vmem_shared>> -> memref<10112x128xf32, #tpu.memory_space<vmem_shared>>
      tpu.wait_indirect_dma semaphore(%arg14 : memref<!tpu.dma_semaphore, #tpu.memory_space<semaphore_mem>>) src(%dma_wait3A_90 : memref<64x128xf32, #tpu.memory_space<vmem>>) dst(%dma_wait3A_96 : memref<10112x128xf32, #tpu.memory_space<vmem_shared>>)
    }
    %scan3A_13 = arith.constant 40 : i32
    %barrier3A_14 = arith.constant 0 : index
    tpu.barrier barrier_id(%barrier3A_14)
    %mul3A_15 = arith.constant 10112 : i32
    %mul3A_16 = arith.muli %arg0, %mul3A_15 : i32
    %add3A_17 = arith.addi %mul3A_16, %mul3A_2 : i32
    "tpu.region"() ({
      %run_scoped3A = tpu.sem_alloc : memref<!tpu.dma_semaphore, #tpu.memory_space<semaphore_mem>>
      %dma_start3A = arith.constant 0 : i32
      %dma_start3A_18 = tpu.memref_slice %arg6[%add3A_17, %dma_start3A] : memref<20224x128xf32, #tpu.memory_space<hbm>> -> memref<632x128xf32, #tpu.memory_space<hbm>>
      %dma_start3A_19 = arith.constant 0 : i32
      %dma_start3A_20 = tpu.memref_slice %arg10[%mul3A_2, %dma_start3A_19] : memref<10112x128xf32, #tpu.memory_space<vmem_shared>> -> memref<632x128xf32, #tpu.memory_space<vmem_shared>>
      tpu.enqueue_dma source(%dma_start3A_20 : memref<632x128xf32, #tpu.memory_space<vmem_shared>>) target(%dma_start3A_18 : memref<632x128xf32, #tpu.memory_space<hbm>>) target_semaphore(%run_scoped3A : memref<!tpu.dma_semaphore, #tpu.memory_space<semaphore_mem>>)
      %dma_wait3A = arith.constant 0 : i32
      %dma_wait3A_21 = tpu.memref_slice %arg6[%add3A_17, %dma_wait3A] : memref<20224x128xf32, #tpu.memory_space<hbm>> -> memref<632x128xf32, #tpu.memory_space<hbm>>
      %dma_wait3A_22 = arith.constant 0 : i32
      %dma_wait3A_23 = tpu.memref_slice %arg10[%mul3A_2, %dma_wait3A_22] : memref<10112x128xf32, #tpu.memory_space<vmem_shared>> -> memref<632x128xf32, #tpu.memory_space<vmem_shared>>
      tpu.wait_dma2 semaphore(%run_scoped3A : memref<!tpu.dma_semaphore, #tpu.memory_space<semaphore_mem>>) src(%dma_wait3A_23 : memref<632x128xf32, #tpu.memory_space<vmem_shared>>) dst(%dma_wait3A_21 : memref<632x128xf32, #tpu.memory_space<hbm>>)
      tpu.yield
    }) : () -> ()
    return
  }
}

#map = affine_map<(d0, d1) -> (0, 0)>
#map1 = affine_map<(d0, d1) -> (0, 0, 0)>
module attributes {stable_mosaic.version = 14 : i64} {
  func.func @mp(%arg0: i32, %arg1: i32, %arg2: memref<10112x128xf32, #tpu.memory_space<hbm>>, %arg3: memref<32x160x64xi32, #tpu.memory_space<hbm>>, %arg4: memref<32x160x64xi32, #tpu.memory_space<hbm>>, %arg5: memref<632x128xf32, #tpu.memory_space<hbm>>, %arg6: memref<20224x128xf32, #tpu.memory_space<hbm>>, %arg7: memref<80x64xi32, #tpu.memory_space<vmem>>, %arg8: memref<80x64xi32, #tpu.memory_space<vmem>>, %arg9: memref<128x128xf32, #tpu.memory_space<vmem>>, %arg10: memref<10112x128xf32, #tpu.memory_space<vmem_shared>>, %arg11: memref<!tpu.dma_semaphore, #tpu.memory_space<semaphore_mem>>, %arg12: memref<!tpu.dma_semaphore, #tpu.memory_space<semaphore_mem>>, %arg13: memref<!tpu.dma_semaphore, #tpu.memory_space<semaphore_mem>>, %arg14: memref<!tpu.dma_semaphore, #tpu.memory_space<semaphore_mem>>) attributes {dimension_semantics = [#tpu.dimension_semantics<core_parallel>, #tpu.dimension_semantics<subcore_parallel>], iteration_bounds = array<i64: 2, 16>, scalar_prefetch = 0 : i64, scratch_operands = 8 : i64, tpu.core_type = #tpu.core_type<sc_vector_subcore>, window_params = [{transform_indices = #map}, {transform_indices = #map1}, {transform_indices = #map1}, {transform_indices = #map}, {transform_indices = #map}]} {
    %mul3A = arith.constant 16 : i32
    %mul3A_0 = arith.muli %arg0, %mul3A : i32
    %add3A = arith.addi %mul3A_0, %arg1 : i32
    %mul3A_1 = arith.constant 632 : i32
    %mul3A_2 = arith.muli %arg1, %mul3A_1 : i32
    "tpu.region"() ({
      %run_scoped3A = tpu.sem_alloc : memref<!tpu.dma_semaphore, #tpu.memory_space<semaphore_mem>>
      %dma_start3A = arith.constant 0 : i32
      %dma_start3A_18 = tpu.memref_slice %arg10[%mul3A_2, %dma_start3A] : memref<10112x128xf32, #tpu.memory_space<vmem_shared>> -> memref<632x128xf32, #tpu.memory_space<vmem_shared>>
      tpu.enqueue_dma source(%arg5 : memref<632x128xf32, #tpu.memory_space<hbm>>) target(%dma_start3A_18 : memref<632x128xf32, #tpu.memory_space<vmem_shared>>) target_semaphore(%run_scoped3A : memref<!tpu.dma_semaphore, #tpu.memory_space<semaphore_mem>>)
      %dma_wait3A = arith.constant 0 : i32
      %dma_wait3A_19 = tpu.memref_slice %arg10[%mul3A_2, %dma_wait3A] : memref<10112x128xf32, #tpu.memory_space<vmem_shared>> -> memref<632x128xf32, #tpu.memory_space<vmem_shared>>
      tpu.wait_dma2 semaphore(%run_scoped3A : memref<!tpu.dma_semaphore, #tpu.memory_space<semaphore_mem>>) src(%arg5 : memref<632x128xf32, #tpu.memory_space<hbm>>) dst(%dma_wait3A_19 : memref<632x128xf32, #tpu.memory_space<vmem_shared>>)
      tpu.yield
    }) : () -> ()
    %barrier3A = arith.constant 0 : index
    tpu.barrier barrier_id(%barrier3A)
    "tpu.region"() ({
      %run_scoped3A = tpu.sem_alloc : memref<!tpu.dma_semaphore, #tpu.memory_space<semaphore_mem>>
      %dma_start3A = arith.constant 0 : i32
      %dma_start3A_18 = arith.constant 0 : i32
      %dma_start3A_19 = tpu.memref_slice %arg3[%add3A, %dma_start3A, %dma_start3A_18] : memref<32x160x64xi32, #tpu.memory_space<hbm>> -> memref<1x80x64xi32, #tpu.memory_space<hbm>>
      %dma_start3A_20 = tpu.memref_squeeze %dma_start3A_19 : memref<1x80x64xi32, #tpu.memory_space<hbm>> -> memref<80x64xi32, #tpu.memory_space<hbm>>
      %dma_start3A_21 = arith.constant 0 : i32
      %dma_start3A_22 = arith.constant 0 : i32
      %dma_start3A_23 = tpu.memref_slice %arg3[%add3A, %dma_start3A_21, %dma_start3A_22] : memref<32x160x64xi32, #tpu.memory_space<hbm>> -> memref<1x80x64xi32, #tpu.memory_space<hbm>>
      %dma_start3A_24 = tpu.memref_squeeze %dma_start3A_23 : memref<1x80x64xi32, #tpu.memory_space<hbm>> -> memref<80x64xi32, #tpu.memory_space<hbm>>
      tpu.enqueue_dma source(%dma_start3A_24 : memref<80x64xi32, #tpu.memory_space<hbm>>) target(%arg7 : memref<80x64xi32, #tpu.memory_space<vmem>>) target_semaphore(%run_scoped3A : memref<!tpu.dma_semaphore, #tpu.memory_space<semaphore_mem>>)
      %dma_wait3A = arith.constant 0 : i32
      %dma_wait3A_25 = arith.constant 0 : i32
      %dma_wait3A_26 = tpu.memref_slice %arg3[%add3A, %dma_wait3A, %dma_wait3A_25] : memref<32x160x64xi32, #tpu.memory_space<hbm>> -> memref<1x80x64xi32, #tpu.memory_space<hbm>>
      %dma_wait3A_27 = tpu.memref_squeeze %dma_wait3A_26 : memref<1x80x64xi32, #tpu.memory_space<hbm>> -> memref<80x64xi32, #tpu.memory_space<hbm>>
      %dma_wait3A_28 = arith.constant 0 : i32
      %dma_wait3A_29 = arith.constant 0 : i32
      %dma_wait3A_30 = tpu.memref_slice %arg3[%add3A, %dma_wait3A_28, %dma_wait3A_29] : memref<32x160x64xi32, #tpu.memory_space<hbm>> -> memref<1x80x64xi32, #tpu.memory_space<hbm>>
      %dma_wait3A_31 = tpu.memref_squeeze %dma_wait3A_30 : memref<1x80x64xi32, #tpu.memory_space<hbm>> -> memref<80x64xi32, #tpu.memory_space<hbm>>
      tpu.wait_dma2 semaphore(%run_scoped3A : memref<!tpu.dma_semaphore, #tpu.memory_space<semaphore_mem>>) src(%dma_wait3A_31 : memref<80x64xi32, #tpu.memory_space<hbm>>) dst(%arg7 : memref<80x64xi32, #tpu.memory_space<vmem>>)
      tpu.yield
    }) : () -> ()
    "tpu.region"() ({
      %run_scoped3A = tpu.sem_alloc : memref<!tpu.dma_semaphore, #tpu.memory_space<semaphore_mem>>
      %dma_start3A = arith.constant 0 : i32
      %dma_start3A_18 = arith.constant 0 : i32
      %dma_start3A_19 = tpu.memref_slice %arg4[%add3A, %dma_start3A, %dma_start3A_18] : memref<32x160x64xi32, #tpu.memory_space<hbm>> -> memref<1x80x64xi32, #tpu.memory_space<hbm>>
      %dma_start3A_20 = tpu.memref_squeeze %dma_start3A_19 : memref<1x80x64xi32, #tpu.memory_space<hbm>> -> memref<80x64xi32, #tpu.memory_space<hbm>>
      %dma_start3A_21 = arith.constant 0 : i32
      %dma_start3A_22 = arith.constant 0 : i32
      %dma_start3A_23 = tpu.memref_slice %arg4[%add3A, %dma_start3A_21, %dma_start3A_22] : memref<32x160x64xi32, #tpu.memory_space<hbm>> -> memref<1x80x64xi32, #tpu.memory_space<hbm>>
      %dma_start3A_24 = tpu.memref_squeeze %dma_start3A_23 : memref<1x80x64xi32, #tpu.memory_space<hbm>> -> memref<80x64xi32, #tpu.memory_space<hbm>>
      tpu.enqueue_dma source(%dma_start3A_24 : memref<80x64xi32, #tpu.memory_space<hbm>>) target(%arg8 : memref<80x64xi32, #tpu.memory_space<vmem>>) target_semaphore(%run_scoped3A : memref<!tpu.dma_semaphore, #tpu.memory_space<semaphore_mem>>)
      %dma_wait3A = arith.constant 0 : i32
      %dma_wait3A_25 = arith.constant 0 : i32
      %dma_wait3A_26 = tpu.memref_slice %arg4[%add3A, %dma_wait3A, %dma_wait3A_25] : memref<32x160x64xi32, #tpu.memory_space<hbm>> -> memref<1x80x64xi32, #tpu.memory_space<hbm>>
      %dma_wait3A_27 = tpu.memref_squeeze %dma_wait3A_26 : memref<1x80x64xi32, #tpu.memory_space<hbm>> -> memref<80x64xi32, #tpu.memory_space<hbm>>
      %dma_wait3A_28 = arith.constant 0 : i32
      %dma_wait3A_29 = arith.constant 0 : i32
      %dma_wait3A_30 = tpu.memref_slice %arg4[%add3A, %dma_wait3A_28, %dma_wait3A_29] : memref<32x160x64xi32, #tpu.memory_space<hbm>> -> memref<1x80x64xi32, #tpu.memory_space<hbm>>
      %dma_wait3A_31 = tpu.memref_squeeze %dma_wait3A_30 : memref<1x80x64xi32, #tpu.memory_space<hbm>> -> memref<80x64xi32, #tpu.memory_space<hbm>>
      tpu.wait_dma2 semaphore(%run_scoped3A : memref<!tpu.dma_semaphore, #tpu.memory_space<semaphore_mem>>) src(%dma_wait3A_31 : memref<80x64xi32, #tpu.memory_space<hbm>>) dst(%arg8 : memref<80x64xi32, #tpu.memory_space<vmem>>)
      tpu.yield
    }) : () -> ()
    %scan3A = arith.constant 0 : i32
    %scan3A_3 = arith.constant 0 : i32
    %scan3A_4 = arith.constant 40 : i32
    %scan3A_5 = arith.addi %scan3A_3, %scan3A_4 : i32
    %scan3A_6 = arith.constant 1 : i32
    scf.for %scan3A_18 = %scan3A_3 to %scan3A_5 step %scan3A_6  : i32 {
      %mul3A_19 = arith.constant 2 : i32
      %mul3A_20 = arith.muli %mul3A_19, %scan3A_18 : i32
      %add3A_21 = arith.constant 0 : i32
      %add3A_22 = arith.addi %mul3A_20, %add3A_21 : i32
      %mul3A_23 = arith.constant 2 : i32
      %mul3A_24 = arith.muli %mul3A_23, %scan3A_18 : i32
      %add3A_25 = arith.constant 1 : i32
      %add3A_26 = arith.addi %mul3A_24, %add3A_25 : i32
      %dma_start3A = arith.constant 0 : i32
      %dma_start3A_27 = arith.constant 0 : i32
      %dma_start3A_28 = tpu.memref_slice %arg9[%dma_start3A, %dma_start3A_27] : memref<128x128xf32, #tpu.memory_space<vmem>> -> memref<64x128xf32, #tpu.memory_space<vmem>>
      %dma_start3A_29 = arith.constant 0 : i32
      %dma_start3A_30 = tpu.memref_slice %arg7[%add3A_22, %dma_start3A_29] : memref<80x64xi32, #tpu.memory_space<vmem>> -> memref<1x64xi32, #tpu.memory_space<vmem>>
      %dma_start3A_31 = tpu.memref_squeeze %dma_start3A_30 : memref<1x64xi32, #tpu.memory_space<vmem>> -> memref<64xi32, #tpu.memory_space<vmem>>
      %dma_start3A_32 = arith.constant 0 : i32
      %dma_start3A_33 = arith.constant 0 : i32
      %dma_start3A_34 = tpu.memref_slice %arg2[%dma_start3A_32, %dma_start3A_33] : memref<10112x128xf32, #tpu.memory_space<hbm>> -> memref<10112x128xf32, #tpu.memory_space<hbm>>
      tpu.enqueue_indirect_dma source(%dma_start3A_34 : memref<10112x128xf32, #tpu.memory_space<hbm>>) target(%dma_start3A_28 : memref<64x128xf32, #tpu.memory_space<vmem>>) offsets(%dma_start3A_31 : memref<64xi32, #tpu.memory_space<vmem>>) semaphore(%arg11 : memref<!tpu.dma_semaphore, #tpu.memory_space<semaphore_mem>>)
      %dma_start3A_35 = arith.constant 64 : i32
      %dma_start3A_36 = arith.constant 0 : i32
      %dma_start3A_37 = tpu.memref_slice %arg9[%dma_start3A_35, %dma_start3A_36] : memref<128x128xf32, #tpu.memory_space<vmem>> -> memref<64x128xf32, #tpu.memory_space<vmem>>
      %dma_start3A_38 = arith.constant 0 : i32
      %dma_start3A_39 = tpu.memref_slice %arg7[%add3A_26, %dma_start3A_38] : memref<80x64xi32, #tpu.memory_space<vmem>> -> memref<1x64xi32, #tpu.memory_space<vmem>>
      %dma_start3A_40 = tpu.memref_squeeze %dma_start3A_39 : memref<1x64xi32, #tpu.memory_space<vmem>> -> memref<64xi32, #tpu.memory_space<vmem>>
      %dma_start3A_41 = arith.constant 0 : i32
      %dma_start3A_42 = arith.constant 0 : i32
      %dma_start3A_43 = tpu.memref_slice %arg2[%dma_start3A_41, %dma_start3A_42] : memref<10112x128xf32, #tpu.memory_space<hbm>> -> memref<10112x128xf32, #tpu.memory_space<hbm>>
      tpu.enqueue_indirect_dma source(%dma_start3A_43 : memref<10112x128xf32, #tpu.memory_space<hbm>>) target(%dma_start3A_37 : memref<64x128xf32, #tpu.memory_space<vmem>>) offsets(%dma_start3A_40 : memref<64xi32, #tpu.memory_space<vmem>>) semaphore(%arg12 : memref<!tpu.dma_semaphore, #tpu.memory_space<semaphore_mem>>)
      %dma_wait3A = arith.constant 0 : i32
      %dma_wait3A_44 = arith.constant 0 : i32
      %dma_wait3A_45 = tpu.memref_slice %arg9[%dma_wait3A, %dma_wait3A_44] : memref<128x128xf32, #tpu.memory_space<vmem>> -> memref<64x128xf32, #tpu.memory_space<vmem>>
      %dma_wait3A_46 = arith.constant 0 : i32
      %dma_wait3A_47 = tpu.memref_slice %arg7[%add3A_22, %dma_wait3A_46] : memref<80x64xi32, #tpu.memory_space<vmem>> -> memref<1x64xi32, #tpu.memory_space<vmem>>
      %dma_wait3A_48 = tpu.memref_squeeze %dma_wait3A_47 : memref<1x64xi32, #tpu.memory_space<vmem>> -> memref<64xi32, #tpu.memory_space<vmem>>
      %dma_wait3A_49 = arith.constant 0 : i32
      %dma_wait3A_50 = arith.constant 0 : i32
      %dma_wait3A_51 = tpu.memref_slice %arg2[%dma_wait3A_49, %dma_wait3A_50] : memref<10112x128xf32, #tpu.memory_space<hbm>> -> memref<10112x128xf32, #tpu.memory_space<hbm>>
      tpu.wait_indirect_dma semaphore(%arg11 : memref<!tpu.dma_semaphore, #tpu.memory_space<semaphore_mem>>) src(%dma_wait3A_51 : memref<10112x128xf32, #tpu.memory_space<hbm>>) dst(%dma_wait3A_45 : memref<64x128xf32, #tpu.memory_space<vmem>>)
      %dma_start3A_52 = arith.constant 0 : i32
      %dma_start3A_53 = arith.constant 0 : i32
      %dma_start3A_54 = tpu.memref_slice %arg9[%dma_start3A_52, %dma_start3A_53] : memref<128x128xf32, #tpu.memory_space<vmem>> -> memref<64x128xf32, #tpu.memory_space<vmem>>
      %dma_start3A_55 = arith.constant 0 : i32
      %dma_start3A_56 = tpu.memref_slice %arg8[%add3A_22, %dma_start3A_55] : memref<80x64xi32, #tpu.memory_space<vmem>> -> memref<1x64xi32, #tpu.memory_space<vmem>>
      %dma_start3A_57 = tpu.memref_squeeze %dma_start3A_56 : memref<1x64xi32, #tpu.memory_space<vmem>> -> memref<64xi32, #tpu.memory_space<vmem>>
      %dma_start3A_58 = arith.constant 0 : i32
      %dma_start3A_59 = arith.constant 0 : i32
      %dma_start3A_60 = tpu.memref_slice %arg10[%dma_start3A_58, %dma_start3A_59] : memref<10112x128xf32, #tpu.memory_space<vmem_shared>> -> memref<10112x128xf32, #tpu.memory_space<vmem_shared>>
      tpu.enqueue_indirect_dma source(%dma_start3A_54 : memref<64x128xf32, #tpu.memory_space<vmem>>) target(%dma_start3A_60 : memref<10112x128xf32, #tpu.memory_space<vmem_shared>>) offsets(%dma_start3A_57 : memref<64xi32, #tpu.memory_space<vmem>>) semaphore(%arg13 : memref<!tpu.dma_semaphore, #tpu.memory_space<semaphore_mem>>) {add = true}
      %dma_wait3A_61 = arith.constant 64 : i32
      %dma_wait3A_62 = arith.constant 0 : i32
      %dma_wait3A_63 = tpu.memref_slice %arg9[%dma_wait3A_61, %dma_wait3A_62] : memref<128x128xf32, #tpu.memory_space<vmem>> -> memref<64x128xf32, #tpu.memory_space<vmem>>
      %dma_wait3A_64 = arith.constant 0 : i32
      %dma_wait3A_65 = tpu.memref_slice %arg7[%add3A_26, %dma_wait3A_64] : memref<80x64xi32, #tpu.memory_space<vmem>> -> memref<1x64xi32, #tpu.memory_space<vmem>>
      %dma_wait3A_66 = tpu.memref_squeeze %dma_wait3A_65 : memref<1x64xi32, #tpu.memory_space<vmem>> -> memref<64xi32, #tpu.memory_space<vmem>>
      %dma_wait3A_67 = arith.constant 0 : i32
      %dma_wait3A_68 = arith.constant 0 : i32
      %dma_wait3A_69 = tpu.memref_slice %arg2[%dma_wait3A_67, %dma_wait3A_68] : memref<10112x128xf32, #tpu.memory_space<hbm>> -> memref<10112x128xf32, #tpu.memory_space<hbm>>
      tpu.wait_indirect_dma semaphore(%arg12 : memref<!tpu.dma_semaphore, #tpu.memory_space<semaphore_mem>>) src(%dma_wait3A_69 : memref<10112x128xf32, #tpu.memory_space<hbm>>) dst(%dma_wait3A_63 : memref<64x128xf32, #tpu.memory_space<vmem>>)
      %dma_start3A_70 = arith.constant 64 : i32
      %dma_start3A_71 = arith.constant 0 : i32
      %dma_start3A_72 = tpu.memref_slice %arg9[%dma_start3A_70, %dma_start3A_71] : memref<128x128xf32, #tpu.memory_space<vmem>> -> memref<64x128xf32, #tpu.memory_space<vmem>>
      %dma_start3A_73 = arith.constant 0 : i32
      %dma_start3A_74 = tpu.memref_slice %arg8[%add3A_26, %dma_start3A_73] : memref<80x64xi32, #tpu.memory_space<vmem>> -> memref<1x64xi32, #tpu.memory_space<vmem>>
      %dma_start3A_75 = tpu.memref_squeeze %dma_start3A_74 : memref<1x64xi32, #tpu.memory_space<vmem>> -> memref<64xi32, #tpu.memory_space<vmem>>
      %dma_start3A_76 = arith.constant 0 : i32
      %dma_start3A_77 = arith.constant 0 : i32
      %dma_start3A_78 = tpu.memref_slice %arg10[%dma_start3A_76, %dma_start3A_77] : memref<10112x128xf32, #tpu.memory_space<vmem_shared>> -> memref<10112x128xf32, #tpu.memory_space<vmem_shared>>
      tpu.enqueue_indirect_dma source(%dma_start3A_72 : memref<64x128xf32, #tpu.memory_space<vmem>>) target(%dma_start3A_78 : memref<10112x128xf32, #tpu.memory_space<vmem_shared>>) offsets(%dma_start3A_75 : memref<64xi32, #tpu.memory_space<vmem>>) semaphore(%arg14 : memref<!tpu.dma_semaphore, #tpu.memory_space<semaphore_mem>>) {add = true}
      %dma_wait3A_79 = arith.constant 0 : i32
      %dma_wait3A_80 = arith.constant 0 : i32
      %dma_wait3A_81 = tpu.memref_slice %arg9[%dma_wait3A_79, %dma_wait3A_80] : memref<128x128xf32, #tpu.memory_space<vmem>> -> memref<64x128xf32, #tpu.memory_space<vmem>>
      %dma_wait3A_82 = arith.constant 0 : i32
      %dma_wait3A_83 = tpu.memref_slice %arg8[%add3A_22, %dma_wait3A_82] : memref<80x64xi32, #tpu.memory_space<vmem>> -> memref<1x64xi32, #tpu.memory_space<vmem>>
      %dma_wait3A_84 = tpu.memref_squeeze %dma_wait3A_83 : memref<1x64xi32, #tpu.memory_space<vmem>> -> memref<64xi32, #tpu.memory_space<vmem>>
      %dma_wait3A_85 = arith.constant 0 : i32
      %dma_wait3A_86 = arith.constant 0 : i32
      %dma_wait3A_87 = tpu.memref_slice %arg10[%dma_wait3A_85, %dma_wait3A_86] : memref<10112x128xf32, #tpu.memory_space<vmem_shared>> -> memref<10112x128xf32, #tpu.memory_space<vmem_shared>>
      tpu.wait_indirect_dma semaphore(%arg13 : memref<!tpu.dma_semaphore, #tpu.memory_space<semaphore_mem>>) src(%dma_wait3A_81 : memref<64x128xf32, #tpu.memory_space<vmem>>) dst(%dma_wait3A_87 : memref<10112x128xf32, #tpu.memory_space<vmem_shared>>)
      %dma_wait3A_88 = arith.constant 64 : i32
      %dma_wait3A_89 = arith.constant 0 : i32
      %dma_wait3A_90 = tpu.memref_slice %arg9[%dma_wait3A_88, %dma_wait3A_89] : memref<128x128xf32, #tpu.memory_space<vmem>> -> memref<64x128xf32, #tpu.memory_space<vmem>>
      %dma_wait3A_91 = arith.constant 0 : i32
      %dma_wait3A_92 = tpu.memref_slice %arg8[%add3A_26, %dma_wait3A_91] : memref<80x64xi32, #tpu.memory_space<vmem>> -> memref<1x64xi32, #tpu.memory_space<vmem>>
      %dma_wait3A_93 = tpu.memref_squeeze %dma_wait3A_92 : memref<1x64xi32, #tpu.memory_space<vmem>> -> memref<64xi32, #tpu.memory_space<vmem>>
      %dma_wait3A_94 = arith.constant 0 : i32
      %dma_wait3A_95 = arith.constant 0 : i32
      %dma_wait3A_96 = tpu.memref_slice %arg10[%dma_wait3A_94, %dma_wait3A_95] : memref<10112x128xf32, #tpu.memory_space<vmem_shared>> -> memref<10112x128xf32, #tpu.memory_space<vmem_shared>>
      tpu.wait_indirect_dma semaphore(%arg14 : memref<!tpu.dma_semaphore, #tpu.memory_space<semaphore_mem>>) src(%dma_wait3A_90 : memref<64x128xf32, #tpu.memory_space<vmem>>) dst(%dma_wait3A_96 : memref<10112x128xf32, #tpu.memory_space<vmem_shared>>)
    }
    %scan3A_7 = arith.constant 40 : i32
    "tpu.region"() ({
      %run_scoped3A = tpu.sem_alloc : memref<!tpu.dma_semaphore, #tpu.memory_space<semaphore_mem>>
      %dma_start3A = arith.constant 80 : i32
      %dma_start3A_18 = arith.constant 0 : i32
      %dma_start3A_19 = tpu.memref_slice %arg3[%add3A, %dma_start3A, %dma_start3A_18] : memref<32x160x64xi32, #tpu.memory_space<hbm>> -> memref<1x80x64xi32, #tpu.memory_space<hbm>>
      %dma_start3A_20 = tpu.memref_squeeze %dma_start3A_19 : memref<1x80x64xi32, #tpu.memory_space<hbm>> -> memref<80x64xi32, #tpu.memory_space<hbm>>
      %dma_start3A_21 = arith.constant 80 : i32
      %dma_start3A_22 = arith.constant 0 : i32
      %dma_start3A_23 = tpu.memref_slice %arg3[%add3A, %dma_start3A_21, %dma_start3A_22] : memref<32x160x64xi32, #tpu.memory_space<hbm>> -> memref<1x80x64xi32, #tpu.memory_space<hbm>>
      %dma_start3A_24 = tpu.memref_squeeze %dma_start3A_23 : memref<1x80x64xi32, #tpu.memory_space<hbm>> -> memref<80x64xi32, #tpu.memory_space<hbm>>
      tpu.enqueue_dma source(%dma_start3A_24 : memref<80x64xi32, #tpu.memory_space<hbm>>) target(%arg7 : memref<80x64xi32, #tpu.memory_space<vmem>>) target_semaphore(%run_scoped3A : memref<!tpu.dma_semaphore, #tpu.memory_space<semaphore_mem>>)
      %dma_wait3A = arith.constant 80 : i32
      %dma_wait3A_25 = arith.constant 0 : i32
      %dma_wait3A_26 = tpu.memref_slice %arg3[%add3A, %dma_wait3A, %dma_wait3A_25] : memref<32x160x64xi32, #tpu.memory_space<hbm>> -> memref<1x80x64xi32, #tpu.memory_space<hbm>>
      %dma_wait3A_27 = tpu.memref_squeeze %dma_wait3A_26 : memref<1x80x64xi32, #tpu.memory_space<hbm>> -> memref<80x64xi32, #tpu.memory_space<hbm>>
      %dma_wait3A_28 = arith.constant 80 : i32
      %dma_wait3A_29 = arith.constant 0 : i32
      %dma_wait3A_30 = tpu.memref_slice %arg3[%add3A, %dma_wait3A_28, %dma_wait3A_29] : memref<32x160x64xi32, #tpu.memory_space<hbm>> -> memref<1x80x64xi32, #tpu.memory_space<hbm>>
      %dma_wait3A_31 = tpu.memref_squeeze %dma_wait3A_30 : memref<1x80x64xi32, #tpu.memory_space<hbm>> -> memref<80x64xi32, #tpu.memory_space<hbm>>
      tpu.wait_dma2 semaphore(%run_scoped3A : memref<!tpu.dma_semaphore, #tpu.memory_space<semaphore_mem>>) src(%dma_wait3A_31 : memref<80x64xi32, #tpu.memory_space<hbm>>) dst(%arg7 : memref<80x64xi32, #tpu.memory_space<vmem>>)
      tpu.yield
    }) : () -> ()
    "tpu.region"() ({
      %run_scoped3A = tpu.sem_alloc : memref<!tpu.dma_semaphore, #tpu.memory_space<semaphore_mem>>
      %dma_start3A = arith.constant 80 : i32
      %dma_start3A_18 = arith.constant 0 : i32
      %dma_start3A_19 = tpu.memref_slice %arg4[%add3A, %dma_start3A, %dma_start3A_18] : memref<32x160x64xi32, #tpu.memory_space<hbm>> -> memref<1x80x64xi32, #tpu.memory_space<hbm>>
      %dma_start3A_20 = tpu.memref_squeeze %dma_start3A_19 : memref<1x80x64xi32, #tpu.memory_space<hbm>> -> memref<80x64xi32, #tpu.memory_space<hbm>>
      %dma_start3A_21 = arith.constant 80 : i32
      %dma_start3A_22 = arith.constant 0 : i32
      %dma_start3A_23 = tpu.memref_slice %arg4[%add3A, %dma_start3A_21, %dma_start3A_22] : memref<32x160x64xi32, #tpu.memory_space<hbm>> -> memref<1x80x64xi32, #tpu.memory_space<hbm>>
      %dma_start3A_24 = tpu.memref_squeeze %dma_start3A_23 : memref<1x80x64xi32, #tpu.memory_space<hbm>> -> memref<80x64xi32, #tpu.memory_space<hbm>>
      tpu.enqueue_dma source(%dma_start3A_24 : memref<80x64xi32, #tpu.memory_space<hbm>>) target(%arg8 : memref<80x64xi32, #tpu.memory_space<vmem>>) target_semaphore(%run_scoped3A : memref<!tpu.dma_semaphore, #tpu.memory_space<semaphore_mem>>)
      %dma_wait3A = arith.constant 80 : i32
      %dma_wait3A_25 = arith.constant 0 : i32
      %dma_wait3A_26 = tpu.memref_slice %arg4[%add3A, %dma_wait3A, %dma_wait3A_25] : memref<32x160x64xi32, #tpu.memory_space<hbm>> -> memref<1x80x64xi32, #tpu.memory_space<hbm>>
      %dma_wait3A_27 = tpu.memref_squeeze %dma_wait3A_26 : memref<1x80x64xi32, #tpu.memory_space<hbm>> -> memref<80x64xi32, #tpu.memory_space<hbm>>
      %dma_wait3A_28 = arith.constant 80 : i32
      %dma_wait3A_29 = arith.constant 0 : i32
      %dma_wait3A_30 = tpu.memref_slice %arg4[%add3A, %dma_wait3A_28, %dma_wait3A_29] : memref<32x160x64xi32, #tpu.memory_space<hbm>> -> memref<1x80x64xi32, #tpu.memory_space<hbm>>
      %dma_wait3A_31 = tpu.memref_squeeze %dma_wait3A_30 : memref<1x80x64xi32, #tpu.memory_space<hbm>> -> memref<80x64xi32, #tpu.memory_space<hbm>>
      tpu.wait_dma2 semaphore(%run_scoped3A : memref<!tpu.dma_semaphore, #tpu.memory_space<semaphore_mem>>) src(%dma_wait3A_31 : memref<80x64xi32, #tpu.memory_space<hbm>>) dst(%arg8 : memref<80x64xi32, #tpu.memory_space<vmem>>)
      tpu.yield
    }) : () -> ()
    %scan3A_8 = arith.constant 0 : i32
    %scan3A_9 = arith.constant 0 : i32
    %scan3A_10 = arith.constant 40 : i32
    %scan3A_11 = arith.addi %scan3A_9, %scan3A_10 : i32
    %scan3A_12 = arith.constant 1 : i32
    scf.for %scan3A_18 = %scan3A_9 to %scan3A_11 step %scan3A_12  : i32 {
      %mul3A_19 = arith.constant 2 : i32
      %mul3A_20 = arith.muli %mul3A_19, %scan3A_18 : i32
      %add3A_21 = arith.constant 0 : i32
      %add3A_22 = arith.addi %mul3A_20, %add3A_21 : i32
      %mul3A_23 = arith.constant 2 : i32
      %mul3A_24 = arith.muli %mul3A_23, %scan3A_18 : i32
      %add3A_25 = arith.constant 1 : i32
      %add3A_26 = arith.addi %mul3A_24, %add3A_25 : i32
      %dma_start3A = arith.constant 0 : i32
      %dma_start3A_27 = arith.constant 0 : i32
      %dma_start3A_28 = tpu.memref_slice %arg9[%dma_start3A, %dma_start3A_27] : memref<128x128xf32, #tpu.memory_space<vmem>> -> memref<64x128xf32, #tpu.memory_space<vmem>>
      %dma_start3A_29 = arith.constant 0 : i32
      %dma_start3A_30 = tpu.memref_slice %arg7[%add3A_22, %dma_start3A_29] : memref<80x64xi32, #tpu.memory_space<vmem>> -> memref<1x64xi32, #tpu.memory_space<vmem>>
      %dma_start3A_31 = tpu.memref_squeeze %dma_start3A_30 : memref<1x64xi32, #tpu.memory_space<vmem>> -> memref<64xi32, #tpu.memory_space<vmem>>
      %dma_start3A_32 = arith.constant 0 : i32
      %dma_start3A_33 = arith.constant 0 : i32
      %dma_start3A_34 = tpu.memref_slice %arg2[%dma_start3A_32, %dma_start3A_33] : memref<10112x128xf32, #tpu.memory_space<hbm>> -> memref<10112x128xf32, #tpu.memory_space<hbm>>
      tpu.enqueue_indirect_dma source(%dma_start3A_34 : memref<10112x128xf32, #tpu.memory_space<hbm>>) target(%dma_start3A_28 : memref<64x128xf32, #tpu.memory_space<vmem>>) offsets(%dma_start3A_31 : memref<64xi32, #tpu.memory_space<vmem>>) semaphore(%arg11 : memref<!tpu.dma_semaphore, #tpu.memory_space<semaphore_mem>>)
      %dma_start3A_35 = arith.constant 64 : i32
      %dma_start3A_36 = arith.constant 0 : i32
      %dma_start3A_37 = tpu.memref_slice %arg9[%dma_start3A_35, %dma_start3A_36] : memref<128x128xf32, #tpu.memory_space<vmem>> -> memref<64x128xf32, #tpu.memory_space<vmem>>
      %dma_start3A_38 = arith.constant 0 : i32
      %dma_start3A_39 = tpu.memref_slice %arg7[%add3A_26, %dma_start3A_38] : memref<80x64xi32, #tpu.memory_space<vmem>> -> memref<1x64xi32, #tpu.memory_space<vmem>>
      %dma_start3A_40 = tpu.memref_squeeze %dma_start3A_39 : memref<1x64xi32, #tpu.memory_space<vmem>> -> memref<64xi32, #tpu.memory_space<vmem>>
      %dma_start3A_41 = arith.constant 0 : i32
      %dma_start3A_42 = arith.constant 0 : i32
      %dma_start3A_43 = tpu.memref_slice %arg2[%dma_start3A_41, %dma_start3A_42] : memref<10112x128xf32, #tpu.memory_space<hbm>> -> memref<10112x128xf32, #tpu.memory_space<hbm>>
      tpu.enqueue_indirect_dma source(%dma_start3A_43 : memref<10112x128xf32, #tpu.memory_space<hbm>>) target(%dma_start3A_37 : memref<64x128xf32, #tpu.memory_space<vmem>>) offsets(%dma_start3A_40 : memref<64xi32, #tpu.memory_space<vmem>>) semaphore(%arg12 : memref<!tpu.dma_semaphore, #tpu.memory_space<semaphore_mem>>)
      %dma_wait3A = arith.constant 0 : i32
      %dma_wait3A_44 = arith.constant 0 : i32
      %dma_wait3A_45 = tpu.memref_slice %arg9[%dma_wait3A, %dma_wait3A_44] : memref<128x128xf32, #tpu.memory_space<vmem>> -> memref<64x128xf32, #tpu.memory_space<vmem>>
      %dma_wait3A_46 = arith.constant 0 : i32
      %dma_wait3A_47 = tpu.memref_slice %arg7[%add3A_22, %dma_wait3A_46] : memref<80x64xi32, #tpu.memory_space<vmem>> -> memref<1x64xi32, #tpu.memory_space<vmem>>
      %dma_wait3A_48 = tpu.memref_squeeze %dma_wait3A_47 : memref<1x64xi32, #tpu.memory_space<vmem>> -> memref<64xi32, #tpu.memory_space<vmem>>
      %dma_wait3A_49 = arith.constant 0 : i32
      %dma_wait3A_50 = arith.constant 0 : i32
      %dma_wait3A_51 = tpu.memref_slice %arg2[%dma_wait3A_49, %dma_wait3A_50] : memref<10112x128xf32, #tpu.memory_space<hbm>> -> memref<10112x128xf32, #tpu.memory_space<hbm>>
      tpu.wait_indirect_dma semaphore(%arg11 : memref<!tpu.dma_semaphore, #tpu.memory_space<semaphore_mem>>) src(%dma_wait3A_51 : memref<10112x128xf32, #tpu.memory_space<hbm>>) dst(%dma_wait3A_45 : memref<64x128xf32, #tpu.memory_space<vmem>>)
      %dma_start3A_52 = arith.constant 0 : i32
      %dma_start3A_53 = arith.constant 0 : i32
      %dma_start3A_54 = tpu.memref_slice %arg9[%dma_start3A_52, %dma_start3A_53] : memref<128x128xf32, #tpu.memory_space<vmem>> -> memref<64x128xf32, #tpu.memory_space<vmem>>
      %dma_start3A_55 = arith.constant 0 : i32
      %dma_start3A_56 = tpu.memref_slice %arg8[%add3A_22, %dma_start3A_55] : memref<80x64xi32, #tpu.memory_space<vmem>> -> memref<1x64xi32, #tpu.memory_space<vmem>>
      %dma_start3A_57 = tpu.memref_squeeze %dma_start3A_56 : memref<1x64xi32, #tpu.memory_space<vmem>> -> memref<64xi32, #tpu.memory_space<vmem>>
      %dma_start3A_58 = arith.constant 0 : i32
      %dma_start3A_59 = arith.constant 0 : i32
      %dma_start3A_60 = tpu.memref_slice %arg10[%dma_start3A_58, %dma_start3A_59] : memref<10112x128xf32, #tpu.memory_space<vmem_shared>> -> memref<10112x128xf32, #tpu.memory_space<vmem_shared>>
      tpu.enqueue_indirect_dma source(%dma_start3A_54 : memref<64x128xf32, #tpu.memory_space<vmem>>) target(%dma_start3A_60 : memref<10112x128xf32, #tpu.memory_space<vmem_shared>>) offsets(%dma_start3A_57 : memref<64xi32, #tpu.memory_space<vmem>>) semaphore(%arg13 : memref<!tpu.dma_semaphore, #tpu.memory_space<semaphore_mem>>) {add = true}
      %dma_wait3A_61 = arith.constant 64 : i32
      %dma_wait3A_62 = arith.constant 0 : i32
      %dma_wait3A_63 = tpu.memref_slice %arg9[%dma_wait3A_61, %dma_wait3A_62] : memref<128x128xf32, #tpu.memory_space<vmem>> -> memref<64x128xf32, #tpu.memory_space<vmem>>
      %dma_wait3A_64 = arith.constant 0 : i32
      %dma_wait3A_65 = tpu.memref_slice %arg7[%add3A_26, %dma_wait3A_64] : memref<80x64xi32, #tpu.memory_space<vmem>> -> memref<1x64xi32, #tpu.memory_space<vmem>>
      %dma_wait3A_66 = tpu.memref_squeeze %dma_wait3A_65 : memref<1x64xi32, #tpu.memory_space<vmem>> -> memref<64xi32, #tpu.memory_space<vmem>>
      %dma_wait3A_67 = arith.constant 0 : i32
      %dma_wait3A_68 = arith.constant 0 : i32
      %dma_wait3A_69 = tpu.memref_slice %arg2[%dma_wait3A_67, %dma_wait3A_68] : memref<10112x128xf32, #tpu.memory_space<hbm>> -> memref<10112x128xf32, #tpu.memory_space<hbm>>
      tpu.wait_indirect_dma semaphore(%arg12 : memref<!tpu.dma_semaphore, #tpu.memory_space<semaphore_mem>>) src(%dma_wait3A_69 : memref<10112x128xf32, #tpu.memory_space<hbm>>) dst(%dma_wait3A_63 : memref<64x128xf32, #tpu.memory_space<vmem>>)
      %dma_start3A_70 = arith.constant 64 : i32
      %dma_start3A_71 = arith.constant 0 : i32
      %dma_start3A_72 = tpu.memref_slice %arg9[%dma_start3A_70, %dma_start3A_71] : memref<128x128xf32, #tpu.memory_space<vmem>> -> memref<64x128xf32, #tpu.memory_space<vmem>>
      %dma_start3A_73 = arith.constant 0 : i32
      %dma_start3A_74 = tpu.memref_slice %arg8[%add3A_26, %dma_start3A_73] : memref<80x64xi32, #tpu.memory_space<vmem>> -> memref<1x64xi32, #tpu.memory_space<vmem>>
      %dma_start3A_75 = tpu.memref_squeeze %dma_start3A_74 : memref<1x64xi32, #tpu.memory_space<vmem>> -> memref<64xi32, #tpu.memory_space<vmem>>
      %dma_start3A_76 = arith.constant 0 : i32
      %dma_start3A_77 = arith.constant 0 : i32
      %dma_start3A_78 = tpu.memref_slice %arg10[%dma_start3A_76, %dma_start3A_77] : memref<10112x128xf32, #tpu.memory_space<vmem_shared>> -> memref<10112x128xf32, #tpu.memory_space<vmem_shared>>
      tpu.enqueue_indirect_dma source(%dma_start3A_72 : memref<64x128xf32, #tpu.memory_space<vmem>>) target(%dma_start3A_78 : memref<10112x128xf32, #tpu.memory_space<vmem_shared>>) offsets(%dma_start3A_75 : memref<64xi32, #tpu.memory_space<vmem>>) semaphore(%arg14 : memref<!tpu.dma_semaphore, #tpu.memory_space<semaphore_mem>>) {add = true}
      %dma_wait3A_79 = arith.constant 0 : i32
      %dma_wait3A_80 = arith.constant 0 : i32
      %dma_wait3A_81 = tpu.memref_slice %arg9[%dma_wait3A_79, %dma_wait3A_80] : memref<128x128xf32, #tpu.memory_space<vmem>> -> memref<64x128xf32, #tpu.memory_space<vmem>>
      %dma_wait3A_82 = arith.constant 0 : i32
      %dma_wait3A_83 = tpu.memref_slice %arg8[%add3A_22, %dma_wait3A_82] : memref<80x64xi32, #tpu.memory_space<vmem>> -> memref<1x64xi32, #tpu.memory_space<vmem>>
      %dma_wait3A_84 = tpu.memref_squeeze %dma_wait3A_83 : memref<1x64xi32, #tpu.memory_space<vmem>> -> memref<64xi32, #tpu.memory_space<vmem>>
      %dma_wait3A_85 = arith.constant 0 : i32
      %dma_wait3A_86 = arith.constant 0 : i32
      %dma_wait3A_87 = tpu.memref_slice %arg10[%dma_wait3A_85, %dma_wait3A_86] : memref<10112x128xf32, #tpu.memory_space<vmem_shared>> -> memref<10112x128xf32, #tpu.memory_space<vmem_shared>>
      tpu.wait_indirect_dma semaphore(%arg13 : memref<!tpu.dma_semaphore, #tpu.memory_space<semaphore_mem>>) src(%dma_wait3A_81 : memref<64x128xf32, #tpu.memory_space<vmem>>) dst(%dma_wait3A_87 : memref<10112x128xf32, #tpu.memory_space<vmem_shared>>)
      %dma_wait3A_88 = arith.constant 64 : i32
      %dma_wait3A_89 = arith.constant 0 : i32
      %dma_wait3A_90 = tpu.memref_slice %arg9[%dma_wait3A_88, %dma_wait3A_89] : memref<128x128xf32, #tpu.memory_space<vmem>> -> memref<64x128xf32, #tpu.memory_space<vmem>>
      %dma_wait3A_91 = arith.constant 0 : i32
      %dma_wait3A_92 = tpu.memref_slice %arg8[%add3A_26, %dma_wait3A_91] : memref<80x64xi32, #tpu.memory_space<vmem>> -> memref<1x64xi32, #tpu.memory_space<vmem>>
      %dma_wait3A_93 = tpu.memref_squeeze %dma_wait3A_92 : memref<1x64xi32, #tpu.memory_space<vmem>> -> memref<64xi32, #tpu.memory_space<vmem>>
      %dma_wait3A_94 = arith.constant 0 : i32
      %dma_wait3A_95 = arith.constant 0 : i32
      %dma_wait3A_96 = tpu.memref_slice %arg10[%dma_wait3A_94, %dma_wait3A_95] : memref<10112x128xf32, #tpu.memory_space<vmem_shared>> -> memref<10112x128xf32, #tpu.memory_space<vmem_shared>>
      tpu.wait_indirect_dma semaphore(%arg14 : memref<!tpu.dma_semaphore, #tpu.memory_space<semaphore_mem>>) src(%dma_wait3A_90 : memref<64x128xf32, #tpu.memory_space<vmem>>) dst(%dma_wait3A_96 : memref<10112x128xf32, #tpu.memory_space<vmem_shared>>)
    }
    %scan3A_13 = arith.constant 40 : i32
    %barrier3A_14 = arith.constant 0 : index
    tpu.barrier barrier_id(%barrier3A_14)
    %mul3A_15 = arith.constant 10112 : i32
    %mul3A_16 = arith.muli %arg0, %mul3A_15 : i32
    %add3A_17 = arith.addi %mul3A_16, %mul3A_2 : i32
    "tpu.region"() ({
      %run_scoped3A = tpu.sem_alloc : memref<!tpu.dma_semaphore, #tpu.memory_space<semaphore_mem>>
      %dma_start3A = arith.constant 0 : i32
      %dma_start3A_18 = tpu.memref_slice %arg6[%add3A_17, %dma_start3A] : memref<20224x128xf32, #tpu.memory_space<hbm>> -> memref<632x128xf32, #tpu.memory_space<hbm>>
      %dma_start3A_19 = arith.constant 0 : i32
      %dma_start3A_20 = tpu.memref_slice %arg10[%mul3A_2, %dma_start3A_19] : memref<10112x128xf32, #tpu.memory_space<vmem_shared>> -> memref<632x128xf32, #tpu.memory_space<vmem_shared>>
      tpu.enqueue_dma source(%dma_start3A_20 : memref<632x128xf32, #tpu.memory_space<vmem_shared>>) target(%dma_start3A_18 : memref<632x128xf32, #tpu.memory_space<hbm>>) target_semaphore(%run_scoped3A : memref<!tpu.dma_semaphore, #tpu.memory_space<semaphore_mem>>)
      %dma_wait3A = arith.constant 0 : i32
      %dma_wait3A_21 = tpu.memref_slice %arg6[%add3A_17, %dma_wait3A] : memref<20224x128xf32, #tpu.memory_space<hbm>> -> memref<632x128xf32, #tpu.memory_space<hbm>>
      %dma_wait3A_22 = arith.constant 0 : i32
      %dma_wait3A_23 = tpu.memref_slice %arg10[%mul3A_2, %dma_wait3A_22] : memref<10112x128xf32, #tpu.memory_space<vmem_shared>> -> memref<632x128xf32, #tpu.memory_space<vmem_shared>>
      tpu.wait_dma2 semaphore(%run_scoped3A : memref<!tpu.dma_semaphore, #tpu.memory_space<semaphore_mem>>) src(%dma_wait3A_23 : memref<632x128xf32, #tpu.memory_space<vmem_shared>>) dst(%dma_wait3A_21 : memref<632x128xf32, #tpu.memory_space<hbm>>)
      tpu.yield
    }) : () -> ()
    return
  }
}

#map = affine_map<(d0, d1) -> (0, 0)>
#map1 = affine_map<(d0, d1) -> (0, 0, 0)>
module attributes {stable_mosaic.version = 14 : i64} {
  func.func @mp(%arg0: i32, %arg1: i32, %arg2: memref<10112x128xf32, #tpu.memory_space<hbm>>, %arg3: memref<32x160x64xi32, #tpu.memory_space<hbm>>, %arg4: memref<32x160x64xi32, #tpu.memory_space<hbm>>, %arg5: memref<632x128xf32, #tpu.memory_space<hbm>>, %arg6: memref<20224x128xf32, #tpu.memory_space<hbm>>, %arg7: memref<80x64xi32, #tpu.memory_space<vmem>>, %arg8: memref<80x64xi32, #tpu.memory_space<vmem>>, %arg9: memref<128x128xf32, #tpu.memory_space<vmem>>, %arg10: memref<10112x128xf32, #tpu.memory_space<vmem_shared>>, %arg11: memref<!tpu.dma_semaphore, #tpu.memory_space<semaphore_mem>>, %arg12: memref<!tpu.dma_semaphore, #tpu.memory_space<semaphore_mem>>, %arg13: memref<!tpu.dma_semaphore, #tpu.memory_space<semaphore_mem>>, %arg14: memref<!tpu.dma_semaphore, #tpu.memory_space<semaphore_mem>>) attributes {dimension_semantics = [#tpu.dimension_semantics<core_parallel>, #tpu.dimension_semantics<subcore_parallel>], iteration_bounds = array<i64: 2, 16>, scalar_prefetch = 0 : i64, scratch_operands = 8 : i64, tpu.core_type = #tpu.core_type<sc_vector_subcore>, window_params = [{transform_indices = #map}, {transform_indices = #map1}, {transform_indices = #map1}, {transform_indices = #map}, {transform_indices = #map}]} {
    %mul3A = arith.constant 16 : i32
    %mul3A_0 = arith.muli %arg0, %mul3A : i32
    %add3A = arith.addi %mul3A_0, %arg1 : i32
    %mul3A_1 = arith.constant 632 : i32
    %mul3A_2 = arith.muli %arg1, %mul3A_1 : i32
    "tpu.region"() ({
      %run_scoped3A = tpu.sem_alloc : memref<!tpu.dma_semaphore, #tpu.memory_space<semaphore_mem>>
      %dma_start3A = arith.constant 0 : i32
      %dma_start3A_18 = tpu.memref_slice %arg10[%mul3A_2, %dma_start3A] : memref<10112x128xf32, #tpu.memory_space<vmem_shared>> -> memref<632x128xf32, #tpu.memory_space<vmem_shared>>
      tpu.enqueue_dma source(%arg5 : memref<632x128xf32, #tpu.memory_space<hbm>>) target(%dma_start3A_18 : memref<632x128xf32, #tpu.memory_space<vmem_shared>>) target_semaphore(%run_scoped3A : memref<!tpu.dma_semaphore, #tpu.memory_space<semaphore_mem>>)
      %dma_wait3A = arith.constant 0 : i32
      %dma_wait3A_19 = tpu.memref_slice %arg10[%mul3A_2, %dma_wait3A] : memref<10112x128xf32, #tpu.memory_space<vmem_shared>> -> memref<632x128xf32, #tpu.memory_space<vmem_shared>>
      tpu.wait_dma2 semaphore(%run_scoped3A : memref<!tpu.dma_semaphore, #tpu.memory_space<semaphore_mem>>) src(%arg5 : memref<632x128xf32, #tpu.memory_space<hbm>>) dst(%dma_wait3A_19 : memref<632x128xf32, #tpu.memory_space<vmem_shared>>)
      tpu.yield
    }) : () -> ()
    %barrier3A = arith.constant 0 : index
    tpu.barrier barrier_id(%barrier3A)
    "tpu.region"() ({
      %run_scoped3A = tpu.sem_alloc : memref<!tpu.dma_semaphore, #tpu.memory_space<semaphore_mem>>
      %dma_start3A = arith.constant 0 : i32
      %dma_start3A_18 = arith.constant 0 : i32
      %dma_start3A_19 = tpu.memref_slice %arg3[%add3A, %dma_start3A, %dma_start3A_18] : memref<32x160x64xi32, #tpu.memory_space<hbm>> -> memref<1x80x64xi32, #tpu.memory_space<hbm>>
      %dma_start3A_20 = tpu.memref_squeeze %dma_start3A_19 : memref<1x80x64xi32, #tpu.memory_space<hbm>> -> memref<80x64xi32, #tpu.memory_space<hbm>>
      %dma_start3A_21 = arith.constant 0 : i32
      %dma_start3A_22 = arith.constant 0 : i32
      %dma_start3A_23 = tpu.memref_slice %arg3[%add3A, %dma_start3A_21, %dma_start3A_22] : memref<32x160x64xi32, #tpu.memory_space<hbm>> -> memref<1x80x64xi32, #tpu.memory_space<hbm>>
      %dma_start3A_24 = tpu.memref_squeeze %dma_start3A_23 : memref<1x80x64xi32, #tpu.memory_space<hbm>> -> memref<80x64xi32, #tpu.memory_space<hbm>>
      tpu.enqueue_dma source(%dma_start3A_24 : memref<80x64xi32, #tpu.memory_space<hbm>>) target(%arg7 : memref<80x64xi32, #tpu.memory_space<vmem>>) target_semaphore(%run_scoped3A : memref<!tpu.dma_semaphore, #tpu.memory_space<semaphore_mem>>)
      %dma_wait3A = arith.constant 0 : i32
      %dma_wait3A_25 = arith.constant 0 : i32
      %dma_wait3A_26 = tpu.memref_slice %arg3[%add3A, %dma_wait3A, %dma_wait3A_25] : memref<32x160x64xi32, #tpu.memory_space<hbm>> -> memref<1x80x64xi32, #tpu.memory_space<hbm>>
      %dma_wait3A_27 = tpu.memref_squeeze %dma_wait3A_26 : memref<1x80x64xi32, #tpu.memory_space<hbm>> -> memref<80x64xi32, #tpu.memory_space<hbm>>
      %dma_wait3A_28 = arith.constant 0 : i32
      %dma_wait3A_29 = arith.constant 0 : i32
      %dma_wait3A_30 = tpu.memref_slice %arg3[%add3A, %dma_wait3A_28, %dma_wait3A_29] : memref<32x160x64xi32, #tpu.memory_space<hbm>> -> memref<1x80x64xi32, #tpu.memory_space<hbm>>
      %dma_wait3A_31 = tpu.memref_squeeze %dma_wait3A_30 : memref<1x80x64xi32, #tpu.memory_space<hbm>> -> memref<80x64xi32, #tpu.memory_space<hbm>>
      tpu.wait_dma2 semaphore(%run_scoped3A : memref<!tpu.dma_semaphore, #tpu.memory_space<semaphore_mem>>) src(%dma_wait3A_31 : memref<80x64xi32, #tpu.memory_space<hbm>>) dst(%arg7 : memref<80x64xi32, #tpu.memory_space<vmem>>)
      tpu.yield
    }) : () -> ()
    "tpu.region"() ({
      %run_scoped3A = tpu.sem_alloc : memref<!tpu.dma_semaphore, #tpu.memory_space<semaphore_mem>>
      %dma_start3A = arith.constant 0 : i32
      %dma_start3A_18 = arith.constant 0 : i32
      %dma_start3A_19 = tpu.memref_slice %arg4[%add3A, %dma_start3A, %dma_start3A_18] : memref<32x160x64xi32, #tpu.memory_space<hbm>> -> memref<1x80x64xi32, #tpu.memory_space<hbm>>
      %dma_start3A_20 = tpu.memref_squeeze %dma_start3A_19 : memref<1x80x64xi32, #tpu.memory_space<hbm>> -> memref<80x64xi32, #tpu.memory_space<hbm>>
      %dma_start3A_21 = arith.constant 0 : i32
      %dma_start3A_22 = arith.constant 0 : i32
      %dma_start3A_23 = tpu.memref_slice %arg4[%add3A, %dma_start3A_21, %dma_start3A_22] : memref<32x160x64xi32, #tpu.memory_space<hbm>> -> memref<1x80x64xi32, #tpu.memory_space<hbm>>
      %dma_start3A_24 = tpu.memref_squeeze %dma_start3A_23 : memref<1x80x64xi32, #tpu.memory_space<hbm>> -> memref<80x64xi32, #tpu.memory_space<hbm>>
      tpu.enqueue_dma source(%dma_start3A_24 : memref<80x64xi32, #tpu.memory_space<hbm>>) target(%arg8 : memref<80x64xi32, #tpu.memory_space<vmem>>) target_semaphore(%run_scoped3A : memref<!tpu.dma_semaphore, #tpu.memory_space<semaphore_mem>>)
      %dma_wait3A = arith.constant 0 : i32
      %dma_wait3A_25 = arith.constant 0 : i32
      %dma_wait3A_26 = tpu.memref_slice %arg4[%add3A, %dma_wait3A, %dma_wait3A_25] : memref<32x160x64xi32, #tpu.memory_space<hbm>> -> memref<1x80x64xi32, #tpu.memory_space<hbm>>
      %dma_wait3A_27 = tpu.memref_squeeze %dma_wait3A_26 : memref<1x80x64xi32, #tpu.memory_space<hbm>> -> memref<80x64xi32, #tpu.memory_space<hbm>>
      %dma_wait3A_28 = arith.constant 0 : i32
      %dma_wait3A_29 = arith.constant 0 : i32
      %dma_wait3A_30 = tpu.memref_slice %arg4[%add3A, %dma_wait3A_28, %dma_wait3A_29] : memref<32x160x64xi32, #tpu.memory_space<hbm>> -> memref<1x80x64xi32, #tpu.memory_space<hbm>>
      %dma_wait3A_31 = tpu.memref_squeeze %dma_wait3A_30 : memref<1x80x64xi32, #tpu.memory_space<hbm>> -> memref<80x64xi32, #tpu.memory_space<hbm>>
      tpu.wait_dma2 semaphore(%run_scoped3A : memref<!tpu.dma_semaphore, #tpu.memory_space<semaphore_mem>>) src(%dma_wait3A_31 : memref<80x64xi32, #tpu.memory_space<hbm>>) dst(%arg8 : memref<80x64xi32, #tpu.memory_space<vmem>>)
      tpu.yield
    }) : () -> ()
    %scan3A = arith.constant 0 : i32
    %scan3A_3 = arith.constant 0 : i32
    %scan3A_4 = arith.constant 40 : i32
    %scan3A_5 = arith.addi %scan3A_3, %scan3A_4 : i32
    %scan3A_6 = arith.constant 1 : i32
    scf.for %scan3A_18 = %scan3A_3 to %scan3A_5 step %scan3A_6  : i32 {
      %mul3A_19 = arith.constant 2 : i32
      %mul3A_20 = arith.muli %mul3A_19, %scan3A_18 : i32
      %add3A_21 = arith.constant 0 : i32
      %add3A_22 = arith.addi %mul3A_20, %add3A_21 : i32
      %mul3A_23 = arith.constant 2 : i32
      %mul3A_24 = arith.muli %mul3A_23, %scan3A_18 : i32
      %add3A_25 = arith.constant 1 : i32
      %add3A_26 = arith.addi %mul3A_24, %add3A_25 : i32
      %dma_start3A = arith.constant 0 : i32
      %dma_start3A_27 = arith.constant 0 : i32
      %dma_start3A_28 = tpu.memref_slice %arg9[%dma_start3A, %dma_start3A_27] : memref<128x128xf32, #tpu.memory_space<vmem>> -> memref<64x128xf32, #tpu.memory_space<vmem>>
      %dma_start3A_29 = arith.constant 0 : i32
      %dma_start3A_30 = tpu.memref_slice %arg7[%add3A_22, %dma_start3A_29] : memref<80x64xi32, #tpu.memory_space<vmem>> -> memref<1x64xi32, #tpu.memory_space<vmem>>
      %dma_start3A_31 = tpu.memref_squeeze %dma_start3A_30 : memref<1x64xi32, #tpu.memory_space<vmem>> -> memref<64xi32, #tpu.memory_space<vmem>>
      %dma_start3A_32 = arith.constant 0 : i32
      %dma_start3A_33 = arith.constant 0 : i32
      %dma_start3A_34 = tpu.memref_slice %arg2[%dma_start3A_32, %dma_start3A_33] : memref<10112x128xf32, #tpu.memory_space<hbm>> -> memref<10112x128xf32, #tpu.memory_space<hbm>>
      tpu.enqueue_indirect_dma source(%dma_start3A_34 : memref<10112x128xf32, #tpu.memory_space<hbm>>) target(%dma_start3A_28 : memref<64x128xf32, #tpu.memory_space<vmem>>) offsets(%dma_start3A_31 : memref<64xi32, #tpu.memory_space<vmem>>) semaphore(%arg11 : memref<!tpu.dma_semaphore, #tpu.memory_space<semaphore_mem>>)
      %dma_start3A_35 = arith.constant 64 : i32
      %dma_start3A_36 = arith.constant 0 : i32
      %dma_start3A_37 = tpu.memref_slice %arg9[%dma_start3A_35, %dma_start3A_36] : memref<128x128xf32, #tpu.memory_space<vmem>> -> memref<64x128xf32, #tpu.memory_space<vmem>>
      %dma_start3A_38 = arith.constant 0 : i32
      %dma_start3A_39 = tpu.memref_slice %arg7[%add3A_26, %dma_start3A_38] : memref<80x64xi32, #tpu.memory_space<vmem>> -> memref<1x64xi32, #tpu.memory_space<vmem>>
      %dma_start3A_40 = tpu.memref_squeeze %dma_start3A_39 : memref<1x64xi32, #tpu.memory_space<vmem>> -> memref<64xi32, #tpu.memory_space<vmem>>
      %dma_start3A_41 = arith.constant 0 : i32
      %dma_start3A_42 = arith.constant 0 : i32
      %dma_start3A_43 = tpu.memref_slice %arg2[%dma_start3A_41, %dma_start3A_42] : memref<10112x128xf32, #tpu.memory_space<hbm>> -> memref<10112x128xf32, #tpu.memory_space<hbm>>
      tpu.enqueue_indirect_dma source(%dma_start3A_43 : memref<10112x128xf32, #tpu.memory_space<hbm>>) target(%dma_start3A_37 : memref<64x128xf32, #tpu.memory_space<vmem>>) offsets(%dma_start3A_40 : memref<64xi32, #tpu.memory_space<vmem>>) semaphore(%arg12 : memref<!tpu.dma_semaphore, #tpu.memory_space<semaphore_mem>>)
      %dma_wait3A = arith.constant 0 : i32
      %dma_wait3A_44 = arith.constant 0 : i32
      %dma_wait3A_45 = tpu.memref_slice %arg9[%dma_wait3A, %dma_wait3A_44] : memref<128x128xf32, #tpu.memory_space<vmem>> -> memref<64x128xf32, #tpu.memory_space<vmem>>
      %dma_wait3A_46 = arith.constant 0 : i32
      %dma_wait3A_47 = tpu.memref_slice %arg7[%add3A_22, %dma_wait3A_46] : memref<80x64xi32, #tpu.memory_space<vmem>> -> memref<1x64xi32, #tpu.memory_space<vmem>>
      %dma_wait3A_48 = tpu.memref_squeeze %dma_wait3A_47 : memref<1x64xi32, #tpu.memory_space<vmem>> -> memref<64xi32, #tpu.memory_space<vmem>>
      %dma_wait3A_49 = arith.constant 0 : i32
      %dma_wait3A_50 = arith.constant 0 : i32
      %dma_wait3A_51 = tpu.memref_slice %arg2[%dma_wait3A_49, %dma_wait3A_50] : memref<10112x128xf32, #tpu.memory_space<hbm>> -> memref<10112x128xf32, #tpu.memory_space<hbm>>
      tpu.wait_indirect_dma semaphore(%arg11 : memref<!tpu.dma_semaphore, #tpu.memory_space<semaphore_mem>>) src(%dma_wait3A_51 : memref<10112x128xf32, #tpu.memory_space<hbm>>) dst(%dma_wait3A_45 : memref<64x128xf32, #tpu.memory_space<vmem>>)
      %dma_start3A_52 = arith.constant 0 : i32
      %dma_start3A_53 = arith.constant 0 : i32
      %dma_start3A_54 = tpu.memref_slice %arg9[%dma_start3A_52, %dma_start3A_53] : memref<128x128xf32, #tpu.memory_space<vmem>> -> memref<64x128xf32, #tpu.memory_space<vmem>>
      %dma_start3A_55 = arith.constant 0 : i32
      %dma_start3A_56 = tpu.memref_slice %arg8[%add3A_22, %dma_start3A_55] : memref<80x64xi32, #tpu.memory_space<vmem>> -> memref<1x64xi32, #tpu.memory_space<vmem>>
      %dma_start3A_57 = tpu.memref_squeeze %dma_start3A_56 : memref<1x64xi32, #tpu.memory_space<vmem>> -> memref<64xi32, #tpu.memory_space<vmem>>
      %dma_start3A_58 = arith.constant 0 : i32
      %dma_start3A_59 = arith.constant 0 : i32
      %dma_start3A_60 = tpu.memref_slice %arg10[%dma_start3A_58, %dma_start3A_59] : memref<10112x128xf32, #tpu.memory_space<vmem_shared>> -> memref<10112x128xf32, #tpu.memory_space<vmem_shared>>
      tpu.enqueue_indirect_dma source(%dma_start3A_54 : memref<64x128xf32, #tpu.memory_space<vmem>>) target(%dma_start3A_60 : memref<10112x128xf32, #tpu.memory_space<vmem_shared>>) offsets(%dma_start3A_57 : memref<64xi32, #tpu.memory_space<vmem>>) semaphore(%arg13 : memref<!tpu.dma_semaphore, #tpu.memory_space<semaphore_mem>>) {add = true}
      %dma_wait3A_61 = arith.constant 64 : i32
      %dma_wait3A_62 = arith.constant 0 : i32
      %dma_wait3A_63 = tpu.memref_slice %arg9[%dma_wait3A_61, %dma_wait3A_62] : memref<128x128xf32, #tpu.memory_space<vmem>> -> memref<64x128xf32, #tpu.memory_space<vmem>>
      %dma_wait3A_64 = arith.constant 0 : i32
      %dma_wait3A_65 = tpu.memref_slice %arg7[%add3A_26, %dma_wait3A_64] : memref<80x64xi32, #tpu.memory_space<vmem>> -> memref<1x64xi32, #tpu.memory_space<vmem>>
      %dma_wait3A_66 = tpu.memref_squeeze %dma_wait3A_65 : memref<1x64xi32, #tpu.memory_space<vmem>> -> memref<64xi32, #tpu.memory_space<vmem>>
      %dma_wait3A_67 = arith.constant 0 : i32
      %dma_wait3A_68 = arith.constant 0 : i32
      %dma_wait3A_69 = tpu.memref_slice %arg2[%dma_wait3A_67, %dma_wait3A_68] : memref<10112x128xf32, #tpu.memory_space<hbm>> -> memref<10112x128xf32, #tpu.memory_space<hbm>>
      tpu.wait_indirect_dma semaphore(%arg12 : memref<!tpu.dma_semaphore, #tpu.memory_space<semaphore_mem>>) src(%dma_wait3A_69 : memref<10112x128xf32, #tpu.memory_space<hbm>>) dst(%dma_wait3A_63 : memref<64x128xf32, #tpu.memory_space<vmem>>)
      %dma_start3A_70 = arith.constant 64 : i32
      %dma_start3A_71 = arith.constant 0 : i32
      %dma_start3A_72 = tpu.memref_slice %arg9[%dma_start3A_70, %dma_start3A_71] : memref<128x128xf32, #tpu.memory_space<vmem>> -> memref<64x128xf32, #tpu.memory_space<vmem>>
      %dma_start3A_73 = arith.constant 0 : i32
      %dma_start3A_74 = tpu.memref_slice %arg8[%add3A_26, %dma_start3A_73] : memref<80x64xi32, #tpu.memory_space<vmem>> -> memref<1x64xi32, #tpu.memory_space<vmem>>
      %dma_start3A_75 = tpu.memref_squeeze %dma_start3A_74 : memref<1x64xi32, #tpu.memory_space<vmem>> -> memref<64xi32, #tpu.memory_space<vmem>>
      %dma_start3A_76 = arith.constant 0 : i32
      %dma_start3A_77 = arith.constant 0 : i32
      %dma_start3A_78 = tpu.memref_slice %arg10[%dma_start3A_76, %dma_start3A_77] : memref<10112x128xf32, #tpu.memory_space<vmem_shared>> -> memref<10112x128xf32, #tpu.memory_space<vmem_shared>>
      tpu.enqueue_indirect_dma source(%dma_start3A_72 : memref<64x128xf32, #tpu.memory_space<vmem>>) target(%dma_start3A_78 : memref<10112x128xf32, #tpu.memory_space<vmem_shared>>) offsets(%dma_start3A_75 : memref<64xi32, #tpu.memory_space<vmem>>) semaphore(%arg14 : memref<!tpu.dma_semaphore, #tpu.memory_space<semaphore_mem>>) {add = true}
      %dma_wait3A_79 = arith.constant 0 : i32
      %dma_wait3A_80 = arith.constant 0 : i32
      %dma_wait3A_81 = tpu.memref_slice %arg9[%dma_wait3A_79, %dma_wait3A_80] : memref<128x128xf32, #tpu.memory_space<vmem>> -> memref<64x128xf32, #tpu.memory_space<vmem>>
      %dma_wait3A_82 = arith.constant 0 : i32
      %dma_wait3A_83 = tpu.memref_slice %arg8[%add3A_22, %dma_wait3A_82] : memref<80x64xi32, #tpu.memory_space<vmem>> -> memref<1x64xi32, #tpu.memory_space<vmem>>
      %dma_wait3A_84 = tpu.memref_squeeze %dma_wait3A_83 : memref<1x64xi32, #tpu.memory_space<vmem>> -> memref<64xi32, #tpu.memory_space<vmem>>
      %dma_wait3A_85 = arith.constant 0 : i32
      %dma_wait3A_86 = arith.constant 0 : i32
      %dma_wait3A_87 = tpu.memref_slice %arg10[%dma_wait3A_85, %dma_wait3A_86] : memref<10112x128xf32, #tpu.memory_space<vmem_shared>> -> memref<10112x128xf32, #tpu.memory_space<vmem_shared>>
      tpu.wait_indirect_dma semaphore(%arg13 : memref<!tpu.dma_semaphore, #tpu.memory_space<semaphore_mem>>) src(%dma_wait3A_81 : memref<64x128xf32, #tpu.memory_space<vmem>>) dst(%dma_wait3A_87 : memref<10112x128xf32, #tpu.memory_space<vmem_shared>>)
      %dma_wait3A_88 = arith.constant 64 : i32
      %dma_wait3A_89 = arith.constant 0 : i32
      %dma_wait3A_90 = tpu.memref_slice %arg9[%dma_wait3A_88, %dma_wait3A_89] : memref<128x128xf32, #tpu.memory_space<vmem>> -> memref<64x128xf32, #tpu.memory_space<vmem>>
      %dma_wait3A_91 = arith.constant 0 : i32
      %dma_wait3A_92 = tpu.memref_slice %arg8[%add3A_26, %dma_wait3A_91] : memref<80x64xi32, #tpu.memory_space<vmem>> -> memref<1x64xi32, #tpu.memory_space<vmem>>
      %dma_wait3A_93 = tpu.memref_squeeze %dma_wait3A_92 : memref<1x64xi32, #tpu.memory_space<vmem>> -> memref<64xi32, #tpu.memory_space<vmem>>
      %dma_wait3A_94 = arith.constant 0 : i32
      %dma_wait3A_95 = arith.constant 0 : i32
      %dma_wait3A_96 = tpu.memref_slice %arg10[%dma_wait3A_94, %dma_wait3A_95] : memref<10112x128xf32, #tpu.memory_space<vmem_shared>> -> memref<10112x128xf32, #tpu.memory_space<vmem_shared>>
      tpu.wait_indirect_dma semaphore(%arg14 : memref<!tpu.dma_semaphore, #tpu.memory_space<semaphore_mem>>) src(%dma_wait3A_90 : memref<64x128xf32, #tpu.memory_space<vmem>>) dst(%dma_wait3A_96 : memref<10112x128xf32, #tpu.memory_space<vmem_shared>>)
    }
    %scan3A_7 = arith.constant 40 : i32
    "tpu.region"() ({
      %run_scoped3A = tpu.sem_alloc : memref<!tpu.dma_semaphore, #tpu.memory_space<semaphore_mem>>
      %dma_start3A = arith.constant 80 : i32
      %dma_start3A_18 = arith.constant 0 : i32
      %dma_start3A_19 = tpu.memref_slice %arg3[%add3A, %dma_start3A, %dma_start3A_18] : memref<32x160x64xi32, #tpu.memory_space<hbm>> -> memref<1x80x64xi32, #tpu.memory_space<hbm>>
      %dma_start3A_20 = tpu.memref_squeeze %dma_start3A_19 : memref<1x80x64xi32, #tpu.memory_space<hbm>> -> memref<80x64xi32, #tpu.memory_space<hbm>>
      %dma_start3A_21 = arith.constant 80 : i32
      %dma_start3A_22 = arith.constant 0 : i32
      %dma_start3A_23 = tpu.memref_slice %arg3[%add3A, %dma_start3A_21, %dma_start3A_22] : memref<32x160x64xi32, #tpu.memory_space<hbm>> -> memref<1x80x64xi32, #tpu.memory_space<hbm>>
      %dma_start3A_24 = tpu.memref_squeeze %dma_start3A_23 : memref<1x80x64xi32, #tpu.memory_space<hbm>> -> memref<80x64xi32, #tpu.memory_space<hbm>>
      tpu.enqueue_dma source(%dma_start3A_24 : memref<80x64xi32, #tpu.memory_space<hbm>>) target(%arg7 : memref<80x64xi32, #tpu.memory_space<vmem>>) target_semaphore(%run_scoped3A : memref<!tpu.dma_semaphore, #tpu.memory_space<semaphore_mem>>)
      %dma_wait3A = arith.constant 80 : i32
      %dma_wait3A_25 = arith.constant 0 : i32
      %dma_wait3A_26 = tpu.memref_slice %arg3[%add3A, %dma_wait3A, %dma_wait3A_25] : memref<32x160x64xi32, #tpu.memory_space<hbm>> -> memref<1x80x64xi32, #tpu.memory_space<hbm>>
      %dma_wait3A_27 = tpu.memref_squeeze %dma_wait3A_26 : memref<1x80x64xi32, #tpu.memory_space<hbm>> -> memref<80x64xi32, #tpu.memory_space<hbm>>
      %dma_wait3A_28 = arith.constant 80 : i32
      %dma_wait3A_29 = arith.constant 0 : i32
      %dma_wait3A_30 = tpu.memref_slice %arg3[%add3A, %dma_wait3A_28, %dma_wait3A_29] : memref<32x160x64xi32, #tpu.memory_space<hbm>> -> memref<1x80x64xi32, #tpu.memory_space<hbm>>
      %dma_wait3A_31 = tpu.memref_squeeze %dma_wait3A_30 : memref<1x80x64xi32, #tpu.memory_space<hbm>> -> memref<80x64xi32, #tpu.memory_space<hbm>>
      tpu.wait_dma2 semaphore(%run_scoped3A : memref<!tpu.dma_semaphore, #tpu.memory_space<semaphore_mem>>) src(%dma_wait3A_31 : memref<80x64xi32, #tpu.memory_space<hbm>>) dst(%arg7 : memref<80x64xi32, #tpu.memory_space<vmem>>)
      tpu.yield
    }) : () -> ()
    "tpu.region"() ({
      %run_scoped3A = tpu.sem_alloc : memref<!tpu.dma_semaphore, #tpu.memory_space<semaphore_mem>>
      %dma_start3A = arith.constant 80 : i32
      %dma_start3A_18 = arith.constant 0 : i32
      %dma_start3A_19 = tpu.memref_slice %arg4[%add3A, %dma_start3A, %dma_start3A_18] : memref<32x160x64xi32, #tpu.memory_space<hbm>> -> memref<1x80x64xi32, #tpu.memory_space<hbm>>
      %dma_start3A_20 = tpu.memref_squeeze %dma_start3A_19 : memref<1x80x64xi32, #tpu.memory_space<hbm>> -> memref<80x64xi32, #tpu.memory_space<hbm>>
      %dma_start3A_21 = arith.constant 80 : i32
      %dma_start3A_22 = arith.constant 0 : i32
      %dma_start3A_23 = tpu.memref_slice %arg4[%add3A, %dma_start3A_21, %dma_start3A_22] : memref<32x160x64xi32, #tpu.memory_space<hbm>> -> memref<1x80x64xi32, #tpu.memory_space<hbm>>
      %dma_start3A_24 = tpu.memref_squeeze %dma_start3A_23 : memref<1x80x64xi32, #tpu.memory_space<hbm>> -> memref<80x64xi32, #tpu.memory_space<hbm>>
      tpu.enqueue_dma source(%dma_start3A_24 : memref<80x64xi32, #tpu.memory_space<hbm>>) target(%arg8 : memref<80x64xi32, #tpu.memory_space<vmem>>) target_semaphore(%run_scoped3A : memref<!tpu.dma_semaphore, #tpu.memory_space<semaphore_mem>>)
      %dma_wait3A = arith.constant 80 : i32
      %dma_wait3A_25 = arith.constant 0 : i32
      %dma_wait3A_26 = tpu.memref_slice %arg4[%add3A, %dma_wait3A, %dma_wait3A_25] : memref<32x160x64xi32, #tpu.memory_space<hbm>> -> memref<1x80x64xi32, #tpu.memory_space<hbm>>
      %dma_wait3A_27 = tpu.memref_squeeze %dma_wait3A_26 : memref<1x80x64xi32, #tpu.memory_space<hbm>> -> memref<80x64xi32, #tpu.memory_space<hbm>>
      %dma_wait3A_28 = arith.constant 80 : i32
      %dma_wait3A_29 = arith.constant 0 : i32
      %dma_wait3A_30 = tpu.memref_slice %arg4[%add3A, %dma_wait3A_28, %dma_wait3A_29] : memref<32x160x64xi32, #tpu.memory_space<hbm>> -> memref<1x80x64xi32, #tpu.memory_space<hbm>>
      %dma_wait3A_31 = tpu.memref_squeeze %dma_wait3A_30 : memref<1x80x64xi32, #tpu.memory_space<hbm>> -> memref<80x64xi32, #tpu.memory_space<hbm>>
      tpu.wait_dma2 semaphore(%run_scoped3A : memref<!tpu.dma_semaphore, #tpu.memory_space<semaphore_mem>>) src(%dma_wait3A_31 : memref<80x64xi32, #tpu.memory_space<hbm>>) dst(%arg8 : memref<80x64xi32, #tpu.memory_space<vmem>>)
      tpu.yield
    }) : () -> ()
    %scan3A_8 = arith.constant 0 : i32
    %scan3A_9 = arith.constant 0 : i32
    %scan3A_10 = arith.constant 40 : i32
    %scan3A_11 = arith.addi %scan3A_9, %scan3A_10 : i32
    %scan3A_12 = arith.constant 1 : i32
    scf.for %scan3A_18 = %scan3A_9 to %scan3A_11 step %scan3A_12  : i32 {
      %mul3A_19 = arith.constant 2 : i32
      %mul3A_20 = arith.muli %mul3A_19, %scan3A_18 : i32
      %add3A_21 = arith.constant 0 : i32
      %add3A_22 = arith.addi %mul3A_20, %add3A_21 : i32
      %mul3A_23 = arith.constant 2 : i32
      %mul3A_24 = arith.muli %mul3A_23, %scan3A_18 : i32
      %add3A_25 = arith.constant 1 : i32
      %add3A_26 = arith.addi %mul3A_24, %add3A_25 : i32
      %dma_start3A = arith.constant 0 : i32
      %dma_start3A_27 = arith.constant 0 : i32
      %dma_start3A_28 = tpu.memref_slice %arg9[%dma_start3A, %dma_start3A_27] : memref<128x128xf32, #tpu.memory_space<vmem>> -> memref<64x128xf32, #tpu.memory_space<vmem>>
      %dma_start3A_29 = arith.constant 0 : i32
      %dma_start3A_30 = tpu.memref_slice %arg7[%add3A_22, %dma_start3A_29] : memref<80x64xi32, #tpu.memory_space<vmem>> -> memref<1x64xi32, #tpu.memory_space<vmem>>
      %dma_start3A_31 = tpu.memref_squeeze %dma_start3A_30 : memref<1x64xi32, #tpu.memory_space<vmem>> -> memref<64xi32, #tpu.memory_space<vmem>>
      %dma_start3A_32 = arith.constant 0 : i32
      %dma_start3A_33 = arith.constant 0 : i32
      %dma_start3A_34 = tpu.memref_slice %arg2[%dma_start3A_32, %dma_start3A_33] : memref<10112x128xf32, #tpu.memory_space<hbm>> -> memref<10112x128xf32, #tpu.memory_space<hbm>>
      tpu.enqueue_indirect_dma source(%dma_start3A_34 : memref<10112x128xf32, #tpu.memory_space<hbm>>) target(%dma_start3A_28 : memref<64x128xf32, #tpu.memory_space<vmem>>) offsets(%dma_start3A_31 : memref<64xi32, #tpu.memory_space<vmem>>) semaphore(%arg11 : memref<!tpu.dma_semaphore, #tpu.memory_space<semaphore_mem>>)
      %dma_start3A_35 = arith.constant 64 : i32
      %dma_start3A_36 = arith.constant 0 : i32
      %dma_start3A_37 = tpu.memref_slice %arg9[%dma_start3A_35, %dma_start3A_36] : memref<128x128xf32, #tpu.memory_space<vmem>> -> memref<64x128xf32, #tpu.memory_space<vmem>>
      %dma_start3A_38 = arith.constant 0 : i32
      %dma_start3A_39 = tpu.memref_slice %arg7[%add3A_26, %dma_start3A_38] : memref<80x64xi32, #tpu.memory_space<vmem>> -> memref<1x64xi32, #tpu.memory_space<vmem>>
      %dma_start3A_40 = tpu.memref_squeeze %dma_start3A_39 : memref<1x64xi32, #tpu.memory_space<vmem>> -> memref<64xi32, #tpu.memory_space<vmem>>
      %dma_start3A_41 = arith.constant 0 : i32
      %dma_start3A_42 = arith.constant 0 : i32
      %dma_start3A_43 = tpu.memref_slice %arg2[%dma_start3A_41, %dma_start3A_42] : memref<10112x128xf32, #tpu.memory_space<hbm>> -> memref<10112x128xf32, #tpu.memory_space<hbm>>
      tpu.enqueue_indirect_dma source(%dma_start3A_43 : memref<10112x128xf32, #tpu.memory_space<hbm>>) target(%dma_start3A_37 : memref<64x128xf32, #tpu.memory_space<vmem>>) offsets(%dma_start3A_40 : memref<64xi32, #tpu.memory_space<vmem>>) semaphore(%arg12 : memref<!tpu.dma_semaphore, #tpu.memory_space<semaphore_mem>>)
      %dma_wait3A = arith.constant 0 : i32
      %dma_wait3A_44 = arith.constant 0 : i32
      %dma_wait3A_45 = tpu.memref_slice %arg9[%dma_wait3A, %dma_wait3A_44] : memref<128x128xf32, #tpu.memory_space<vmem>> -> memref<64x128xf32, #tpu.memory_space<vmem>>
      %dma_wait3A_46 = arith.constant 0 : i32
      %dma_wait3A_47 = tpu.memref_slice %arg7[%add3A_22, %dma_wait3A_46] : memref<80x64xi32, #tpu.memory_space<vmem>> -> memref<1x64xi32, #tpu.memory_space<vmem>>
      %dma_wait3A_48 = tpu.memref_squeeze %dma_wait3A_47 : memref<1x64xi32, #tpu.memory_space<vmem>> -> memref<64xi32, #tpu.memory_space<vmem>>
      %dma_wait3A_49 = arith.constant 0 : i32
      %dma_wait3A_50 = arith.constant 0 : i32
      %dma_wait3A_51 = tpu.memref_slice %arg2[%dma_wait3A_49, %dma_wait3A_50] : memref<10112x128xf32, #tpu.memory_space<hbm>> -> memref<10112x128xf32, #tpu.memory_space<hbm>>
      tpu.wait_indirect_dma semaphore(%arg11 : memref<!tpu.dma_semaphore, #tpu.memory_space<semaphore_mem>>) src(%dma_wait3A_51 : memref<10112x128xf32, #tpu.memory_space<hbm>>) dst(%dma_wait3A_45 : memref<64x128xf32, #tpu.memory_space<vmem>>)
      %dma_start3A_52 = arith.constant 0 : i32
      %dma_start3A_53 = arith.constant 0 : i32
      %dma_start3A_54 = tpu.memref_slice %arg9[%dma_start3A_52, %dma_start3A_53] : memref<128x128xf32, #tpu.memory_space<vmem>> -> memref<64x128xf32, #tpu.memory_space<vmem>>
      %dma_start3A_55 = arith.constant 0 : i32
      %dma_start3A_56 = tpu.memref_slice %arg8[%add3A_22, %dma_start3A_55] : memref<80x64xi32, #tpu.memory_space<vmem>> -> memref<1x64xi32, #tpu.memory_space<vmem>>
      %dma_start3A_57 = tpu.memref_squeeze %dma_start3A_56 : memref<1x64xi32, #tpu.memory_space<vmem>> -> memref<64xi32, #tpu.memory_space<vmem>>
      %dma_start3A_58 = arith.constant 0 : i32
      %dma_start3A_59 = arith.constant 0 : i32
      %dma_start3A_60 = tpu.memref_slice %arg10[%dma_start3A_58, %dma_start3A_59] : memref<10112x128xf32, #tpu.memory_space<vmem_shared>> -> memref<10112x128xf32, #tpu.memory_space<vmem_shared>>
      tpu.enqueue_indirect_dma source(%dma_start3A_54 : memref<64x128xf32, #tpu.memory_space<vmem>>) target(%dma_start3A_60 : memref<10112x128xf32, #tpu.memory_space<vmem_shared>>) offsets(%dma_start3A_57 : memref<64xi32, #tpu.memory_space<vmem>>) semaphore(%arg13 : memref<!tpu.dma_semaphore, #tpu.memory_space<semaphore_mem>>) {add = true}
      %dma_wait3A_61 = arith.constant 64 : i32
      %dma_wait3A_62 = arith.constant 0 : i32
      %dma_wait3A_63 = tpu.memref_slice %arg9[%dma_wait3A_61, %dma_wait3A_62] : memref<128x128xf32, #tpu.memory_space<vmem>> -> memref<64x128xf32, #tpu.memory_space<vmem>>
      %dma_wait3A_64 = arith.constant 0 : i32
      %dma_wait3A_65 = tpu.memref_slice %arg7[%add3A_26, %dma_wait3A_64] : memref<80x64xi32, #tpu.memory_space<vmem>> -> memref<1x64xi32, #tpu.memory_space<vmem>>
      %dma_wait3A_66 = tpu.memref_squeeze %dma_wait3A_65 : memref<1x64xi32, #tpu.memory_space<vmem>> -> memref<64xi32, #tpu.memory_space<vmem>>
      %dma_wait3A_67 = arith.constant 0 : i32
      %dma_wait3A_68 = arith.constant 0 : i32
      %dma_wait3A_69 = tpu.memref_slice %arg2[%dma_wait3A_67, %dma_wait3A_68] : memref<10112x128xf32, #tpu.memory_space<hbm>> -> memref<10112x128xf32, #tpu.memory_space<hbm>>
      tpu.wait_indirect_dma semaphore(%arg12 : memref<!tpu.dma_semaphore, #tpu.memory_space<semaphore_mem>>) src(%dma_wait3A_69 : memref<10112x128xf32, #tpu.memory_space<hbm>>) dst(%dma_wait3A_63 : memref<64x128xf32, #tpu.memory_space<vmem>>)
      %dma_start3A_70 = arith.constant 64 : i32
      %dma_start3A_71 = arith.constant 0 : i32
      %dma_start3A_72 = tpu.memref_slice %arg9[%dma_start3A_70, %dma_start3A_71] : memref<128x128xf32, #tpu.memory_space<vmem>> -> memref<64x128xf32, #tpu.memory_space<vmem>>
      %dma_start3A_73 = arith.constant 0 : i32
      %dma_start3A_74 = tpu.memref_slice %arg8[%add3A_26, %dma_start3A_73] : memref<80x64xi32, #tpu.memory_space<vmem>> -> memref<1x64xi32, #tpu.memory_space<vmem>>
      %dma_start3A_75 = tpu.memref_squeeze %dma_start3A_74 : memref<1x64xi32, #tpu.memory_space<vmem>> -> memref<64xi32, #tpu.memory_space<vmem>>
      %dma_start3A_76 = arith.constant 0 : i32
      %dma_start3A_77 = arith.constant 0 : i32
      %dma_start3A_78 = tpu.memref_slice %arg10[%dma_start3A_76, %dma_start3A_77] : memref<10112x128xf32, #tpu.memory_space<vmem_shared>> -> memref<10112x128xf32, #tpu.memory_space<vmem_shared>>
      tpu.enqueue_indirect_dma source(%dma_start3A_72 : memref<64x128xf32, #tpu.memory_space<vmem>>) target(%dma_start3A_78 : memref<10112x128xf32, #tpu.memory_space<vmem_shared>>) offsets(%dma_start3A_75 : memref<64xi32, #tpu.memory_space<vmem>>) semaphore(%arg14 : memref<!tpu.dma_semaphore, #tpu.memory_space<semaphore_mem>>) {add = true}
      %dma_wait3A_79 = arith.constant 0 : i32
      %dma_wait3A_80 = arith.constant 0 : i32
      %dma_wait3A_81 = tpu.memref_slice %arg9[%dma_wait3A_79, %dma_wait3A_80] : memref<128x128xf32, #tpu.memory_space<vmem>> -> memref<64x128xf32, #tpu.memory_space<vmem>>
      %dma_wait3A_82 = arith.constant 0 : i32
      %dma_wait3A_83 = tpu.memref_slice %arg8[%add3A_22, %dma_wait3A_82] : memref<80x64xi32, #tpu.memory_space<vmem>> -> memref<1x64xi32, #tpu.memory_space<vmem>>
      %dma_wait3A_84 = tpu.memref_squeeze %dma_wait3A_83 : memref<1x64xi32, #tpu.memory_space<vmem>> -> memref<64xi32, #tpu.memory_space<vmem>>
      %dma_wait3A_85 = arith.constant 0 : i32
      %dma_wait3A_86 = arith.constant 0 : i32
      %dma_wait3A_87 = tpu.memref_slice %arg10[%dma_wait3A_85, %dma_wait3A_86] : memref<10112x128xf32, #tpu.memory_space<vmem_shared>> -> memref<10112x128xf32, #tpu.memory_space<vmem_shared>>
      tpu.wait_indirect_dma semaphore(%arg13 : memref<!tpu.dma_semaphore, #tpu.memory_space<semaphore_mem>>) src(%dma_wait3A_81 : memref<64x128xf32, #tpu.memory_space<vmem>>) dst(%dma_wait3A_87 : memref<10112x128xf32, #tpu.memory_space<vmem_shared>>)
      %dma_wait3A_88 = arith.constant 64 : i32
      %dma_wait3A_89 = arith.constant 0 : i32
      %dma_wait3A_90 = tpu.memref_slice %arg9[%dma_wait3A_88, %dma_wait3A_89] : memref<128x128xf32, #tpu.memory_space<vmem>> -> memref<64x128xf32, #tpu.memory_space<vmem>>
      %dma_wait3A_91 = arith.constant 0 : i32
      %dma_wait3A_92 = tpu.memref_slice %arg8[%add3A_26, %dma_wait3A_91] : memref<80x64xi32, #tpu.memory_space<vmem>> -> memref<1x64xi32, #tpu.memory_space<vmem>>
      %dma_wait3A_93 = tpu.memref_squeeze %dma_wait3A_92 : memref<1x64xi32, #tpu.memory_space<vmem>> -> memref<64xi32, #tpu.memory_space<vmem>>
      %dma_wait3A_94 = arith.constant 0 : i32
      %dma_wait3A_95 = arith.constant 0 : i32
      %dma_wait3A_96 = tpu.memref_slice %arg10[%dma_wait3A_94, %dma_wait3A_95] : memref<10112x128xf32, #tpu.memory_space<vmem_shared>> -> memref<10112x128xf32, #tpu.memory_space<vmem_shared>>
      tpu.wait_indirect_dma semaphore(%arg14 : memref<!tpu.dma_semaphore, #tpu.memory_space<semaphore_mem>>) src(%dma_wait3A_90 : memref<64x128xf32, #tpu.memory_space<vmem>>) dst(%dma_wait3A_96 : memref<10112x128xf32, #tpu.memory_space<vmem_shared>>)
    }
    %scan3A_13 = arith.constant 40 : i32
    %barrier3A_14 = arith.constant 0 : index
    tpu.barrier barrier_id(%barrier3A_14)
    %mul3A_15 = arith.constant 10112 : i32
    %mul3A_16 = arith.muli %arg0, %mul3A_15 : i32
    %add3A_17 = arith.addi %mul3A_16, %mul3A_2 : i32
    "tpu.region"() ({
      %run_scoped3A = tpu.sem_alloc : memref<!tpu.dma_semaphore, #tpu.memory_space<semaphore_mem>>
      %dma_start3A = arith.constant 0 : i32
      %dma_start3A_18 = tpu.memref_slice %arg6[%add3A_17, %dma_start3A] : memref<20224x128xf32, #tpu.memory_space<hbm>> -> memref<632x128xf32, #tpu.memory_space<hbm>>
      %dma_start3A_19 = arith.constant 0 : i32
      %dma_start3A_20 = tpu.memref_slice %arg10[%mul3A_2, %dma_start3A_19] : memref<10112x128xf32, #tpu.memory_space<vmem_shared>> -> memref<632x128xf32, #tpu.memory_space<vmem_shared>>
      tpu.enqueue_dma source(%dma_start3A_20 : memref<632x128xf32, #tpu.memory_space<vmem_shared>>) target(%dma_start3A_18 : memref<632x128xf32, #tpu.memory_space<hbm>>) target_semaphore(%run_scoped3A : memref<!tpu.dma_semaphore, #tpu.memory_space<semaphore_mem>>)
      %dma_wait3A = arith.constant 0 : i32
      %dma_wait3A_21 = tpu.memref_slice %arg6[%add3A_17, %dma_wait3A] : memref<20224x128xf32, #tpu.memory_space<hbm>> -> memref<632x128xf32, #tpu.memory_space<hbm>>
      %dma_wait3A_22 = arith.constant 0 : i32
      %dma_wait3A_23 = tpu.memref_slice %arg10[%mul3A_2, %dma_wait3A_22] : memref<10112x128xf32, #tpu.memory_space<vmem_shared>> -> memref<632x128xf32, #tpu.memory_space<vmem_shared>>
      tpu.wait_dma2 semaphore(%run_scoped3A : memref<!tpu.dma_semaphore, #tpu.memory_space<semaphore_mem>>) src(%dma_wait3A_23 : memref<632x128xf32, #tpu.memory_space<vmem_shared>>) dst(%dma_wait3A_21 : memref<632x128xf32, #tpu.memory_space<hbm>>)
      tpu.yield
    }) : () -> ()
    return
  }
}

#map = affine_map<(d0, d1) -> (0, 0)>
#map1 = affine_map<(d0, d1) -> (0, 0, 0)>
module attributes {stable_mosaic.version = 14 : i64} {
  func.func @mp(%arg0: i32, %arg1: i32, %arg2: memref<10112x128xf32, #tpu.memory_space<hbm>>, %arg3: memref<32x160x64xi32, #tpu.memory_space<hbm>>, %arg4: memref<32x160x64xi32, #tpu.memory_space<hbm>>, %arg5: memref<632x128xf32, #tpu.memory_space<hbm>>, %arg6: memref<20224x128xf32, #tpu.memory_space<hbm>>, %arg7: memref<80x64xi32, #tpu.memory_space<vmem>>, %arg8: memref<80x64xi32, #tpu.memory_space<vmem>>, %arg9: memref<128x128xf32, #tpu.memory_space<vmem>>, %arg10: memref<10112x128xf32, #tpu.memory_space<vmem_shared>>, %arg11: memref<!tpu.dma_semaphore, #tpu.memory_space<semaphore_mem>>, %arg12: memref<!tpu.dma_semaphore, #tpu.memory_space<semaphore_mem>>, %arg13: memref<!tpu.dma_semaphore, #tpu.memory_space<semaphore_mem>>, %arg14: memref<!tpu.dma_semaphore, #tpu.memory_space<semaphore_mem>>) attributes {dimension_semantics = [#tpu.dimension_semantics<core_parallel>, #tpu.dimension_semantics<subcore_parallel>], iteration_bounds = array<i64: 2, 16>, scalar_prefetch = 0 : i64, scratch_operands = 8 : i64, tpu.core_type = #tpu.core_type<sc_vector_subcore>, window_params = [{transform_indices = #map}, {transform_indices = #map1}, {transform_indices = #map1}, {transform_indices = #map}, {transform_indices = #map}]} {
    %mul3A = arith.constant 16 : i32
    %mul3A_0 = arith.muli %arg0, %mul3A : i32
    %add3A = arith.addi %mul3A_0, %arg1 : i32
    %mul3A_1 = arith.constant 632 : i32
    %mul3A_2 = arith.muli %arg1, %mul3A_1 : i32
    "tpu.region"() ({
      %run_scoped3A = tpu.sem_alloc : memref<!tpu.dma_semaphore, #tpu.memory_space<semaphore_mem>>
      %dma_start3A = arith.constant 0 : i32
      %dma_start3A_18 = tpu.memref_slice %arg10[%mul3A_2, %dma_start3A] : memref<10112x128xf32, #tpu.memory_space<vmem_shared>> -> memref<632x128xf32, #tpu.memory_space<vmem_shared>>
      tpu.enqueue_dma source(%arg5 : memref<632x128xf32, #tpu.memory_space<hbm>>) target(%dma_start3A_18 : memref<632x128xf32, #tpu.memory_space<vmem_shared>>) target_semaphore(%run_scoped3A : memref<!tpu.dma_semaphore, #tpu.memory_space<semaphore_mem>>)
      %dma_wait3A = arith.constant 0 : i32
      %dma_wait3A_19 = tpu.memref_slice %arg10[%mul3A_2, %dma_wait3A] : memref<10112x128xf32, #tpu.memory_space<vmem_shared>> -> memref<632x128xf32, #tpu.memory_space<vmem_shared>>
      tpu.wait_dma2 semaphore(%run_scoped3A : memref<!tpu.dma_semaphore, #tpu.memory_space<semaphore_mem>>) src(%arg5 : memref<632x128xf32, #tpu.memory_space<hbm>>) dst(%dma_wait3A_19 : memref<632x128xf32, #tpu.memory_space<vmem_shared>>)
      tpu.yield
    }) : () -> ()
    %barrier3A = arith.constant 0 : index
    tpu.barrier barrier_id(%barrier3A)
    "tpu.region"() ({
      %run_scoped3A = tpu.sem_alloc : memref<!tpu.dma_semaphore, #tpu.memory_space<semaphore_mem>>
      %dma_start3A = arith.constant 0 : i32
      %dma_start3A_18 = arith.constant 0 : i32
      %dma_start3A_19 = tpu.memref_slice %arg3[%add3A, %dma_start3A, %dma_start3A_18] : memref<32x160x64xi32, #tpu.memory_space<hbm>> -> memref<1x80x64xi32, #tpu.memory_space<hbm>>
      %dma_start3A_20 = tpu.memref_squeeze %dma_start3A_19 : memref<1x80x64xi32, #tpu.memory_space<hbm>> -> memref<80x64xi32, #tpu.memory_space<hbm>>
      %dma_start3A_21 = arith.constant 0 : i32
      %dma_start3A_22 = arith.constant 0 : i32
      %dma_start3A_23 = tpu.memref_slice %arg3[%add3A, %dma_start3A_21, %dma_start3A_22] : memref<32x160x64xi32, #tpu.memory_space<hbm>> -> memref<1x80x64xi32, #tpu.memory_space<hbm>>
      %dma_start3A_24 = tpu.memref_squeeze %dma_start3A_23 : memref<1x80x64xi32, #tpu.memory_space<hbm>> -> memref<80x64xi32, #tpu.memory_space<hbm>>
      tpu.enqueue_dma source(%dma_start3A_24 : memref<80x64xi32, #tpu.memory_space<hbm>>) target(%arg7 : memref<80x64xi32, #tpu.memory_space<vmem>>) target_semaphore(%run_scoped3A : memref<!tpu.dma_semaphore, #tpu.memory_space<semaphore_mem>>)
      %dma_wait3A = arith.constant 0 : i32
      %dma_wait3A_25 = arith.constant 0 : i32
      %dma_wait3A_26 = tpu.memref_slice %arg3[%add3A, %dma_wait3A, %dma_wait3A_25] : memref<32x160x64xi32, #tpu.memory_space<hbm>> -> memref<1x80x64xi32, #tpu.memory_space<hbm>>
      %dma_wait3A_27 = tpu.memref_squeeze %dma_wait3A_26 : memref<1x80x64xi32, #tpu.memory_space<hbm>> -> memref<80x64xi32, #tpu.memory_space<hbm>>
      %dma_wait3A_28 = arith.constant 0 : i32
      %dma_wait3A_29 = arith.constant 0 : i32
      %dma_wait3A_30 = tpu.memref_slice %arg3[%add3A, %dma_wait3A_28, %dma_wait3A_29] : memref<32x160x64xi32, #tpu.memory_space<hbm>> -> memref<1x80x64xi32, #tpu.memory_space<hbm>>
      %dma_wait3A_31 = tpu.memref_squeeze %dma_wait3A_30 : memref<1x80x64xi32, #tpu.memory_space<hbm>> -> memref<80x64xi32, #tpu.memory_space<hbm>>
      tpu.wait_dma2 semaphore(%run_scoped3A : memref<!tpu.dma_semaphore, #tpu.memory_space<semaphore_mem>>) src(%dma_wait3A_31 : memref<80x64xi32, #tpu.memory_space<hbm>>) dst(%arg7 : memref<80x64xi32, #tpu.memory_space<vmem>>)
      tpu.yield
    }) : () -> ()
    "tpu.region"() ({
      %run_scoped3A = tpu.sem_alloc : memref<!tpu.dma_semaphore, #tpu.memory_space<semaphore_mem>>
      %dma_start3A = arith.constant 0 : i32
      %dma_start3A_18 = arith.constant 0 : i32
      %dma_start3A_19 = tpu.memref_slice %arg4[%add3A, %dma_start3A, %dma_start3A_18] : memref<32x160x64xi32, #tpu.memory_space<hbm>> -> memref<1x80x64xi32, #tpu.memory_space<hbm>>
      %dma_start3A_20 = tpu.memref_squeeze %dma_start3A_19 : memref<1x80x64xi32, #tpu.memory_space<hbm>> -> memref<80x64xi32, #tpu.memory_space<hbm>>
      %dma_start3A_21 = arith.constant 0 : i32
      %dma_start3A_22 = arith.constant 0 : i32
      %dma_start3A_23 = tpu.memref_slice %arg4[%add3A, %dma_start3A_21, %dma_start3A_22] : memref<32x160x64xi32, #tpu.memory_space<hbm>> -> memref<1x80x64xi32, #tpu.memory_space<hbm>>
      %dma_start3A_24 = tpu.memref_squeeze %dma_start3A_23 : memref<1x80x64xi32, #tpu.memory_space<hbm>> -> memref<80x64xi32, #tpu.memory_space<hbm>>
      tpu.enqueue_dma source(%dma_start3A_24 : memref<80x64xi32, #tpu.memory_space<hbm>>) target(%arg8 : memref<80x64xi32, #tpu.memory_space<vmem>>) target_semaphore(%run_scoped3A : memref<!tpu.dma_semaphore, #tpu.memory_space<semaphore_mem>>)
      %dma_wait3A = arith.constant 0 : i32
      %dma_wait3A_25 = arith.constant 0 : i32
      %dma_wait3A_26 = tpu.memref_slice %arg4[%add3A, %dma_wait3A, %dma_wait3A_25] : memref<32x160x64xi32, #tpu.memory_space<hbm>> -> memref<1x80x64xi32, #tpu.memory_space<hbm>>
      %dma_wait3A_27 = tpu.memref_squeeze %dma_wait3A_26 : memref<1x80x64xi32, #tpu.memory_space<hbm>> -> memref<80x64xi32, #tpu.memory_space<hbm>>
      %dma_wait3A_28 = arith.constant 0 : i32
      %dma_wait3A_29 = arith.constant 0 : i32
      %dma_wait3A_30 = tpu.memref_slice %arg4[%add3A, %dma_wait3A_28, %dma_wait3A_29] : memref<32x160x64xi32, #tpu.memory_space<hbm>> -> memref<1x80x64xi32, #tpu.memory_space<hbm>>
      %dma_wait3A_31 = tpu.memref_squeeze %dma_wait3A_30 : memref<1x80x64xi32, #tpu.memory_space<hbm>> -> memref<80x64xi32, #tpu.memory_space<hbm>>
      tpu.wait_dma2 semaphore(%run_scoped3A : memref<!tpu.dma_semaphore, #tpu.memory_space<semaphore_mem>>) src(%dma_wait3A_31 : memref<80x64xi32, #tpu.memory_space<hbm>>) dst(%arg8 : memref<80x64xi32, #tpu.memory_space<vmem>>)
      tpu.yield
    }) : () -> ()
    %scan3A = arith.constant 0 : i32
    %scan3A_3 = arith.constant 0 : i32
    %scan3A_4 = arith.constant 40 : i32
    %scan3A_5 = arith.addi %scan3A_3, %scan3A_4 : i32
    %scan3A_6 = arith.constant 1 : i32
    scf.for %scan3A_18 = %scan3A_3 to %scan3A_5 step %scan3A_6  : i32 {
      %mul3A_19 = arith.constant 2 : i32
      %mul3A_20 = arith.muli %mul3A_19, %scan3A_18 : i32
      %add3A_21 = arith.constant 0 : i32
      %add3A_22 = arith.addi %mul3A_20, %add3A_21 : i32
      %mul3A_23 = arith.constant 2 : i32
      %mul3A_24 = arith.muli %mul3A_23, %scan3A_18 : i32
      %add3A_25 = arith.constant 1 : i32
      %add3A_26 = arith.addi %mul3A_24, %add3A_25 : i32
      %dma_start3A = arith.constant 0 : i32
      %dma_start3A_27 = arith.constant 0 : i32
      %dma_start3A_28 = tpu.memref_slice %arg9[%dma_start3A, %dma_start3A_27] : memref<128x128xf32, #tpu.memory_space<vmem>> -> memref<64x128xf32, #tpu.memory_space<vmem>>
      %dma_start3A_29 = arith.constant 0 : i32
      %dma_start3A_30 = tpu.memref_slice %arg7[%add3A_22, %dma_start3A_29] : memref<80x64xi32, #tpu.memory_space<vmem>> -> memref<1x64xi32, #tpu.memory_space<vmem>>
      %dma_start3A_31 = tpu.memref_squeeze %dma_start3A_30 : memref<1x64xi32, #tpu.memory_space<vmem>> -> memref<64xi32, #tpu.memory_space<vmem>>
      %dma_start3A_32 = arith.constant 0 : i32
      %dma_start3A_33 = arith.constant 0 : i32
      %dma_start3A_34 = tpu.memref_slice %arg2[%dma_start3A_32, %dma_start3A_33] : memref<10112x128xf32, #tpu.memory_space<hbm>> -> memref<10112x128xf32, #tpu.memory_space<hbm>>
      tpu.enqueue_indirect_dma source(%dma_start3A_34 : memref<10112x128xf32, #tpu.memory_space<hbm>>) target(%dma_start3A_28 : memref<64x128xf32, #tpu.memory_space<vmem>>) offsets(%dma_start3A_31 : memref<64xi32, #tpu.memory_space<vmem>>) semaphore(%arg11 : memref<!tpu.dma_semaphore, #tpu.memory_space<semaphore_mem>>)
      %dma_start3A_35 = arith.constant 64 : i32
      %dma_start3A_36 = arith.constant 0 : i32
      %dma_start3A_37 = tpu.memref_slice %arg9[%dma_start3A_35, %dma_start3A_36] : memref<128x128xf32, #tpu.memory_space<vmem>> -> memref<64x128xf32, #tpu.memory_space<vmem>>
      %dma_start3A_38 = arith.constant 0 : i32
      %dma_start3A_39 = tpu.memref_slice %arg7[%add3A_26, %dma_start3A_38] : memref<80x64xi32, #tpu.memory_space<vmem>> -> memref<1x64xi32, #tpu.memory_space<vmem>>
      %dma_start3A_40 = tpu.memref_squeeze %dma_start3A_39 : memref<1x64xi32, #tpu.memory_space<vmem>> -> memref<64xi32, #tpu.memory_space<vmem>>
      %dma_start3A_41 = arith.constant 0 : i32
      %dma_start3A_42 = arith.constant 0 : i32
      %dma_start3A_43 = tpu.memref_slice %arg2[%dma_start3A_41, %dma_start3A_42] : memref<10112x128xf32, #tpu.memory_space<hbm>> -> memref<10112x128xf32, #tpu.memory_space<hbm>>
      tpu.enqueue_indirect_dma source(%dma_start3A_43 : memref<10112x128xf32, #tpu.memory_space<hbm>>) target(%dma_start3A_37 : memref<64x128xf32, #tpu.memory_space<vmem>>) offsets(%dma_start3A_40 : memref<64xi32, #tpu.memory_space<vmem>>) semaphore(%arg12 : memref<!tpu.dma_semaphore, #tpu.memory_space<semaphore_mem>>)
      %dma_wait3A = arith.constant 0 : i32
      %dma_wait3A_44 = arith.constant 0 : i32
      %dma_wait3A_45 = tpu.memref_slice %arg9[%dma_wait3A, %dma_wait3A_44] : memref<128x128xf32, #tpu.memory_space<vmem>> -> memref<64x128xf32, #tpu.memory_space<vmem>>
      %dma_wait3A_46 = arith.constant 0 : i32
      %dma_wait3A_47 = tpu.memref_slice %arg7[%add3A_22, %dma_wait3A_46] : memref<80x64xi32, #tpu.memory_space<vmem>> -> memref<1x64xi32, #tpu.memory_space<vmem>>
      %dma_wait3A_48 = tpu.memref_squeeze %dma_wait3A_47 : memref<1x64xi32, #tpu.memory_space<vmem>> -> memref<64xi32, #tpu.memory_space<vmem>>
      %dma_wait3A_49 = arith.constant 0 : i32
      %dma_wait3A_50 = arith.constant 0 : i32
      %dma_wait3A_51 = tpu.memref_slice %arg2[%dma_wait3A_49, %dma_wait3A_50] : memref<10112x128xf32, #tpu.memory_space<hbm>> -> memref<10112x128xf32, #tpu.memory_space<hbm>>
      tpu.wait_indirect_dma semaphore(%arg11 : memref<!tpu.dma_semaphore, #tpu.memory_space<semaphore_mem>>) src(%dma_wait3A_51 : memref<10112x128xf32, #tpu.memory_space<hbm>>) dst(%dma_wait3A_45 : memref<64x128xf32, #tpu.memory_space<vmem>>)
      %dma_start3A_52 = arith.constant 0 : i32
      %dma_start3A_53 = arith.constant 0 : i32
      %dma_start3A_54 = tpu.memref_slice %arg9[%dma_start3A_52, %dma_start3A_53] : memref<128x128xf32, #tpu.memory_space<vmem>> -> memref<64x128xf32, #tpu.memory_space<vmem>>
      %dma_start3A_55 = arith.constant 0 : i32
      %dma_start3A_56 = tpu.memref_slice %arg8[%add3A_22, %dma_start3A_55] : memref<80x64xi32, #tpu.memory_space<vmem>> -> memref<1x64xi32, #tpu.memory_space<vmem>>
      %dma_start3A_57 = tpu.memref_squeeze %dma_start3A_56 : memref<1x64xi32, #tpu.memory_space<vmem>> -> memref<64xi32, #tpu.memory_space<vmem>>
      %dma_start3A_58 = arith.constant 0 : i32
      %dma_start3A_59 = arith.constant 0 : i32
      %dma_start3A_60 = tpu.memref_slice %arg10[%dma_start3A_58, %dma_start3A_59] : memref<10112x128xf32, #tpu.memory_space<vmem_shared>> -> memref<10112x128xf32, #tpu.memory_space<vmem_shared>>
      tpu.enqueue_indirect_dma source(%dma_start3A_54 : memref<64x128xf32, #tpu.memory_space<vmem>>) target(%dma_start3A_60 : memref<10112x128xf32, #tpu.memory_space<vmem_shared>>) offsets(%dma_start3A_57 : memref<64xi32, #tpu.memory_space<vmem>>) semaphore(%arg13 : memref<!tpu.dma_semaphore, #tpu.memory_space<semaphore_mem>>) {add = true}
      %dma_wait3A_61 = arith.constant 64 : i32
      %dma_wait3A_62 = arith.constant 0 : i32
      %dma_wait3A_63 = tpu.memref_slice %arg9[%dma_wait3A_61, %dma_wait3A_62] : memref<128x128xf32, #tpu.memory_space<vmem>> -> memref<64x128xf32, #tpu.memory_space<vmem>>
      %dma_wait3A_64 = arith.constant 0 : i32
      %dma_wait3A_65 = tpu.memref_slice %arg7[%add3A_26, %dma_wait3A_64] : memref<80x64xi32, #tpu.memory_space<vmem>> -> memref<1x64xi32, #tpu.memory_space<vmem>>
      %dma_wait3A_66 = tpu.memref_squeeze %dma_wait3A_65 : memref<1x64xi32, #tpu.memory_space<vmem>> -> memref<64xi32, #tpu.memory_space<vmem>>
      %dma_wait3A_67 = arith.constant 0 : i32
      %dma_wait3A_68 = arith.constant 0 : i32
      %dma_wait3A_69 = tpu.memref_slice %arg2[%dma_wait3A_67, %dma_wait3A_68] : memref<10112x128xf32, #tpu.memory_space<hbm>> -> memref<10112x128xf32, #tpu.memory_space<hbm>>
      tpu.wait_indirect_dma semaphore(%arg12 : memref<!tpu.dma_semaphore, #tpu.memory_space<semaphore_mem>>) src(%dma_wait3A_69 : memref<10112x128xf32, #tpu.memory_space<hbm>>) dst(%dma_wait3A_63 : memref<64x128xf32, #tpu.memory_space<vmem>>)
      %dma_start3A_70 = arith.constant 64 : i32
      %dma_start3A_71 = arith.constant 0 : i32
      %dma_start3A_72 = tpu.memref_slice %arg9[%dma_start3A_70, %dma_start3A_71] : memref<128x128xf32, #tpu.memory_space<vmem>> -> memref<64x128xf32, #tpu.memory_space<vmem>>
      %dma_start3A_73 = arith.constant 0 : i32
      %dma_start3A_74 = tpu.memref_slice %arg8[%add3A_26, %dma_start3A_73] : memref<80x64xi32, #tpu.memory_space<vmem>> -> memref<1x64xi32, #tpu.memory_space<vmem>>
      %dma_start3A_75 = tpu.memref_squeeze %dma_start3A_74 : memref<1x64xi32, #tpu.memory_space<vmem>> -> memref<64xi32, #tpu.memory_space<vmem>>
      %dma_start3A_76 = arith.constant 0 : i32
      %dma_start3A_77 = arith.constant 0 : i32
      %dma_start3A_78 = tpu.memref_slice %arg10[%dma_start3A_76, %dma_start3A_77] : memref<10112x128xf32, #tpu.memory_space<vmem_shared>> -> memref<10112x128xf32, #tpu.memory_space<vmem_shared>>
      tpu.enqueue_indirect_dma source(%dma_start3A_72 : memref<64x128xf32, #tpu.memory_space<vmem>>) target(%dma_start3A_78 : memref<10112x128xf32, #tpu.memory_space<vmem_shared>>) offsets(%dma_start3A_75 : memref<64xi32, #tpu.memory_space<vmem>>) semaphore(%arg14 : memref<!tpu.dma_semaphore, #tpu.memory_space<semaphore_mem>>) {add = true}
      %dma_wait3A_79 = arith.constant 0 : i32
      %dma_wait3A_80 = arith.constant 0 : i32
      %dma_wait3A_81 = tpu.memref_slice %arg9[%dma_wait3A_79, %dma_wait3A_80] : memref<128x128xf32, #tpu.memory_space<vmem>> -> memref<64x128xf32, #tpu.memory_space<vmem>>
      %dma_wait3A_82 = arith.constant 0 : i32
      %dma_wait3A_83 = tpu.memref_slice %arg8[%add3A_22, %dma_wait3A_82] : memref<80x64xi32, #tpu.memory_space<vmem>> -> memref<1x64xi32, #tpu.memory_space<vmem>>
      %dma_wait3A_84 = tpu.memref_squeeze %dma_wait3A_83 : memref<1x64xi32, #tpu.memory_space<vmem>> -> memref<64xi32, #tpu.memory_space<vmem>>
      %dma_wait3A_85 = arith.constant 0 : i32
      %dma_wait3A_86 = arith.constant 0 : i32
      %dma_wait3A_87 = tpu.memref_slice %arg10[%dma_wait3A_85, %dma_wait3A_86] : memref<10112x128xf32, #tpu.memory_space<vmem_shared>> -> memref<10112x128xf32, #tpu.memory_space<vmem_shared>>
      tpu.wait_indirect_dma semaphore(%arg13 : memref<!tpu.dma_semaphore, #tpu.memory_space<semaphore_mem>>) src(%dma_wait3A_81 : memref<64x128xf32, #tpu.memory_space<vmem>>) dst(%dma_wait3A_87 : memref<10112x128xf32, #tpu.memory_space<vmem_shared>>)
      %dma_wait3A_88 = arith.constant 64 : i32
      %dma_wait3A_89 = arith.constant 0 : i32
      %dma_wait3A_90 = tpu.memref_slice %arg9[%dma_wait3A_88, %dma_wait3A_89] : memref<128x128xf32, #tpu.memory_space<vmem>> -> memref<64x128xf32, #tpu.memory_space<vmem>>
      %dma_wait3A_91 = arith.constant 0 : i32
      %dma_wait3A_92 = tpu.memref_slice %arg8[%add3A_26, %dma_wait3A_91] : memref<80x64xi32, #tpu.memory_space<vmem>> -> memref<1x64xi32, #tpu.memory_space<vmem>>
      %dma_wait3A_93 = tpu.memref_squeeze %dma_wait3A_92 : memref<1x64xi32, #tpu.memory_space<vmem>> -> memref<64xi32, #tpu.memory_space<vmem>>
      %dma_wait3A_94 = arith.constant 0 : i32
      %dma_wait3A_95 = arith.constant 0 : i32
      %dma_wait3A_96 = tpu.memref_slice %arg10[%dma_wait3A_94, %dma_wait3A_95] : memref<10112x128xf32, #tpu.memory_space<vmem_shared>> -> memref<10112x128xf32, #tpu.memory_space<vmem_shared>>
      tpu.wait_indirect_dma semaphore(%arg14 : memref<!tpu.dma_semaphore, #tpu.memory_space<semaphore_mem>>) src(%dma_wait3A_90 : memref<64x128xf32, #tpu.memory_space<vmem>>) dst(%dma_wait3A_96 : memref<10112x128xf32, #tpu.memory_space<vmem_shared>>)
    }
    %scan3A_7 = arith.constant 40 : i32
    "tpu.region"() ({
      %run_scoped3A = tpu.sem_alloc : memref<!tpu.dma_semaphore, #tpu.memory_space<semaphore_mem>>
      %dma_start3A = arith.constant 80 : i32
      %dma_start3A_18 = arith.constant 0 : i32
      %dma_start3A_19 = tpu.memref_slice %arg3[%add3A, %dma_start3A, %dma_start3A_18] : memref<32x160x64xi32, #tpu.memory_space<hbm>> -> memref<1x80x64xi32, #tpu.memory_space<hbm>>
      %dma_start3A_20 = tpu.memref_squeeze %dma_start3A_19 : memref<1x80x64xi32, #tpu.memory_space<hbm>> -> memref<80x64xi32, #tpu.memory_space<hbm>>
      %dma_start3A_21 = arith.constant 80 : i32
      %dma_start3A_22 = arith.constant 0 : i32
      %dma_start3A_23 = tpu.memref_slice %arg3[%add3A, %dma_start3A_21, %dma_start3A_22] : memref<32x160x64xi32, #tpu.memory_space<hbm>> -> memref<1x80x64xi32, #tpu.memory_space<hbm>>
      %dma_start3A_24 = tpu.memref_squeeze %dma_start3A_23 : memref<1x80x64xi32, #tpu.memory_space<hbm>> -> memref<80x64xi32, #tpu.memory_space<hbm>>
      tpu.enqueue_dma source(%dma_start3A_24 : memref<80x64xi32, #tpu.memory_space<hbm>>) target(%arg7 : memref<80x64xi32, #tpu.memory_space<vmem>>) target_semaphore(%run_scoped3A : memref<!tpu.dma_semaphore, #tpu.memory_space<semaphore_mem>>)
      %dma_wait3A = arith.constant 80 : i32
      %dma_wait3A_25 = arith.constant 0 : i32
      %dma_wait3A_26 = tpu.memref_slice %arg3[%add3A, %dma_wait3A, %dma_wait3A_25] : memref<32x160x64xi32, #tpu.memory_space<hbm>> -> memref<1x80x64xi32, #tpu.memory_space<hbm>>
      %dma_wait3A_27 = tpu.memref_squeeze %dma_wait3A_26 : memref<1x80x64xi32, #tpu.memory_space<hbm>> -> memref<80x64xi32, #tpu.memory_space<hbm>>
      %dma_wait3A_28 = arith.constant 80 : i32
      %dma_wait3A_29 = arith.constant 0 : i32
      %dma_wait3A_30 = tpu.memref_slice %arg3[%add3A, %dma_wait3A_28, %dma_wait3A_29] : memref<32x160x64xi32, #tpu.memory_space<hbm>> -> memref<1x80x64xi32, #tpu.memory_space<hbm>>
      %dma_wait3A_31 = tpu.memref_squeeze %dma_wait3A_30 : memref<1x80x64xi32, #tpu.memory_space<hbm>> -> memref<80x64xi32, #tpu.memory_space<hbm>>
      tpu.wait_dma2 semaphore(%run_scoped3A : memref<!tpu.dma_semaphore, #tpu.memory_space<semaphore_mem>>) src(%dma_wait3A_31 : memref<80x64xi32, #tpu.memory_space<hbm>>) dst(%arg7 : memref<80x64xi32, #tpu.memory_space<vmem>>)
      tpu.yield
    }) : () -> ()
    "tpu.region"() ({
      %run_scoped3A = tpu.sem_alloc : memref<!tpu.dma_semaphore, #tpu.memory_space<semaphore_mem>>
      %dma_start3A = arith.constant 80 : i32
      %dma_start3A_18 = arith.constant 0 : i32
      %dma_start3A_19 = tpu.memref_slice %arg4[%add3A, %dma_start3A, %dma_start3A_18] : memref<32x160x64xi32, #tpu.memory_space<hbm>> -> memref<1x80x64xi32, #tpu.memory_space<hbm>>
      %dma_start3A_20 = tpu.memref_squeeze %dma_start3A_19 : memref<1x80x64xi32, #tpu.memory_space<hbm>> -> memref<80x64xi32, #tpu.memory_space<hbm>>
      %dma_start3A_21 = arith.constant 80 : i32
      %dma_start3A_22 = arith.constant 0 : i32
      %dma_start3A_23 = tpu.memref_slice %arg4[%add3A, %dma_start3A_21, %dma_start3A_22] : memref<32x160x64xi32, #tpu.memory_space<hbm>> -> memref<1x80x64xi32, #tpu.memory_space<hbm>>
      %dma_start3A_24 = tpu.memref_squeeze %dma_start3A_23 : memref<1x80x64xi32, #tpu.memory_space<hbm>> -> memref<80x64xi32, #tpu.memory_space<hbm>>
      tpu.enqueue_dma source(%dma_start3A_24 : memref<80x64xi32, #tpu.memory_space<hbm>>) target(%arg8 : memref<80x64xi32, #tpu.memory_space<vmem>>) target_semaphore(%run_scoped3A : memref<!tpu.dma_semaphore, #tpu.memory_space<semaphore_mem>>)
      %dma_wait3A = arith.constant 80 : i32
      %dma_wait3A_25 = arith.constant 0 : i32
      %dma_wait3A_26 = tpu.memref_slice %arg4[%add3A, %dma_wait3A, %dma_wait3A_25] : memref<32x160x64xi32, #tpu.memory_space<hbm>> -> memref<1x80x64xi32, #tpu.memory_space<hbm>>
      %dma_wait3A_27 = tpu.memref_squeeze %dma_wait3A_26 : memref<1x80x64xi32, #tpu.memory_space<hbm>> -> memref<80x64xi32, #tpu.memory_space<hbm>>
      %dma_wait3A_28 = arith.constant 80 : i32
      %dma_wait3A_29 = arith.constant 0 : i32
      %dma_wait3A_30 = tpu.memref_slice %arg4[%add3A, %dma_wait3A_28, %dma_wait3A_29] : memref<32x160x64xi32, #tpu.memory_space<hbm>> -> memref<1x80x64xi32, #tpu.memory_space<hbm>>
      %dma_wait3A_31 = tpu.memref_squeeze %dma_wait3A_30 : memref<1x80x64xi32, #tpu.memory_space<hbm>> -> memref<80x64xi32, #tpu.memory_space<hbm>>
      tpu.wait_dma2 semaphore(%run_scoped3A : memref<!tpu.dma_semaphore, #tpu.memory_space<semaphore_mem>>) src(%dma_wait3A_31 : memref<80x64xi32, #tpu.memory_space<hbm>>) dst(%arg8 : memref<80x64xi32, #tpu.memory_space<vmem>>)
      tpu.yield
    }) : () -> ()
    %scan3A_8 = arith.constant 0 : i32
    %scan3A_9 = arith.constant 0 : i32
    %scan3A_10 = arith.constant 40 : i32
    %scan3A_11 = arith.addi %scan3A_9, %scan3A_10 : i32
    %scan3A_12 = arith.constant 1 : i32
    scf.for %scan3A_18 = %scan3A_9 to %scan3A_11 step %scan3A_12  : i32 {
      %mul3A_19 = arith.constant 2 : i32
      %mul3A_20 = arith.muli %mul3A_19, %scan3A_18 : i32
      %add3A_21 = arith.constant 0 : i32
      %add3A_22 = arith.addi %mul3A_20, %add3A_21 : i32
      %mul3A_23 = arith.constant 2 : i32
      %mul3A_24 = arith.muli %mul3A_23, %scan3A_18 : i32
      %add3A_25 = arith.constant 1 : i32
      %add3A_26 = arith.addi %mul3A_24, %add3A_25 : i32
      %dma_start3A = arith.constant 0 : i32
      %dma_start3A_27 = arith.constant 0 : i32
      %dma_start3A_28 = tpu.memref_slice %arg9[%dma_start3A, %dma_start3A_27] : memref<128x128xf32, #tpu.memory_space<vmem>> -> memref<64x128xf32, #tpu.memory_space<vmem>>
      %dma_start3A_29 = arith.constant 0 : i32
      %dma_start3A_30 = tpu.memref_slice %arg7[%add3A_22, %dma_start3A_29] : memref<80x64xi32, #tpu.memory_space<vmem>> -> memref<1x64xi32, #tpu.memory_space<vmem>>
      %dma_start3A_31 = tpu.memref_squeeze %dma_start3A_30 : memref<1x64xi32, #tpu.memory_space<vmem>> -> memref<64xi32, #tpu.memory_space<vmem>>
      %dma_start3A_32 = arith.constant 0 : i32
      %dma_start3A_33 = arith.constant 0 : i32
      %dma_start3A_34 = tpu.memref_slice %arg2[%dma_start3A_32, %dma_start3A_33] : memref<10112x128xf32, #tpu.memory_space<hbm>> -> memref<10112x128xf32, #tpu.memory_space<hbm>>
      tpu.enqueue_indirect_dma source(%dma_start3A_34 : memref<10112x128xf32, #tpu.memory_space<hbm>>) target(%dma_start3A_28 : memref<64x128xf32, #tpu.memory_space<vmem>>) offsets(%dma_start3A_31 : memref<64xi32, #tpu.memory_space<vmem>>) semaphore(%arg11 : memref<!tpu.dma_semaphore, #tpu.memory_space<semaphore_mem>>)
      %dma_start3A_35 = arith.constant 64 : i32
      %dma_start3A_36 = arith.constant 0 : i32
      %dma_start3A_37 = tpu.memref_slice %arg9[%dma_start3A_35, %dma_start3A_36] : memref<128x128xf32, #tpu.memory_space<vmem>> -> memref<64x128xf32, #tpu.memory_space<vmem>>
      %dma_start3A_38 = arith.constant 0 : i32
      %dma_start3A_39 = tpu.memref_slice %arg7[%add3A_26, %dma_start3A_38] : memref<80x64xi32, #tpu.memory_space<vmem>> -> memref<1x64xi32, #tpu.memory_space<vmem>>
      %dma_start3A_40 = tpu.memref_squeeze %dma_start3A_39 : memref<1x64xi32, #tpu.memory_space<vmem>> -> memref<64xi32, #tpu.memory_space<vmem>>
      %dma_start3A_41 = arith.constant 0 : i32
      %dma_start3A_42 = arith.constant 0 : i32
      %dma_start3A_43 = tpu.memref_slice %arg2[%dma_start3A_41, %dma_start3A_42] : memref<10112x128xf32, #tpu.memory_space<hbm>> -> memref<10112x128xf32, #tpu.memory_space<hbm>>
      tpu.enqueue_indirect_dma source(%dma_start3A_43 : memref<10112x128xf32, #tpu.memory_space<hbm>>) target(%dma_start3A_37 : memref<64x128xf32, #tpu.memory_space<vmem>>) offsets(%dma_start3A_40 : memref<64xi32, #tpu.memory_space<vmem>>) semaphore(%arg12 : memref<!tpu.dma_semaphore, #tpu.memory_space<semaphore_mem>>)
      %dma_wait3A = arith.constant 0 : i32
      %dma_wait3A_44 = arith.constant 0 : i32
      %dma_wait3A_45 = tpu.memref_slice %arg9[%dma_wait3A, %dma_wait3A_44] : memref<128x128xf32, #tpu.memory_space<vmem>> -> memref<64x128xf32, #tpu.memory_space<vmem>>
      %dma_wait3A_46 = arith.constant 0 : i32
      %dma_wait3A_47 = tpu.memref_slice %arg7[%add3A_22, %dma_wait3A_46] : memref<80x64xi32, #tpu.memory_space<vmem>> -> memref<1x64xi32, #tpu.memory_space<vmem>>
      %dma_wait3A_48 = tpu.memref_squeeze %dma_wait3A_47 : memref<1x64xi32, #tpu.memory_space<vmem>> -> memref<64xi32, #tpu.memory_space<vmem>>
      %dma_wait3A_49 = arith.constant 0 : i32
      %dma_wait3A_50 = arith.constant 0 : i32
      %dma_wait3A_51 = tpu.memref_slice %arg2[%dma_wait3A_49, %dma_wait3A_50] : memref<10112x128xf32, #tpu.memory_space<hbm>> -> memref<10112x128xf32, #tpu.memory_space<hbm>>
      tpu.wait_indirect_dma semaphore(%arg11 : memref<!tpu.dma_semaphore, #tpu.memory_space<semaphore_mem>>) src(%dma_wait3A_51 : memref<10112x128xf32, #tpu.memory_space<hbm>>) dst(%dma_wait3A_45 : memref<64x128xf32, #tpu.memory_space<vmem>>)
      %dma_start3A_52 = arith.constant 0 : i32
      %dma_start3A_53 = arith.constant 0 : i32
      %dma_start3A_54 = tpu.memref_slice %arg9[%dma_start3A_52, %dma_start3A_53] : memref<128x128xf32, #tpu.memory_space<vmem>> -> memref<64x128xf32, #tpu.memory_space<vmem>>
      %dma_start3A_55 = arith.constant 0 : i32
      %dma_start3A_56 = tpu.memref_slice %arg8[%add3A_22, %dma_start3A_55] : memref<80x64xi32, #tpu.memory_space<vmem>> -> memref<1x64xi32, #tpu.memory_space<vmem>>
      %dma_start3A_57 = tpu.memref_squeeze %dma_start3A_56 : memref<1x64xi32, #tpu.memory_space<vmem>> -> memref<64xi32, #tpu.memory_space<vmem>>
      %dma_start3A_58 = arith.constant 0 : i32
      %dma_start3A_59 = arith.constant 0 : i32
      %dma_start3A_60 = tpu.memref_slice %arg10[%dma_start3A_58, %dma_start3A_59] : memref<10112x128xf32, #tpu.memory_space<vmem_shared>> -> memref<10112x128xf32, #tpu.memory_space<vmem_shared>>
      tpu.enqueue_indirect_dma source(%dma_start3A_54 : memref<64x128xf32, #tpu.memory_space<vmem>>) target(%dma_start3A_60 : memref<10112x128xf32, #tpu.memory_space<vmem_shared>>) offsets(%dma_start3A_57 : memref<64xi32, #tpu.memory_space<vmem>>) semaphore(%arg13 : memref<!tpu.dma_semaphore, #tpu.memory_space<semaphore_mem>>) {add = true}
      %dma_wait3A_61 = arith.constant 64 : i32
      %dma_wait3A_62 = arith.constant 0 : i32
      %dma_wait3A_63 = tpu.memref_slice %arg9[%dma_wait3A_61, %dma_wait3A_62] : memref<128x128xf32, #tpu.memory_space<vmem>> -> memref<64x128xf32, #tpu.memory_space<vmem>>
      %dma_wait3A_64 = arith.constant 0 : i32
      %dma_wait3A_65 = tpu.memref_slice %arg7[%add3A_26, %dma_wait3A_64] : memref<80x64xi32, #tpu.memory_space<vmem>> -> memref<1x64xi32, #tpu.memory_space<vmem>>
      %dma_wait3A_66 = tpu.memref_squeeze %dma_wait3A_65 : memref<1x64xi32, #tpu.memory_space<vmem>> -> memref<64xi32, #tpu.memory_space<vmem>>
      %dma_wait3A_67 = arith.constant 0 : i32
      %dma_wait3A_68 = arith.constant 0 : i32
      %dma_wait3A_69 = tpu.memref_slice %arg2[%dma_wait3A_67, %dma_wait3A_68] : memref<10112x128xf32, #tpu.memory_space<hbm>> -> memref<10112x128xf32, #tpu.memory_space<hbm>>
      tpu.wait_indirect_dma semaphore(%arg12 : memref<!tpu.dma_semaphore, #tpu.memory_space<semaphore_mem>>) src(%dma_wait3A_69 : memref<10112x128xf32, #tpu.memory_space<hbm>>) dst(%dma_wait3A_63 : memref<64x128xf32, #tpu.memory_space<vmem>>)
      %dma_start3A_70 = arith.constant 64 : i32
      %dma_start3A_71 = arith.constant 0 : i32
      %dma_start3A_72 = tpu.memref_slice %arg9[%dma_start3A_70, %dma_start3A_71] : memref<128x128xf32, #tpu.memory_space<vmem>> -> memref<64x128xf32, #tpu.memory_space<vmem>>
      %dma_start3A_73 = arith.constant 0 : i32
      %dma_start3A_74 = tpu.memref_slice %arg8[%add3A_26, %dma_start3A_73] : memref<80x64xi32, #tpu.memory_space<vmem>> -> memref<1x64xi32, #tpu.memory_space<vmem>>
      %dma_start3A_75 = tpu.memref_squeeze %dma_start3A_74 : memref<1x64xi32, #tpu.memory_space<vmem>> -> memref<64xi32, #tpu.memory_space<vmem>>
      %dma_start3A_76 = arith.constant 0 : i32
      %dma_start3A_77 = arith.constant 0 : i32
      %dma_start3A_78 = tpu.memref_slice %arg10[%dma_start3A_76, %dma_start3A_77] : memref<10112x128xf32, #tpu.memory_space<vmem_shared>> -> memref<10112x128xf32, #tpu.memory_space<vmem_shared>>
      tpu.enqueue_indirect_dma source(%dma_start3A_72 : memref<64x128xf32, #tpu.memory_space<vmem>>) target(%dma_start3A_78 : memref<10112x128xf32, #tpu.memory_space<vmem_shared>>) offsets(%dma_start3A_75 : memref<64xi32, #tpu.memory_space<vmem>>) semaphore(%arg14 : memref<!tpu.dma_semaphore, #tpu.memory_space<semaphore_mem>>) {add = true}
      %dma_wait3A_79 = arith.constant 0 : i32
      %dma_wait3A_80 = arith.constant 0 : i32
      %dma_wait3A_81 = tpu.memref_slice %arg9[%dma_wait3A_79, %dma_wait3A_80] : memref<128x128xf32, #tpu.memory_space<vmem>> -> memref<64x128xf32, #tpu.memory_space<vmem>>
      %dma_wait3A_82 = arith.constant 0 : i32
      %dma_wait3A_83 = tpu.memref_slice %arg8[%add3A_22, %dma_wait3A_82] : memref<80x64xi32, #tpu.memory_space<vmem>> -> memref<1x64xi32, #tpu.memory_space<vmem>>
      %dma_wait3A_84 = tpu.memref_squeeze %dma_wait3A_83 : memref<1x64xi32, #tpu.memory_space<vmem>> -> memref<64xi32, #tpu.memory_space<vmem>>
      %dma_wait3A_85 = arith.constant 0 : i32
      %dma_wait3A_86 = arith.constant 0 : i32
      %dma_wait3A_87 = tpu.memref_slice %arg10[%dma_wait3A_85, %dma_wait3A_86] : memref<10112x128xf32, #tpu.memory_space<vmem_shared>> -> memref<10112x128xf32, #tpu.memory_space<vmem_shared>>
      tpu.wait_indirect_dma semaphore(%arg13 : memref<!tpu.dma_semaphore, #tpu.memory_space<semaphore_mem>>) src(%dma_wait3A_81 : memref<64x128xf32, #tpu.memory_space<vmem>>) dst(%dma_wait3A_87 : memref<10112x128xf32, #tpu.memory_space<vmem_shared>>)
      %dma_wait3A_88 = arith.constant 64 : i32
      %dma_wait3A_89 = arith.constant 0 : i32
      %dma_wait3A_90 = tpu.memref_slice %arg9[%dma_wait3A_88, %dma_wait3A_89] : memref<128x128xf32, #tpu.memory_space<vmem>> -> memref<64x128xf32, #tpu.memory_space<vmem>>
      %dma_wait3A_91 = arith.constant 0 : i32
      %dma_wait3A_92 = tpu.memref_slice %arg8[%add3A_26, %dma_wait3A_91] : memref<80x64xi32, #tpu.memory_space<vmem>> -> memref<1x64xi32, #tpu.memory_space<vmem>>
      %dma_wait3A_93 = tpu.memref_squeeze %dma_wait3A_92 : memref<1x64xi32, #tpu.memory_space<vmem>> -> memref<64xi32, #tpu.memory_space<vmem>>
      %dma_wait3A_94 = arith.constant 0 : i32
      %dma_wait3A_95 = arith.constant 0 : i32
      %dma_wait3A_96 = tpu.memref_slice %arg10[%dma_wait3A_94, %dma_wait3A_95] : memref<10112x128xf32, #tpu.memory_space<vmem_shared>> -> memref<10112x128xf32, #tpu.memory_space<vmem_shared>>
      tpu.wait_indirect_dma semaphore(%arg14 : memref<!tpu.dma_semaphore, #tpu.memory_space<semaphore_mem>>) src(%dma_wait3A_90 : memref<64x128xf32, #tpu.memory_space<vmem>>) dst(%dma_wait3A_96 : memref<10112x128xf32, #tpu.memory_space<vmem_shared>>)
    }
    %scan3A_13 = arith.constant 40 : i32
    %barrier3A_14 = arith.constant 0 : index
    tpu.barrier barrier_id(%barrier3A_14)
    %mul3A_15 = arith.constant 10112 : i32
    %mul3A_16 = arith.muli %arg0, %mul3A_15 : i32
    %add3A_17 = arith.addi %mul3A_16, %mul3A_2 : i32
    "tpu.region"() ({
      %run_scoped3A = tpu.sem_alloc : memref<!tpu.dma_semaphore, #tpu.memory_space<semaphore_mem>>
      %dma_start3A = arith.constant 0 : i32
      %dma_start3A_18 = tpu.memref_slice %arg6[%add3A_17, %dma_start3A] : memref<20224x128xf32, #tpu.memory_space<hbm>> -> memref<632x128xf32, #tpu.memory_space<hbm>>
      %dma_start3A_19 = arith.constant 0 : i32
      %dma_start3A_20 = tpu.memref_slice %arg10[%mul3A_2, %dma_start3A_19] : memref<10112x128xf32, #tpu.memory_space<vmem_shared>> -> memref<632x128xf32, #tpu.memory_space<vmem_shared>>
      tpu.enqueue_dma source(%dma_start3A_20 : memref<632x128xf32, #tpu.memory_space<vmem_shared>>) target(%dma_start3A_18 : memref<632x128xf32, #tpu.memory_space<hbm>>) target_semaphore(%run_scoped3A : memref<!tpu.dma_semaphore, #tpu.memory_space<semaphore_mem>>)
      %dma_wait3A = arith.constant 0 : i32
      %dma_wait3A_21 = tpu.memref_slice %arg6[%add3A_17, %dma_wait3A] : memref<20224x128xf32, #tpu.memory_space<hbm>> -> memref<632x128xf32, #tpu.memory_space<hbm>>
      %dma_wait3A_22 = arith.constant 0 : i32
      %dma_wait3A_23 = tpu.memref_slice %arg10[%mul3A_2, %dma_wait3A_22] : memref<10112x128xf32, #tpu.memory_space<vmem_shared>> -> memref<632x128xf32, #tpu.memory_space<vmem_shared>>
      tpu.wait_dma2 semaphore(%run_scoped3A : memref<!tpu.dma_semaphore, #tpu.memory_space<semaphore_mem>>) src(%dma_wait3A_23 : memref<632x128xf32, #tpu.memory_space<vmem_shared>>) dst(%dma_wait3A_21 : memref<632x128xf32, #tpu.memory_space<hbm>>)
      tpu.yield
    }) : () -> ()
    return
  }
}

#map = affine_map<(d0, d1) -> (0, 0)>
#map1 = affine_map<(d0, d1) -> (0, 0, 0)>
module attributes {stable_mosaic.version = 14 : i64} {
  func.func @mp(%arg0: i32, %arg1: i32, %arg2: memref<10112x128xf32, #tpu.memory_space<hbm>>, %arg3: memref<32x160x64xi32, #tpu.memory_space<hbm>>, %arg4: memref<32x160x64xi32, #tpu.memory_space<hbm>>, %arg5: memref<632x128xf32, #tpu.memory_space<hbm>>, %arg6: memref<20224x128xf32, #tpu.memory_space<hbm>>, %arg7: memref<80x64xi32, #tpu.memory_space<vmem>>, %arg8: memref<80x64xi32, #tpu.memory_space<vmem>>, %arg9: memref<128x128xf32, #tpu.memory_space<vmem>>, %arg10: memref<10112x128xf32, #tpu.memory_space<vmem_shared>>, %arg11: memref<!tpu.dma_semaphore, #tpu.memory_space<semaphore_mem>>, %arg12: memref<!tpu.dma_semaphore, #tpu.memory_space<semaphore_mem>>, %arg13: memref<!tpu.dma_semaphore, #tpu.memory_space<semaphore_mem>>, %arg14: memref<!tpu.dma_semaphore, #tpu.memory_space<semaphore_mem>>) attributes {dimension_semantics = [#tpu.dimension_semantics<core_parallel>, #tpu.dimension_semantics<subcore_parallel>], iteration_bounds = array<i64: 2, 16>, scalar_prefetch = 0 : i64, scratch_operands = 8 : i64, tpu.core_type = #tpu.core_type<sc_vector_subcore>, window_params = [{transform_indices = #map}, {transform_indices = #map1}, {transform_indices = #map1}, {transform_indices = #map}, {transform_indices = #map}]} {
    %mul3A = arith.constant 16 : i32
    %mul3A_0 = arith.muli %arg0, %mul3A : i32
    %add3A = arith.addi %mul3A_0, %arg1 : i32
    %mul3A_1 = arith.constant 632 : i32
    %mul3A_2 = arith.muli %arg1, %mul3A_1 : i32
    "tpu.region"() ({
      %run_scoped3A = tpu.sem_alloc : memref<!tpu.dma_semaphore, #tpu.memory_space<semaphore_mem>>
      %dma_start3A = arith.constant 0 : i32
      %dma_start3A_18 = tpu.memref_slice %arg10[%mul3A_2, %dma_start3A] : memref<10112x128xf32, #tpu.memory_space<vmem_shared>> -> memref<632x128xf32, #tpu.memory_space<vmem_shared>>
      tpu.enqueue_dma source(%arg5 : memref<632x128xf32, #tpu.memory_space<hbm>>) target(%dma_start3A_18 : memref<632x128xf32, #tpu.memory_space<vmem_shared>>) target_semaphore(%run_scoped3A : memref<!tpu.dma_semaphore, #tpu.memory_space<semaphore_mem>>)
      %dma_wait3A = arith.constant 0 : i32
      %dma_wait3A_19 = tpu.memref_slice %arg10[%mul3A_2, %dma_wait3A] : memref<10112x128xf32, #tpu.memory_space<vmem_shared>> -> memref<632x128xf32, #tpu.memory_space<vmem_shared>>
      tpu.wait_dma2 semaphore(%run_scoped3A : memref<!tpu.dma_semaphore, #tpu.memory_space<semaphore_mem>>) src(%arg5 : memref<632x128xf32, #tpu.memory_space<hbm>>) dst(%dma_wait3A_19 : memref<632x128xf32, #tpu.memory_space<vmem_shared>>)
      tpu.yield
    }) : () -> ()
    %barrier3A = arith.constant 0 : index
    tpu.barrier barrier_id(%barrier3A)
    "tpu.region"() ({
      %run_scoped3A = tpu.sem_alloc : memref<!tpu.dma_semaphore, #tpu.memory_space<semaphore_mem>>
      %dma_start3A = arith.constant 0 : i32
      %dma_start3A_18 = arith.constant 0 : i32
      %dma_start3A_19 = tpu.memref_slice %arg3[%add3A, %dma_start3A, %dma_start3A_18] : memref<32x160x64xi32, #tpu.memory_space<hbm>> -> memref<1x80x64xi32, #tpu.memory_space<hbm>>
      %dma_start3A_20 = tpu.memref_squeeze %dma_start3A_19 : memref<1x80x64xi32, #tpu.memory_space<hbm>> -> memref<80x64xi32, #tpu.memory_space<hbm>>
      %dma_start3A_21 = arith.constant 0 : i32
      %dma_start3A_22 = arith.constant 0 : i32
      %dma_start3A_23 = tpu.memref_slice %arg3[%add3A, %dma_start3A_21, %dma_start3A_22] : memref<32x160x64xi32, #tpu.memory_space<hbm>> -> memref<1x80x64xi32, #tpu.memory_space<hbm>>
      %dma_start3A_24 = tpu.memref_squeeze %dma_start3A_23 : memref<1x80x64xi32, #tpu.memory_space<hbm>> -> memref<80x64xi32, #tpu.memory_space<hbm>>
      tpu.enqueue_dma source(%dma_start3A_24 : memref<80x64xi32, #tpu.memory_space<hbm>>) target(%arg7 : memref<80x64xi32, #tpu.memory_space<vmem>>) target_semaphore(%run_scoped3A : memref<!tpu.dma_semaphore, #tpu.memory_space<semaphore_mem>>)
      %dma_wait3A = arith.constant 0 : i32
      %dma_wait3A_25 = arith.constant 0 : i32
      %dma_wait3A_26 = tpu.memref_slice %arg3[%add3A, %dma_wait3A, %dma_wait3A_25] : memref<32x160x64xi32, #tpu.memory_space<hbm>> -> memref<1x80x64xi32, #tpu.memory_space<hbm>>
      %dma_wait3A_27 = tpu.memref_squeeze %dma_wait3A_26 : memref<1x80x64xi32, #tpu.memory_space<hbm>> -> memref<80x64xi32, #tpu.memory_space<hbm>>
      %dma_wait3A_28 = arith.constant 0 : i32
      %dma_wait3A_29 = arith.constant 0 : i32
      %dma_wait3A_30 = tpu.memref_slice %arg3[%add3A, %dma_wait3A_28, %dma_wait3A_29] : memref<32x160x64xi32, #tpu.memory_space<hbm>> -> memref<1x80x64xi32, #tpu.memory_space<hbm>>
      %dma_wait3A_31 = tpu.memref_squeeze %dma_wait3A_30 : memref<1x80x64xi32, #tpu.memory_space<hbm>> -> memref<80x64xi32, #tpu.memory_space<hbm>>
      tpu.wait_dma2 semaphore(%run_scoped3A : memref<!tpu.dma_semaphore, #tpu.memory_space<semaphore_mem>>) src(%dma_wait3A_31 : memref<80x64xi32, #tpu.memory_space<hbm>>) dst(%arg7 : memref<80x64xi32, #tpu.memory_space<vmem>>)
      tpu.yield
    }) : () -> ()
    "tpu.region"() ({
      %run_scoped3A = tpu.sem_alloc : memref<!tpu.dma_semaphore, #tpu.memory_space<semaphore_mem>>
      %dma_start3A = arith.constant 0 : i32
      %dma_start3A_18 = arith.constant 0 : i32
      %dma_start3A_19 = tpu.memref_slice %arg4[%add3A, %dma_start3A, %dma_start3A_18] : memref<32x160x64xi32, #tpu.memory_space<hbm>> -> memref<1x80x64xi32, #tpu.memory_space<hbm>>
      %dma_start3A_20 = tpu.memref_squeeze %dma_start3A_19 : memref<1x80x64xi32, #tpu.memory_space<hbm>> -> memref<80x64xi32, #tpu.memory_space<hbm>>
      %dma_start3A_21 = arith.constant 0 : i32
      %dma_start3A_22 = arith.constant 0 : i32
      %dma_start3A_23 = tpu.memref_slice %arg4[%add3A, %dma_start3A_21, %dma_start3A_22] : memref<32x160x64xi32, #tpu.memory_space<hbm>> -> memref<1x80x64xi32, #tpu.memory_space<hbm>>
      %dma_start3A_24 = tpu.memref_squeeze %dma_start3A_23 : memref<1x80x64xi32, #tpu.memory_space<hbm>> -> memref<80x64xi32, #tpu.memory_space<hbm>>
      tpu.enqueue_dma source(%dma_start3A_24 : memref<80x64xi32, #tpu.memory_space<hbm>>) target(%arg8 : memref<80x64xi32, #tpu.memory_space<vmem>>) target_semaphore(%run_scoped3A : memref<!tpu.dma_semaphore, #tpu.memory_space<semaphore_mem>>)
      %dma_wait3A = arith.constant 0 : i32
      %dma_wait3A_25 = arith.constant 0 : i32
      %dma_wait3A_26 = tpu.memref_slice %arg4[%add3A, %dma_wait3A, %dma_wait3A_25] : memref<32x160x64xi32, #tpu.memory_space<hbm>> -> memref<1x80x64xi32, #tpu.memory_space<hbm>>
      %dma_wait3A_27 = tpu.memref_squeeze %dma_wait3A_26 : memref<1x80x64xi32, #tpu.memory_space<hbm>> -> memref<80x64xi32, #tpu.memory_space<hbm>>
      %dma_wait3A_28 = arith.constant 0 : i32
      %dma_wait3A_29 = arith.constant 0 : i32
      %dma_wait3A_30 = tpu.memref_slice %arg4[%add3A, %dma_wait3A_28, %dma_wait3A_29] : memref<32x160x64xi32, #tpu.memory_space<hbm>> -> memref<1x80x64xi32, #tpu.memory_space<hbm>>
      %dma_wait3A_31 = tpu.memref_squeeze %dma_wait3A_30 : memref<1x80x64xi32, #tpu.memory_space<hbm>> -> memref<80x64xi32, #tpu.memory_space<hbm>>
      tpu.wait_dma2 semaphore(%run_scoped3A : memref<!tpu.dma_semaphore, #tpu.memory_space<semaphore_mem>>) src(%dma_wait3A_31 : memref<80x64xi32, #tpu.memory_space<hbm>>) dst(%arg8 : memref<80x64xi32, #tpu.memory_space<vmem>>)
      tpu.yield
    }) : () -> ()
    %scan3A = arith.constant 0 : i32
    %scan3A_3 = arith.constant 0 : i32
    %scan3A_4 = arith.constant 40 : i32
    %scan3A_5 = arith.addi %scan3A_3, %scan3A_4 : i32
    %scan3A_6 = arith.constant 1 : i32
    scf.for %scan3A_18 = %scan3A_3 to %scan3A_5 step %scan3A_6  : i32 {
      %mul3A_19 = arith.constant 2 : i32
      %mul3A_20 = arith.muli %mul3A_19, %scan3A_18 : i32
      %add3A_21 = arith.constant 0 : i32
      %add3A_22 = arith.addi %mul3A_20, %add3A_21 : i32
      %mul3A_23 = arith.constant 2 : i32
      %mul3A_24 = arith.muli %mul3A_23, %scan3A_18 : i32
      %add3A_25 = arith.constant 1 : i32
      %add3A_26 = arith.addi %mul3A_24, %add3A_25 : i32
      %dma_start3A = arith.constant 0 : i32
      %dma_start3A_27 = arith.constant 0 : i32
      %dma_start3A_28 = tpu.memref_slice %arg9[%dma_start3A, %dma_start3A_27] : memref<128x128xf32, #tpu.memory_space<vmem>> -> memref<64x128xf32, #tpu.memory_space<vmem>>
      %dma_start3A_29 = arith.constant 0 : i32
      %dma_start3A_30 = tpu.memref_slice %arg7[%add3A_22, %dma_start3A_29] : memref<80x64xi32, #tpu.memory_space<vmem>> -> memref<1x64xi32, #tpu.memory_space<vmem>>
      %dma_start3A_31 = tpu.memref_squeeze %dma_start3A_30 : memref<1x64xi32, #tpu.memory_space<vmem>> -> memref<64xi32, #tpu.memory_space<vmem>>
      %dma_start3A_32 = arith.constant 0 : i32
      %dma_start3A_33 = arith.constant 0 : i32
      %dma_start3A_34 = tpu.memref_slice %arg2[%dma_start3A_32, %dma_start3A_33] : memref<10112x128xf32, #tpu.memory_space<hbm>> -> memref<10112x128xf32, #tpu.memory_space<hbm>>
      tpu.enqueue_indirect_dma source(%dma_start3A_34 : memref<10112x128xf32, #tpu.memory_space<hbm>>) target(%dma_start3A_28 : memref<64x128xf32, #tpu.memory_space<vmem>>) offsets(%dma_start3A_31 : memref<64xi32, #tpu.memory_space<vmem>>) semaphore(%arg11 : memref<!tpu.dma_semaphore, #tpu.memory_space<semaphore_mem>>)
      %dma_start3A_35 = arith.constant 64 : i32
      %dma_start3A_36 = arith.constant 0 : i32
      %dma_start3A_37 = tpu.memref_slice %arg9[%dma_start3A_35, %dma_start3A_36] : memref<128x128xf32, #tpu.memory_space<vmem>> -> memref<64x128xf32, #tpu.memory_space<vmem>>
      %dma_start3A_38 = arith.constant 0 : i32
      %dma_start3A_39 = tpu.memref_slice %arg7[%add3A_26, %dma_start3A_38] : memref<80x64xi32, #tpu.memory_space<vmem>> -> memref<1x64xi32, #tpu.memory_space<vmem>>
      %dma_start3A_40 = tpu.memref_squeeze %dma_start3A_39 : memref<1x64xi32, #tpu.memory_space<vmem>> -> memref<64xi32, #tpu.memory_space<vmem>>
      %dma_start3A_41 = arith.constant 0 : i32
      %dma_start3A_42 = arith.constant 0 : i32
      %dma_start3A_43 = tpu.memref_slice %arg2[%dma_start3A_41, %dma_start3A_42] : memref<10112x128xf32, #tpu.memory_space<hbm>> -> memref<10112x128xf32, #tpu.memory_space<hbm>>
      tpu.enqueue_indirect_dma source(%dma_start3A_43 : memref<10112x128xf32, #tpu.memory_space<hbm>>) target(%dma_start3A_37 : memref<64x128xf32, #tpu.memory_space<vmem>>) offsets(%dma_start3A_40 : memref<64xi32, #tpu.memory_space<vmem>>) semaphore(%arg12 : memref<!tpu.dma_semaphore, #tpu.memory_space<semaphore_mem>>)
      %dma_wait3A = arith.constant 0 : i32
      %dma_wait3A_44 = arith.constant 0 : i32
      %dma_wait3A_45 = tpu.memref_slice %arg9[%dma_wait3A, %dma_wait3A_44] : memref<128x128xf32, #tpu.memory_space<vmem>> -> memref<64x128xf32, #tpu.memory_space<vmem>>
      %dma_wait3A_46 = arith.constant 0 : i32
      %dma_wait3A_47 = tpu.memref_slice %arg7[%add3A_22, %dma_wait3A_46] : memref<80x64xi32, #tpu.memory_space<vmem>> -> memref<1x64xi32, #tpu.memory_space<vmem>>
      %dma_wait3A_48 = tpu.memref_squeeze %dma_wait3A_47 : memref<1x64xi32, #tpu.memory_space<vmem>> -> memref<64xi32, #tpu.memory_space<vmem>>
      %dma_wait3A_49 = arith.constant 0 : i32
      %dma_wait3A_50 = arith.constant 0 : i32
      %dma_wait3A_51 = tpu.memref_slice %arg2[%dma_wait3A_49, %dma_wait3A_50] : memref<10112x128xf32, #tpu.memory_space<hbm>> -> memref<10112x128xf32, #tpu.memory_space<hbm>>
      tpu.wait_indirect_dma semaphore(%arg11 : memref<!tpu.dma_semaphore, #tpu.memory_space<semaphore_mem>>) src(%dma_wait3A_51 : memref<10112x128xf32, #tpu.memory_space<hbm>>) dst(%dma_wait3A_45 : memref<64x128xf32, #tpu.memory_space<vmem>>)
      %dma_start3A_52 = arith.constant 0 : i32
      %dma_start3A_53 = arith.constant 0 : i32
      %dma_start3A_54 = tpu.memref_slice %arg9[%dma_start3A_52, %dma_start3A_53] : memref<128x128xf32, #tpu.memory_space<vmem>> -> memref<64x128xf32, #tpu.memory_space<vmem>>
      %dma_start3A_55 = arith.constant 0 : i32
      %dma_start3A_56 = tpu.memref_slice %arg8[%add3A_22, %dma_start3A_55] : memref<80x64xi32, #tpu.memory_space<vmem>> -> memref<1x64xi32, #tpu.memory_space<vmem>>
      %dma_start3A_57 = tpu.memref_squeeze %dma_start3A_56 : memref<1x64xi32, #tpu.memory_space<vmem>> -> memref<64xi32, #tpu.memory_space<vmem>>
      %dma_start3A_58 = arith.constant 0 : i32
      %dma_start3A_59 = arith.constant 0 : i32
      %dma_start3A_60 = tpu.memref_slice %arg10[%dma_start3A_58, %dma_start3A_59] : memref<10112x128xf32, #tpu.memory_space<vmem_shared>> -> memref<10112x128xf32, #tpu.memory_space<vmem_shared>>
      tpu.enqueue_indirect_dma source(%dma_start3A_54 : memref<64x128xf32, #tpu.memory_space<vmem>>) target(%dma_start3A_60 : memref<10112x128xf32, #tpu.memory_space<vmem_shared>>) offsets(%dma_start3A_57 : memref<64xi32, #tpu.memory_space<vmem>>) semaphore(%arg13 : memref<!tpu.dma_semaphore, #tpu.memory_space<semaphore_mem>>) {add = true}
      %dma_wait3A_61 = arith.constant 64 : i32
      %dma_wait3A_62 = arith.constant 0 : i32
      %dma_wait3A_63 = tpu.memref_slice %arg9[%dma_wait3A_61, %dma_wait3A_62] : memref<128x128xf32, #tpu.memory_space<vmem>> -> memref<64x128xf32, #tpu.memory_space<vmem>>
      %dma_wait3A_64 = arith.constant 0 : i32
      %dma_wait3A_65 = tpu.memref_slice %arg7[%add3A_26, %dma_wait3A_64] : memref<80x64xi32, #tpu.memory_space<vmem>> -> memref<1x64xi32, #tpu.memory_space<vmem>>
      %dma_wait3A_66 = tpu.memref_squeeze %dma_wait3A_65 : memref<1x64xi32, #tpu.memory_space<vmem>> -> memref<64xi32, #tpu.memory_space<vmem>>
      %dma_wait3A_67 = arith.constant 0 : i32
      %dma_wait3A_68 = arith.constant 0 : i32
      %dma_wait3A_69 = tpu.memref_slice %arg2[%dma_wait3A_67, %dma_wait3A_68] : memref<10112x128xf32, #tpu.memory_space<hbm>> -> memref<10112x128xf32, #tpu.memory_space<hbm>>
      tpu.wait_indirect_dma semaphore(%arg12 : memref<!tpu.dma_semaphore, #tpu.memory_space<semaphore_mem>>) src(%dma_wait3A_69 : memref<10112x128xf32, #tpu.memory_space<hbm>>) dst(%dma_wait3A_63 : memref<64x128xf32, #tpu.memory_space<vmem>>)
      %dma_start3A_70 = arith.constant 64 : i32
      %dma_start3A_71 = arith.constant 0 : i32
      %dma_start3A_72 = tpu.memref_slice %arg9[%dma_start3A_70, %dma_start3A_71] : memref<128x128xf32, #tpu.memory_space<vmem>> -> memref<64x128xf32, #tpu.memory_space<vmem>>
      %dma_start3A_73 = arith.constant 0 : i32
      %dma_start3A_74 = tpu.memref_slice %arg8[%add3A_26, %dma_start3A_73] : memref<80x64xi32, #tpu.memory_space<vmem>> -> memref<1x64xi32, #tpu.memory_space<vmem>>
      %dma_start3A_75 = tpu.memref_squeeze %dma_start3A_74 : memref<1x64xi32, #tpu.memory_space<vmem>> -> memref<64xi32, #tpu.memory_space<vmem>>
      %dma_start3A_76 = arith.constant 0 : i32
      %dma_start3A_77 = arith.constant 0 : i32
      %dma_start3A_78 = tpu.memref_slice %arg10[%dma_start3A_76, %dma_start3A_77] : memref<10112x128xf32, #tpu.memory_space<vmem_shared>> -> memref<10112x128xf32, #tpu.memory_space<vmem_shared>>
      tpu.enqueue_indirect_dma source(%dma_start3A_72 : memref<64x128xf32, #tpu.memory_space<vmem>>) target(%dma_start3A_78 : memref<10112x128xf32, #tpu.memory_space<vmem_shared>>) offsets(%dma_start3A_75 : memref<64xi32, #tpu.memory_space<vmem>>) semaphore(%arg14 : memref<!tpu.dma_semaphore, #tpu.memory_space<semaphore_mem>>) {add = true}
      %dma_wait3A_79 = arith.constant 0 : i32
      %dma_wait3A_80 = arith.constant 0 : i32
      %dma_wait3A_81 = tpu.memref_slice %arg9[%dma_wait3A_79, %dma_wait3A_80] : memref<128x128xf32, #tpu.memory_space<vmem>> -> memref<64x128xf32, #tpu.memory_space<vmem>>
      %dma_wait3A_82 = arith.constant 0 : i32
      %dma_wait3A_83 = tpu.memref_slice %arg8[%add3A_22, %dma_wait3A_82] : memref<80x64xi32, #tpu.memory_space<vmem>> -> memref<1x64xi32, #tpu.memory_space<vmem>>
      %dma_wait3A_84 = tpu.memref_squeeze %dma_wait3A_83 : memref<1x64xi32, #tpu.memory_space<vmem>> -> memref<64xi32, #tpu.memory_space<vmem>>
      %dma_wait3A_85 = arith.constant 0 : i32
      %dma_wait3A_86 = arith.constant 0 : i32
      %dma_wait3A_87 = tpu.memref_slice %arg10[%dma_wait3A_85, %dma_wait3A_86] : memref<10112x128xf32, #tpu.memory_space<vmem_shared>> -> memref<10112x128xf32, #tpu.memory_space<vmem_shared>>
      tpu.wait_indirect_dma semaphore(%arg13 : memref<!tpu.dma_semaphore, #tpu.memory_space<semaphore_mem>>) src(%dma_wait3A_81 : memref<64x128xf32, #tpu.memory_space<vmem>>) dst(%dma_wait3A_87 : memref<10112x128xf32, #tpu.memory_space<vmem_shared>>)
      %dma_wait3A_88 = arith.constant 64 : i32
      %dma_wait3A_89 = arith.constant 0 : i32
      %dma_wait3A_90 = tpu.memref_slice %arg9[%dma_wait3A_88, %dma_wait3A_89] : memref<128x128xf32, #tpu.memory_space<vmem>> -> memref<64x128xf32, #tpu.memory_space<vmem>>
      %dma_wait3A_91 = arith.constant 0 : i32
      %dma_wait3A_92 = tpu.memref_slice %arg8[%add3A_26, %dma_wait3A_91] : memref<80x64xi32, #tpu.memory_space<vmem>> -> memref<1x64xi32, #tpu.memory_space<vmem>>
      %dma_wait3A_93 = tpu.memref_squeeze %dma_wait3A_92 : memref<1x64xi32, #tpu.memory_space<vmem>> -> memref<64xi32, #tpu.memory_space<vmem>>
      %dma_wait3A_94 = arith.constant 0 : i32
      %dma_wait3A_95 = arith.constant 0 : i32
      %dma_wait3A_96 = tpu.memref_slice %arg10[%dma_wait3A_94, %dma_wait3A_95] : memref<10112x128xf32, #tpu.memory_space<vmem_shared>> -> memref<10112x128xf32, #tpu.memory_space<vmem_shared>>
      tpu.wait_indirect_dma semaphore(%arg14 : memref<!tpu.dma_semaphore, #tpu.memory_space<semaphore_mem>>) src(%dma_wait3A_90 : memref<64x128xf32, #tpu.memory_space<vmem>>) dst(%dma_wait3A_96 : memref<10112x128xf32, #tpu.memory_space<vmem_shared>>)
    }
    %scan3A_7 = arith.constant 40 : i32
    "tpu.region"() ({
      %run_scoped3A = tpu.sem_alloc : memref<!tpu.dma_semaphore, #tpu.memory_space<semaphore_mem>>
      %dma_start3A = arith.constant 80 : i32
      %dma_start3A_18 = arith.constant 0 : i32
      %dma_start3A_19 = tpu.memref_slice %arg3[%add3A, %dma_start3A, %dma_start3A_18] : memref<32x160x64xi32, #tpu.memory_space<hbm>> -> memref<1x80x64xi32, #tpu.memory_space<hbm>>
      %dma_start3A_20 = tpu.memref_squeeze %dma_start3A_19 : memref<1x80x64xi32, #tpu.memory_space<hbm>> -> memref<80x64xi32, #tpu.memory_space<hbm>>
      %dma_start3A_21 = arith.constant 80 : i32
      %dma_start3A_22 = arith.constant 0 : i32
      %dma_start3A_23 = tpu.memref_slice %arg3[%add3A, %dma_start3A_21, %dma_start3A_22] : memref<32x160x64xi32, #tpu.memory_space<hbm>> -> memref<1x80x64xi32, #tpu.memory_space<hbm>>
      %dma_start3A_24 = tpu.memref_squeeze %dma_start3A_23 : memref<1x80x64xi32, #tpu.memory_space<hbm>> -> memref<80x64xi32, #tpu.memory_space<hbm>>
      tpu.enqueue_dma source(%dma_start3A_24 : memref<80x64xi32, #tpu.memory_space<hbm>>) target(%arg7 : memref<80x64xi32, #tpu.memory_space<vmem>>) target_semaphore(%run_scoped3A : memref<!tpu.dma_semaphore, #tpu.memory_space<semaphore_mem>>)
      %dma_wait3A = arith.constant 80 : i32
      %dma_wait3A_25 = arith.constant 0 : i32
      %dma_wait3A_26 = tpu.memref_slice %arg3[%add3A, %dma_wait3A, %dma_wait3A_25] : memref<32x160x64xi32, #tpu.memory_space<hbm>> -> memref<1x80x64xi32, #tpu.memory_space<hbm>>
      %dma_wait3A_27 = tpu.memref_squeeze %dma_wait3A_26 : memref<1x80x64xi32, #tpu.memory_space<hbm>> -> memref<80x64xi32, #tpu.memory_space<hbm>>
      %dma_wait3A_28 = arith.constant 80 : i32
      %dma_wait3A_29 = arith.constant 0 : i32
      %dma_wait3A_30 = tpu.memref_slice %arg3[%add3A, %dma_wait3A_28, %dma_wait3A_29] : memref<32x160x64xi32, #tpu.memory_space<hbm>> -> memref<1x80x64xi32, #tpu.memory_space<hbm>>
      %dma_wait3A_31 = tpu.memref_squeeze %dma_wait3A_30 : memref<1x80x64xi32, #tpu.memory_space<hbm>> -> memref<80x64xi32, #tpu.memory_space<hbm>>
      tpu.wait_dma2 semaphore(%run_scoped3A : memref<!tpu.dma_semaphore, #tpu.memory_space<semaphore_mem>>) src(%dma_wait3A_31 : memref<80x64xi32, #tpu.memory_space<hbm>>) dst(%arg7 : memref<80x64xi32, #tpu.memory_space<vmem>>)
      tpu.yield
    }) : () -> ()
    "tpu.region"() ({
      %run_scoped3A = tpu.sem_alloc : memref<!tpu.dma_semaphore, #tpu.memory_space<semaphore_mem>>
      %dma_start3A = arith.constant 80 : i32
      %dma_start3A_18 = arith.constant 0 : i32
      %dma_start3A_19 = tpu.memref_slice %arg4[%add3A, %dma_start3A, %dma_start3A_18] : memref<32x160x64xi32, #tpu.memory_space<hbm>> -> memref<1x80x64xi32, #tpu.memory_space<hbm>>
      %dma_start3A_20 = tpu.memref_squeeze %dma_start3A_19 : memref<1x80x64xi32, #tpu.memory_space<hbm>> -> memref<80x64xi32, #tpu.memory_space<hbm>>
      %dma_start3A_21 = arith.constant 80 : i32
      %dma_start3A_22 = arith.constant 0 : i32
      %dma_start3A_23 = tpu.memref_slice %arg4[%add3A, %dma_start3A_21, %dma_start3A_22] : memref<32x160x64xi32, #tpu.memory_space<hbm>> -> memref<1x80x64xi32, #tpu.memory_space<hbm>>
      %dma_start3A_24 = tpu.memref_squeeze %dma_start3A_23 : memref<1x80x64xi32, #tpu.memory_space<hbm>> -> memref<80x64xi32, #tpu.memory_space<hbm>>
      tpu.enqueue_dma source(%dma_start3A_24 : memref<80x64xi32, #tpu.memory_space<hbm>>) target(%arg8 : memref<80x64xi32, #tpu.memory_space<vmem>>) target_semaphore(%run_scoped3A : memref<!tpu.dma_semaphore, #tpu.memory_space<semaphore_mem>>)
      %dma_wait3A = arith.constant 80 : i32
      %dma_wait3A_25 = arith.constant 0 : i32
      %dma_wait3A_26 = tpu.memref_slice %arg4[%add3A, %dma_wait3A, %dma_wait3A_25] : memref<32x160x64xi32, #tpu.memory_space<hbm>> -> memref<1x80x64xi32, #tpu.memory_space<hbm>>
      %dma_wait3A_27 = tpu.memref_squeeze %dma_wait3A_26 : memref<1x80x64xi32, #tpu.memory_space<hbm>> -> memref<80x64xi32, #tpu.memory_space<hbm>>
      %dma_wait3A_28 = arith.constant 80 : i32
      %dma_wait3A_29 = arith.constant 0 : i32
      %dma_wait3A_30 = tpu.memref_slice %arg4[%add3A, %dma_wait3A_28, %dma_wait3A_29] : memref<32x160x64xi32, #tpu.memory_space<hbm>> -> memref<1x80x64xi32, #tpu.memory_space<hbm>>
      %dma_wait3A_31 = tpu.memref_squeeze %dma_wait3A_30 : memref<1x80x64xi32, #tpu.memory_space<hbm>> -> memref<80x64xi32, #tpu.memory_space<hbm>>
      tpu.wait_dma2 semaphore(%run_scoped3A : memref<!tpu.dma_semaphore, #tpu.memory_space<semaphore_mem>>) src(%dma_wait3A_31 : memref<80x64xi32, #tpu.memory_space<hbm>>) dst(%arg8 : memref<80x64xi32, #tpu.memory_space<vmem>>)
      tpu.yield
    }) : () -> ()
    %scan3A_8 = arith.constant 0 : i32
    %scan3A_9 = arith.constant 0 : i32
    %scan3A_10 = arith.constant 40 : i32
    %scan3A_11 = arith.addi %scan3A_9, %scan3A_10 : i32
    %scan3A_12 = arith.constant 1 : i32
    scf.for %scan3A_18 = %scan3A_9 to %scan3A_11 step %scan3A_12  : i32 {
      %mul3A_19 = arith.constant 2 : i32
      %mul3A_20 = arith.muli %mul3A_19, %scan3A_18 : i32
      %add3A_21 = arith.constant 0 : i32
      %add3A_22 = arith.addi %mul3A_20, %add3A_21 : i32
      %mul3A_23 = arith.constant 2 : i32
      %mul3A_24 = arith.muli %mul3A_23, %scan3A_18 : i32
      %add3A_25 = arith.constant 1 : i32
      %add3A_26 = arith.addi %mul3A_24, %add3A_25 : i32
      %dma_start3A = arith.constant 0 : i32
      %dma_start3A_27 = arith.constant 0 : i32
      %dma_start3A_28 = tpu.memref_slice %arg9[%dma_start3A, %dma_start3A_27] : memref<128x128xf32, #tpu.memory_space<vmem>> -> memref<64x128xf32, #tpu.memory_space<vmem>>
      %dma_start3A_29 = arith.constant 0 : i32
      %dma_start3A_30 = tpu.memref_slice %arg7[%add3A_22, %dma_start3A_29] : memref<80x64xi32, #tpu.memory_space<vmem>> -> memref<1x64xi32, #tpu.memory_space<vmem>>
      %dma_start3A_31 = tpu.memref_squeeze %dma_start3A_30 : memref<1x64xi32, #tpu.memory_space<vmem>> -> memref<64xi32, #tpu.memory_space<vmem>>
      %dma_start3A_32 = arith.constant 0 : i32
      %dma_start3A_33 = arith.constant 0 : i32
      %dma_start3A_34 = tpu.memref_slice %arg2[%dma_start3A_32, %dma_start3A_33] : memref<10112x128xf32, #tpu.memory_space<hbm>> -> memref<10112x128xf32, #tpu.memory_space<hbm>>
      tpu.enqueue_indirect_dma source(%dma_start3A_34 : memref<10112x128xf32, #tpu.memory_space<hbm>>) target(%dma_start3A_28 : memref<64x128xf32, #tpu.memory_space<vmem>>) offsets(%dma_start3A_31 : memref<64xi32, #tpu.memory_space<vmem>>) semaphore(%arg11 : memref<!tpu.dma_semaphore, #tpu.memory_space<semaphore_mem>>)
      %dma_start3A_35 = arith.constant 64 : i32
      %dma_start3A_36 = arith.constant 0 : i32
      %dma_start3A_37 = tpu.memref_slice %arg9[%dma_start3A_35, %dma_start3A_36] : memref<128x128xf32, #tpu.memory_space<vmem>> -> memref<64x128xf32, #tpu.memory_space<vmem>>
      %dma_start3A_38 = arith.constant 0 : i32
      %dma_start3A_39 = tpu.memref_slice %arg7[%add3A_26, %dma_start3A_38] : memref<80x64xi32, #tpu.memory_space<vmem>> -> memref<1x64xi32, #tpu.memory_space<vmem>>
      %dma_start3A_40 = tpu.memref_squeeze %dma_start3A_39 : memref<1x64xi32, #tpu.memory_space<vmem>> -> memref<64xi32, #tpu.memory_space<vmem>>
      %dma_start3A_41 = arith.constant 0 : i32
      %dma_start3A_42 = arith.constant 0 : i32
      %dma_start3A_43 = tpu.memref_slice %arg2[%dma_start3A_41, %dma_start3A_42] : memref<10112x128xf32, #tpu.memory_space<hbm>> -> memref<10112x128xf32, #tpu.memory_space<hbm>>
      tpu.enqueue_indirect_dma source(%dma_start3A_43 : memref<10112x128xf32, #tpu.memory_space<hbm>>) target(%dma_start3A_37 : memref<64x128xf32, #tpu.memory_space<vmem>>) offsets(%dma_start3A_40 : memref<64xi32, #tpu.memory_space<vmem>>) semaphore(%arg12 : memref<!tpu.dma_semaphore, #tpu.memory_space<semaphore_mem>>)
      %dma_wait3A = arith.constant 0 : i32
      %dma_wait3A_44 = arith.constant 0 : i32
      %dma_wait3A_45 = tpu.memref_slice %arg9[%dma_wait3A, %dma_wait3A_44] : memref<128x128xf32, #tpu.memory_space<vmem>> -> memref<64x128xf32, #tpu.memory_space<vmem>>
      %dma_wait3A_46 = arith.constant 0 : i32
      %dma_wait3A_47 = tpu.memref_slice %arg7[%add3A_22, %dma_wait3A_46] : memref<80x64xi32, #tpu.memory_space<vmem>> -> memref<1x64xi32, #tpu.memory_space<vmem>>
      %dma_wait3A_48 = tpu.memref_squeeze %dma_wait3A_47 : memref<1x64xi32, #tpu.memory_space<vmem>> -> memref<64xi32, #tpu.memory_space<vmem>>
      %dma_wait3A_49 = arith.constant 0 : i32
      %dma_wait3A_50 = arith.constant 0 : i32
      %dma_wait3A_51 = tpu.memref_slice %arg2[%dma_wait3A_49, %dma_wait3A_50] : memref<10112x128xf32, #tpu.memory_space<hbm>> -> memref<10112x128xf32, #tpu.memory_space<hbm>>
      tpu.wait_indirect_dma semaphore(%arg11 : memref<!tpu.dma_semaphore, #tpu.memory_space<semaphore_mem>>) src(%dma_wait3A_51 : memref<10112x128xf32, #tpu.memory_space<hbm>>) dst(%dma_wait3A_45 : memref<64x128xf32, #tpu.memory_space<vmem>>)
      %dma_start3A_52 = arith.constant 0 : i32
      %dma_start3A_53 = arith.constant 0 : i32
      %dma_start3A_54 = tpu.memref_slice %arg9[%dma_start3A_52, %dma_start3A_53] : memref<128x128xf32, #tpu.memory_space<vmem>> -> memref<64x128xf32, #tpu.memory_space<vmem>>
      %dma_start3A_55 = arith.constant 0 : i32
      %dma_start3A_56 = tpu.memref_slice %arg8[%add3A_22, %dma_start3A_55] : memref<80x64xi32, #tpu.memory_space<vmem>> -> memref<1x64xi32, #tpu.memory_space<vmem>>
      %dma_start3A_57 = tpu.memref_squeeze %dma_start3A_56 : memref<1x64xi32, #tpu.memory_space<vmem>> -> memref<64xi32, #tpu.memory_space<vmem>>
      %dma_start3A_58 = arith.constant 0 : i32
      %dma_start3A_59 = arith.constant 0 : i32
      %dma_start3A_60 = tpu.memref_slice %arg10[%dma_start3A_58, %dma_start3A_59] : memref<10112x128xf32, #tpu.memory_space<vmem_shared>> -> memref<10112x128xf32, #tpu.memory_space<vmem_shared>>
      tpu.enqueue_indirect_dma source(%dma_start3A_54 : memref<64x128xf32, #tpu.memory_space<vmem>>) target(%dma_start3A_60 : memref<10112x128xf32, #tpu.memory_space<vmem_shared>>) offsets(%dma_start3A_57 : memref<64xi32, #tpu.memory_space<vmem>>) semaphore(%arg13 : memref<!tpu.dma_semaphore, #tpu.memory_space<semaphore_mem>>) {add = true}
      %dma_wait3A_61 = arith.constant 64 : i32
      %dma_wait3A_62 = arith.constant 0 : i32
      %dma_wait3A_63 = tpu.memref_slice %arg9[%dma_wait3A_61, %dma_wait3A_62] : memref<128x128xf32, #tpu.memory_space<vmem>> -> memref<64x128xf32, #tpu.memory_space<vmem>>
      %dma_wait3A_64 = arith.constant 0 : i32
      %dma_wait3A_65 = tpu.memref_slice %arg7[%add3A_26, %dma_wait3A_64] : memref<80x64xi32, #tpu.memory_space<vmem>> -> memref<1x64xi32, #tpu.memory_space<vmem>>
      %dma_wait3A_66 = tpu.memref_squeeze %dma_wait3A_65 : memref<1x64xi32, #tpu.memory_space<vmem>> -> memref<64xi32, #tpu.memory_space<vmem>>
      %dma_wait3A_67 = arith.constant 0 : i32
      %dma_wait3A_68 = arith.constant 0 : i32
      %dma_wait3A_69 = tpu.memref_slice %arg2[%dma_wait3A_67, %dma_wait3A_68] : memref<10112x128xf32, #tpu.memory_space<hbm>> -> memref<10112x128xf32, #tpu.memory_space<hbm>>
      tpu.wait_indirect_dma semaphore(%arg12 : memref<!tpu.dma_semaphore, #tpu.memory_space<semaphore_mem>>) src(%dma_wait3A_69 : memref<10112x128xf32, #tpu.memory_space<hbm>>) dst(%dma_wait3A_63 : memref<64x128xf32, #tpu.memory_space<vmem>>)
      %dma_start3A_70 = arith.constant 64 : i32
      %dma_start3A_71 = arith.constant 0 : i32
      %dma_start3A_72 = tpu.memref_slice %arg9[%dma_start3A_70, %dma_start3A_71] : memref<128x128xf32, #tpu.memory_space<vmem>> -> memref<64x128xf32, #tpu.memory_space<vmem>>
      %dma_start3A_73 = arith.constant 0 : i32
      %dma_start3A_74 = tpu.memref_slice %arg8[%add3A_26, %dma_start3A_73] : memref<80x64xi32, #tpu.memory_space<vmem>> -> memref<1x64xi32, #tpu.memory_space<vmem>>
      %dma_start3A_75 = tpu.memref_squeeze %dma_start3A_74 : memref<1x64xi32, #tpu.memory_space<vmem>> -> memref<64xi32, #tpu.memory_space<vmem>>
      %dma_start3A_76 = arith.constant 0 : i32
      %dma_start3A_77 = arith.constant 0 : i32
      %dma_start3A_78 = tpu.memref_slice %arg10[%dma_start3A_76, %dma_start3A_77] : memref<10112x128xf32, #tpu.memory_space<vmem_shared>> -> memref<10112x128xf32, #tpu.memory_space<vmem_shared>>
      tpu.enqueue_indirect_dma source(%dma_start3A_72 : memref<64x128xf32, #tpu.memory_space<vmem>>) target(%dma_start3A_78 : memref<10112x128xf32, #tpu.memory_space<vmem_shared>>) offsets(%dma_start3A_75 : memref<64xi32, #tpu.memory_space<vmem>>) semaphore(%arg14 : memref<!tpu.dma_semaphore, #tpu.memory_space<semaphore_mem>>) {add = true}
      %dma_wait3A_79 = arith.constant 0 : i32
      %dma_wait3A_80 = arith.constant 0 : i32
      %dma_wait3A_81 = tpu.memref_slice %arg9[%dma_wait3A_79, %dma_wait3A_80] : memref<128x128xf32, #tpu.memory_space<vmem>> -> memref<64x128xf32, #tpu.memory_space<vmem>>
      %dma_wait3A_82 = arith.constant 0 : i32
      %dma_wait3A_83 = tpu.memref_slice %arg8[%add3A_22, %dma_wait3A_82] : memref<80x64xi32, #tpu.memory_space<vmem>> -> memref<1x64xi32, #tpu.memory_space<vmem>>
      %dma_wait3A_84 = tpu.memref_squeeze %dma_wait3A_83 : memref<1x64xi32, #tpu.memory_space<vmem>> -> memref<64xi32, #tpu.memory_space<vmem>>
      %dma_wait3A_85 = arith.constant 0 : i32
      %dma_wait3A_86 = arith.constant 0 : i32
      %dma_wait3A_87 = tpu.memref_slice %arg10[%dma_wait3A_85, %dma_wait3A_86] : memref<10112x128xf32, #tpu.memory_space<vmem_shared>> -> memref<10112x128xf32, #tpu.memory_space<vmem_shared>>
      tpu.wait_indirect_dma semaphore(%arg13 : memref<!tpu.dma_semaphore, #tpu.memory_space<semaphore_mem>>) src(%dma_wait3A_81 : memref<64x128xf32, #tpu.memory_space<vmem>>) dst(%dma_wait3A_87 : memref<10112x128xf32, #tpu.memory_space<vmem_shared>>)
      %dma_wait3A_88 = arith.constant 64 : i32
      %dma_wait3A_89 = arith.constant 0 : i32
      %dma_wait3A_90 = tpu.memref_slice %arg9[%dma_wait3A_88, %dma_wait3A_89] : memref<128x128xf32, #tpu.memory_space<vmem>> -> memref<64x128xf32, #tpu.memory_space<vmem>>
      %dma_wait3A_91 = arith.constant 0 : i32
      %dma_wait3A_92 = tpu.memref_slice %arg8[%add3A_26, %dma_wait3A_91] : memref<80x64xi32, #tpu.memory_space<vmem>> -> memref<1x64xi32, #tpu.memory_space<vmem>>
      %dma_wait3A_93 = tpu.memref_squeeze %dma_wait3A_92 : memref<1x64xi32, #tpu.memory_space<vmem>> -> memref<64xi32, #tpu.memory_space<vmem>>
      %dma_wait3A_94 = arith.constant 0 : i32
      %dma_wait3A_95 = arith.constant 0 : i32
      %dma_wait3A_96 = tpu.memref_slice %arg10[%dma_wait3A_94, %dma_wait3A_95] : memref<10112x128xf32, #tpu.memory_space<vmem_shared>> -> memref<10112x128xf32, #tpu.memory_space<vmem_shared>>
      tpu.wait_indirect_dma semaphore(%arg14 : memref<!tpu.dma_semaphore, #tpu.memory_space<semaphore_mem>>) src(%dma_wait3A_90 : memref<64x128xf32, #tpu.memory_space<vmem>>) dst(%dma_wait3A_96 : memref<10112x128xf32, #tpu.memory_space<vmem_shared>>)
    }
    %scan3A_13 = arith.constant 40 : i32
    %barrier3A_14 = arith.constant 0 : index
    tpu.barrier barrier_id(%barrier3A_14)
    %mul3A_15 = arith.constant 10112 : i32
    %mul3A_16 = arith.muli %arg0, %mul3A_15 : i32
    %add3A_17 = arith.addi %mul3A_16, %mul3A_2 : i32
    "tpu.region"() ({
      %run_scoped3A = tpu.sem_alloc : memref<!tpu.dma_semaphore, #tpu.memory_space<semaphore_mem>>
      %dma_start3A = arith.constant 0 : i32
      %dma_start3A_18 = tpu.memref_slice %arg6[%add3A_17, %dma_start3A] : memref<20224x128xf32, #tpu.memory_space<hbm>> -> memref<632x128xf32, #tpu.memory_space<hbm>>
      %dma_start3A_19 = arith.constant 0 : i32
      %dma_start3A_20 = tpu.memref_slice %arg10[%mul3A_2, %dma_start3A_19] : memref<10112x128xf32, #tpu.memory_space<vmem_shared>> -> memref<632x128xf32, #tpu.memory_space<vmem_shared>>
      tpu.enqueue_dma source(%dma_start3A_20 : memref<632x128xf32, #tpu.memory_space<vmem_shared>>) target(%dma_start3A_18 : memref<632x128xf32, #tpu.memory_space<hbm>>) target_semaphore(%run_scoped3A : memref<!tpu.dma_semaphore, #tpu.memory_space<semaphore_mem>>)
      %dma_wait3A = arith.constant 0 : i32
      %dma_wait3A_21 = tpu.memref_slice %arg6[%add3A_17, %dma_wait3A] : memref<20224x128xf32, #tpu.memory_space<hbm>> -> memref<632x128xf32, #tpu.memory_space<hbm>>
      %dma_wait3A_22 = arith.constant 0 : i32
      %dma_wait3A_23 = tpu.memref_slice %arg10[%mul3A_2, %dma_wait3A_22] : memref<10112x128xf32, #tpu.memory_space<vmem_shared>> -> memref<632x128xf32, #tpu.memory_space<vmem_shared>>
      tpu.wait_dma2 semaphore(%run_scoped3A : memref<!tpu.dma_semaphore, #tpu.memory_space<semaphore_mem>>) src(%dma_wait3A_23 : memref<632x128xf32, #tpu.memory_space<vmem_shared>>) dst(%dma_wait3A_21 : memref<632x128xf32, #tpu.memory_space<hbm>>)
      tpu.yield
    }) : () -> ()
    return
  }
}

#map = affine_map<(d0, d1) -> (0, 0)>
#map1 = affine_map<(d0, d1) -> (0, 0, 0)>
module attributes {stable_mosaic.version = 14 : i64} {
  func.func @mp(%arg0: i32, %arg1: i32, %arg2: memref<10112x128xf32, #tpu.memory_space<hbm>>, %arg3: memref<32x160x64xi32, #tpu.memory_space<hbm>>, %arg4: memref<32x160x64xi32, #tpu.memory_space<hbm>>, %arg5: memref<632x128xf32, #tpu.memory_space<hbm>>, %arg6: memref<20224x128xf32, #tpu.memory_space<hbm>>, %arg7: memref<80x64xi32, #tpu.memory_space<vmem>>, %arg8: memref<80x64xi32, #tpu.memory_space<vmem>>, %arg9: memref<128x128xf32, #tpu.memory_space<vmem>>, %arg10: memref<10112x128xf32, #tpu.memory_space<vmem_shared>>, %arg11: memref<!tpu.dma_semaphore, #tpu.memory_space<semaphore_mem>>, %arg12: memref<!tpu.dma_semaphore, #tpu.memory_space<semaphore_mem>>, %arg13: memref<!tpu.dma_semaphore, #tpu.memory_space<semaphore_mem>>, %arg14: memref<!tpu.dma_semaphore, #tpu.memory_space<semaphore_mem>>) attributes {dimension_semantics = [#tpu.dimension_semantics<core_parallel>, #tpu.dimension_semantics<subcore_parallel>], iteration_bounds = array<i64: 2, 16>, scalar_prefetch = 0 : i64, scratch_operands = 8 : i64, tpu.core_type = #tpu.core_type<sc_vector_subcore>, window_params = [{transform_indices = #map}, {transform_indices = #map1}, {transform_indices = #map1}, {transform_indices = #map}, {transform_indices = #map}]} {
    %mul3A = arith.constant 16 : i32
    %mul3A_0 = arith.muli %arg0, %mul3A : i32
    %add3A = arith.addi %mul3A_0, %arg1 : i32
    %mul3A_1 = arith.constant 632 : i32
    %mul3A_2 = arith.muli %arg1, %mul3A_1 : i32
    "tpu.region"() ({
      %run_scoped3A = tpu.sem_alloc : memref<!tpu.dma_semaphore, #tpu.memory_space<semaphore_mem>>
      %dma_start3A = arith.constant 0 : i32
      %dma_start3A_18 = tpu.memref_slice %arg10[%mul3A_2, %dma_start3A] : memref<10112x128xf32, #tpu.memory_space<vmem_shared>> -> memref<632x128xf32, #tpu.memory_space<vmem_shared>>
      tpu.enqueue_dma source(%arg5 : memref<632x128xf32, #tpu.memory_space<hbm>>) target(%dma_start3A_18 : memref<632x128xf32, #tpu.memory_space<vmem_shared>>) target_semaphore(%run_scoped3A : memref<!tpu.dma_semaphore, #tpu.memory_space<semaphore_mem>>)
      %dma_wait3A = arith.constant 0 : i32
      %dma_wait3A_19 = tpu.memref_slice %arg10[%mul3A_2, %dma_wait3A] : memref<10112x128xf32, #tpu.memory_space<vmem_shared>> -> memref<632x128xf32, #tpu.memory_space<vmem_shared>>
      tpu.wait_dma2 semaphore(%run_scoped3A : memref<!tpu.dma_semaphore, #tpu.memory_space<semaphore_mem>>) src(%arg5 : memref<632x128xf32, #tpu.memory_space<hbm>>) dst(%dma_wait3A_19 : memref<632x128xf32, #tpu.memory_space<vmem_shared>>)
      tpu.yield
    }) : () -> ()
    %barrier3A = arith.constant 0 : index
    tpu.barrier barrier_id(%barrier3A)
    "tpu.region"() ({
      %run_scoped3A = tpu.sem_alloc : memref<!tpu.dma_semaphore, #tpu.memory_space<semaphore_mem>>
      %dma_start3A = arith.constant 0 : i32
      %dma_start3A_18 = arith.constant 0 : i32
      %dma_start3A_19 = tpu.memref_slice %arg3[%add3A, %dma_start3A, %dma_start3A_18] : memref<32x160x64xi32, #tpu.memory_space<hbm>> -> memref<1x80x64xi32, #tpu.memory_space<hbm>>
      %dma_start3A_20 = tpu.memref_squeeze %dma_start3A_19 : memref<1x80x64xi32, #tpu.memory_space<hbm>> -> memref<80x64xi32, #tpu.memory_space<hbm>>
      %dma_start3A_21 = arith.constant 0 : i32
      %dma_start3A_22 = arith.constant 0 : i32
      %dma_start3A_23 = tpu.memref_slice %arg3[%add3A, %dma_start3A_21, %dma_start3A_22] : memref<32x160x64xi32, #tpu.memory_space<hbm>> -> memref<1x80x64xi32, #tpu.memory_space<hbm>>
      %dma_start3A_24 = tpu.memref_squeeze %dma_start3A_23 : memref<1x80x64xi32, #tpu.memory_space<hbm>> -> memref<80x64xi32, #tpu.memory_space<hbm>>
      tpu.enqueue_dma source(%dma_start3A_24 : memref<80x64xi32, #tpu.memory_space<hbm>>) target(%arg7 : memref<80x64xi32, #tpu.memory_space<vmem>>) target_semaphore(%run_scoped3A : memref<!tpu.dma_semaphore, #tpu.memory_space<semaphore_mem>>)
      %dma_wait3A = arith.constant 0 : i32
      %dma_wait3A_25 = arith.constant 0 : i32
      %dma_wait3A_26 = tpu.memref_slice %arg3[%add3A, %dma_wait3A, %dma_wait3A_25] : memref<32x160x64xi32, #tpu.memory_space<hbm>> -> memref<1x80x64xi32, #tpu.memory_space<hbm>>
      %dma_wait3A_27 = tpu.memref_squeeze %dma_wait3A_26 : memref<1x80x64xi32, #tpu.memory_space<hbm>> -> memref<80x64xi32, #tpu.memory_space<hbm>>
      %dma_wait3A_28 = arith.constant 0 : i32
      %dma_wait3A_29 = arith.constant 0 : i32
      %dma_wait3A_30 = tpu.memref_slice %arg3[%add3A, %dma_wait3A_28, %dma_wait3A_29] : memref<32x160x64xi32, #tpu.memory_space<hbm>> -> memref<1x80x64xi32, #tpu.memory_space<hbm>>
      %dma_wait3A_31 = tpu.memref_squeeze %dma_wait3A_30 : memref<1x80x64xi32, #tpu.memory_space<hbm>> -> memref<80x64xi32, #tpu.memory_space<hbm>>
      tpu.wait_dma2 semaphore(%run_scoped3A : memref<!tpu.dma_semaphore, #tpu.memory_space<semaphore_mem>>) src(%dma_wait3A_31 : memref<80x64xi32, #tpu.memory_space<hbm>>) dst(%arg7 : memref<80x64xi32, #tpu.memory_space<vmem>>)
      tpu.yield
    }) : () -> ()
    "tpu.region"() ({
      %run_scoped3A = tpu.sem_alloc : memref<!tpu.dma_semaphore, #tpu.memory_space<semaphore_mem>>
      %dma_start3A = arith.constant 0 : i32
      %dma_start3A_18 = arith.constant 0 : i32
      %dma_start3A_19 = tpu.memref_slice %arg4[%add3A, %dma_start3A, %dma_start3A_18] : memref<32x160x64xi32, #tpu.memory_space<hbm>> -> memref<1x80x64xi32, #tpu.memory_space<hbm>>
      %dma_start3A_20 = tpu.memref_squeeze %dma_start3A_19 : memref<1x80x64xi32, #tpu.memory_space<hbm>> -> memref<80x64xi32, #tpu.memory_space<hbm>>
      %dma_start3A_21 = arith.constant 0 : i32
      %dma_start3A_22 = arith.constant 0 : i32
      %dma_start3A_23 = tpu.memref_slice %arg4[%add3A, %dma_start3A_21, %dma_start3A_22] : memref<32x160x64xi32, #tpu.memory_space<hbm>> -> memref<1x80x64xi32, #tpu.memory_space<hbm>>
      %dma_start3A_24 = tpu.memref_squeeze %dma_start3A_23 : memref<1x80x64xi32, #tpu.memory_space<hbm>> -> memref<80x64xi32, #tpu.memory_space<hbm>>
      tpu.enqueue_dma source(%dma_start3A_24 : memref<80x64xi32, #tpu.memory_space<hbm>>) target(%arg8 : memref<80x64xi32, #tpu.memory_space<vmem>>) target_semaphore(%run_scoped3A : memref<!tpu.dma_semaphore, #tpu.memory_space<semaphore_mem>>)
      %dma_wait3A = arith.constant 0 : i32
      %dma_wait3A_25 = arith.constant 0 : i32
      %dma_wait3A_26 = tpu.memref_slice %arg4[%add3A, %dma_wait3A, %dma_wait3A_25] : memref<32x160x64xi32, #tpu.memory_space<hbm>> -> memref<1x80x64xi32, #tpu.memory_space<hbm>>
      %dma_wait3A_27 = tpu.memref_squeeze %dma_wait3A_26 : memref<1x80x64xi32, #tpu.memory_space<hbm>> -> memref<80x64xi32, #tpu.memory_space<hbm>>
      %dma_wait3A_28 = arith.constant 0 : i32
      %dma_wait3A_29 = arith.constant 0 : i32
      %dma_wait3A_30 = tpu.memref_slice %arg4[%add3A, %dma_wait3A_28, %dma_wait3A_29] : memref<32x160x64xi32, #tpu.memory_space<hbm>> -> memref<1x80x64xi32, #tpu.memory_space<hbm>>
      %dma_wait3A_31 = tpu.memref_squeeze %dma_wait3A_30 : memref<1x80x64xi32, #tpu.memory_space<hbm>> -> memref<80x64xi32, #tpu.memory_space<hbm>>
      tpu.wait_dma2 semaphore(%run_scoped3A : memref<!tpu.dma_semaphore, #tpu.memory_space<semaphore_mem>>) src(%dma_wait3A_31 : memref<80x64xi32, #tpu.memory_space<hbm>>) dst(%arg8 : memref<80x64xi32, #tpu.memory_space<vmem>>)
      tpu.yield
    }) : () -> ()
    %scan3A = arith.constant 0 : i32
    %scan3A_3 = arith.constant 0 : i32
    %scan3A_4 = arith.constant 40 : i32
    %scan3A_5 = arith.addi %scan3A_3, %scan3A_4 : i32
    %scan3A_6 = arith.constant 1 : i32
    scf.for %scan3A_18 = %scan3A_3 to %scan3A_5 step %scan3A_6  : i32 {
      %mul3A_19 = arith.constant 2 : i32
      %mul3A_20 = arith.muli %mul3A_19, %scan3A_18 : i32
      %add3A_21 = arith.constant 0 : i32
      %add3A_22 = arith.addi %mul3A_20, %add3A_21 : i32
      %mul3A_23 = arith.constant 2 : i32
      %mul3A_24 = arith.muli %mul3A_23, %scan3A_18 : i32
      %add3A_25 = arith.constant 1 : i32
      %add3A_26 = arith.addi %mul3A_24, %add3A_25 : i32
      %dma_start3A = arith.constant 0 : i32
      %dma_start3A_27 = arith.constant 0 : i32
      %dma_start3A_28 = tpu.memref_slice %arg9[%dma_start3A, %dma_start3A_27] : memref<128x128xf32, #tpu.memory_space<vmem>> -> memref<64x128xf32, #tpu.memory_space<vmem>>
      %dma_start3A_29 = arith.constant 0 : i32
      %dma_start3A_30 = tpu.memref_slice %arg7[%add3A_22, %dma_start3A_29] : memref<80x64xi32, #tpu.memory_space<vmem>> -> memref<1x64xi32, #tpu.memory_space<vmem>>
      %dma_start3A_31 = tpu.memref_squeeze %dma_start3A_30 : memref<1x64xi32, #tpu.memory_space<vmem>> -> memref<64xi32, #tpu.memory_space<vmem>>
      %dma_start3A_32 = arith.constant 0 : i32
      %dma_start3A_33 = arith.constant 0 : i32
      %dma_start3A_34 = tpu.memref_slice %arg2[%dma_start3A_32, %dma_start3A_33] : memref<10112x128xf32, #tpu.memory_space<hbm>> -> memref<10112x128xf32, #tpu.memory_space<hbm>>
      tpu.enqueue_indirect_dma source(%dma_start3A_34 : memref<10112x128xf32, #tpu.memory_space<hbm>>) target(%dma_start3A_28 : memref<64x128xf32, #tpu.memory_space<vmem>>) offsets(%dma_start3A_31 : memref<64xi32, #tpu.memory_space<vmem>>) semaphore(%arg11 : memref<!tpu.dma_semaphore, #tpu.memory_space<semaphore_mem>>)
      %dma_start3A_35 = arith.constant 64 : i32
      %dma_start3A_36 = arith.constant 0 : i32
      %dma_start3A_37 = tpu.memref_slice %arg9[%dma_start3A_35, %dma_start3A_36] : memref<128x128xf32, #tpu.memory_space<vmem>> -> memref<64x128xf32, #tpu.memory_space<vmem>>
      %dma_start3A_38 = arith.constant 0 : i32
      %dma_start3A_39 = tpu.memref_slice %arg7[%add3A_26, %dma_start3A_38] : memref<80x64xi32, #tpu.memory_space<vmem>> -> memref<1x64xi32, #tpu.memory_space<vmem>>
      %dma_start3A_40 = tpu.memref_squeeze %dma_start3A_39 : memref<1x64xi32, #tpu.memory_space<vmem>> -> memref<64xi32, #tpu.memory_space<vmem>>
      %dma_start3A_41 = arith.constant 0 : i32
      %dma_start3A_42 = arith.constant 0 : i32
      %dma_start3A_43 = tpu.memref_slice %arg2[%dma_start3A_41, %dma_start3A_42] : memref<10112x128xf32, #tpu.memory_space<hbm>> -> memref<10112x128xf32, #tpu.memory_space<hbm>>
      tpu.enqueue_indirect_dma source(%dma_start3A_43 : memref<10112x128xf32, #tpu.memory_space<hbm>>) target(%dma_start3A_37 : memref<64x128xf32, #tpu.memory_space<vmem>>) offsets(%dma_start3A_40 : memref<64xi32, #tpu.memory_space<vmem>>) semaphore(%arg12 : memref<!tpu.dma_semaphore, #tpu.memory_space<semaphore_mem>>)
      %dma_wait3A = arith.constant 0 : i32
      %dma_wait3A_44 = arith.constant 0 : i32
      %dma_wait3A_45 = tpu.memref_slice %arg9[%dma_wait3A, %dma_wait3A_44] : memref<128x128xf32, #tpu.memory_space<vmem>> -> memref<64x128xf32, #tpu.memory_space<vmem>>
      %dma_wait3A_46 = arith.constant 0 : i32
      %dma_wait3A_47 = tpu.memref_slice %arg7[%add3A_22, %dma_wait3A_46] : memref<80x64xi32, #tpu.memory_space<vmem>> -> memref<1x64xi32, #tpu.memory_space<vmem>>
      %dma_wait3A_48 = tpu.memref_squeeze %dma_wait3A_47 : memref<1x64xi32, #tpu.memory_space<vmem>> -> memref<64xi32, #tpu.memory_space<vmem>>
      %dma_wait3A_49 = arith.constant 0 : i32
      %dma_wait3A_50 = arith.constant 0 : i32
      %dma_wait3A_51 = tpu.memref_slice %arg2[%dma_wait3A_49, %dma_wait3A_50] : memref<10112x128xf32, #tpu.memory_space<hbm>> -> memref<10112x128xf32, #tpu.memory_space<hbm>>
      tpu.wait_indirect_dma semaphore(%arg11 : memref<!tpu.dma_semaphore, #tpu.memory_space<semaphore_mem>>) src(%dma_wait3A_51 : memref<10112x128xf32, #tpu.memory_space<hbm>>) dst(%dma_wait3A_45 : memref<64x128xf32, #tpu.memory_space<vmem>>)
      %dma_start3A_52 = arith.constant 0 : i32
      %dma_start3A_53 = arith.constant 0 : i32
      %dma_start3A_54 = tpu.memref_slice %arg9[%dma_start3A_52, %dma_start3A_53] : memref<128x128xf32, #tpu.memory_space<vmem>> -> memref<64x128xf32, #tpu.memory_space<vmem>>
      %dma_start3A_55 = arith.constant 0 : i32
      %dma_start3A_56 = tpu.memref_slice %arg8[%add3A_22, %dma_start3A_55] : memref<80x64xi32, #tpu.memory_space<vmem>> -> memref<1x64xi32, #tpu.memory_space<vmem>>
      %dma_start3A_57 = tpu.memref_squeeze %dma_start3A_56 : memref<1x64xi32, #tpu.memory_space<vmem>> -> memref<64xi32, #tpu.memory_space<vmem>>
      %dma_start3A_58 = arith.constant 0 : i32
      %dma_start3A_59 = arith.constant 0 : i32
      %dma_start3A_60 = tpu.memref_slice %arg10[%dma_start3A_58, %dma_start3A_59] : memref<10112x128xf32, #tpu.memory_space<vmem_shared>> -> memref<10112x128xf32, #tpu.memory_space<vmem_shared>>
      tpu.enqueue_indirect_dma source(%dma_start3A_54 : memref<64x128xf32, #tpu.memory_space<vmem>>) target(%dma_start3A_60 : memref<10112x128xf32, #tpu.memory_space<vmem_shared>>) offsets(%dma_start3A_57 : memref<64xi32, #tpu.memory_space<vmem>>) semaphore(%arg13 : memref<!tpu.dma_semaphore, #tpu.memory_space<semaphore_mem>>) {add = true}
      %dma_wait3A_61 = arith.constant 64 : i32
      %dma_wait3A_62 = arith.constant 0 : i32
      %dma_wait3A_63 = tpu.memref_slice %arg9[%dma_wait3A_61, %dma_wait3A_62] : memref<128x128xf32, #tpu.memory_space<vmem>> -> memref<64x128xf32, #tpu.memory_space<vmem>>
      %dma_wait3A_64 = arith.constant 0 : i32
      %dma_wait3A_65 = tpu.memref_slice %arg7[%add3A_26, %dma_wait3A_64] : memref<80x64xi32, #tpu.memory_space<vmem>> -> memref<1x64xi32, #tpu.memory_space<vmem>>
      %dma_wait3A_66 = tpu.memref_squeeze %dma_wait3A_65 : memref<1x64xi32, #tpu.memory_space<vmem>> -> memref<64xi32, #tpu.memory_space<vmem>>
      %dma_wait3A_67 = arith.constant 0 : i32
      %dma_wait3A_68 = arith.constant 0 : i32
      %dma_wait3A_69 = tpu.memref_slice %arg2[%dma_wait3A_67, %dma_wait3A_68] : memref<10112x128xf32, #tpu.memory_space<hbm>> -> memref<10112x128xf32, #tpu.memory_space<hbm>>
      tpu.wait_indirect_dma semaphore(%arg12 : memref<!tpu.dma_semaphore, #tpu.memory_space<semaphore_mem>>) src(%dma_wait3A_69 : memref<10112x128xf32, #tpu.memory_space<hbm>>) dst(%dma_wait3A_63 : memref<64x128xf32, #tpu.memory_space<vmem>>)
      %dma_start3A_70 = arith.constant 64 : i32
      %dma_start3A_71 = arith.constant 0 : i32
      %dma_start3A_72 = tpu.memref_slice %arg9[%dma_start3A_70, %dma_start3A_71] : memref<128x128xf32, #tpu.memory_space<vmem>> -> memref<64x128xf32, #tpu.memory_space<vmem>>
      %dma_start3A_73 = arith.constant 0 : i32
      %dma_start3A_74 = tpu.memref_slice %arg8[%add3A_26, %dma_start3A_73] : memref<80x64xi32, #tpu.memory_space<vmem>> -> memref<1x64xi32, #tpu.memory_space<vmem>>
      %dma_start3A_75 = tpu.memref_squeeze %dma_start3A_74 : memref<1x64xi32, #tpu.memory_space<vmem>> -> memref<64xi32, #tpu.memory_space<vmem>>
      %dma_start3A_76 = arith.constant 0 : i32
      %dma_start3A_77 = arith.constant 0 : i32
      %dma_start3A_78 = tpu.memref_slice %arg10[%dma_start3A_76, %dma_start3A_77] : memref<10112x128xf32, #tpu.memory_space<vmem_shared>> -> memref<10112x128xf32, #tpu.memory_space<vmem_shared>>
      tpu.enqueue_indirect_dma source(%dma_start3A_72 : memref<64x128xf32, #tpu.memory_space<vmem>>) target(%dma_start3A_78 : memref<10112x128xf32, #tpu.memory_space<vmem_shared>>) offsets(%dma_start3A_75 : memref<64xi32, #tpu.memory_space<vmem>>) semaphore(%arg14 : memref<!tpu.dma_semaphore, #tpu.memory_space<semaphore_mem>>) {add = true}
      %dma_wait3A_79 = arith.constant 0 : i32
      %dma_wait3A_80 = arith.constant 0 : i32
      %dma_wait3A_81 = tpu.memref_slice %arg9[%dma_wait3A_79, %dma_wait3A_80] : memref<128x128xf32, #tpu.memory_space<vmem>> -> memref<64x128xf32, #tpu.memory_space<vmem>>
      %dma_wait3A_82 = arith.constant 0 : i32
      %dma_wait3A_83 = tpu.memref_slice %arg8[%add3A_22, %dma_wait3A_82] : memref<80x64xi32, #tpu.memory_space<vmem>> -> memref<1x64xi32, #tpu.memory_space<vmem>>
      %dma_wait3A_84 = tpu.memref_squeeze %dma_wait3A_83 : memref<1x64xi32, #tpu.memory_space<vmem>> -> memref<64xi32, #tpu.memory_space<vmem>>
      %dma_wait3A_85 = arith.constant 0 : i32
      %dma_wait3A_86 = arith.constant 0 : i32
      %dma_wait3A_87 = tpu.memref_slice %arg10[%dma_wait3A_85, %dma_wait3A_86] : memref<10112x128xf32, #tpu.memory_space<vmem_shared>> -> memref<10112x128xf32, #tpu.memory_space<vmem_shared>>
      tpu.wait_indirect_dma semaphore(%arg13 : memref<!tpu.dma_semaphore, #tpu.memory_space<semaphore_mem>>) src(%dma_wait3A_81 : memref<64x128xf32, #tpu.memory_space<vmem>>) dst(%dma_wait3A_87 : memref<10112x128xf32, #tpu.memory_space<vmem_shared>>)
      %dma_wait3A_88 = arith.constant 64 : i32
      %dma_wait3A_89 = arith.constant 0 : i32
      %dma_wait3A_90 = tpu.memref_slice %arg9[%dma_wait3A_88, %dma_wait3A_89] : memref<128x128xf32, #tpu.memory_space<vmem>> -> memref<64x128xf32, #tpu.memory_space<vmem>>
      %dma_wait3A_91 = arith.constant 0 : i32
      %dma_wait3A_92 = tpu.memref_slice %arg8[%add3A_26, %dma_wait3A_91] : memref<80x64xi32, #tpu.memory_space<vmem>> -> memref<1x64xi32, #tpu.memory_space<vmem>>
      %dma_wait3A_93 = tpu.memref_squeeze %dma_wait3A_92 : memref<1x64xi32, #tpu.memory_space<vmem>> -> memref<64xi32, #tpu.memory_space<vmem>>
      %dma_wait3A_94 = arith.constant 0 : i32
      %dma_wait3A_95 = arith.constant 0 : i32
      %dma_wait3A_96 = tpu.memref_slice %arg10[%dma_wait3A_94, %dma_wait3A_95] : memref<10112x128xf32, #tpu.memory_space<vmem_shared>> -> memref<10112x128xf32, #tpu.memory_space<vmem_shared>>
      tpu.wait_indirect_dma semaphore(%arg14 : memref<!tpu.dma_semaphore, #tpu.memory_space<semaphore_mem>>) src(%dma_wait3A_90 : memref<64x128xf32, #tpu.memory_space<vmem>>) dst(%dma_wait3A_96 : memref<10112x128xf32, #tpu.memory_space<vmem_shared>>)
    }
    %scan3A_7 = arith.constant 40 : i32
    "tpu.region"() ({
      %run_scoped3A = tpu.sem_alloc : memref<!tpu.dma_semaphore, #tpu.memory_space<semaphore_mem>>
      %dma_start3A = arith.constant 80 : i32
      %dma_start3A_18 = arith.constant 0 : i32
      %dma_start3A_19 = tpu.memref_slice %arg3[%add3A, %dma_start3A, %dma_start3A_18] : memref<32x160x64xi32, #tpu.memory_space<hbm>> -> memref<1x80x64xi32, #tpu.memory_space<hbm>>
      %dma_start3A_20 = tpu.memref_squeeze %dma_start3A_19 : memref<1x80x64xi32, #tpu.memory_space<hbm>> -> memref<80x64xi32, #tpu.memory_space<hbm>>
      %dma_start3A_21 = arith.constant 80 : i32
      %dma_start3A_22 = arith.constant 0 : i32
      %dma_start3A_23 = tpu.memref_slice %arg3[%add3A, %dma_start3A_21, %dma_start3A_22] : memref<32x160x64xi32, #tpu.memory_space<hbm>> -> memref<1x80x64xi32, #tpu.memory_space<hbm>>
      %dma_start3A_24 = tpu.memref_squeeze %dma_start3A_23 : memref<1x80x64xi32, #tpu.memory_space<hbm>> -> memref<80x64xi32, #tpu.memory_space<hbm>>
      tpu.enqueue_dma source(%dma_start3A_24 : memref<80x64xi32, #tpu.memory_space<hbm>>) target(%arg7 : memref<80x64xi32, #tpu.memory_space<vmem>>) target_semaphore(%run_scoped3A : memref<!tpu.dma_semaphore, #tpu.memory_space<semaphore_mem>>)
      %dma_wait3A = arith.constant 80 : i32
      %dma_wait3A_25 = arith.constant 0 : i32
      %dma_wait3A_26 = tpu.memref_slice %arg3[%add3A, %dma_wait3A, %dma_wait3A_25] : memref<32x160x64xi32, #tpu.memory_space<hbm>> -> memref<1x80x64xi32, #tpu.memory_space<hbm>>
      %dma_wait3A_27 = tpu.memref_squeeze %dma_wait3A_26 : memref<1x80x64xi32, #tpu.memory_space<hbm>> -> memref<80x64xi32, #tpu.memory_space<hbm>>
      %dma_wait3A_28 = arith.constant 80 : i32
      %dma_wait3A_29 = arith.constant 0 : i32
      %dma_wait3A_30 = tpu.memref_slice %arg3[%add3A, %dma_wait3A_28, %dma_wait3A_29] : memref<32x160x64xi32, #tpu.memory_space<hbm>> -> memref<1x80x64xi32, #tpu.memory_space<hbm>>
      %dma_wait3A_31 = tpu.memref_squeeze %dma_wait3A_30 : memref<1x80x64xi32, #tpu.memory_space<hbm>> -> memref<80x64xi32, #tpu.memory_space<hbm>>
      tpu.wait_dma2 semaphore(%run_scoped3A : memref<!tpu.dma_semaphore, #tpu.memory_space<semaphore_mem>>) src(%dma_wait3A_31 : memref<80x64xi32, #tpu.memory_space<hbm>>) dst(%arg7 : memref<80x64xi32, #tpu.memory_space<vmem>>)
      tpu.yield
    }) : () -> ()
    "tpu.region"() ({
      %run_scoped3A = tpu.sem_alloc : memref<!tpu.dma_semaphore, #tpu.memory_space<semaphore_mem>>
      %dma_start3A = arith.constant 80 : i32
      %dma_start3A_18 = arith.constant 0 : i32
      %dma_start3A_19 = tpu.memref_slice %arg4[%add3A, %dma_start3A, %dma_start3A_18] : memref<32x160x64xi32, #tpu.memory_space<hbm>> -> memref<1x80x64xi32, #tpu.memory_space<hbm>>
      %dma_start3A_20 = tpu.memref_squeeze %dma_start3A_19 : memref<1x80x64xi32, #tpu.memory_space<hbm>> -> memref<80x64xi32, #tpu.memory_space<hbm>>
      %dma_start3A_21 = arith.constant 80 : i32
      %dma_start3A_22 = arith.constant 0 : i32
      %dma_start3A_23 = tpu.memref_slice %arg4[%add3A, %dma_start3A_21, %dma_start3A_22] : memref<32x160x64xi32, #tpu.memory_space<hbm>> -> memref<1x80x64xi32, #tpu.memory_space<hbm>>
      %dma_start3A_24 = tpu.memref_squeeze %dma_start3A_23 : memref<1x80x64xi32, #tpu.memory_space<hbm>> -> memref<80x64xi32, #tpu.memory_space<hbm>>
      tpu.enqueue_dma source(%dma_start3A_24 : memref<80x64xi32, #tpu.memory_space<hbm>>) target(%arg8 : memref<80x64xi32, #tpu.memory_space<vmem>>) target_semaphore(%run_scoped3A : memref<!tpu.dma_semaphore, #tpu.memory_space<semaphore_mem>>)
      %dma_wait3A = arith.constant 80 : i32
      %dma_wait3A_25 = arith.constant 0 : i32
      %dma_wait3A_26 = tpu.memref_slice %arg4[%add3A, %dma_wait3A, %dma_wait3A_25] : memref<32x160x64xi32, #tpu.memory_space<hbm>> -> memref<1x80x64xi32, #tpu.memory_space<hbm>>
      %dma_wait3A_27 = tpu.memref_squeeze %dma_wait3A_26 : memref<1x80x64xi32, #tpu.memory_space<hbm>> -> memref<80x64xi32, #tpu.memory_space<hbm>>
      %dma_wait3A_28 = arith.constant 80 : i32
      %dma_wait3A_29 = arith.constant 0 : i32
      %dma_wait3A_30 = tpu.memref_slice %arg4[%add3A, %dma_wait3A_28, %dma_wait3A_29] : memref<32x160x64xi32, #tpu.memory_space<hbm>> -> memref<1x80x64xi32, #tpu.memory_space<hbm>>
      %dma_wait3A_31 = tpu.memref_squeeze %dma_wait3A_30 : memref<1x80x64xi32, #tpu.memory_space<hbm>> -> memref<80x64xi32, #tpu.memory_space<hbm>>
      tpu.wait_dma2 semaphore(%run_scoped3A : memref<!tpu.dma_semaphore, #tpu.memory_space<semaphore_mem>>) src(%dma_wait3A_31 : memref<80x64xi32, #tpu.memory_space<hbm>>) dst(%arg8 : memref<80x64xi32, #tpu.memory_space<vmem>>)
      tpu.yield
    }) : () -> ()
    %scan3A_8 = arith.constant 0 : i32
    %scan3A_9 = arith.constant 0 : i32
    %scan3A_10 = arith.constant 40 : i32
    %scan3A_11 = arith.addi %scan3A_9, %scan3A_10 : i32
    %scan3A_12 = arith.constant 1 : i32
    scf.for %scan3A_18 = %scan3A_9 to %scan3A_11 step %scan3A_12  : i32 {
      %mul3A_19 = arith.constant 2 : i32
      %mul3A_20 = arith.muli %mul3A_19, %scan3A_18 : i32
      %add3A_21 = arith.constant 0 : i32
      %add3A_22 = arith.addi %mul3A_20, %add3A_21 : i32
      %mul3A_23 = arith.constant 2 : i32
      %mul3A_24 = arith.muli %mul3A_23, %scan3A_18 : i32
      %add3A_25 = arith.constant 1 : i32
      %add3A_26 = arith.addi %mul3A_24, %add3A_25 : i32
      %dma_start3A = arith.constant 0 : i32
      %dma_start3A_27 = arith.constant 0 : i32
      %dma_start3A_28 = tpu.memref_slice %arg9[%dma_start3A, %dma_start3A_27] : memref<128x128xf32, #tpu.memory_space<vmem>> -> memref<64x128xf32, #tpu.memory_space<vmem>>
      %dma_start3A_29 = arith.constant 0 : i32
      %dma_start3A_30 = tpu.memref_slice %arg7[%add3A_22, %dma_start3A_29] : memref<80x64xi32, #tpu.memory_space<vmem>> -> memref<1x64xi32, #tpu.memory_space<vmem>>
      %dma_start3A_31 = tpu.memref_squeeze %dma_start3A_30 : memref<1x64xi32, #tpu.memory_space<vmem>> -> memref<64xi32, #tpu.memory_space<vmem>>
      %dma_start3A_32 = arith.constant 0 : i32
      %dma_start3A_33 = arith.constant 0 : i32
      %dma_start3A_34 = tpu.memref_slice %arg2[%dma_start3A_32, %dma_start3A_33] : memref<10112x128xf32, #tpu.memory_space<hbm>> -> memref<10112x128xf32, #tpu.memory_space<hbm>>
      tpu.enqueue_indirect_dma source(%dma_start3A_34 : memref<10112x128xf32, #tpu.memory_space<hbm>>) target(%dma_start3A_28 : memref<64x128xf32, #tpu.memory_space<vmem>>) offsets(%dma_start3A_31 : memref<64xi32, #tpu.memory_space<vmem>>) semaphore(%arg11 : memref<!tpu.dma_semaphore, #tpu.memory_space<semaphore_mem>>)
      %dma_start3A_35 = arith.constant 64 : i32
      %dma_start3A_36 = arith.constant 0 : i32
      %dma_start3A_37 = tpu.memref_slice %arg9[%dma_start3A_35, %dma_start3A_36] : memref<128x128xf32, #tpu.memory_space<vmem>> -> memref<64x128xf32, #tpu.memory_space<vmem>>
      %dma_start3A_38 = arith.constant 0 : i32
      %dma_start3A_39 = tpu.memref_slice %arg7[%add3A_26, %dma_start3A_38] : memref<80x64xi32, #tpu.memory_space<vmem>> -> memref<1x64xi32, #tpu.memory_space<vmem>>
      %dma_start3A_40 = tpu.memref_squeeze %dma_start3A_39 : memref<1x64xi32, #tpu.memory_space<vmem>> -> memref<64xi32, #tpu.memory_space<vmem>>
      %dma_start3A_41 = arith.constant 0 : i32
      %dma_start3A_42 = arith.constant 0 : i32
      %dma_start3A_43 = tpu.memref_slice %arg2[%dma_start3A_41, %dma_start3A_42] : memref<10112x128xf32, #tpu.memory_space<hbm>> -> memref<10112x128xf32, #tpu.memory_space<hbm>>
      tpu.enqueue_indirect_dma source(%dma_start3A_43 : memref<10112x128xf32, #tpu.memory_space<hbm>>) target(%dma_start3A_37 : memref<64x128xf32, #tpu.memory_space<vmem>>) offsets(%dma_start3A_40 : memref<64xi32, #tpu.memory_space<vmem>>) semaphore(%arg12 : memref<!tpu.dma_semaphore, #tpu.memory_space<semaphore_mem>>)
      %dma_wait3A = arith.constant 0 : i32
      %dma_wait3A_44 = arith.constant 0 : i32
      %dma_wait3A_45 = tpu.memref_slice %arg9[%dma_wait3A, %dma_wait3A_44] : memref<128x128xf32, #tpu.memory_space<vmem>> -> memref<64x128xf32, #tpu.memory_space<vmem>>
      %dma_wait3A_46 = arith.constant 0 : i32
      %dma_wait3A_47 = tpu.memref_slice %arg7[%add3A_22, %dma_wait3A_46] : memref<80x64xi32, #tpu.memory_space<vmem>> -> memref<1x64xi32, #tpu.memory_space<vmem>>
      %dma_wait3A_48 = tpu.memref_squeeze %dma_wait3A_47 : memref<1x64xi32, #tpu.memory_space<vmem>> -> memref<64xi32, #tpu.memory_space<vmem>>
      %dma_wait3A_49 = arith.constant 0 : i32
      %dma_wait3A_50 = arith.constant 0 : i32
      %dma_wait3A_51 = tpu.memref_slice %arg2[%dma_wait3A_49, %dma_wait3A_50] : memref<10112x128xf32, #tpu.memory_space<hbm>> -> memref<10112x128xf32, #tpu.memory_space<hbm>>
      tpu.wait_indirect_dma semaphore(%arg11 : memref<!tpu.dma_semaphore, #tpu.memory_space<semaphore_mem>>) src(%dma_wait3A_51 : memref<10112x128xf32, #tpu.memory_space<hbm>>) dst(%dma_wait3A_45 : memref<64x128xf32, #tpu.memory_space<vmem>>)
      %dma_start3A_52 = arith.constant 0 : i32
      %dma_start3A_53 = arith.constant 0 : i32
      %dma_start3A_54 = tpu.memref_slice %arg9[%dma_start3A_52, %dma_start3A_53] : memref<128x128xf32, #tpu.memory_space<vmem>> -> memref<64x128xf32, #tpu.memory_space<vmem>>
      %dma_start3A_55 = arith.constant 0 : i32
      %dma_start3A_56 = tpu.memref_slice %arg8[%add3A_22, %dma_start3A_55] : memref<80x64xi32, #tpu.memory_space<vmem>> -> memref<1x64xi32, #tpu.memory_space<vmem>>
      %dma_start3A_57 = tpu.memref_squeeze %dma_start3A_56 : memref<1x64xi32, #tpu.memory_space<vmem>> -> memref<64xi32, #tpu.memory_space<vmem>>
      %dma_start3A_58 = arith.constant 0 : i32
      %dma_start3A_59 = arith.constant 0 : i32
      %dma_start3A_60 = tpu.memref_slice %arg10[%dma_start3A_58, %dma_start3A_59] : memref<10112x128xf32, #tpu.memory_space<vmem_shared>> -> memref<10112x128xf32, #tpu.memory_space<vmem_shared>>
      tpu.enqueue_indirect_dma source(%dma_start3A_54 : memref<64x128xf32, #tpu.memory_space<vmem>>) target(%dma_start3A_60 : memref<10112x128xf32, #tpu.memory_space<vmem_shared>>) offsets(%dma_start3A_57 : memref<64xi32, #tpu.memory_space<vmem>>) semaphore(%arg13 : memref<!tpu.dma_semaphore, #tpu.memory_space<semaphore_mem>>) {add = true}
      %dma_wait3A_61 = arith.constant 64 : i32
      %dma_wait3A_62 = arith.constant 0 : i32
      %dma_wait3A_63 = tpu.memref_slice %arg9[%dma_wait3A_61, %dma_wait3A_62] : memref<128x128xf32, #tpu.memory_space<vmem>> -> memref<64x128xf32, #tpu.memory_space<vmem>>
      %dma_wait3A_64 = arith.constant 0 : i32
      %dma_wait3A_65 = tpu.memref_slice %arg7[%add3A_26, %dma_wait3A_64] : memref<80x64xi32, #tpu.memory_space<vmem>> -> memref<1x64xi32, #tpu.memory_space<vmem>>
      %dma_wait3A_66 = tpu.memref_squeeze %dma_wait3A_65 : memref<1x64xi32, #tpu.memory_space<vmem>> -> memref<64xi32, #tpu.memory_space<vmem>>
      %dma_wait3A_67 = arith.constant 0 : i32
      %dma_wait3A_68 = arith.constant 0 : i32
      %dma_wait3A_69 = tpu.memref_slice %arg2[%dma_wait3A_67, %dma_wait3A_68] : memref<10112x128xf32, #tpu.memory_space<hbm>> -> memref<10112x128xf32, #tpu.memory_space<hbm>>
      tpu.wait_indirect_dma semaphore(%arg12 : memref<!tpu.dma_semaphore, #tpu.memory_space<semaphore_mem>>) src(%dma_wait3A_69 : memref<10112x128xf32, #tpu.memory_space<hbm>>) dst(%dma_wait3A_63 : memref<64x128xf32, #tpu.memory_space<vmem>>)
      %dma_start3A_70 = arith.constant 64 : i32
      %dma_start3A_71 = arith.constant 0 : i32
      %dma_start3A_72 = tpu.memref_slice %arg9[%dma_start3A_70, %dma_start3A_71] : memref<128x128xf32, #tpu.memory_space<vmem>> -> memref<64x128xf32, #tpu.memory_space<vmem>>
      %dma_start3A_73 = arith.constant 0 : i32
      %dma_start3A_74 = tpu.memref_slice %arg8[%add3A_26, %dma_start3A_73] : memref<80x64xi32, #tpu.memory_space<vmem>> -> memref<1x64xi32, #tpu.memory_space<vmem>>
      %dma_start3A_75 = tpu.memref_squeeze %dma_start3A_74 : memref<1x64xi32, #tpu.memory_space<vmem>> -> memref<64xi32, #tpu.memory_space<vmem>>
      %dma_start3A_76 = arith.constant 0 : i32
      %dma_start3A_77 = arith.constant 0 : i32
      %dma_start3A_78 = tpu.memref_slice %arg10[%dma_start3A_76, %dma_start3A_77] : memref<10112x128xf32, #tpu.memory_space<vmem_shared>> -> memref<10112x128xf32, #tpu.memory_space<vmem_shared>>
      tpu.enqueue_indirect_dma source(%dma_start3A_72 : memref<64x128xf32, #tpu.memory_space<vmem>>) target(%dma_start3A_78 : memref<10112x128xf32, #tpu.memory_space<vmem_shared>>) offsets(%dma_start3A_75 : memref<64xi32, #tpu.memory_space<vmem>>) semaphore(%arg14 : memref<!tpu.dma_semaphore, #tpu.memory_space<semaphore_mem>>) {add = true}
      %dma_wait3A_79 = arith.constant 0 : i32
      %dma_wait3A_80 = arith.constant 0 : i32
      %dma_wait3A_81 = tpu.memref_slice %arg9[%dma_wait3A_79, %dma_wait3A_80] : memref<128x128xf32, #tpu.memory_space<vmem>> -> memref<64x128xf32, #tpu.memory_space<vmem>>
      %dma_wait3A_82 = arith.constant 0 : i32
      %dma_wait3A_83 = tpu.memref_slice %arg8[%add3A_22, %dma_wait3A_82] : memref<80x64xi32, #tpu.memory_space<vmem>> -> memref<1x64xi32, #tpu.memory_space<vmem>>
      %dma_wait3A_84 = tpu.memref_squeeze %dma_wait3A_83 : memref<1x64xi32, #tpu.memory_space<vmem>> -> memref<64xi32, #tpu.memory_space<vmem>>
      %dma_wait3A_85 = arith.constant 0 : i32
      %dma_wait3A_86 = arith.constant 0 : i32
      %dma_wait3A_87 = tpu.memref_slice %arg10[%dma_wait3A_85, %dma_wait3A_86] : memref<10112x128xf32, #tpu.memory_space<vmem_shared>> -> memref<10112x128xf32, #tpu.memory_space<vmem_shared>>
      tpu.wait_indirect_dma semaphore(%arg13 : memref<!tpu.dma_semaphore, #tpu.memory_space<semaphore_mem>>) src(%dma_wait3A_81 : memref<64x128xf32, #tpu.memory_space<vmem>>) dst(%dma_wait3A_87 : memref<10112x128xf32, #tpu.memory_space<vmem_shared>>)
      %dma_wait3A_88 = arith.constant 64 : i32
      %dma_wait3A_89 = arith.constant 0 : i32
      %dma_wait3A_90 = tpu.memref_slice %arg9[%dma_wait3A_88, %dma_wait3A_89] : memref<128x128xf32, #tpu.memory_space<vmem>> -> memref<64x128xf32, #tpu.memory_space<vmem>>
      %dma_wait3A_91 = arith.constant 0 : i32
      %dma_wait3A_92 = tpu.memref_slice %arg8[%add3A_26, %dma_wait3A_91] : memref<80x64xi32, #tpu.memory_space<vmem>> -> memref<1x64xi32, #tpu.memory_space<vmem>>
      %dma_wait3A_93 = tpu.memref_squeeze %dma_wait3A_92 : memref<1x64xi32, #tpu.memory_space<vmem>> -> memref<64xi32, #tpu.memory_space<vmem>>
      %dma_wait3A_94 = arith.constant 0 : i32
      %dma_wait3A_95 = arith.constant 0 : i32
      %dma_wait3A_96 = tpu.memref_slice %arg10[%dma_wait3A_94, %dma_wait3A_95] : memref<10112x128xf32, #tpu.memory_space<vmem_shared>> -> memref<10112x128xf32, #tpu.memory_space<vmem_shared>>
      tpu.wait_indirect_dma semaphore(%arg14 : memref<!tpu.dma_semaphore, #tpu.memory_space<semaphore_mem>>) src(%dma_wait3A_90 : memref<64x128xf32, #tpu.memory_space<vmem>>) dst(%dma_wait3A_96 : memref<10112x128xf32, #tpu.memory_space<vmem_shared>>)
    }
    %scan3A_13 = arith.constant 40 : i32
    %barrier3A_14 = arith.constant 0 : index
    tpu.barrier barrier_id(%barrier3A_14)
    %mul3A_15 = arith.constant 10112 : i32
    %mul3A_16 = arith.muli %arg0, %mul3A_15 : i32
    %add3A_17 = arith.addi %mul3A_16, %mul3A_2 : i32
    "tpu.region"() ({
      %run_scoped3A = tpu.sem_alloc : memref<!tpu.dma_semaphore, #tpu.memory_space<semaphore_mem>>
      %dma_start3A = arith.constant 0 : i32
      %dma_start3A_18 = tpu.memref_slice %arg6[%add3A_17, %dma_start3A] : memref<20224x128xf32, #tpu.memory_space<hbm>> -> memref<632x128xf32, #tpu.memory_space<hbm>>
      %dma_start3A_19 = arith.constant 0 : i32
      %dma_start3A_20 = tpu.memref_slice %arg10[%mul3A_2, %dma_start3A_19] : memref<10112x128xf32, #tpu.memory_space<vmem_shared>> -> memref<632x128xf32, #tpu.memory_space<vmem_shared>>
      tpu.enqueue_dma source(%dma_start3A_20 : memref<632x128xf32, #tpu.memory_space<vmem_shared>>) target(%dma_start3A_18 : memref<632x128xf32, #tpu.memory_space<hbm>>) target_semaphore(%run_scoped3A : memref<!tpu.dma_semaphore, #tpu.memory_space<semaphore_mem>>)
      %dma_wait3A = arith.constant 0 : i32
      %dma_wait3A_21 = tpu.memref_slice %arg6[%add3A_17, %dma_wait3A] : memref<20224x128xf32, #tpu.memory_space<hbm>> -> memref<632x128xf32, #tpu.memory_space<hbm>>
      %dma_wait3A_22 = arith.constant 0 : i32
      %dma_wait3A_23 = tpu.memref_slice %arg10[%mul3A_2, %dma_wait3A_22] : memref<10112x128xf32, #tpu.memory_space<vmem_shared>> -> memref<632x128xf32, #tpu.memory_space<vmem_shared>>
      tpu.wait_dma2 semaphore(%run_scoped3A : memref<!tpu.dma_semaphore, #tpu.memory_space<semaphore_mem>>) src(%dma_wait3A_23 : memref<632x128xf32, #tpu.memory_space<vmem_shared>>) dst(%dma_wait3A_21 : memref<632x128xf32, #tpu.memory_space<hbm>>)
      tpu.yield
    }) : () -> ()
    return
  }
}

module attributes {stable_mosaic.version = 14 : i64} {
  func.func @_stage_a(%arg0: memref<10112x128xf32, #tpu.memory_space<vmem>>, %arg1: memref<10112x128xf32, #tpu.memory_space<vmem>>, %arg2: memref<10112x128xf32, #tpu.memory_space<vmem>>, %arg3: memref<128x128xf32, #tpu.memory_space<vmem>>, %arg4: memref<10112x1xf32, #tpu.memory_space<vmem>>, %arg5: memref<10112x128xf32, #tpu.memory_space<vmem>>) attributes {dimension_semantics = [], scalar_prefetch = 0 : i64, scratch_operands = 0 : i64, tpu.core_type = #tpu.core_type<tc>} {
    %get3A = arith.constant 0 : index
    %get3A_0 = arith.constant 0 : index
    %get3A_1 = vector.load %arg0[%get3A, %get3A_0] : memref<10112x128xf32, #tpu.memory_space<vmem>>, vector<10112x1xf32>
    %get3A_2 = arith.constant 0 : index
    %get3A_3 = arith.constant 0 : index
    %get3A_4 = vector.load %arg1[%get3A_2, %get3A_3] : memref<10112x128xf32, #tpu.memory_space<vmem>>, vector<10112x1xf32>
    %add3A = arith.addf %get3A_1, %get3A_4 : vector<10112x1xf32>
    %max3A = arith.constant 1.000000e+00 : f32
    %max3A_5 = vector.broadcast %max3A : f32 to vector<10112x1xf32>
    %max3A_6 = arith.maximumf %add3A, %max3A_5 : vector<10112x1xf32>
    %rsqrt3A = math.rsqrt %max3A_6 : vector<10112x1xf32>
    %swap3A = arith.constant 0 : index
    %swap3A_7 = arith.constant 0 : index
    %swap3A_8 = vector.load %arg4[%swap3A, %swap3A_7] : memref<10112x1xf32, #tpu.memory_space<vmem>>, vector<10112x1xf32>
    tpu.vector_store %arg4[%swap3A, %swap3A_7], %rsqrt3A {strides = array<i32>} : memref<10112x1xf32, #tpu.memory_space<vmem>>, vector<10112x1xf32>,
    %get3A_9 = arith.constant 0 : index
    %get3A_10 = arith.constant 0 : index
    %get3A_11 = vector.load %arg2[%get3A_9, %get3A_10] : memref<10112x128xf32, #tpu.memory_space<vmem>>, vector<10112x128xf32>
    %mul3A = vector.broadcast %rsqrt3A : vector<10112x1xf32> to vector<10112x128xf32>
    %mul3A_12 = arith.mulf %get3A_11, %mul3A : vector<10112x128xf32>
    %get3A_13 = arith.constant 0 : index
    %get3A_14 = arith.constant 0 : index
    %get3A_15 = vector.load %arg3[%get3A_13, %get3A_14] : memref<128x128xf32, #tpu.memory_space<vmem>>, vector<128x128xf32>
    %dot_general3A = arith.constant dense<0.000000e+00> : vector<10112x128xf32>
    %dot_general3A_16 = tpu.matmul %mul3A_12, %get3A_15, %dot_general3A {dimension_numbers = #tpu.dot_dimension_numbers<[1], [0], [0], [1], [0, 0, 1, 1], [], []>, transpose_lhs_hint = false} : vector<10112x128xf32>, vector<128x128xf32>, vector<10112x128xf32> -> vector<10112x128xf32>
    %slice3A = vector.extract_strided_slice %dot_general3A_16 {offsets = [0, 0], sizes = [10112, 64], strides = [1, 1]} : vector<10112x128xf32> to vector<10112x64xf32>
    %broadcast_in_dim3A = arith.constant 1.000000e+00 : f32
    %broadcast_in_dim3A_17 = vector.broadcast %broadcast_in_dim3A : f32 to vector<10112x1xf32>
    %broadcast_in_dim3A_18 = arith.constant 0.000000e+00 : f32
    %broadcast_in_dim3A_19 = vector.broadcast %broadcast_in_dim3A_18 : f32 to vector<10112x63xf32>
    %concatenate3A = tpu.concatenate %slice3A, %broadcast_in_dim3A_17, %broadcast_in_dim3A_19 in 1 : vector<10112x64xf32>, vector<10112x1xf32>, vector<10112x63xf32> -> vector<10112x128xf32>
    %swap3A_20 = arith.constant 0 : index
    %swap3A_21 = arith.constant 0 : index
    %swap3A_22 = vector.load %arg5[%swap3A_20, %swap3A_21] : memref<10112x128xf32, #tpu.memory_space<vmem>>, vector<10112x128xf32>
    tpu.vector_store %arg5[%swap3A_20, %swap3A_21], %concatenate3A {strides = array<i32>} : memref<10112x128xf32, #tpu.memory_space<vmem>>, vector<10112x128xf32>,
    return
  }
}

module attributes {stable_mosaic.version = 14 : i64} {
  func.func @_stage_even_epi0(%arg0: memref<10112x128xf32, #tpu.memory_space<vmem>>, %arg1: memref<10112x128xf32, #tpu.memory_space<vmem>>, %arg2: memref<1x128xf32, #tpu.memory_space<vmem>>, %arg3: memref<1x8xf32, #tpu.memory_space<vmem>>, %arg4: memref<10112x1xf32, #tpu.memory_space<vmem>>, %arg5: memref<10112x128xf32, #tpu.memory_space<vmem>>) attributes {dimension_semantics = [], scalar_prefetch = 0 : i64, scratch_operands = 0 : i64, tpu.core_type = #tpu.core_type<tc>} {
    %get3A = arith.constant 0 : index
    %get3A_0 = arith.constant 0 : index
    %get3A_1 = vector.load %arg3[%get3A, %get3A_0] : memref<1x8xf32, #tpu.memory_space<vmem>>, vector<1x1xf32>
    %logistic3A = arith.negf %get3A_1 : vector<1x1xf32>
    %logistic3A_2 = math.exp %logistic3A : vector<1x1xf32>
    %logistic3A_3 = arith.constant 1.000000e+00 : f32
    %logistic3A_4 = vector.broadcast %logistic3A_3 : f32 to vector<1x1xf32>
    %logistic3A_5 = arith.addf %logistic3A_4, %logistic3A_2 : vector<1x1xf32>
    %logistic3A_6 = arith.divf %logistic3A_4, %logistic3A_5 : vector<1x1xf32>
    %get3A_7 = arith.constant 0 : index
    %get3A_8 = arith.constant 0 : index
    %get3A_9 = vector.load %arg0[%get3A_7, %get3A_8] : memref<10112x128xf32, #tpu.memory_space<vmem>>, vector<10112x128xf32>
    %get3A_10 = arith.constant 0 : index
    %get3A_11 = arith.constant 0 : index
    %get3A_12 = vector.load %arg1[%get3A_10, %get3A_11] : memref<10112x128xf32, #tpu.memory_space<vmem>>, vector<10112x128xf32>
    %add3A = arith.addf %get3A_9, %get3A_12 : vector<10112x128xf32>
    %slice3A = vector.extract_strided_slice %add3A {offsets = [0, 64], sizes = [10112, 1], strides = [1, 1]} : vector<10112x128xf32> to vector<10112x1xf32>
    %max3A = arith.constant 1.000000e+00 : f32
    %max3A_13 = vector.broadcast %max3A : f32 to vector<10112x1xf32>
    %max3A_14 = arith.maximumf %slice3A, %max3A_13 : vector<10112x1xf32>
    %rsqrt3A = math.rsqrt %max3A_14 : vector<10112x1xf32>
    %swap3A = arith.constant 0 : index
    %swap3A_15 = arith.constant 0 : index
    %swap3A_16 = vector.load %arg4[%swap3A, %swap3A_15] : memref<10112x1xf32, #tpu.memory_space<vmem>>, vector<10112x1xf32>
    tpu.vector_store %arg4[%swap3A, %swap3A_15], %rsqrt3A {strides = array<i32>} : memref<10112x1xf32, #tpu.memory_space<vmem>>, vector<10112x1xf32>,
    %mul3A = vector.broadcast %rsqrt3A : vector<10112x1xf32> to vector<10112x128xf32>
    %mul3A_17 = arith.mulf %mul3A, %add3A : vector<10112x128xf32>
    %get3A_18 = arith.constant 0 : index
    %get3A_19 = arith.constant 0 : index
    %get3A_20 = vector.load %arg2[%get3A_18, %get3A_19] : memref<1x128xf32, #tpu.memory_space<vmem>>, vector<1x128xf32>
    %add3A_21 = vector.broadcast %get3A_20 : vector<1x128xf32> to vector<10112x128xf32>
    %add3A_22 = arith.addf %mul3A_17, %add3A_21 : vector<10112x128xf32>
    %mul3A_23 = vector.broadcast %logistic3A_6 : vector<1x1xf32> to vector<10112x128xf32>
    %mul3A_24 = arith.mulf %mul3A_23, %add3A_22 : vector<10112x128xf32>
    %max3A_25 = arith.constant 0.000000e+00 : f32
    %max3A_26 = vector.broadcast %max3A_25 : f32 to vector<10112x128xf32>
    %max3A_27 = arith.maximumf %mul3A_24, %max3A_26 : vector<10112x128xf32>
    %mul3A_28 = vector.broadcast %rsqrt3A : vector<10112x1xf32> to vector<10112x128xf32>
    %mul3A_29 = arith.mulf %mul3A_28, %max3A_27 : vector<10112x128xf32>
    %slice3A_30 = vector.extract_strided_slice %mul3A_29 {offsets = [0, 0], sizes = [10112, 64], strides = [1, 1]} : vector<10112x128xf32> to vector<10112x64xf32>
    %broadcast_in_dim3A = arith.constant 0.000000e+00 : f32
    %broadcast_in_dim3A_31 = vector.broadcast %broadcast_in_dim3A : f32 to vector<10112x64xf32>
    %concatenate3A = tpu.concatenate %slice3A_30, %broadcast_in_dim3A_31 in 1 : vector<10112x64xf32>, vector<10112x64xf32> -> vector<10112x128xf32>
    %swap3A_32 = arith.constant 0 : index
    %swap3A_33 = arith.constant 0 : index
    %swap3A_34 = vector.load %arg5[%swap3A_32, %swap3A_33] : memref<10112x128xf32, #tpu.memory_space<vmem>>, vector<10112x128xf32>
    tpu.vector_store %arg5[%swap3A_32, %swap3A_33], %concatenate3A {strides = array<i32>} : memref<10112x128xf32, #tpu.memory_space<vmem>>, vector<10112x128xf32>,
    return
  }
}

module attributes {stable_mosaic.version = 14 : i64} {
  func.func @_stage_odd_epi(%arg0: memref<10112x128xf32, #tpu.memory_space<vmem>>, %arg1: memref<10112x128xf32, #tpu.memory_space<vmem>>, %arg2: memref<10112x1xf32, #tpu.memory_space<vmem>>, %arg3: memref<128x128xf32, #tpu.memory_space<vmem>>, %arg4: memref<1x128xf32, #tpu.memory_space<vmem>>, %arg5: memref<128x128xf32, #tpu.memory_space<vmem>>, %arg6: memref<1x8xf32, #tpu.memory_space<vmem>>, %arg7: memref<10112x128xf32, #tpu.memory_space<vmem>>) attributes {dimension_semantics = [], scalar_prefetch = 0 : i64, scratch_operands = 0 : i64, tpu.core_type = #tpu.core_type<tc>} {
    %get3A = arith.constant 0 : index
    %get3A_0 = arith.constant 1 : index
    %get3A_1 = vector.load %arg6[%get3A, %get3A_0] : memref<1x8xf32, #tpu.memory_space<vmem>>, vector<1x1xf32>
    %logistic3A = arith.negf %get3A_1 : vector<1x1xf32>
    %logistic3A_2 = math.exp %logistic3A : vector<1x1xf32>
    %logistic3A_3 = arith.constant 1.000000e+00 : f32
    %logistic3A_4 = vector.broadcast %logistic3A_3 : f32 to vector<1x1xf32>
    %logistic3A_5 = arith.addf %logistic3A_4, %logistic3A_2 : vector<1x1xf32>
    %logistic3A_6 = arith.divf %logistic3A_4, %logistic3A_5 : vector<1x1xf32>
    %get3A_7 = arith.constant 0 : index
    %get3A_8 = arith.constant 0 : index
    %get3A_9 = vector.load %arg2[%get3A_7, %get3A_8] : memref<10112x1xf32, #tpu.memory_space<vmem>>, vector<10112x1xf32>
    %get3A_10 = arith.constant 0 : index
    %get3A_11 = arith.constant 0 : index
    %get3A_12 = vector.load %arg0[%get3A_10, %get3A_11] : memref<10112x128xf32, #tpu.memory_space<vmem>>, vector<10112x128xf32>
    %get3A_13 = arith.constant 0 : index
    %get3A_14 = arith.constant 0 : index
    %get3A_15 = vector.load %arg1[%get3A_13, %get3A_14] : memref<10112x128xf32, #tpu.memory_space<vmem>>, vector<10112x128xf32>
    %add3A = arith.addf %get3A_12, %get3A_15 : vector<10112x128xf32>
    %mul3A = vector.broadcast %get3A_9 : vector<10112x1xf32> to vector<10112x128xf32>
    %mul3A_16 = arith.mulf %mul3A, %add3A : vector<10112x128xf32>
    %get3A_17 = arith.constant 0 : index
    %get3A_18 = arith.constant 0 : index
    %get3A_19 = vector.load %arg3[%get3A_17, %get3A_18] : memref<128x128xf32, #tpu.memory_space<vmem>>, vector<128x128xf32>
    %dot_general3A = arith.constant dense<0.000000e+00> : vector<10112x128xf32>
    %dot_general3A_20 = tpu.matmul %mul3A_16, %get3A_19, %dot_general3A {dimension_numbers = #tpu.dot_dimension_numbers<[1], [0], [0], [1], [0, 0, 1, 1], [], []>, transpose_lhs_hint = false} : vector<10112x128xf32>, vector<128x128xf32>, vector<10112x128xf32> -> vector<10112x128xf32>
    %get3A_21 = arith.constant 0 : index
    %get3A_22 = arith.constant 0 : index
    %get3A_23 = vector.load %arg4[%get3A_21, %get3A_22] : memref<1x128xf32, #tpu.memory_space<vmem>>, vector<1x128xf32>
    %add3A_24 = vector.broadcast %get3A_23 : vector<1x128xf32> to vector<10112x128xf32>
    %add3A_25 = arith.addf %dot_general3A_20, %add3A_24 : vector<10112x128xf32>
    %mul3A_26 = vector.broadcast %logistic3A_6 : vector<1x1xf32> to vector<10112x128xf32>
    %mul3A_27 = arith.mulf %mul3A_26, %add3A_25 : vector<10112x128xf32>
    %max3A = arith.constant 0.000000e+00 : f32
    %max3A_28 = vector.broadcast %max3A : f32 to vector<10112x128xf32>
    %max3A_29 = arith.maximumf %mul3A_27, %max3A_28 : vector<10112x128xf32>
    %mul3A_30 = vector.broadcast %get3A_9 : vector<10112x1xf32> to vector<10112x128xf32>
    %mul3A_31 = arith.mulf %max3A_29, %mul3A_30 : vector<10112x128xf32>
    %get3A_32 = arith.constant 0 : index
    %get3A_33 = arith.constant 0 : index
    %get3A_34 = vector.load %arg5[%get3A_32, %get3A_33] : memref<128x128xf32, #tpu.memory_space<vmem>>, vector<128x128xf32>
    %dot_general3A_35 = arith.constant dense<0.000000e+00> : vector<10112x128xf32>
    %dot_general3A_36 = tpu.matmul %mul3A_31, %get3A_34, %dot_general3A_35 {dimension_numbers = #tpu.dot_dimension_numbers<[1], [0], [0], [1], [0, 0, 1, 1], [], []>, transpose_lhs_hint = false} : vector<10112x128xf32>, vector<128x128xf32>, vector<10112x128xf32> -> vector<10112x128xf32>
    %swap3A = arith.constant 0 : index
    %swap3A_37 = arith.constant 0 : index
    %swap3A_38 = vector.load %arg7[%swap3A, %swap3A_37] : memref<10112x128xf32, #tpu.memory_space<vmem>>, vector<10112x128xf32>
    tpu.vector_store %arg7[%swap3A, %swap3A_37], %dot_general3A_36 {strides = array<i32>} : memref<10112x128xf32, #tpu.memory_space<vmem>>, vector<10112x128xf32>,
    return
  }
}

module attributes {stable_mosaic.version = 14 : i64} {
  func.func @_stage_even_epi(%arg0: memref<10112x128xf32, #tpu.memory_space<vmem>>, %arg1: memref<10112x128xf32, #tpu.memory_space<vmem>>, %arg2: memref<10112x1xf32, #tpu.memory_space<vmem>>, %arg3: memref<1x128xf32, #tpu.memory_space<vmem>>, %arg4: memref<1x8xf32, #tpu.memory_space<vmem>>, %arg5: memref<10112x128xf32, #tpu.memory_space<vmem>>) attributes {dimension_semantics = [], scalar_prefetch = 0 : i64, scratch_operands = 0 : i64, tpu.core_type = #tpu.core_type<tc>} {
    %get3A = arith.constant 0 : index
    %get3A_0 = arith.constant 2 : index
    %get3A_1 = vector.load %arg4[%get3A, %get3A_0] : memref<1x8xf32, #tpu.memory_space<vmem>>, vector<1x1xf32>
    %logistic3A = arith.negf %get3A_1 : vector<1x1xf32>
    %logistic3A_2 = math.exp %logistic3A : vector<1x1xf32>
    %logistic3A_3 = arith.constant 1.000000e+00 : f32
    %logistic3A_4 = vector.broadcast %logistic3A_3 : f32 to vector<1x1xf32>
    %logistic3A_5 = arith.addf %logistic3A_4, %logistic3A_2 : vector<1x1xf32>
    %logistic3A_6 = arith.divf %logistic3A_4, %logistic3A_5 : vector<1x1xf32>
    %get3A_7 = arith.constant 0 : index
    %get3A_8 = arith.constant 0 : index
    %get3A_9 = vector.load %arg2[%get3A_7, %get3A_8] : memref<10112x1xf32, #tpu.memory_space<vmem>>, vector<10112x1xf32>
    %get3A_10 = arith.constant 0 : index
    %get3A_11 = arith.constant 0 : index
    %get3A_12 = vector.load %arg0[%get3A_10, %get3A_11] : memref<10112x128xf32, #tpu.memory_space<vmem>>, vector<10112x128xf32>
    %get3A_13 = arith.constant 0 : index
    %get3A_14 = arith.constant 0 : index
    %get3A_15 = vector.load %arg1[%get3A_13, %get3A_14] : memref<10112x128xf32, #tpu.memory_space<vmem>>, vector<10112x128xf32>
    %add3A = arith.addf %get3A_12, %get3A_15 : vector<10112x128xf32>
    %mul3A = vector.broadcast %get3A_9 : vector<10112x1xf32> to vector<10112x128xf32>
    %mul3A_16 = arith.mulf %mul3A, %add3A : vector<10112x128xf32>
    %get3A_17 = arith.constant 0 : index
    %get3A_18 = arith.constant 0 : index
    %get3A_19 = vector.load %arg3[%get3A_17, %get3A_18] : memref<1x128xf32, #tpu.memory_space<vmem>>, vector<1x128xf32>
    %add3A_20 = vector.broadcast %get3A_19 : vector<1x128xf32> to vector<10112x128xf32>
    %add3A_21 = arith.addf %mul3A_16, %add3A_20 : vector<10112x128xf32>
    %mul3A_22 = vector.broadcast %logistic3A_6 : vector<1x1xf32> to vector<10112x128xf32>
    %mul3A_23 = arith.mulf %mul3A_22, %add3A_21 : vector<10112x128xf32>
    %max3A = arith.constant 0.000000e+00 : f32
    %max3A_24 = vector.broadcast %max3A : f32 to vector<10112x128xf32>
    %max3A_25 = arith.maximumf %mul3A_23, %max3A_24 : vector<10112x128xf32>
    %mul3A_26 = vector.broadcast %get3A_9 : vector<10112x1xf32> to vector<10112x128xf32>
    %mul3A_27 = arith.mulf %mul3A_26, %max3A_25 : vector<10112x128xf32>
    %swap3A = arith.constant 0 : index
    %swap3A_28 = arith.constant 0 : index
    %swap3A_29 = vector.load %arg5[%swap3A, %swap3A_28] : memref<10112x128xf32, #tpu.memory_space<vmem>>, vector<10112x128xf32>
    tpu.vector_store %arg5[%swap3A, %swap3A_28], %mul3A_27 {strides = array<i32>} : memref<10112x128xf32, #tpu.memory_space<vmem>>, vector<10112x128xf32>,
    return
  }
}

module attributes {stable_mosaic.version = 14 : i64} {
  func.func @_stage_odd_epi(%arg0: memref<10112x128xf32, #tpu.memory_space<vmem>>, %arg1: memref<10112x128xf32, #tpu.memory_space<vmem>>, %arg2: memref<10112x1xf32, #tpu.memory_space<vmem>>, %arg3: memref<128x128xf32, #tpu.memory_space<vmem>>, %arg4: memref<1x128xf32, #tpu.memory_space<vmem>>, %arg5: memref<128x128xf32, #tpu.memory_space<vmem>>, %arg6: memref<1x8xf32, #tpu.memory_space<vmem>>, %arg7: memref<10112x128xf32, #tpu.memory_space<vmem>>) attributes {dimension_semantics = [], scalar_prefetch = 0 : i64, scratch_operands = 0 : i64, tpu.core_type = #tpu.core_type<tc>} {
    %get3A = arith.constant 0 : index
    %get3A_0 = arith.constant 3 : index
    %get3A_1 = vector.load %arg6[%get3A, %get3A_0] : memref<1x8xf32, #tpu.memory_space<vmem>>, vector<1x1xf32>
    %logistic3A = arith.negf %get3A_1 : vector<1x1xf32>
    %logistic3A_2 = math.exp %logistic3A : vector<1x1xf32>
    %logistic3A_3 = arith.constant 1.000000e+00 : f32
    %logistic3A_4 = vector.broadcast %logistic3A_3 : f32 to vector<1x1xf32>
    %logistic3A_5 = arith.addf %logistic3A_4, %logistic3A_2 : vector<1x1xf32>
    %logistic3A_6 = arith.divf %logistic3A_4, %logistic3A_5 : vector<1x1xf32>
    %get3A_7 = arith.constant 0 : index
    %get3A_8 = arith.constant 0 : index
    %get3A_9 = vector.load %arg2[%get3A_7, %get3A_8] : memref<10112x1xf32, #tpu.memory_space<vmem>>, vector<10112x1xf32>
    %get3A_10 = arith.constant 0 : index
    %get3A_11 = arith.constant 0 : index
    %get3A_12 = vector.load %arg0[%get3A_10, %get3A_11] : memref<10112x128xf32, #tpu.memory_space<vmem>>, vector<10112x128xf32>
    %get3A_13 = arith.constant 0 : index
    %get3A_14 = arith.constant 0 : index
    %get3A_15 = vector.load %arg1[%get3A_13, %get3A_14] : memref<10112x128xf32, #tpu.memory_space<vmem>>, vector<10112x128xf32>
    %add3A = arith.addf %get3A_12, %get3A_15 : vector<10112x128xf32>
    %mul3A = vector.broadcast %get3A_9 : vector<10112x1xf32> to vector<10112x128xf32>
    %mul3A_16 = arith.mulf %mul3A, %add3A : vector<10112x128xf32>
    %get3A_17 = arith.constant 0 : index
    %get3A_18 = arith.constant 0 : index
    %get3A_19 = vector.load %arg3[%get3A_17, %get3A_18] : memref<128x128xf32, #tpu.memory_space<vmem>>, vector<128x128xf32>
    %dot_general3A = arith.constant dense<0.000000e+00> : vector<10112x128xf32>
    %dot_general3A_20 = tpu.matmul %mul3A_16, %get3A_19, %dot_general3A {dimension_numbers = #tpu.dot_dimension_numbers<[1], [0], [0], [1], [0, 0, 1, 1], [], []>, transpose_lhs_hint = false} : vector<10112x128xf32>, vector<128x128xf32>, vector<10112x128xf32> -> vector<10112x128xf32>
    %get3A_21 = arith.constant 0 : index
    %get3A_22 = arith.constant 0 : index
    %get3A_23 = vector.load %arg4[%get3A_21, %get3A_22] : memref<1x128xf32, #tpu.memory_space<vmem>>, vector<1x128xf32>
    %add3A_24 = vector.broadcast %get3A_23 : vector<1x128xf32> to vector<10112x128xf32>
    %add3A_25 = arith.addf %dot_general3A_20, %add3A_24 : vector<10112x128xf32>
    %mul3A_26 = vector.broadcast %logistic3A_6 : vector<1x1xf32> to vector<10112x128xf32>
    %mul3A_27 = arith.mulf %mul3A_26, %add3A_25 : vector<10112x128xf32>
    %max3A = arith.constant 0.000000e+00 : f32
    %max3A_28 = vector.broadcast %max3A : f32 to vector<10112x128xf32>
    %max3A_29 = arith.maximumf %mul3A_27, %max3A_28 : vector<10112x128xf32>
    %mul3A_30 = vector.broadcast %get3A_9 : vector<10112x1xf32> to vector<10112x128xf32>
    %mul3A_31 = arith.mulf %max3A_29, %mul3A_30 : vector<10112x128xf32>
    %get3A_32 = arith.constant 0 : index
    %get3A_33 = arith.constant 0 : index
    %get3A_34 = vector.load %arg5[%get3A_32, %get3A_33] : memref<128x128xf32, #tpu.memory_space<vmem>>, vector<128x128xf32>
    %dot_general3A_35 = arith.constant dense<0.000000e+00> : vector<10112x128xf32>
    %dot_general3A_36 = tpu.matmul %mul3A_31, %get3A_34, %dot_general3A_35 {dimension_numbers = #tpu.dot_dimension_numbers<[1], [0], [0], [1], [0, 0, 1, 1], [], []>, transpose_lhs_hint = false} : vector<10112x128xf32>, vector<128x128xf32>, vector<10112x128xf32> -> vector<10112x128xf32>
    %swap3A = arith.constant 0 : index
    %swap3A_37 = arith.constant 0 : index
    %swap3A_38 = vector.load %arg7[%swap3A, %swap3A_37] : memref<10112x128xf32, #tpu.memory_space<vmem>>, vector<10112x128xf32>
    tpu.vector_store %arg7[%swap3A, %swap3A_37], %dot_general3A_36 {strides = array<i32>} : memref<10112x128xf32, #tpu.memory_space<vmem>>, vector<10112x128xf32>,
    return
  }
}

module attributes {stable_mosaic.version = 14 : i64} {
  func.func @_stage_even_epi(%arg0: memref<10112x128xf32, #tpu.memory_space<vmem>>, %arg1: memref<10112x128xf32, #tpu.memory_space<vmem>>, %arg2: memref<10112x1xf32, #tpu.memory_space<vmem>>, %arg3: memref<1x128xf32, #tpu.memory_space<vmem>>, %arg4: memref<1x8xf32, #tpu.memory_space<vmem>>, %arg5: memref<10112x128xf32, #tpu.memory_space<vmem>>) attributes {dimension_semantics = [], scalar_prefetch = 0 : i64, scratch_operands = 0 : i64, tpu.core_type = #tpu.core_type<tc>} {
    %get3A = arith.constant 0 : index
    %get3A_0 = arith.constant 4 : index
    %get3A_1 = vector.load %arg4[%get3A, %get3A_0] : memref<1x8xf32, #tpu.memory_space<vmem>>, vector<1x1xf32>
    %logistic3A = arith.negf %get3A_1 : vector<1x1xf32>
    %logistic3A_2 = math.exp %logistic3A : vector<1x1xf32>
    %logistic3A_3 = arith.constant 1.000000e+00 : f32
    %logistic3A_4 = vector.broadcast %logistic3A_3 : f32 to vector<1x1xf32>
    %logistic3A_5 = arith.addf %logistic3A_4, %logistic3A_2 : vector<1x1xf32>
    %logistic3A_6 = arith.divf %logistic3A_4, %logistic3A_5 : vector<1x1xf32>
    %get3A_7 = arith.constant 0 : index
    %get3A_8 = arith.constant 0 : index
    %get3A_9 = vector.load %arg2[%get3A_7, %get3A_8] : memref<10112x1xf32, #tpu.memory_space<vmem>>, vector<10112x1xf32>
    %get3A_10 = arith.constant 0 : index
    %get3A_11 = arith.constant 0 : index
    %get3A_12 = vector.load %arg0[%get3A_10, %get3A_11] : memref<10112x128xf32, #tpu.memory_space<vmem>>, vector<10112x128xf32>
    %get3A_13 = arith.constant 0 : index
    %get3A_14 = arith.constant 0 : index
    %get3A_15 = vector.load %arg1[%get3A_13, %get3A_14] : memref<10112x128xf32, #tpu.memory_space<vmem>>, vector<10112x128xf32>
    %add3A = arith.addf %get3A_12, %get3A_15 : vector<10112x128xf32>
    %mul3A = vector.broadcast %get3A_9 : vector<10112x1xf32> to vector<10112x128xf32>
    %mul3A_16 = arith.mulf %mul3A, %add3A : vector<10112x128xf32>
    %get3A_17 = arith.constant 0 : index
    %get3A_18 = arith.constant 0 : index
    %get3A_19 = vector.load %arg3[%get3A_17, %get3A_18] : memref<1x128xf32, #tpu.memory_space<vmem>>, vector<1x128xf32>
    %add3A_20 = vector.broadcast %get3A_19 : vector<1x128xf32> to vector<10112x128xf32>
    %add3A_21 = arith.addf %mul3A_16, %add3A_20 : vector<10112x128xf32>
    %mul3A_22 = vector.broadcast %logistic3A_6 : vector<1x1xf32> to vector<10112x128xf32>
    %mul3A_23 = arith.mulf %mul3A_22, %add3A_21 : vector<10112x128xf32>
    %max3A = arith.constant 0.000000e+00 : f32
    %max3A_24 = vector.broadcast %max3A : f32 to vector<10112x128xf32>
    %max3A_25 = arith.maximumf %mul3A_23, %max3A_24 : vector<10112x128xf32>
    %mul3A_26 = vector.broadcast %get3A_9 : vector<10112x1xf32> to vector<10112x128xf32>
    %mul3A_27 = arith.mulf %mul3A_26, %max3A_25 : vector<10112x128xf32>
    %swap3A = arith.constant 0 : index
    %swap3A_28 = arith.constant 0 : index
    %swap3A_29 = vector.load %arg5[%swap3A, %swap3A_28] : memref<10112x128xf32, #tpu.memory_space<vmem>>, vector<10112x128xf32>
    tpu.vector_store %arg5[%swap3A, %swap3A_28], %mul3A_27 {strides = array<i32>} : memref<10112x128xf32, #tpu.memory_space<vmem>>, vector<10112x128xf32>,
    return
  }
}

module attributes {stable_mosaic.version = 14 : i64} {
  func.func @_stage_final(%arg0: memref<10112x128xf32, #tpu.memory_space<vmem>>, %arg1: memref<10112x128xf32, #tpu.memory_space<vmem>>, %arg2: memref<10112x1xf32, #tpu.memory_space<vmem>>, %arg3: memref<128x128xf32, #tpu.memory_space<vmem>>, %arg4: memref<1x128xf32, #tpu.memory_space<vmem>>, %arg5: memref<128x2xf32, #tpu.memory_space<vmem>>, %arg6: memref<1x2xf32, #tpu.memory_space<vmem>>, %arg7: memref<1x8xf32, #tpu.memory_space<vmem>>, %arg8: memref<10112x2xf32, #tpu.memory_space<vmem>>) attributes {dimension_semantics = [], scalar_prefetch = 0 : i64, scratch_operands = 0 : i64, tpu.core_type = #tpu.core_type<tc>} {
    %get3A = arith.constant 0 : index
    %get3A_0 = arith.constant 5 : index
    %get3A_1 = vector.load %arg7[%get3A, %get3A_0] : memref<1x8xf32, #tpu.memory_space<vmem>>, vector<1x1xf32>
    %logistic3A = arith.negf %get3A_1 : vector<1x1xf32>
    %logistic3A_2 = math.exp %logistic3A : vector<1x1xf32>
    %logistic3A_3 = arith.constant 1.000000e+00 : f32
    %logistic3A_4 = vector.broadcast %logistic3A_3 : f32 to vector<1x1xf32>
    %logistic3A_5 = arith.addf %logistic3A_4, %logistic3A_2 : vector<1x1xf32>
    %logistic3A_6 = arith.divf %logistic3A_4, %logistic3A_5 : vector<1x1xf32>
    %get3A_7 = arith.constant 0 : index
    %get3A_8 = arith.constant 0 : index
    %get3A_9 = vector.load %arg2[%get3A_7, %get3A_8] : memref<10112x1xf32, #tpu.memory_space<vmem>>, vector<10112x1xf32>
    %get3A_10 = arith.constant 0 : index
    %get3A_11 = arith.constant 0 : index
    %get3A_12 = vector.load %arg0[%get3A_10, %get3A_11] : memref<10112x128xf32, #tpu.memory_space<vmem>>, vector<10112x128xf32>
    %get3A_13 = arith.constant 0 : index
    %get3A_14 = arith.constant 0 : index
    %get3A_15 = vector.load %arg1[%get3A_13, %get3A_14] : memref<10112x128xf32, #tpu.memory_space<vmem>>, vector<10112x128xf32>
    %add3A = arith.addf %get3A_12, %get3A_15 : vector<10112x128xf32>
    %mul3A = vector.broadcast %get3A_9 : vector<10112x1xf32> to vector<10112x128xf32>
    %mul3A_16 = arith.mulf %mul3A, %add3A : vector<10112x128xf32>
    %get3A_17 = arith.constant 0 : index
    %get3A_18 = arith.constant 0 : index
    %get3A_19 = vector.load %arg3[%get3A_17, %get3A_18] : memref<128x128xf32, #tpu.memory_space<vmem>>, vector<128x128xf32>
    %dot_general3A = arith.constant dense<0.000000e+00> : vector<10112x128xf32>
    %dot_general3A_20 = tpu.matmul %mul3A_16, %get3A_19, %dot_general3A {dimension_numbers = #tpu.dot_dimension_numbers<[1], [0], [0], [1], [0, 0, 1, 1], [], []>, transpose_lhs_hint = false} : vector<10112x128xf32>, vector<128x128xf32>, vector<10112x128xf32> -> vector<10112x128xf32>
    %get3A_21 = arith.constant 0 : index
    %get3A_22 = arith.constant 0 : index
    %get3A_23 = vector.load %arg4[%get3A_21, %get3A_22] : memref<1x128xf32, #tpu.memory_space<vmem>>, vector<1x128xf32>
    %add3A_24 = vector.broadcast %get3A_23 : vector<1x128xf32> to vector<10112x128xf32>
    %add3A_25 = arith.addf %dot_general3A_20, %add3A_24 : vector<10112x128xf32>
    %mul3A_26 = vector.broadcast %logistic3A_6 : vector<1x1xf32> to vector<10112x128xf32>
    %mul3A_27 = arith.mulf %mul3A_26, %add3A_25 : vector<10112x128xf32>
    %max3A = arith.constant 0.000000e+00 : f32
    %max3A_28 = vector.broadcast %max3A : f32 to vector<10112x128xf32>
    %max3A_29 = arith.maximumf %mul3A_27, %max3A_28 : vector<10112x128xf32>
    %get3A_30 = arith.constant 0 : index
    %get3A_31 = arith.constant 0 : index
    %get3A_32 = vector.load %arg5[%get3A_30, %get3A_31] : memref<128x2xf32, #tpu.memory_space<vmem>>, vector<128x2xf32>
    %dot_general3A_33 = arith.constant dense<0.000000e+00> : vector<10112x2xf32>
    %dot_general3A_34 = tpu.matmul %max3A_29, %get3A_32, %dot_general3A_33 {dimension_numbers = #tpu.dot_dimension_numbers<[1], [0], [0], [1], [0, 0, 1, 1], [], []>, transpose_lhs_hint = false} : vector<10112x128xf32>, vector<128x2xf32>, vector<10112x2xf32> -> vector<10112x2xf32>
    %get3A_35 = arith.constant 0 : index
    %get3A_36 = arith.constant 0 : index
    %get3A_37 = vector.load %arg6[%get3A_35, %get3A_36] : memref<1x2xf32, #tpu.memory_space<vmem>>, vector<1x2xf32>
    %add3A_38 = vector.broadcast %get3A_37 : vector<1x2xf32> to vector<10112x2xf32>
    %add3A_39 = arith.addf %dot_general3A_34, %add3A_38 : vector<10112x2xf32>
    %swap3A = arith.constant 0 : index
    %swap3A_40 = arith.constant 0 : index
    %swap3A_41 = vector.load %arg8[%swap3A, %swap3A_40] : memref<10112x2xf32, #tpu.memory_space<vmem>>, vector<10112x2xf32>
    tpu.vector_store %arg8[%swap3A, %swap3A_40], %add3A_39 {strides = array<i32>} : memref<10112x2xf32, #tpu.memory_space<vmem>>, vector<10112x2xf32>,
    return
  }
}

</mosaic_0001>

<sc_bundles>
// kernel: kernel.16.cloned.1.call-start
scs
__scs_entry_jumppad:
0x0: {  	(pc) =	sbr.rel $0x88, $3  }
0x1: {  	(tag) =	ssettag $0x0;
	lr =	simm.s32 $0x1  }
0x2: {  	[smem:$0x3F90] =	sst lr;
	_ =	strace $0xD0000000  }
0x3: {  	_ = 	snop  }
0x4: {  	_ = 	snop  }
0x5: {  	_ = 	snop  }
0x6: {  	_ = 	snop  }
0x7: {  	_ = 	snop  }
__scs_overlays_trampoline_lowered:
0x8: {  	[smem:$0x3F9F] =	sst s0  }
0x9: {  	[smem:$0x3FA0] =	sst s1  }
0xa: {  	[smem:$0x3FA1] =	sst s2  }
0xb: {  	[smem:$0x3FA2] =	sst s3  }
0xc: {  	[smem:$0x3FA3] =	sst s4  }
0xd: {  	[smem:$0x3FA4] =	sst s5  }
0xe: {  	[smem:$0x3FA5] =	sst s6  }
0xf: {  	[smem:$0x3FA6] =	sst s7  }
0x10: {  	[smem:$0x3FA7] =	sst s8  }
0x11: {  	[smem:$0x3FA8] =	sst s9;
	s0 =	simm.s32 @!p0 $0x0  }
0x12: {  	s1 =	sld [smem:$0x3F8E];
	s0 =	simm.s32 @p0 $0x1  }
0x13: {  	[smem:$0x3FA9] =	sst s0;
	s0 =	simm.s32 @!p1 $0x0  }
0x14: {  	s2 =	sld [smem:$0x3F8D];
	s0 =	simm.s32 @p1 $0x1  }
0x15: {  	[smem:$0x3FAA] =	sst s0;
	s0 =	simm.s32 @!p2 $0x0  }
0x16: {  	s3 =	sld [smem:$0x3FDB];
	s0 =	simm.s32 @p2 $0x1  }
0x17: {  	s4 =	simm.s32 $0x1BF5;
	[smem:$0x3FAC] =	sst s0  }
0x18: {  	s0 =	sld [smem:$0x3F8F];
	_ =	swait.ge [sflag:s4], $0x0  }
0x19: {  	s7 =	sld [smem:$0x3F90]  }
0x1a: {  	s8 =	sadd.s32 $0xFFFFE003, lr  }
0x1b: {  	s9 =	sadd.s32 $0xFFFFFEF7, lr;
	s5 =	simm.s32 $0xFFFFFFFF;
	p2 =	slt.u32 s8, $0xFFFFF086  }
0x1c: {  	p1 =	slt.u32 s9, $0xF7A;
	s5 =	simm.s32 @!p2 $0x0  }
0x1d: {  	s5 =	simm.s32 @p1 $0x1;
	p0 =	seq.s32 s7, s2  }
0x1e: {  	s7 =	smul.u32 @!p0 $0xF7A, s2;
	p2 =	seq.s32 @!p0 s5, $0x0  }
0x1f: {  	s9 =	smul.u32 $0xF7A, s1;
	s8 =	simm.s32 @!p0 $0x1BF5;
	p2 =	por !p2, p0  }
0x20: {  	[sflag:s8] =	ssyncset.s32 @!p0 $0xFFFFF086;
	s6 =	sadd.s32 @!p0 s3, s7;
	s7 =	simm.s32 @!p0 $0x108  }
0x21: {  	s3 =	sadd.s32 s3, s9;
	s6 =	sadd.s32 @!p0 $0x88, s6;
	s7 =	simm.s32 @p2 $0x1082  }
0x22: {  	[simem:s7], [sflag:s8] =	dma.local @!p0 [hbm:s6], $0xF7A  }
0x23: {  	s9 =	sor.u32 $0xD0000000, s2;
	s6 =	simm.s32 $0x108;
	_ =	swait.ge @!p0 [sflag:s8], $0x0  }
0x24: {  	s3 =	sadd.s32 $0x88, s3;
	s6 =	simm.s32 @!p1 $0x1082;
	[sflag:s4] =	ssyncset.s32 $0xFFFFF086  }
0x25: {  	[simem:s6], [sflag:s4] =	dma.local [hbm:s3], $0xF7A  }
0x26: {  	[smem:$0x3F90] =	sst s1;
	(tag) =	ssettag s2;
	_ =	strace s9  }
0x27: {  	s1 =	sld [smem:$0x3FA0]  }
0x28: {  	s2 =	sld [smem:$0x3FA1]  }
0x29: {  	s4 =	sld [smem:$0x3FA3]  }
0x2a: {  	p0 =	seq.s32 s5, $0x0;
	s5 =	sld [smem:$0x3FA4]  }
0x2b: {  	s6 =	sld [smem:$0x3FA5]  }
0x2c: {  	s7 =	sld [smem:$0x3FA6]  }
0x2d: {  	s3 =	simm.s32 $0x108;
	s8 =	sld [smem:$0x3FA7]  }
0x2e: {  	s3 =	simm.s32 @!p0 $0x1082;
	s9 =	sld [smem:$0x3FA8]  }
0x2f: {  	lr =	sadd.s32 s0, s3;
	s0 =	sld [smem:$0x3F9F]  }
0x30: {  	s3 =	sld [smem:$0x3FA2]  }
0x31: {  	[smem:$0x3FAB] =	sst s10  }
0x32: {  	s10 =	sld [smem:$0x3FA9];
	_ =	sdelay $0x3  }
0x33: {  	p0 =	seq.s32 s10, $0x1;
	s10 =	sld [smem:$0x3FAB];
	_ =	sdelay $0x3  }
0x34: {  	[smem:$0x3FAB] =	sst s10  }
0x35: {  	s10 =	sld [smem:$0x3FAA];
	_ =	sdelay $0x3  }
0x36: {  	p1 =	seq.s32 s10, $0x1;
	s10 =	sld [smem:$0x3FAB];
	_ =	sdelay $0x3  }
0x37: {  	[smem:$0x3FAB] =	sst s10  }
0x38: {  	s10 =	sld [smem:$0x3FAC]  }
0x39: {  	_ = 	snop;
	(pc) =	sbr.ind lr, $3  }
0x3a: {  	_ = 	snop  }
0x3b: {  	_ = 	snop  }
0x3c: {  	p2 =	seq.s32 s10, $0x1;
	s10 =	sld [smem:$0x3FAB]  }
0x3d: {  	_ =	shalt  }
0x3e: {  	_ =	shalt  }
0x3f: {  	_ =	shalt  }
0x40: {  	_ =	shalt  }
0x41: {  	_ =	shalt  }
0x42: {  	_ =	shalt  }
0x43: {  	_ =	shalt  }
0x44: {  	_ =	shalt  }
0x45: {  	_ =	shalt  }
0x46: {  	_ =	shalt  }
0x47: {  	_ =	shalt  }
0x48: {  	_ =	shalt  }
0x49: {  	_ =	shalt  }
0x4a: {  	_ =	shalt  }
0x4b: {  	_ =	shalt  }
0x4c: {  	_ =	shalt  }
0x4d: {  	_ =	shalt  }
0x4e: {  	_ =	shalt  }
0x4f: {  	_ =	shalt  }
0x50: {  	_ =	shalt  }
0x51: {  	_ =	shalt  }
0x52: {  	_ =	shalt  }
0x53: {  	_ =	shalt  }
0x54: {  	_ =	shalt  }
0x55: {  	_ =	shalt  }
0x56: {  	_ =	shalt  }
0x57: {  	_ =	shalt  }
0x58: {  	_ =	shalt  }
0x59: {  	_ =	shalt  }
0x5a: {  	_ =	shalt  }
0x5b: {  	_ =	shalt  }
0x5c: {  	_ =	shalt  }
0x5d: {  	_ =	shalt  }
0x5e: {  	_ =	shalt  }
0x5f: {  	_ =	shalt  }
0x60: {  	_ =	shalt  }
0x61: {  	_ =	shalt  }
0x62: {  	_ =	shalt  }
0x63: {  	_ =	shalt  }
0x64: {  	_ =	shalt  }
0x65: {  	_ =	shalt  }
0x66: {  	_ =	shalt  }
0x67: {  	_ =	shalt  }
0x68: {  	_ =	shalt  }
0x69: {  	_ =	shalt  }
0x6a: {  	_ =	shalt  }
0x6b: {  	_ =	shalt  }
0x6c: {  	_ =	shalt  }
0x6d: {  	_ =	shalt  }
0x6e: {  	_ =	shalt  }
0x6f: {  	_ =	shalt  }
0x70: {  	_ =	shalt  }
0x71: {  	_ =	shalt  }
0x72: {  	_ =	shalt  }
0x73: {  	_ =	shalt  }
0x74: {  	_ =	shalt  }
0x75: {  	_ =	shalt  }
0x76: {  	_ =	shalt  }
0x77: {  	_ =	shalt  }
0x78: {  	_ =	shalt  }
0x79: {  	_ =	shalt  }
0x7a: {  	_ =	shalt  }
0x7b: {  	_ =	shalt  }
0x7c: {  	_ =	shalt  }
0x7d: {  	_ =	shalt  }
0x7e: {  	_ =	shalt  }
0x7f: {  	_ =	shalt  }
0x80: {  	_ =	shalt  }
0x81: {  	_ =	shalt  }
0x82: {  	_ =	shalt  }
0x83: {  	_ =	shalt  }
0x84: {  	_ =	shalt  }
0x85: {  	_ =	shalt  }
0x86: {  	_ =	shalt  }
0x87: {  	_ =	shalt  }
.Lfunc_end0:
.L_simem_size_0:
called_computation_lowered:
.L_overlay_start_0:
0x88: {  	s2 =	sld [smem:$0x3FD9]  }
0x89: {  	s3 =	sld [smem:$0x3FFE];
	_ =	sdelay $0x1  }
0x8a: {  	s1 =	srdreg.scid  }
0x8b: {  	s0 =	sand.u32 $0x1, s1  }
0x8c: {  	s17 =	sshll.u32 s0, $0xA;
	s2 =	sadd.s32 s3, s2  }
0x8d: {  	s2 =	sadd.s32 s2, s17  }
0x8e: {  	[smem:$0x3FB7] =	sst s2  }
0x8f: {  	_ = 	snop  }
0x90: {  	s2 =	sld [smem:$0x3FD0];
	(tm) =	ssettm $0x1  }
0x91: {  	s18 =	sld [smem:$0x3FFB];
	_ =	sdelay $0x3  }
0x92: {  	_ =	strace s18  }
0x93: {  	s3 =	sld [smem:$0x3FFC];
	_ =	sdelay $0x3  }
0x94: {  	_ =	strace s3  }
0x95: {  	s3 =	sld [smem:$0x3FFD];
	_ =	sdelay $0x3  }
0x96: {  	_ =	strace s3  }
0x97: {  	_ =	strace $0x8FFFFFFF  }
0x98: {  	s19 =	sld [smem:$0x3FDB];
	_ =	sdelay $0x1  }
0x99: {  	s4 =	simm.s32 $_scs_section_size  }
0x9a: {  	s5 =	simm.s32 $_size__tile_overlayer_lowered;
	s6 =	simm.s32 $_tile_overlayer_lowered  }
0x9b: {  	s22 =	simm.s32 $0x1BFF;
	s21 =	sshll.u32 s6, $0x1;
	s3 =	sadd.s32 s4, s19  }
0x9c: {  	s7 =	simm.s32 $0x0;
	s20 =	sshll.u32 s5, $0x1;
	s5 =	sadd.s32 s21, s3  }
0x9d: {  	[timem:s7], [sflag:s22] =	dma.local [hbm:s5], s20  }
0x9e: {  	_ =	swait.ge [sflag:s22], s20  }
0x9f: {  	s4 =	ssub.s32 $0x0, s20;
	[sflag:s22] =	ssyncset.done $0x0  }
0xa0: {  	[sflag:s22] =	ssyncadd.s32 s4;
	_ =	sdelay $0x1  }
0xa1: {  	s23 =	simm.s32 $0x1B8B  }
0xa2: {  	_ =	swait.ge [sflag:s23], $0x1  }
0xa3: {  	[sflag:s23] =	ssyncset.done $0x0  }
0xa4: {  	s25 =	simm.s32 $0x1B8E;
	s24 =	sld [smem:$0x3FFE];
	[sflag:s23] =	ssyncadd.s32 $0xFFFFFFFF  }
0xa5: {  	s26 =	simm.s32 $execute0_lowered;
	[smem:$0x3FD2] =	sst s25  }
0xa6: {  	s5 =	sshll.u32 s26, $0x1;
	_ =	strace $0x80000046;
	[dreg:$0x1] =	wrdreg $0xFFFFFFFF  }
0xa7: {  	s28 =	simm.s32 $_size_execute0_lowered;
	s3 =	sadd.s32 s3, s5;
	[dreg:$0x0] =	wrdreg $0x0  }
0xa8: {  	s5 =	sshll.u32 s28, $0x1;
	[dreg:$0x2] =	wrdreg s3  }
0xa9: {  	[dreg:$0x3] =	wrdreg s5  }
0xaa: {  	[dreg:$0x4] =	wrdreg $0xC0  }
0xab: {  	_ =	task [dreg:s7], $0x5FFFF  }
0xac: {  	[dreg:$0x1] =	wrdreg $0xFFFFFFFF  }
0xad: {  	[dreg:$0x0] =	wrdreg $0x60  }
0xae: {  	[dreg:$0x2] =	wrdreg s24  }
0xaf: {  	[dreg:$0x3] =	wrdreg s2  }
0xb0: {  	[dreg:$0x4] =	wrdreg $0x48000  }
0xb1: {  	[dreg:$0x5] =	wrdreg $0x9  }
0xb2: {  	_ =	task.clear_ibuf [dreg:s7], $0x6FFFF;
	_ =	strace $0x90000046  }
0xb3: {  	s29 =	simm.s32 $0x9;
	_ =	strace $0x80000048  }
0xb4: {  	_ =	swait.ge [sflag:s29], $0x1  }
0xb5: {  	[sflag:s29] =	ssyncadd.s32 $0xFFFFFFFF  }
0xb6: {  	_ =	strace $0x90000048  }
0xb7: {  	_ =	sfence  }
0xb8: {  	s30 =	sld [smem:$0x0];
	_ =	sdelay $0x2  }
0xb9: {  	s31 =	sshll.u32 s1, $0xD;
	s1 =	sshrl.u32 s1, $0x2  }
0xba: {  	s3 =	sand.u32 $0x4000, s31;
	s1 =	sadd.s32 s1, s30  }
0xbb: {  	s0 =	sor.u32 s3, s0;
	s1 =	sshll.u32 s1, $0x11  }
0xbc: {  	s0 =	sor.u32 s1, s0  }
0xbd: {  	s0 =	sadd.s32 $0x8F2B, s0  }
0xbe: {  	[sflag:s0] =	ssyncadd.remote.s32 $0x1  }
0xbf: {  	_ =	sfence.sel $0xFFFF  }
0xc0: {  	[dreg:$0x0] =	wrdreg $0xFFFFFFFF;
	(pc) =	sbr.abs _section_cstart, $3  }
0xc1: {  	[dreg:$0x1] =	wrdreg $0xFFFFFFFF  }
0xc2: {  	_ =	task.clear_ibuf [dreg:s7], $0x2FFFF;
	_ =	strace $0x9FFFFFFF  }
0xc3: {  	(tm) =	ssettm $0x7FFFFFFF  }
tec
execute0_lowered:
.L_overlay_start_1:
0x0: {  	(tag) =	ssettag $0x1  }
0x1: {  	s7 =	rddreg [dreg:$0x0]  }
0x2: {  	s2 =	rddreg [dreg:$0x1]  }
0x3: {  	s0 =	srdreg.scid;
	s3 =	rddreg [dreg:$0x2]  }
0x4: {  	s4 =	simm.s32 $0x0;
	s6 =	sand.u32 $0x1, s0;
	s0 =	stileid.u32  }
0x5: {  	s14 =	simm.s32 $0x40;
	s15 =	simm.s32 $0x0;
	s8 =	smul.u32 $0x2780, s0  }
0x6: {  	[smem:$0x7FF] =	sst s4;
	s1 =	sshll.u32 s6, $0x4;
	s9 =	smul.u32 $0x27800, s6  }
0x7: {  	s28 =	smul.u32 $0x4F000, s0;
	s6 =	ssub.s32 $0x2, s6;
	s1 =	sor.u32 s0, s1  }
0x8: {  	s31 =	sshll.u32 s0, $0x6;
	s29 =	sshrl.u32 s6, $0x1;
	s5 =	smul.u32 $0x5000, s1  }
0x9: {  	s1 =	rddreg [dreg:$0x3];
	_ =	strace $0x80000047;
	s8 =	sadd.s32 s8, s9  }
0xa: {  	s30 =	sshrl.u32 s28, $0x2;
	s12 =	ssub.s32 s6, s29;
	s6 =	sor.u32 $0x1C01, s31  }
0xb: {  	s11 =	sadd.s32 s8, s7;
	s13 =	sadd.s32 s30, s3;
	s5 =	sshrl.u32 s5, $0x3  }
0xc: {  	s9 =	sadd.s32 $0x1C200, s11;
	s11 =	sshrl.u32 s13, $0x3;
	s10 =	sadd.s32 s5, s7  }
0xd: {  	s13 =	simm.s32 $0x2800;
	s5 =	sadd.s32 $0x19A00, s7;
	s7 =	sadd.s32 $0x5A00, s10  }
0xe: {  	s8 =	sadd.s32 $0x5F00, s10;
	s10 =	smax.u32 s12, $0x1;
	s12 =	simm.s32 $0x1  }
.LBB2_1:
0xf: {  	[spmem:s11], [sflag:s6] =	dma.local [hbm:s5], $0x2780  }
0x10: {  	_ =	swait.ge [sflag:s12], $0x2780  }
0x11: {  	[sflag:s12] =	ssyncset.done $0x0  }
0x12: {  	[sflag:s12] =	ssyncadd.s32 $0xFFFFD880  }
0x13: {  	[tilespmem:s13], [sflag:$0x1] =	stream.linear.gather [hbm4b:s2+s4], $0x2000, $0x38;
	[tilespmem:$0x18400] =	vst v63  }
0x14: {  	_ =	swait.ge [sflag:s12], $0x2000  }
0x15: {  	[sflag:s12] =	ssyncset.done $0x0  }
0x16: {  	[sflag:s12] =	ssyncadd.s32 $0xFFFFE000  }
0x17: {  	[bflag:$0x0] =	sbarrier.arrive $0xFFFF  }
0x18: {  	[tilespmem:s4], [sflag:$0x1] =	stream.linear.gather [hbm4b:s7+s4], $0x2800, $0x38;
	[tilespmem:$0x18400] =	vst v63  }
0x19: {  	_ =	swait.ge [sflag:s12], $0x2800  }
0x1a: {  	[sflag:s12] =	ssyncset.done $0x0  }
0x1b: {  	s16 =	simm.s32 $0x0;
	[sflag:s12] =	ssyncadd.s32 $0xFFFFD800  }
0x1c: {  	[spmem:s3] =	stream.indirect.scatter.add.f32 [tilespmem:s13], [sflag:$0x1], $0x80, s16, s14, $0xb8;
	[tilespmem:$0x18400] =	vst v63  }
0x1d: {  	_ =	swait.ge [sflag:s12], $0x2000  }
0x1e: {  	s16 =	simm.s32 $0x200;
	[sflag:s12] =	ssyncset.done $0x0  }
.LBB2_2:
0x1f: {  	s17 =	sshra.s32 s16, $0x2;
	[sflag:s12] =	ssyncadd.s32 $0xFFFFE000;
	p0 =	sne.s32 s16, $0x9E00  }
0x20: {  	[spmem:s3] =	stream.indirect.scatter.add.f32 [tilespmem:s13], [sflag:$0x1], $0x80, s17, s14, $0xb8;
	[tilespmem:$0x18400] =	vst v63  }
.Ltmp0:
0x21: {  	_ = 	snop;
	(pc) =	sbr.rel @p0 .LBB2_2-.Ltmp0, $4  }
0x22: {  	_ = 	snop  }
0x23: {  	s16 =	sadd.s32 $0x200, s16  }
0x24: {  	_ =	swait.ge [sflag:s12], $0x2000  }
0x25: {  	[sflag:s12] =	ssyncset.done $0x0  }
0x26: {  	[sflag:s12] =	ssyncadd.s32 $0xFFFFE000;
	s16 =	simm.s32 $0x0  }
0x27: {  	[tilespmem:s16], [sflag:$0x1] =	stream.linear.gather [hbm4b:s8+s16], $0x2800, $0x38;
	[tilespmem:$0x18400] =	vst v63  }
0x28: {  	_ =	swait.ge [sflag:s12], $0x2800  }
0x29: {  	[sflag:s12] =	ssyncset.done $0x0  }
0x2a: {  	s31 =	simm.s32 $0x0;
	[sflag:s12] =	ssyncadd.s32 $0xFFFFD800  }
0x2b: {  	[spmem:s3] =	stream.indirect.scatter.add.f32 [tilespmem:s13], [sflag:$0x1], $0x80, s31, s14, $0xb8;
	[tilespmem:$0x18400] =	vst v63  }
0x2c: {  	_ =	swait.ge [sflag:s12], $0x2000  }
0x2d: {  	s16 =	simm.s32 $0x200;
	[sflag:s12] =	ssyncset.done $0x0  }
.LBB2_4:
0x2e: {  	s17 =	sshra.s32 s16, $0x2;
	[sflag:s12] =	ssyncadd.s32 $0xFFFFE000;
	p0 =	sne.s32 s16, $0x9E00  }
0x2f: {  	[spmem:s3] =	stream.indirect.scatter.add.f32 [tilespmem:s13], [sflag:$0x1], $0x80, s17, s14, $0xb8;
	[tilespmem:$0x18400] =	vst v63  }
.Ltmp1:
0x30: {  	_ = 	snop;
	(pc) =	sbr.rel @p0 .LBB2_4-.Ltmp1, $4  }
0x31: {  	_ = 	snop  }
0x32: {  	s16 =	sadd.s32 $0x200, s16  }
0x33: {  	_ =	swait.ge [sflag:s12], $0x2000  }
0x34: {  	[sflag:s12] =	ssyncset.done $0x0  }
0x35: {  	s15 =	sadd.s32 $0x1, s15  }
0x36: {  	[sflag:s12] =	ssyncadd.s32 $0xFFFFE000;
	p0 =	sne.s32 s15, s10  }
.Ltmp2:
0x37: {  	[bflag:$0x0] =	sbarrier.arrive $0xFFFF;
	(pc) =	sbr.rel @p0 .LBB2_1-.Ltmp2, $4  }
0x38: {  	[hbm:s9], [sflag:s6] =	dma.local [spmem:s11], $0x2780  }
0x39: {  	_ =	swait.ge [sflag:s12], $0x2780  }
0x3a: {  	[sflag:s12] =	ssyncset.done $0x0  }
0x3b: {  	[sflag:s12] =	ssyncadd.s32 $0xFFFFD880  }
0x3c: {  	_ =	sfence.sel $0x180000  }
0x3d: {  	[bflag:$0x0] =	sbarrier.arrive $0xFFFF  }
0x3e: {  	p0 =	sne.s32 s0, $0x0;
	_ =	strace $0x90000047  }
0x3f: {  	s0 =	sadd.s32 @!p0 $0x100000, s1;
	[bflag:$0x2] =	sbarrier.arrive $0xFFFF  }
0x40: {  	[sflag:s0] =	ssyncadd.tile.s32 @!p0 $0x1;
	_ =	shalt  }
.Lfunc_end2:
_tile_overlayer_lowered:
.L_overlay_start_2:
0x41: {  	(tag) =	ssettag $0x2  }
0x42: {  	s0 =	rddreg [dreg:$0x0];
	s2 =	stileid.u32  }
0x43: {  	s1 =	rddreg [dreg:$0x1];
	p0 =	sne.s32 s2, $0x0  }
0x44: {  	s3 =	rddreg [dreg:$0x2];
	[bflag:$0x3] =	sbarrier.arrive $0xFFFF;
	s2 =	simm.s32 @!p0 $0x1C01  }
0x45: {  	[timem:s3], [sflag:s2] =	dma.local @!p0 [hbm:s0], s1  }
0x46: {  	s0 =	simm.s32 @!p0 $0x1  }
0x47: {  	_ =	swait.ge @!p0 [sflag:s0], s1  }
0x48: {  	s1 =	ssub.s32 @!p0 $0x0, s1;
	[sflag:s0] =	ssyncset.done @!p0 $0x0  }
0x49: {  	[sflag:s0] =	ssyncadd.s32 @!p0 s1  }
0x4a: {  	[bflag:$0x3] =	sbarrier.arrive $0xFFFF  }
0x4b: {  	_ =	shalt  }

// kernel: kernel.19.cloned.1.call-start
scs
__scs_entry_jumppad:
0x0: {  	(pc) =	sbr.rel $0x88, $3  }
0x1: {  	(tag) =	ssettag $0x0;
	lr =	simm.s32 $0x1  }
0x2: {  	[smem:$0x3F90] =	sst lr;
	_ =	strace $0xD0000000  }
0x3: {  	_ = 	snop  }
0x4: {  	_ = 	snop  }
0x5: {  	_ = 	snop  }
0x6: {  	_ = 	snop  }
0x7: {  	_ = 	snop  }
__scs_overlays_trampoline_lowered:
0x8: {  	[smem:$0x3F9F] =	sst s0  }
0x9: {  	[smem:$0x3FA0] =	sst s1  }
0xa: {  	[smem:$0x3FA1] =	sst s2  }
0xb: {  	[smem:$0x3FA2] =	sst s3  }
0xc: {  	[smem:$0x3FA3] =	sst s4  }
0xd: {  	[smem:$0x3FA4] =	sst s5  }
0xe: {  	[smem:$0x3FA5] =	sst s6  }
0xf: {  	[smem:$0x3FA6] =	sst s7  }
0x10: {  	[smem:$0x3FA7] =	sst s8  }
0x11: {  	[smem:$0x3FA8] =	sst s9;
	s0 =	simm.s32 @!p0 $0x0  }
0x12: {  	s1 =	sld [smem:$0x3F8E];
	s0 =	simm.s32 @p0 $0x1  }
0x13: {  	[smem:$0x3FA9] =	sst s0;
	s0 =	simm.s32 @!p1 $0x0  }
0x14: {  	s2 =	sld [smem:$0x3F8D];
	s0 =	simm.s32 @p1 $0x1  }
0x15: {  	[smem:$0x3FAA] =	sst s0;
	s0 =	simm.s32 @!p2 $0x0  }
0x16: {  	s3 =	sld [smem:$0x3FDB];
	s0 =	simm.s32 @p2 $0x1  }
0x17: {  	s4 =	simm.s32 $0x1BF5;
	[smem:$0x3FAC] =	sst s0  }
0x18: {  	s0 =	sld [smem:$0x3F8F];
	_ =	swait.ge [sflag:s4], $0x0  }
0x19: {  	s7 =	sld [smem:$0x3F90]  }
0x1a: {  	s8 =	sadd.s32 $0xFFFFE003, lr  }
0x1b: {  	s9 =	sadd.s32 $0xFFFFFEF7, lr;
	s5 =	simm.s32 $0xFFFFFFFF;
	p2 =	slt.u32 s8, $0xFFFFF086  }
0x1c: {  	p1 =	slt.u32 s9, $0xF7A;
	s5 =	simm.s32 @!p2 $0x0  }
0x1d: {  	s5 =	simm.s32 @p1 $0x1;
	p0 =	seq.s32 s7, s2  }
0x1e: {  	s7 =	smul.u32 @!p0 $0xF7A, s2;
	p2 =	seq.s32 @!p0 s5, $0x0  }
0x1f: {  	s9 =	smul.u32 $0xF7A, s1;
	s8 =	simm.s32 @!p0 $0x1BF5;
	p2 =	por !p2, p0  }
0x20: {  	[sflag:s8] =	ssyncset.s32 @!p0 $0xFFFFF086;
	s6 =	sadd.s32 @!p0 s3, s7;
	s7 =	simm.s32 @!p0 $0x108  }
0x21: {  	s3 =	sadd.s32 s3, s9;
	s6 =	sadd.s32 @!p0 $0x88, s6;
	s7 =	simm.s32 @p2 $0x1082  }
0x22: {  	[simem:s7], [sflag:s8] =	dma.local @!p0 [hbm:s6], $0xF7A  }
0x23: {  	s9 =	sor.u32 $0xD0000000, s2;
	s6 =	simm.s32 $0x108;
	_ =	swait.ge @!p0 [sflag:s8], $0x0  }
0x24: {  	s3 =	sadd.s32 $0x88, s3;
	s6 =	simm.s32 @!p1 $0x1082;
	[sflag:s4] =	ssyncset.s32 $0xFFFFF086  }
0x25: {  	[simem:s6], [sflag:s4] =	dma.local [hbm:s3], $0xF7A  }
0x26: {  	[smem:$0x3F90] =	sst s1;
	(tag) =	ssettag s2;
	_ =	strace s9  }
0x27: {  	s1 =	sld [smem:$0x3FA0]  }
0x28: {  	s2 =	sld [smem:$0x3FA1]  }
0x29: {  	s4 =	sld [smem:$0x3FA3]  }
0x2a: {  	p0 =	seq.s32 s5, $0x0;
	s5 =	sld [smem:$0x3FA4]  }
0x2b: {  	s6 =	sld [smem:$0x3FA5]  }
0x2c: {  	s7 =	sld [smem:$0x3FA6]  }
0x2d: {  	s3 =	simm.s32 $0x108;
	s8 =	sld [smem:$0x3FA7]  }
0x2e: {  	s3 =	simm.s32 @!p0 $0x1082;
	s9 =	sld [smem:$0x3FA8]  }
0x2f: {  	lr =	sadd.s32 s0, s3;
	s0 =	sld [smem:$0x3F9F]  }
0x30: {  	s3 =	sld [smem:$0x3FA2]  }
0x31: {  	[smem:$0x3FAB] =	sst s10  }
0x32: {  	s10 =	sld [smem:$0x3FA9];
	_ =	sdelay $0x3  }
0x33: {  	p0 =	seq.s32 s10, $0x1;
	s10 =	sld [smem:$0x3FAB];
	_ =	sdelay $0x3  }
0x34: {  	[smem:$0x3FAB] =	sst s10  }
0x35: {  	s10 =	sld [smem:$0x3FAA];
	_ =	sdelay $0x3  }
0x36: {  	p1 =	seq.s32 s10, $0x1;
	s10 =	sld [smem:$0x3FAB];
	_ =	sdelay $0x3  }
0x37: {  	[smem:$0x3FAB] =	sst s10  }
0x38: {  	s10 =	sld [smem:$0x3FAC]  }
0x39: {  	_ = 	snop;
	(pc) =	sbr.ind lr, $3  }
0x3a: {  	_ = 	snop  }
0x3b: {  	_ = 	snop  }
0x3c: {  	p2 =	seq.s32 s10, $0x1;
	s10 =	sld [smem:$0x3FAB]  }
0x3d: {  	_ =	shalt  }
0x3e: {  	_ =	shalt  }
0x3f: {  	_ =	shalt  }
0x40: {  	_ =	shalt  }
0x41: {  	_ =	shalt  }
0x42: {  	_ =	shalt  }
0x43: {  	_ =	shalt  }
0x44: {  	_ =	shalt  }
0x45: {  	_ =	shalt  }
0x46: {  	_ =	shalt  }
0x47: {  	_ =	shalt  }
0x48: {  	_ =	shalt  }
0x49: {  	_ =	shalt  }
0x4a: {  	_ =	shalt  }
0x4b: {  	_ =	shalt  }
0x4c: {  	_ =	shalt  }
0x4d: {  	_ =	shalt  }
0x4e: {  	_ =	shalt  }
0x4f: {  	_ =	shalt  }
0x50: {  	_ =	shalt  }
0x51: {  	_ =	shalt  }
0x52: {  	_ =	shalt  }
0x53: {  	_ =	shalt  }
0x54: {  	_ =	shalt  }
0x55: {  	_ =	shalt  }
0x56: {  	_ =	shalt  }
0x57: {  	_ =	shalt  }
0x58: {  	_ =	shalt  }
0x59: {  	_ =	shalt  }
0x5a: {  	_ =	shalt  }
0x5b: {  	_ =	shalt  }
0x5c: {  	_ =	shalt  }
0x5d: {  	_ =	shalt  }
0x5e: {  	_ =	shalt  }
0x5f: {  	_ =	shalt  }
0x60: {  	_ =	shalt  }
0x61: {  	_ =	shalt  }
0x62: {  	_ =	shalt  }
0x63: {  	_ =	shalt  }
0x64: {  	_ =	shalt  }
0x65: {  	_ =	shalt  }
0x66: {  	_ =	shalt  }
0x67: {  	_ =	shalt  }
0x68: {  	_ =	shalt  }
0x69: {  	_ =	shalt  }
0x6a: {  	_ =	shalt  }
0x6b: {  	_ =	shalt  }
0x6c: {  	_ =	shalt  }
0x6d: {  	_ =	shalt  }
0x6e: {  	_ =	shalt  }
0x6f: {  	_ =	shalt  }
0x70: {  	_ =	shalt  }
0x71: {  	_ =	shalt  }
0x72: {  	_ =	shalt  }
0x73: {  	_ =	shalt  }
0x74: {  	_ =	shalt  }
0x75: {  	_ =	shalt  }
0x76: {  	_ =	shalt  }
0x77: {  	_ =	shalt  }
0x78: {  	_ =	shalt  }
0x79: {  	_ =	shalt  }
0x7a: {  	_ =	shalt  }
0x7b: {  	_ =	shalt  }
0x7c: {  	_ =	shalt  }
0x7d: {  	_ =	shalt  }
0x7e: {  	_ =	shalt  }
0x7f: {  	_ =	shalt  }
0x80: {  	_ =	shalt  }
0x81: {  	_ =	shalt  }
0x82: {  	_ =	shalt  }
0x83: {  	_ =	shalt  }
0x84: {  	_ =	shalt  }
0x85: {  	_ =	shalt  }
0x86: {  	_ =	shalt  }
0x87: {  	_ =	shalt  }
.Lfunc_end0:
.L_simem_size_0:
called_computation.1_lowered:
.L_overlay_start_0:
0x88: {  	s2 =	sld [smem:$0x3FD9]  }
0x89: {  	s3 =	sld [smem:$0x3FFE];
	_ =	sdelay $0x1  }
0x8a: {  	s1 =	srdreg.scid  }
0x8b: {  	s0 =	sand.u32 $0x1, s1  }
0x8c: {  	s16 =	sshll.u32 s0, $0xA;
	s2 =	sadd.s32 s3, s2  }
0x8d: {  	s2 =	sadd.s32 s2, s16  }
0x8e: {  	[smem:$0x3FB7] =	sst s2  }
0x8f: {  	_ = 	snop  }
0x90: {  	(tm) =	ssettm $0x1  }
0x91: {  	s17 =	sld [smem:$0x3FFB];
	_ =	sdelay $0x3  }
0x92: {  	_ =	strace s17  }
0x93: {  	s2 =	sld [smem:$0x3FFC];
	_ =	sdelay $0x3  }
0x94: {  	_ =	strace s2  }
0x95: {  	s2 =	sld [smem:$0x3FFD];
	_ =	sdelay $0x3  }
0x96: {  	_ =	strace s2  }
0x97: {  	_ =	strace $0x8FFFFFFF  }
0x98: {  	s18 =	sld [smem:$0x3FDB];
	_ =	sdelay $0x1  }
0x99: {  	s19 =	simm.s32 $_scs_section_size  }
0x9a: {  	s4 =	simm.s32 $_size__tile_overlayer_lowered;
	s5 =	simm.s32 $_tile_overlayer_lowered  }
0x9b: {  	s22 =	simm.s32 $0x1BFF;
	s21 =	sshll.u32 s5, $0x1;
	s2 =	sadd.s32 s19, s18  }
0x9c: {  	s6 =	simm.s32 $0x0;
	s20 =	sshll.u32 s4, $0x1;
	s4 =	sadd.s32 s21, s2  }
0x9d: {  	[timem:s6], [sflag:s22] =	dma.local [hbm:s4], s20  }
0x9e: {  	_ =	swait.ge [sflag:s22], s20  }
0x9f: {  	s3 =	ssub.s32 $0x0, s20;
	[sflag:s22] =	ssyncset.done $0x0  }
0xa0: {  	[sflag:s22] =	ssyncadd.s32 s3;
	_ =	sdelay $0x1  }
0xa1: {  	s23 =	simm.s32 $0x1B8B  }
0xa2: {  	_ =	swait.ge [sflag:s23], $0x1  }
0xa3: {  	[sflag:s23] =	ssyncset.done $0x0  }
0xa4: {  	s25 =	simm.s32 $0x1B8E;
	s24 =	sld [smem:$0x3FFE];
	[sflag:s23] =	ssyncadd.s32 $0xFFFFFFFF  }
0xa5: {  	s26 =	simm.s32 $execute0_lowered;
	[smem:$0x3FD2] =	sst s25  }
0xa6: {  	s4 =	sshll.u32 s26, $0x1;
	_ =	strace $0x80000049;
	[dreg:$0x1] =	wrdreg $0xFFFFFFFF  }
0xa7: {  	s28 =	simm.s32 $_size_execute0_lowered;
	s2 =	sadd.s32 s2, s4;
	[dreg:$0x0] =	wrdreg $0x0  }
0xa8: {  	s4 =	sshll.u32 s28, $0x1;
	[dreg:$0x2] =	wrdreg s2  }
0xa9: {  	[dreg:$0x3] =	wrdreg s4  }
0xaa: {  	[dreg:$0x4] =	wrdreg $0xC0  }
0xab: {  	_ =	task [dreg:s6], $0x5FFFF  }
0xac: {  	[dreg:$0x1] =	wrdreg $0xFFFFFFFF  }
0xad: {  	[dreg:$0x0] =	wrdreg $0x60  }
0xae: {  	[dreg:$0x2] =	wrdreg s24  }
0xaf: {  	[dreg:$0x3] =	wrdreg $0x90000  }
0xb0: {  	[dreg:$0x4] =	wrdreg $0x9  }
0xb1: {  	_ =	task.clear_ibuf [dreg:s6], $0x5FFFF;
	_ =	strace $0x90000049  }
0xb2: {  	s29 =	simm.s32 $0x9;
	_ =	strace $0x8000004B  }
0xb3: {  	_ =	swait.ge [sflag:s29], $0x1  }
0xb4: {  	[sflag:s29] =	ssyncadd.s32 $0xFFFFFFFF  }
0xb5: {  	_ =	strace $0x9000004B  }
0xb6: {  	_ =	sfence  }
0xb7: {  	s30 =	sld [smem:$0x0];
	_ =	sdelay $0x2  }
0xb8: {  	s31 =	sshll.u32 s1, $0xD;
	s1 =	sshrl.u32 s1, $0x2  }
0xb9: {  	s3 =	sand.u32 $0x4000, s31;
	s1 =	sadd.s32 s1, s30  }
0xba: {  	s0 =	sor.u32 s3, s0;
	s1 =	sshll.u32 s1, $0x11  }
0xbb: {  	s0 =	sor.u32 s1, s0  }
0xbc: {  	s0 =	sadd.s32 $0x8F2B, s0  }
0xbd: {  	[sflag:s0] =	ssyncadd.remote.s32 $0x1  }
0xbe: {  	_ =	sfence.sel $0xFFFF  }
0xbf: {  	[dreg:$0x0] =	wrdreg $0xFFFFFFFF;
	(pc) =	sbr.abs _section_cstart, $3  }
0xc0: {  	[dreg:$0x1] =	wrdreg $0xFFFFFFFF  }
0xc1: {  	_ =	task.clear_ibuf [dreg:s6], $0x2FFFF;
	_ =	strace $0x9FFFFFFF  }
0xc2: {  	(tm) =	ssettm $0x7FFFFFFF  }
0xc3: {  	_ =	shalt  }
tec
execute0_lowered:
.L_overlay_start_1:
0x0: {  	(tag) =	ssettag $0x1  }
0x1: {  	s6 =	rddreg [dreg:$0x0]  }
0x2: {  	s2 =	rddreg [dreg:$0x1]  }
0x3: {  	s0 =	rddreg [dreg:$0x2];
	s3 =	simm.s32 $0x0;
	s4 =	srdreg.scid  }
0x4: {  	s1 =	stileid.u32;
	s16 =	simm.s32 $0x40;
	s17 =	simm.s32 $0x5000  }
0x5: {  	s18 =	simm.s32 $0x7000;
	s19 =	simm.s32 $0x1;
	s20 =	simm.s32 $0x2  }
0x6: {  	s21 =	simm.s32 $0x3;
	s22 =	simm.s32 $0x4;
	s23 =	simm.s32 $0x0  }
0x7: {  	[smem:$0x7FF] =	sst s3;
	s7 =	sand.u32 $0x1, s4;
	s8 =	smul.u32 $0x2780, s1  }
0x8: {  	s4 =	sadd.s32 $0x1C200, s6;
	s10 =	sadd.s32 $0x92A00, s6;
	s12 =	smul.u32 $0x4F000, s1  }
0x9: {  	s11 =	sadd.s32 $0xA6A00, s6;
	s5 =	sadd.s32 $0x19A00, s6;
	s9 =	smul.u32 $0x27800, s7  }
0xa: {  	s30 =	sshll.u32 s1, $0x6;
	_ =	strace $0x8000004A;
	s25 =	sshll.u32 s7, $0x4  }
0xb: {  	s7 =	ssub.s32 $0x2, s7;
	s8 =	sadd.s32 s8, s9;
	s9 =	sor.u32 s1, s25  }
0xc: {  	s26 =	sshrl.u32 s7, $0x1;
	s29 =	sshrl.u32 s12, $0x2;
	s28 =	smul.u32 $0x5000, s9  }
0xd: {  	s14 =	ssub.s32 s7, s26;
	s15 =	sadd.s32 s29, s2;
	s13 =	sadd.s32 s8, s6  }
0xe: {  	s6 =	sor.u32 $0x1C05, s30;
	s12 =	smax.u32 s14, $0x1;
	s9 =	sshrl.u32 s28, $0x3  }
0xf: {  	s14 =	simm.s32 $0x5;
	s7 =	sadd.s32 s10, s9;
	s31 =	sadd.s32 $0x500, s9  }
0x10: {  	s8 =	sadd.s32 s11, s9;
	s9 =	sadd.s32 s10, s31;
	s10 =	sadd.s32 s11, s31  }
0x11: {  	s11 =	sadd.s32 $0x43A00, s13;
	s13 =	sshrl.u32 s15, $0x3;
	s15 =	simm.s32 $0x2800  }
.LBB2_1:
0x12: {  	[spmem:s13], [sflag:s6] =	dma.local [hbm:s5], $0x2780  }
0x13: {  	_ =	swait.ge [sflag:s14], $0x2780  }
0x14: {  	[sflag:s14] =	ssyncset.done $0x0  }
0x15: {  	[sflag:s14] =	ssyncadd.s32 $0xFFFFD880  }
0x16: {  	[bflag:$0x0] =	sbarrier.arrive $0xFFFF  }
0x17: {  	[tilespmem:s3], [sflag:$0x5] =	stream.linear.gather [hbm4b:s7+s3], $0x2800, $0x38;
	[tilespmem:$0x1CC00] =	vst v63  }
0x18: {  	_ =	swait.ge [sflag:s14], $0x2800  }
0x19: {  	[sflag:s14] =	ssyncset.done $0x0  }
0x1a: {  	[sflag:s14] =	ssyncadd.s32 $0xFFFFD800  }
0x1b: {  	[tilespmem:s15], [sflag:$0x5] =	stream.linear.gather [hbm4b:s8+s3], $0x2800, $0x38;
	[tilespmem:$0x1CC00] =	vst v63  }
0x1c: {  	_ =	swait.ge [sflag:s14], $0x2800  }
0x1d: {  	[sflag:s14] =	ssyncset.done $0x0  }
0x1e: {  	s24 =	simm.s32 $0x0;
	[sflag:s14] =	ssyncadd.s32 $0xFFFFD800  }
0x1f: {  	[tilespmem:s17], [sflag:$0x1] =	stream.indirect.gather [hbm4b:s4+s16], $0x80, s24, s16, $0xb8;
	[tilespmem:$0x1CC00] =	vst v63  }
0x20: {  	s29 =	simm.s32 $0x80  }
0x21: {  	[tilespmem:s18], [sflag:$0x2] =	stream.indirect.gather [hbm4b:s4+s16], $0x80, s29, s16, $0xb8;
	[tilespmem:$0x1CC00] =	vst v63  }
0x22: {  	_ =	swait.ge [sflag:s19], $0x2000  }
0x23: {  	[sflag:s19] =	ssyncset.done $0x0  }
0x24: {  	s30 =	simm.s32 $0x2800;
	[sflag:s19] =	ssyncadd.s32 $0xFFFFE000  }
0x25: {  	[spmem:s2] =	stream.indirect.scatter.add.f32 [tilespmem:s17], [sflag:$0x3], $0x80, s30, s16, $0xb8;
	[tilespmem:$0x1CC00] =	vst v63  }
0x26: {  	_ =	swait.ge [sflag:s20], $0x2000  }
0x27: {  	[sflag:s20] =	ssyncset.done $0x0  }
0x28: {  	s31 =	simm.s32 $0x2880;
	[sflag:s20] =	ssyncadd.s32 $0xFFFFE000  }
0x29: {  	[spmem:s2] =	stream.indirect.scatter.add.f32 [tilespmem:s18], [sflag:$0x4], $0x80, s31, s16, $0xb8;
	[tilespmem:$0x1CC00] =	vst v63  }
0x2a: {  	_ =	swait.ge [sflag:s21], $0x2000  }
0x2b: {  	[sflag:s21] =	ssyncset.done $0x0  }
0x2c: {  	[sflag:s21] =	ssyncadd.s32 $0xFFFFE000  }
0x2d: {  	_ =	swait.ge [sflag:s22], $0x2000  }
0x2e: {  	s25 =	simm.s32 $0x800;
	s24 =	simm.s32 $0x400;
	[sflag:s22] =	ssyncset.done $0x0  }
.LBB2_2:
0x2f: {  	s26 =	sshra.s32 s24, $0x2  }
0x30: {  	[sflag:s22] =	ssyncadd.s32 $0xFFFFE000;
	s24 =	smov.u32 s25;
	s28 =	sadd.s32 $0x400, s25  }
0x31: {  	[tilespmem:s17], [sflag:$0x1] =	stream.indirect.gather [hbm4b:s4+s16], $0x80, s26, s16, $0xb8;
	[tilespmem:$0x1CC00] =	vst v63  }
0x32: {  	p0 =	sne.s32 s25, $0x9C00;
	s25 =	sadd.s32 $0x80, s26  }
0x33: {  	[tilespmem:s18], [sflag:$0x2] =	stream.indirect.gather [hbm4b:s4+s16], $0x80, s25, s16, $0xb8;
	[tilespmem:$0x1CC00] =	vst v63  }
0x34: {  	_ =	swait.ge [sflag:s19], $0x2000  }
0x35: {  	[sflag:s19] =	ssyncset.done $0x0  }
0x36: {  	s25 =	sadd.s32 $0x2800, s26;
	[sflag:s19] =	ssyncadd.s32 $0xFFFFE000  }
0x37: {  	[spmem:s2] =	stream.indirect.scatter.add.f32 [tilespmem:s17], [sflag:$0x3], $0x80, s25, s16, $0xb8;
	[tilespmem:$0x1CC00] =	vst v63  }
0x38: {  	_ =	swait.ge [sflag:s20], $0x2000  }
0x39: {  	[sflag:s20] =	ssyncset.done $0x0  }
0x3a: {  	s25 =	sadd.s32 $0x2880, s26;
	[sflag:s20] =	ssyncadd.s32 $0xFFFFE000  }
0x3b: {  	[spmem:s2] =	stream.indirect.scatter.add.f32 [tilespmem:s18], [sflag:$0x4], $0x80, s25, s16, $0xb8;
	[tilespmem:$0x1CC00] =	vst v63  }
.Ltmp0:
0x3c: {  	_ =	swait.ge [sflag:s21], $0x2000;
	(pc) =	sbr.rel @p0 .LBB2_2-.Ltmp0, $4  }
0x3d: {  	[sflag:s21] =	ssyncset.done $0x0  }
0x3e: {  	[sflag:s21] =	ssyncadd.s32 $0xFFFFE000  }
0x3f: {  	_ =	swait.ge [sflag:s22], $0x2000  }
0x40: {  	s25 =	smov.u32 s28;
	[sflag:s22] =	ssyncset.done $0x0  }
0x41: {  	s24 =	sshra.s32 s24, $0x2;
	[sflag:s22] =	ssyncadd.s32 $0xFFFFE000  }
0x42: {  	[tilespmem:s17], [sflag:$0x1] =	stream.indirect.gather [hbm4b:s4+s16], $0x80, s24, s16, $0xb8;
	[tilespmem:$0x1CC00] =	vst v63  }
0x43: {  	s25 =	sadd.s32 $0x80, s24  }
0x44: {  	[tilespmem:s18], [sflag:$0x2] =	stream.indirect.gather [hbm4b:s4+s16], $0x80, s25, s16, $0xb8;
	[tilespmem:$0x1CC00] =	vst v63  }
0x45: {  	_ =	swait.ge [sflag:s19], $0x2000  }
0x46: {  	[sflag:s19] =	ssyncset.done $0x0  }
0x47: {  	s31 =	sadd.s32 $0x2800, s24;
	[sflag:s19] =	ssyncadd.s32 $0xFFFFE000  }
0x48: {  	[spmem:s2] =	stream.indirect.scatter.add.f32 [tilespmem:s17], [sflag:$0x3], $0x80, s31, s16, $0xb8;
	[tilespmem:$0x1CC00] =	vst v63  }
0x49: {  	_ =	swait.ge [sflag:s20], $0x2000  }
0x4a: {  	[sflag:s20] =	ssyncset.done $0x0  }
0x4b: {  	s24 =	sadd.s32 $0x2880, s24;
	[sflag:s20] =	ssyncadd.s32 $0xFFFFE000  }
0x4c: {  	[spmem:s2] =	stream.indirect.scatter.add.f32 [tilespmem:s18], [sflag:$0x4], $0x80, s24, s16, $0xb8;
	[tilespmem:$0x1CC00] =	vst v63  }
0x4d: {  	_ =	swait.ge [sflag:s21], $0x2000  }
0x4e: {  	[sflag:s21] =	ssyncset.done $0x0  }
0x4f: {  	[sflag:s21] =	ssyncadd.s32 $0xFFFFE000  }
0x50: {  	_ =	swait.ge [sflag:s22], $0x2000  }
0x51: {  	[sflag:s22] =	ssyncset.done $0x0  }
0x52: {  	s26 =	simm.s32 $0x0;
	[sflag:s22] =	ssyncadd.s32 $0xFFFFE000  }
0x53: {  	[tilespmem:s26], [sflag:$0x5] =	stream.linear.gather [hbm4b:s9+s26], $0x2800, $0x38;
	[tilespmem:$0x1CC00] =	vst v63  }
0x54: {  	_ =	swait.ge [sflag:s14], $0x2800  }
0x55: {  	[sflag:s14] =	ssyncset.done $0x0  }
0x56: {  	[sflag:s14] =	ssyncadd.s32 $0xFFFFD800  }
0x57: {  	[tilespmem:s15], [sflag:$0x5] =	stream.linear.gather [hbm4b:s10+s26], $0x2800, $0x38;
	[tilespmem:$0x1CC00] =	vst v63  }
0x58: {  	_ =	swait.ge [sflag:s14], $0x2800  }
0x59: {  	[sflag:s14] =	ssyncset.done $0x0  }
0x5a: {  	s28 =	simm.s32 $0x0;
	[sflag:s14] =	ssyncadd.s32 $0xFFFFD800  }
0x5b: {  	[tilespmem:s17], [sflag:$0x1] =	stream.indirect.gather [hbm4b:s4+s16], $0x80, s28, s16, $0xb8;
	[tilespmem:$0x1CC00] =	vst v63  }
0x5c: {  	s29 =	simm.s32 $0x80  }
0x5d: {  	[tilespmem:s18], [sflag:$0x2] =	stream.indirect.gather [hbm4b:s4+s16], $0x80, s29, s16, $0xb8;
	[tilespmem:$0x1CC00] =	vst v63  }
0x5e: {  	_ =	swait.ge [sflag:s19], $0x2000  }
0x5f: {  	[sflag:s19] =	ssyncset.done $0x0  }
0x60: {  	s30 =	simm.s32 $0x2800;
	[sflag:s19] =	ssyncadd.s32 $0xFFFFE000  }
0x61: {  	[spmem:s2] =	stream.indirect.scatter.add.f32 [tilespmem:s17], [sflag:$0x3], $0x80, s30, s16, $0xb8;
	[tilespmem:$0x1CC00] =	vst v63  }
0x62: {  	_ =	swait.ge [sflag:s20], $0x2000  }
0x63: {  	[sflag:s20] =	ssyncset.done $0x0  }
0x64: {  	s31 =	simm.s32 $0x2880;
	[sflag:s20] =	ssyncadd.s32 $0xFFFFE000  }
0x65: {  	[spmem:s2] =	stream.indirect.scatter.add.f32 [tilespmem:s18], [sflag:$0x4], $0x80, s31, s16, $0xb8;
	[tilespmem:$0x1CC00] =	vst v63  }
0x66: {  	_ =	swait.ge [sflag:s21], $0x2000  }
0x67: {  	[sflag:s21] =	ssyncset.done $0x0  }
0x68: {  	[sflag:s21] =	ssyncadd.s32 $0xFFFFE000  }
0x69: {  	_ =	swait.ge [sflag:s22], $0x2000  }
0x6a: {  	s25 =	simm.s32 $0x800;
	s24 =	simm.s32 $0x400;
	[sflag:s22] =	ssyncset.done $0x0  }
.LBB2_4:
0x6b: {  	s26 =	sshra.s32 s24, $0x2  }
0x6c: {  	[sflag:s22] =	ssyncadd.s32 $0xFFFFE000;
	s24 =	smov.u32 s25;
	s28 =	sadd.s32 $0x400, s25  }
0x6d: {  	[tilespmem:s17], [sflag:$0x1] =	stream.indirect.gather [hbm4b:s4+s16], $0x80, s26, s16, $0xb8;
	[tilespmem:$0x1CC00] =	vst v63  }
0x6e: {  	p0 =	sne.s32 s25, $0x9C00;
	s25 =	sadd.s32 $0x80, s26  }
0x6f: {  	[tilespmem:s18], [sflag:$0x2] =	stream.indirect.gather [hbm4b:s4+s16], $0x80, s25, s16, $0xb8;
	[tilespmem:$0x1CC00] =	vst v63  }
0x70: {  	_ =	swait.ge [sflag:s19], $0x2000  }
0x71: {  	[sflag:s19] =	ssyncset.done $0x0  }
0x72: {  	s25 =	sadd.s32 $0x2800, s26;
	[sflag:s19] =	ssyncadd.s32 $0xFFFFE000  }
0x73: {  	[spmem:s2] =	stream.indirect.scatter.add.f32 [tilespmem:s17], [sflag:$0x3], $0x80, s25, s16, $0xb8;
	[tilespmem:$0x1CC00] =	vst v63  }
0x74: {  	_ =	swait.ge [sflag:s20], $0x2000  }
0x75: {  	[sflag:s20] =	ssyncset.done $0x0  }
0x76: {  	s25 =	sadd.s32 $0x2880, s26;
	[sflag:s20] =	ssyncadd.s32 $0xFFFFE000  }
0x77: {  	[spmem:s2] =	stream.indirect.scatter.add.f32 [tilespmem:s18], [sflag:$0x4], $0x80, s25, s16, $0xb8;
	[tilespmem:$0x1CC00] =	vst v63  }
.Ltmp1:
0x78: {  	_ =	swait.ge [sflag:s21], $0x2000;
	(pc) =	sbr.rel @p0 .LBB2_4-.Ltmp1, $4  }
0x79: {  	[sflag:s21] =	ssyncset.done $0x0  }
0x7a: {  	[sflag:s21] =	ssyncadd.s32 $0xFFFFE000  }
0x7b: {  	_ =	swait.ge [sflag:s22], $0x2000  }
0x7c: {  	s25 =	smov.u32 s28;
	[sflag:s22] =	ssyncset.done $0x0  }
0x7d: {  	s24 =	sshra.s32 s24, $0x2;
	[sflag:s22] =	ssyncadd.s32 $0xFFFFE000  }
0x7e: {  	[tilespmem:s17], [sflag:$0x1] =	stream.indirect.gather [hbm4b:s4+s16], $0x80, s24, s16, $0xb8;
	[tilespmem:$0x1CC00] =	vst v63  }
0x7f: {  	s25 =	sadd.s32 $0x80, s24  }
0x80: {  	[tilespmem:s18], [sflag:$0x2] =	stream.indirect.gather [hbm4b:s4+s16], $0x80, s25, s16, $0xb8;
	[tilespmem:$0x1CC00] =	vst v63  }
0x81: {  	_ =	swait.ge [sflag:s19], $0x2000  }
0x82: {  	[sflag:s19] =	ssyncset.done $0x0  }
0x83: {  	s31 =	sadd.s32 $0x2800, s24;
	[sflag:s19] =	ssyncadd.s32 $0xFFFFE000  }
0x84: {  	[spmem:s2] =	stream.indirect.scatter.add.f32 [tilespmem:s17], [sflag:$0x3], $0x80, s31, s16, $0xb8;
	[tilespmem:$0x1CC00] =	vst v63  }
0x85: {  	_ =	swait.ge [sflag:s20], $0x2000  }
0x86: {  	[sflag:s20] =	ssyncset.done $0x0  }
0x87: {  	s24 =	sadd.s32 $0x2880, s24;
	[sflag:s20] =	ssyncadd.s32 $0xFFFFE000  }
0x88: {  	[spmem:s2] =	stream.indirect.scatter.add.f32 [tilespmem:s18], [sflag:$0x4], $0x80, s24, s16, $0xb8;
	[tilespmem:$0x1CC00] =	vst v63  }
0x89: {  	_ =	swait.ge [sflag:s21], $0x2000  }
0x8a: {  	[sflag:s21] =	ssyncset.done $0x0  }
0x8b: {  	[sflag:s21] =	ssyncadd.s32 $0xFFFFE000  }
0x8c: {  	_ =	swait.ge [sflag:s22], $0x2000  }
0x8d: {  	s23 =	sadd.s32 $0x1, s23;
	[sflag:s22] =	ssyncset.done $0x0  }
0x8e: {  	p0 =	sne.s32 s23, s12;
	[sflag:s22] =	ssyncadd.s32 $0xFFFFE000  }
.Ltmp2:
0x8f: {  	[bflag:$0x0] =	sbarrier.arrive $0xFFFF;
	(pc) =	sbr.rel @p0 .LBB2_1-.Ltmp2, $4  }
0x90: {  	[hbm:s11], [sflag:s6] =	dma.local [spmem:s13], $0x2780  }
0x91: {  	_ =	swait.ge [sflag:s14], $0x2780  }
0x92: {  	[sflag:s14] =	ssyncset.done $0x0  }
0x93: {  	[sflag:s14] =	ssyncadd.s32 $0xFFFFD880  }
0x94: {  	_ =	sfence.sel $0x180000  }
0x95: {  	[bflag:$0x0] =	sbarrier.arrive $0xFFFF  }
0x96: {  	p0 =	sne.s32 s1, $0x0;
	_ =	strace $0x9000004A  }
0x97: {  	s0 =	sadd.s32 @!p0 $0x100000, s0;
	[bflag:$0x2] =	sbarrier.arrive $0xFFFF  }
0x98: {  	[sflag:s0] =	ssyncadd.tile.s32 @!p0 $0x1;
	_ =	shalt  }
.Lfunc_end2:
_tile_overlayer_lowered:
.L_overlay_start_2:
0x99: {  	(tag) =	ssettag $0x2  }
0x9a: {  	s0 =	rddreg [dreg:$0x0];
	s2 =	stileid.u32  }
0x9b: {  	s1 =	rddreg [dreg:$0x1];
	p0 =	sne.s32 s2, $0x0  }
0x9c: {  	s3 =	rddreg [dreg:$0x2];
	[bflag:$0x3] =	sbarrier.arrive $0xFFFF;
	s2 =	simm.s32 @!p0 $0x1C05  }
0x9d: {  	[timem:s3], [sflag:s2] =	dma.local @!p0 [hbm:s0], s1  }
0x9e: {  	s0 =	simm.s32 @!p0 $0x5  }
0x9f: {  	_ =	swait.ge @!p0 [sflag:s0], s1  }
0xa0: {  	s1 =	ssub.s32 @!p0 $0x0, s1;
	[sflag:s0] =	ssyncset.done @!p0 $0x0  }
0xa1: {  	[sflag:s0] =	ssyncadd.s32 @!p0 s1  }
0xa2: {  	[bflag:$0x3] =	sbarrier.arrive $0xFFFF  }
0xa3: {  	_ =	shalt  }

// kernel: kernel.22.cloned.1.call-start
scs
__scs_entry_jumppad:
0x0: {  	(pc) =	sbr.rel $0x88, $3  }
0x1: {  	(tag) =	ssettag $0x0;
	lr =	simm.s32 $0x1  }
0x2: {  	[smem:$0x3F90] =	sst lr;
	_ =	strace $0xD0000000  }
0x3: {  	_ = 	snop  }
0x4: {  	_ = 	snop  }
0x5: {  	_ = 	snop  }
0x6: {  	_ = 	snop  }
0x7: {  	_ = 	snop  }
__scs_overlays_trampoline_lowered:
0x8: {  	[smem:$0x3F9F] =	sst s0  }
0x9: {  	[smem:$0x3FA0] =	sst s1  }
0xa: {  	[smem:$0x3FA1] =	sst s2  }
0xb: {  	[smem:$0x3FA2] =	sst s3  }
0xc: {  	[smem:$0x3FA3] =	sst s4  }
0xd: {  	[smem:$0x3FA4] =	sst s5  }
0xe: {  	[smem:$0x3FA5] =	sst s6  }
0xf: {  	[smem:$0x3FA6] =	sst s7  }
0x10: {  	[smem:$0x3FA7] =	sst s8  }
0x11: {  	[smem:$0x3FA8] =	sst s9;
	s0 =	simm.s32 @!p0 $0x0  }
0x12: {  	s1 =	sld [smem:$0x3F8E];
	s0 =	simm.s32 @p0 $0x1  }
0x13: {  	[smem:$0x3FA9] =	sst s0;
	s0 =	simm.s32 @!p1 $0x0  }
0x14: {  	s2 =	sld [smem:$0x3F8D];
	s0 =	simm.s32 @p1 $0x1  }
0x15: {  	[smem:$0x3FAA] =	sst s0;
	s0 =	simm.s32 @!p2 $0x0  }
0x16: {  	s3 =	sld [smem:$0x3FDB];
	s0 =	simm.s32 @p2 $0x1  }
0x17: {  	s4 =	simm.s32 $0x1BF5;
	[smem:$0x3FAC] =	sst s0  }
0x18: {  	s0 =	sld [smem:$0x3F8F];
	_ =	swait.ge [sflag:s4], $0x0  }
0x19: {  	s7 =	sld [smem:$0x3F90]  }
0x1a: {  	s8 =	sadd.s32 $0xFFFFE003, lr  }
0x1b: {  	s9 =	sadd.s32 $0xFFFFFEF7, lr;
	s5 =	simm.s32 $0xFFFFFFFF;
	p2 =	slt.u32 s8, $0xFFFFF086  }
0x1c: {  	p1 =	slt.u32 s9, $0xF7A;
	s5 =	simm.s32 @!p2 $0x0  }
0x1d: {  	s5 =	simm.s32 @p1 $0x1;
	p0 =	seq.s32 s7, s2  }
0x1e: {  	s7 =	smul.u32 @!p0 $0xF7A, s2;
	p2 =	seq.s32 @!p0 s5, $0x0  }
0x1f: {  	s9 =	smul.u32 $0xF7A, s1;
	s8 =	simm.s32 @!p0 $0x1BF5;
	p2 =	por !p2, p0  }
0x20: {  	[sflag:s8] =	ssyncset.s32 @!p0 $0xFFFFF086;
	s6 =	sadd.s32 @!p0 s3, s7;
	s7 =	simm.s32 @!p0 $0x108  }
0x21: {  	s3 =	sadd.s32 s3, s9;
	s6 =	sadd.s32 @!p0 $0x88, s6;
	s7 =	simm.s32 @p2 $0x1082  }
0x22: {  	[simem:s7], [sflag:s8] =	dma.local @!p0 [hbm:s6], $0xF7A  }
0x23: {  	s9 =	sor.u32 $0xD0000000, s2;
	s6 =	simm.s32 $0x108;
	_ =	swait.ge @!p0 [sflag:s8], $0x0  }
0x24: {  	s3 =	sadd.s32 $0x88, s3;
	s6 =	simm.s32 @!p1 $0x1082;
	[sflag:s4] =	ssyncset.s32 $0xFFFFF086  }
0x25: {  	[simem:s6], [sflag:s4] =	dma.local [hbm:s3], $0xF7A  }
0x26: {  	[smem:$0x3F90] =	sst s1;
	(tag) =	ssettag s2;
	_ =	strace s9  }
0x27: {  	s1 =	sld [smem:$0x3FA0]  }
0x28: {  	s2 =	sld [smem:$0x3FA1]  }
0x29: {  	s4 =	sld [smem:$0x3FA3]  }
0x2a: {  	p0 =	seq.s32 s5, $0x0;
	s5 =	sld [smem:$0x3FA4]  }
0x2b: {  	s6 =	sld [smem:$0x3FA5]  }
0x2c: {  	s7 =	sld [smem:$0x3FA6]  }
0x2d: {  	s3 =	simm.s32 $0x108;
	s8 =	sld [smem:$0x3FA7]  }
0x2e: {  	s3 =	simm.s32 @!p0 $0x1082;
	s9 =	sld [smem:$0x3FA8]  }
0x2f: {  	lr =	sadd.s32 s0, s3;
	s0 =	sld [smem:$0x3F9F]  }
0x30: {  	s3 =	sld [smem:$0x3FA2]  }
0x31: {  	[smem:$0x3FAB] =	sst s10  }
0x32: {  	s10 =	sld [smem:$0x3FA9];
	_ =	sdelay $0x3  }
0x33: {  	p0 =	seq.s32 s10, $0x1;
	s10 =	sld [smem:$0x3FAB];
	_ =	sdelay $0x3  }
0x34: {  	[smem:$0x3FAB] =	sst s10  }
0x35: {  	s10 =	sld [smem:$0x3FAA];
	_ =	sdelay $0x3  }
0x36: {  	p1 =	seq.s32 s10, $0x1;
	s10 =	sld [smem:$0x3FAB];
	_ =	sdelay $0x3  }
0x37: {  	[smem:$0x3FAB] =	sst s10  }
0x38: {  	s10 =	sld [smem:$0x3FAC]  }
0x39: {  	_ = 	snop;
	(pc) =	sbr.ind lr, $3  }
0x3a: {  	_ = 	snop  }
0x3b: {  	_ = 	snop  }
0x3c: {  	p2 =	seq.s32 s10, $0x1;
	s10 =	sld [smem:$0x3FAB]  }
0x3d: {  	_ =	shalt  }
0x3e: {  	_ =	shalt  }
0x3f: {  	_ =	shalt  }
0x40: {  	_ =	shalt  }
0x41: {  	_ =	shalt  }
0x42: {  	_ =	shalt  }
0x43: {  	_ =	shalt  }
0x44: {  	_ =	shalt  }
0x45: {  	_ =	shalt  }
0x46: {  	_ =	shalt  }
0x47: {  	_ =	shalt  }
0x48: {  	_ =	shalt  }
0x49: {  	_ =	shalt  }
0x4a: {  	_ =	shalt  }
0x4b: {  	_ =	shalt  }
0x4c: {  	_ =	shalt  }
0x4d: {  	_ =	shalt  }
0x4e: {  	_ =	shalt  }
0x4f: {  	_ =	shalt  }
0x50: {  	_ =	shalt  }
0x51: {  	_ =	shalt  }
0x52: {  	_ =	shalt  }
0x53: {  	_ =	shalt  }
0x54: {  	_ =	shalt  }
0x55: {  	_ =	shalt  }
0x56: {  	_ =	shalt  }
0x57: {  	_ =	shalt  }
0x58: {  	_ =	shalt  }
0x59: {  	_ =	shalt  }
0x5a: {  	_ =	shalt  }
0x5b: {  	_ =	shalt  }
0x5c: {  	_ =	shalt  }
0x5d: {  	_ =	shalt  }
0x5e: {  	_ =	shalt  }
0x5f: {  	_ =	shalt  }
0x60: {  	_ =	shalt  }
0x61: {  	_ =	shalt  }
0x62: {  	_ =	shalt  }
0x63: {  	_ =	shalt  }
0x64: {  	_ =	shalt  }
0x65: {  	_ =	shalt  }
0x66: {  	_ =	shalt  }
0x67: {  	_ =	shalt  }
0x68: {  	_ =	shalt  }
0x69: {  	_ =	shalt  }
0x6a: {  	_ =	shalt  }
0x6b: {  	_ =	shalt  }
0x6c: {  	_ =	shalt  }
0x6d: {  	_ =	shalt  }
0x6e: {  	_ =	shalt  }
0x6f: {  	_ =	shalt  }
0x70: {  	_ =	shalt  }
0x71: {  	_ =	shalt  }
0x72: {  	_ =	shalt  }
0x73: {  	_ =	shalt  }
0x74: {  	_ =	shalt  }
0x75: {  	_ =	shalt  }
0x76: {  	_ =	shalt  }
0x77: {  	_ =	shalt  }
0x78: {  	_ =	shalt  }
0x79: {  	_ =	shalt  }
0x7a: {  	_ =	shalt  }
0x7b: {  	_ =	shalt  }
0x7c: {  	_ =	shalt  }
0x7d: {  	_ =	shalt  }
0x7e: {  	_ =	shalt  }
0x7f: {  	_ =	shalt  }
0x80: {  	_ =	shalt  }
0x81: {  	_ =	shalt  }
0x82: {  	_ =	shalt  }
0x83: {  	_ =	shalt  }
0x84: {  	_ =	shalt  }
0x85: {  	_ =	shalt  }
0x86: {  	_ =	shalt  }
0x87: {  	_ =	shalt  }
.Lfunc_end0:
.L_simem_size_0:
called_computation.2_lowered:
.L_overlay_start_0:
0x88: {  	s2 =	sld [smem:$0x3FD9]  }
0x89: {  	s3 =	sld [smem:$0x3FFE];
	_ =	sdelay $0x1  }
0x8a: {  	s1 =	srdreg.scid  }
0x8b: {  	s0 =	sand.u32 $0x1, s1  }
0x8c: {  	s16 =	sshll.u32 s0, $0xA;
	s2 =	sadd.s32 s3, s2  }
0x8d: {  	s2 =	sadd.s32 s2, s16  }
0x8e: {  	[smem:$0x3FB7] =	sst s2  }
0x8f: {  	_ = 	snop  }
0x90: {  	(tm) =	ssettm $0x1  }
0x91: {  	s17 =	sld [smem:$0x3FFB];
	_ =	sdelay $0x3  }
0x92: {  	_ =	strace s17  }
0x93: {  	s2 =	sld [smem:$0x3FFC];
	_ =	sdelay $0x3  }
0x94: {  	_ =	strace s2  }
0x95: {  	s2 =	sld [smem:$0x3FFD];
	_ =	sdelay $0x3  }
0x96: {  	_ =	strace s2  }
0x97: {  	_ =	strace $0x8FFFFFFF  }
0x98: {  	s18 =	sld [smem:$0x3FDB];
	_ =	sdelay $0x1  }
0x99: {  	s19 =	simm.s32 $_scs_section_size  }
0x9a: {  	s4 =	simm.s32 $_size__tile_overlayer_lowered;
	s5 =	simm.s32 $_tile_overlayer_lowered  }
0x9b: {  	s22 =	simm.s32 $0x1BFF;
	s21 =	sshll.u32 s5, $0x1;
	s2 =	sadd.s32 s19, s18  }
0x9c: {  	s6 =	simm.s32 $0x0;
	s20 =	sshll.u32 s4, $0x1;
	s4 =	sadd.s32 s21, s2  }
0x9d: {  	[timem:s6], [sflag:s22] =	dma.local [hbm:s4], s20  }
0x9e: {  	_ =	swait.ge [sflag:s22], s20  }
0x9f: {  	s3 =	ssub.s32 $0x0, s20;
	[sflag:s22] =	ssyncset.done $0x0  }
0xa0: {  	[sflag:s22] =	ssyncadd.s32 s3;
	_ =	sdelay $0x1  }
0xa1: {  	s23 =	simm.s32 $0x1B8B  }
0xa2: {  	_ =	swait.ge [sflag:s23], $0x1  }
0xa3: {  	[sflag:s23] =	ssyncset.done $0x0  }
0xa4: {  	s25 =	simm.s32 $0x1B8E;
	s24 =	sld [smem:$0x3FFE];
	[sflag:s23] =	ssyncadd.s32 $0xFFFFFFFF  }
0xa5: {  	s26 =	simm.s32 $execute0_lowered;
	[smem:$0x3FD2] =	sst s25  }
0xa6: {  	s4 =	sshll.u32 s26, $0x1;
	_ =	strace $0x8000004C;
	[dreg:$0x1] =	wrdreg $0xFFFFFFFF  }
0xa7: {  	s28 =	simm.s32 $_size_execute0_lowered;
	s2 =	sadd.s32 s2, s4;
	[dreg:$0x0] =	wrdreg $0x0  }
0xa8: {  	s4 =	sshll.u32 s28, $0x1;
	[dreg:$0x2] =	wrdreg s2  }
0xa9: {  	[dreg:$0x3] =	wrdreg s4  }
0xaa: {  	[dreg:$0x4] =	wrdreg $0xC0  }
0xab: {  	_ =	task [dreg:s6], $0x5FFFF  }
0xac: {  	[dreg:$0x1] =	wrdreg $0xFFFFFFFF  }
0xad: {  	[dreg:$0x0] =	wrdreg $0x60  }
0xae: {  	[dreg:$0x2] =	wrdreg s24  }
0xaf: {  	[dreg:$0x3] =	wrdreg $0x90000  }
0xb0: {  	[dreg:$0x4] =	wrdreg $0x9  }
0xb1: {  	_ =	task.clear_ibuf [dreg:s6], $0x5FFFF;
	_ =	strace $0x9000004C  }
0xb2: {  	s29 =	simm.s32 $0x9;
	_ =	strace $0x8000004E  }
0xb3: {  	_ =	swait.ge [sflag:s29], $0x1  }
0xb4: {  	[sflag:s29] =	ssyncadd.s32 $0xFFFFFFFF  }
0xb5: {  	_ =	strace $0x9000004E  }
0xb6: {  	_ =	sfence  }
0xb7: {  	s30 =	sld [smem:$0x0];
	_ =	sdelay $0x2  }
0xb8: {  	s31 =	sshll.u32 s1, $0xD;
	s1 =	sshrl.u32 s1, $0x2  }
0xb9: {  	s3 =	sand.u32 $0x4000, s31;
	s1 =	sadd.s32 s1, s30  }
0xba: {  	s0 =	sor.u32 s3, s0;
	s1 =	sshll.u32 s1, $0x11  }
0xbb: {  	s0 =	sor.u32 s1, s0  }
0xbc: {  	s0 =	sadd.s32 $0x8F2B, s0  }
0xbd: {  	[sflag:s0] =	ssyncadd.remote.s32 $0x1  }
0xbe: {  	_ =	sfence.sel $0xFFFF  }
0xbf: {  	[dreg:$0x0] =	wrdreg $0xFFFFFFFF;
	(pc) =	sbr.abs _section_cstart, $3  }
0xc0: {  	[dreg:$0x1] =	wrdreg $0xFFFFFFFF  }
0xc1: {  	_ =	task.clear_ibuf [dreg:s6], $0x2FFFF;
	_ =	strace $0x9FFFFFFF  }
0xc2: {  	(tm) =	ssettm $0x7FFFFFFF  }
0xc3: {  	_ =	shalt  }
tec
execute0_lowered:
.L_overlay_start_1:
0x0: {  	(tag) =	ssettag $0x1  }
0x1: {  	s6 =	rddreg [dreg:$0x0]  }
0x2: {  	s2 =	rddreg [dreg:$0x1]  }
0x3: {  	s0 =	rddreg [dreg:$0x2];
	s3 =	simm.s32 $0x0;
	s4 =	srdreg.scid  }
0x4: {  	s1 =	stileid.u32;
	s16 =	simm.s32 $0x40;
	s17 =	simm.s32 $0x5000  }
0x5: {  	s18 =	simm.s32 $0x7000;
	s19 =	simm.s32 $0x1;
	s20 =	simm.s32 $0x2  }
0x6: {  	s21 =	simm.s32 $0x3;
	s22 =	simm.s32 $0x4;
	s23 =	simm.s32 $0x0  }
0x7: {  	[smem:$0x7FF] =	sst s3;
	s7 =	sand.u32 $0x1, s4;
	s8 =	smul.u32 $0x2780, s1  }
0x8: {  	s4 =	sadd.s32 $0x1C200, s6;
	s10 =	sadd.s32 $0xBAA00, s6;
	s12 =	smul.u32 $0x4F000, s1  }
0x9: {  	s11 =	sadd.s32 $0x5A00, s6;
	s5 =	sadd.s32 $0x19A00, s6;
	s9 =	smul.u32 $0x27800, s7  }
0xa: {  	s30 =	sshll.u32 s1, $0x6;
	_ =	strace $0x8000004D;
	s25 =	sshll.u32 s7, $0x4  }
0xb: {  	s7 =	ssub.s32 $0x2, s7;
	s8 =	sadd.s32 s8, s9;
	s9 =	sor.u32 s1, s25  }
0xc: {  	s26 =	sshrl.u32 s7, $0x1;
	s29 =	sshrl.u32 s12, $0x2;
	s28 =	smul.u32 $0x5000, s9  }
0xd: {  	s14 =	ssub.s32 s7, s26;
	s15 =	sadd.s32 s29, s2;
	s13 =	sadd.s32 s8, s6  }
0xe: {  	s6 =	sor.u32 $0x1C05, s30;
	s12 =	smax.u32 s14, $0x1;
	s9 =	sshrl.u32 s28, $0x3  }
0xf: {  	s14 =	simm.s32 $0x5;
	s7 =	sadd.s32 s10, s9;
	s31 =	sadd.s32 $0x500, s9  }
0x10: {  	s8 =	sadd.s32 s11, s9;
	s9 =	sadd.s32 s10, s31;
	s10 =	sadd.s32 s11, s31  }
0x11: {  	s11 =	sadd.s32 $0x43A00, s13;
	s13 =	sshrl.u32 s15, $0x3;
	s15 =	simm.s32 $0x2800  }
.LBB2_1:
0x12: {  	[spmem:s13], [sflag:s6] =	dma.local [hbm:s5], $0x2780  }
0x13: {  	_ =	swait.ge [sflag:s14], $0x2780  }
0x14: {  	[sflag:s14] =	ssyncset.done $0x0  }
0x15: {  	[sflag:s14] =	ssyncadd.s32 $0xFFFFD880  }
0x16: {  	[bflag:$0x0] =	sbarrier.arrive $0xFFFF  }
0x17: {  	[tilespmem:s3], [sflag:$0x5] =	stream.linear.gather [hbm4b:s7+s3], $0x2800, $0x38;
	[tilespmem:$0x1CC00] =	vst v63  }
0x18: {  	_ =	swait.ge [sflag:s14], $0x2800  }
0x19: {  	[sflag:s14] =	ssyncset.done $0x0  }
0x1a: {  	[sflag:s14] =	ssyncadd.s32 $0xFFFFD800  }
0x1b: {  	[tilespmem:s15], [sflag:$0x5] =	stream.linear.gather [hbm4b:s8+s3], $0x2800, $0x38;
	[tilespmem:$0x1CC00] =	vst v63  }
0x1c: {  	_ =	swait.ge [sflag:s14], $0x2800  }
0x1d: {  	[sflag:s14] =	ssyncset.done $0x0  }
0x1e: {  	s24 =	simm.s32 $0x0;
	[sflag:s14] =	ssyncadd.s32 $0xFFFFD800  }
0x1f: {  	[tilespmem:s17], [sflag:$0x1] =	stream.indirect.gather [hbm4b:s4+s16], $0x80, s24, s16, $0xb8;
	[tilespmem:$0x1CC00] =	vst v63  }
0x20: {  	s29 =	simm.s32 $0x80  }
0x21: {  	[tilespmem:s18], [sflag:$0x2] =	stream.indirect.gather [hbm4b:s4+s16], $0x80, s29, s16, $0xb8;
	[tilespmem:$0x1CC00] =	vst v63  }
0x22: {  	_ =	swait.ge [sflag:s19], $0x2000  }
0x23: {  	[sflag:s19] =	ssyncset.done $0x0  }
0x24: {  	s30 =	simm.s32 $0x2800;
	[sflag:s19] =	ssyncadd.s32 $0xFFFFE000  }
0x25: {  	[spmem:s2] =	stream.indirect.scatter.add.f32 [tilespmem:s17], [sflag:$0x3], $0x80, s30, s16, $0xb8;
	[tilespmem:$0x1CC00] =	vst v63  }
0x26: {  	_ =	swait.ge [sflag:s20], $0x2000  }
0x27: {  	[sflag:s20] =	ssyncset.done $0x0  }
0x28: {  	s31 =	simm.s32 $0x2880;
	[sflag:s20] =	ssyncadd.s32 $0xFFFFE000  }
0x29: {  	[spmem:s2] =	stream.indirect.scatter.add.f32 [tilespmem:s18], [sflag:$0x4], $0x80, s31, s16, $0xb8;
	[tilespmem:$0x1CC00] =	vst v63  }
0x2a: {  	_ =	swait.ge [sflag:s21], $0x2000  }
0x2b: {  	[sflag:s21] =	ssyncset.done $0x0  }
0x2c: {  	[sflag:s21] =	ssyncadd.s32 $0xFFFFE000  }
0x2d: {  	_ =	swait.ge [sflag:s22], $0x2000  }
0x2e: {  	s25 =	simm.s32 $0x800;
	s24 =	simm.s32 $0x400;
	[sflag:s22] =	ssyncset.done $0x0  }
.LBB2_2:
0x2f: {  	s26 =	sshra.s32 s24, $0x2  }
0x30: {  	[sflag:s22] =	ssyncadd.s32 $0xFFFFE000;
	s24 =	smov.u32 s25;
	s28 =	sadd.s32 $0x400, s25  }
0x31: {  	[tilespmem:s17], [sflag:$0x1] =	stream.indirect.gather [hbm4b:s4+s16], $0x80, s26, s16, $0xb8;
	[tilespmem:$0x1CC00] =	vst v63  }
0x32: {  	p0 =	sne.s32 s25, $0x9C00;
	s25 =	sadd.s32 $0x80, s26  }
0x33: {  	[tilespmem:s18], [sflag:$0x2] =	stream.indirect.gather [hbm4b:s4+s16], $0x80, s25, s16, $0xb8;
	[tilespmem:$0x1CC00] =	vst v63  }
0x34: {  	_ =	swait.ge [sflag:s19], $0x2000  }
0x35: {  	[sflag:s19] =	ssyncset.done $0x0  }
0x36: {  	s25 =	sadd.s32 $0x2800, s26;
	[sflag:s19] =	ssyncadd.s32 $0xFFFFE000  }
0x37: {  	[spmem:s2] =	stream.indirect.scatter.add.f32 [tilespmem:s17], [sflag:$0x3], $0x80, s25, s16, $0xb8;
	[tilespmem:$0x1CC00] =	vst v63  }
0x38: {  	_ =	swait.ge [sflag:s20], $0x2000  }
0x39: {  	[sflag:s20] =	ssyncset.done $0x0  }
0x3a: {  	s25 =	sadd.s32 $0x2880, s26;
	[sflag:s20] =	ssyncadd.s32 $0xFFFFE000  }
0x3b: {  	[spmem:s2] =	stream.indirect.scatter.add.f32 [tilespmem:s18], [sflag:$0x4], $0x80, s25, s16, $0xb8;
	[tilespmem:$0x1CC00] =	vst v63  }
.Ltmp0:
0x3c: {  	_ =	swait.ge [sflag:s21], $0x2000;
	(pc) =	sbr.rel @p0 .LBB2_2-.Ltmp0, $4  }
0x3d: {  	[sflag:s21] =	ssyncset.done $0x0  }
0x3e: {  	[sflag:s21] =	ssyncadd.s32 $0xFFFFE000  }
0x3f: {  	_ =	swait.ge [sflag:s22], $0x2000  }
0x40: {  	s25 =	smov.u32 s28;
	[sflag:s22] =	ssyncset.done $0x0  }
0x41: {  	s24 =	sshra.s32 s24, $0x2;
	[sflag:s22] =	ssyncadd.s32 $0xFFFFE000  }
0x42: {  	[tilespmem:s17], [sflag:$0x1] =	stream.indirect.gather [hbm4b:s4+s16], $0x80, s24, s16, $0xb8;
	[tilespmem:$0x1CC00] =	vst v63  }
0x43: {  	s25 =	sadd.s32 $0x80, s24  }
0x44: {  	[tilespmem:s18], [sflag:$0x2] =	stream.indirect.gather [hbm4b:s4+s16], $0x80, s25, s16, $0xb8;
	[tilespmem:$0x1CC00] =	vst v63  }
0x45: {  	_ =	swait.ge [sflag:s19], $0x2000  }
0x46: {  	[sflag:s19] =	ssyncset.done $0x0  }
0x47: {  	s31 =	sadd.s32 $0x2800, s24;
	[sflag:s19] =	ssyncadd.s32 $0xFFFFE000  }
0x48: {  	[spmem:s2] =	stream.indirect.scatter.add.f32 [tilespmem:s17], [sflag:$0x3], $0x80, s31, s16, $0xb8;
	[tilespmem:$0x1CC00] =	vst v63  }
0x49: {  	_ =	swait.ge [sflag:s20], $0x2000  }
0x4a: {  	[sflag:s20] =	ssyncset.done $0x0  }
0x4b: {  	s24 =	sadd.s32 $0x2880, s24;
	[sflag:s20] =	ssyncadd.s32 $0xFFFFE000  }
0x4c: {  	[spmem:s2] =	stream.indirect.scatter.add.f32 [tilespmem:s18], [sflag:$0x4], $0x80, s24, s16, $0xb8;
	[tilespmem:$0x1CC00] =	vst v63  }
0x4d: {  	_ =	swait.ge [sflag:s21], $0x2000  }
0x4e: {  	[sflag:s21] =	ssyncset.done $0x0  }
0x4f: {  	[sflag:s21] =	ssyncadd.s32 $0xFFFFE000  }
0x50: {  	_ =	swait.ge [sflag:s22], $0x2000  }
0x51: {  	[sflag:s22] =	ssyncset.done $0x0  }
0x52: {  	s26 =	simm.s32 $0x0;
	[sflag:s22] =	ssyncadd.s32 $0xFFFFE000  }
0x53: {  	[tilespmem:s26], [sflag:$0x5] =	stream.linear.gather [hbm4b:s9+s26], $0x2800, $0x38;
	[tilespmem:$0x1CC00] =	vst v63  }
0x54: {  	_ =	swait.ge [sflag:s14], $0x2800  }
0x55: {  	[sflag:s14] =	ssyncset.done $0x0  }
0x56: {  	[sflag:s14] =	ssyncadd.s32 $0xFFFFD800  }
0x57: {  	[tilespmem:s15], [sflag:$0x5] =	stream.linear.gather [hbm4b:s10+s26], $0x2800, $0x38;
	[tilespmem:$0x1CC00] =	vst v63  }
0x58: {  	_ =	swait.ge [sflag:s14], $0x2800  }
0x59: {  	[sflag:s14] =	ssyncset.done $0x0  }
0x5a: {  	s28 =	simm.s32 $0x0;
	[sflag:s14] =	ssyncadd.s32 $0xFFFFD800  }
0x5b: {  	[tilespmem:s17], [sflag:$0x1] =	stream.indirect.gather [hbm4b:s4+s16], $0x80, s28, s16, $0xb8;
	[tilespmem:$0x1CC00] =	vst v63  }
0x5c: {  	s29 =	simm.s32 $0x80  }
0x5d: {  	[tilespmem:s18], [sflag:$0x2] =	stream.indirect.gather [hbm4b:s4+s16], $0x80, s29, s16, $0xb8;
	[tilespmem:$0x1CC00] =	vst v63  }
0x5e: {  	_ =	swait.ge [sflag:s19], $0x2000  }
0x5f: {  	[sflag:s19] =	ssyncset.done $0x0  }
0x60: {  	s30 =	simm.s32 $0x2800;
	[sflag:s19] =	ssyncadd.s32 $0xFFFFE000  }
0x61: {  	[spmem:s2] =	stream.indirect.scatter.add.f32 [tilespmem:s17], [sflag:$0x3], $0x80, s30, s16, $0xb8;
	[tilespmem:$0x1CC00] =	vst v63  }
0x62: {  	_ =	swait.ge [sflag:s20], $0x2000  }
0x63: {  	[sflag:s20] =	ssyncset.done $0x0  }
0x64: {  	s31 =	simm.s32 $0x2880;
	[sflag:s20] =	ssyncadd.s32 $0xFFFFE000  }
0x65: {  	[spmem:s2] =	stream.indirect.scatter.add.f32 [tilespmem:s18], [sflag:$0x4], $0x80, s31, s16, $0xb8;
	[tilespmem:$0x1CC00] =	vst v63  }
0x66: {  	_ =	swait.ge [sflag:s21], $0x2000  }
0x67: {  	[sflag:s21] =	ssyncset.done $0x0  }
0x68: {  	[sflag:s21] =	ssyncadd.s32 $0xFFFFE000  }
0x69: {  	_ =	swait.ge [sflag:s22], $0x2000  }
0x6a: {  	s25 =	simm.s32 $0x800;
	s24 =	simm.s32 $0x400;
	[sflag:s22] =	ssyncset.done $0x0  }
.LBB2_4:
0x6b: {  	s26 =	sshra.s32 s24, $0x2  }
0x6c: {  	[sflag:s22] =	ssyncadd.s32 $0xFFFFE000;
	s24 =	smov.u32 s25;
	s28 =	sadd.s32 $0x400, s25  }
0x6d: {  	[tilespmem:s17], [sflag:$0x1] =	stream.indirect.gather [hbm4b:s4+s16], $0x80, s26, s16, $0xb8;
	[tilespmem:$0x1CC00] =	vst v63  }
0x6e: {  	p0 =	sne.s32 s25, $0x9C00;
	s25 =	sadd.s32 $0x80, s26  }
0x6f: {  	[tilespmem:s18], [sflag:$0x2] =	stream.indirect.gather [hbm4b:s4+s16], $0x80, s25, s16, $0xb8;
	[tilespmem:$0x1CC00] =	vst v63  }
0x70: {  	_ =	swait.ge [sflag:s19], $0x2000  }
0x71: {  	[sflag:s19] =	ssyncset.done $0x0  }
0x72: {  	s25 =	sadd.s32 $0x2800, s26;
	[sflag:s19] =	ssyncadd.s32 $0xFFFFE000  }
0x73: {  	[spmem:s2] =	stream.indirect.scatter.add.f32 [tilespmem:s17], [sflag:$0x3], $0x80, s25, s16, $0xb8;
	[tilespmem:$0x1CC00] =	vst v63  }
0x74: {  	_ =	swait.ge [sflag:s20], $0x2000  }
0x75: {  	[sflag:s20] =	ssyncset.done $0x0  }
0x76: {  	s25 =	sadd.s32 $0x2880, s26;
	[sflag:s20] =	ssyncadd.s32 $0xFFFFE000  }
0x77: {  	[spmem:s2] =	stream.indirect.scatter.add.f32 [tilespmem:s18], [sflag:$0x4], $0x80, s25, s16, $0xb8;
	[tilespmem:$0x1CC00] =	vst v63  }
.Ltmp1:
0x78: {  	_ =	swait.ge [sflag:s21], $0x2000;
	(pc) =	sbr.rel @p0 .LBB2_4-.Ltmp1, $4  }
0x79: {  	[sflag:s21] =	ssyncset.done $0x0  }
0x7a: {  	[sflag:s21] =	ssyncadd.s32 $0xFFFFE000  }
0x7b: {  	_ =	swait.ge [sflag:s22], $0x2000  }
0x7c: {  	s25 =	smov.u32 s28;
	[sflag:s22] =	ssyncset.done $0x0  }
0x7d: {  	s24 =	sshra.s32 s24, $0x2;
	[sflag:s22] =	ssyncadd.s32 $0xFFFFE000  }
0x7e: {  	[tilespmem:s17], [sflag:$0x1] =	stream.indirect.gather [hbm4b:s4+s16], $0x80, s24, s16, $0xb8;
	[tilespmem:$0x1CC00] =	vst v63  }
0x7f: {  	s25 =	sadd.s32 $0x80, s24  }
0x80: {  	[tilespmem:s18], [sflag:$0x2] =	stream.indirect.gather [hbm4b:s4+s16], $0x80, s25, s16, $0xb8;
	[tilespmem:$0x1CC00] =	vst v63  }
0x81: {  	_ =	swait.ge [sflag:s19], $0x2000  }
0x82: {  	[sflag:s19] =	ssyncset.done $0x0  }
0x83: {  	s31 =	sadd.s32 $0x2800, s24;
	[sflag:s19] =	ssyncadd.s32 $0xFFFFE000  }
0x84: {  	[spmem:s2] =	stream.indirect.scatter.add.f32 [tilespmem:s17], [sflag:$0x3], $0x80, s31, s16, $0xb8;
	[tilespmem:$0x1CC00] =	vst v63  }
0x85: {  	_ =	swait.ge [sflag:s20], $0x2000  }
0x86: {  	[sflag:s20] =	ssyncset.done $0x0  }
0x87: {  	s24 =	sadd.s32 $0x2880, s24;
	[sflag:s20] =	ssyncadd.s32 $0xFFFFE000  }
0x88: {  	[spmem:s2] =	stream.indirect.scatter.add.f32 [tilespmem:s18], [sflag:$0x4], $0x80, s24, s16, $0xb8;
	[tilespmem:$0x1CC00] =	vst v63  }
0x89: {  	_ =	swait.ge [sflag:s21], $0x2000  }
0x8a: {  	[sflag:s21] =	ssyncset.done $0x0  }
0x8b: {  	[sflag:s21] =	ssyncadd.s32 $0xFFFFE000  }
0x8c: {  	_ =	swait.ge [sflag:s22], $0x2000  }
0x8d: {  	s23 =	sadd.s32 $0x1, s23;
	[sflag:s22] =	ssyncset.done $0x0  }
0x8e: {  	p0 =	sne.s32 s23, s12;
	[sflag:s22] =	ssyncadd.s32 $0xFFFFE000  }
.Ltmp2:
0x8f: {  	[bflag:$0x0] =	sbarrier.arrive $0xFFFF;
	(pc) =	sbr.rel @p0 .LBB2_1-.Ltmp2, $4  }
0x90: {  	[hbm:s11], [sflag:s6] =	dma.local [spmem:s13], $0x2780  }
0x91: {  	_ =	swait.ge [sflag:s14], $0x2780  }
0x92: {  	[sflag:s14] =	ssyncset.done $0x0  }
0x93: {  	[sflag:s14] =	ssyncadd.s32 $0xFFFFD880  }
0x94: {  	_ =	sfence.sel $0x180000  }
0x95: {  	[bflag:$0x0] =	sbarrier.arrive $0xFFFF  }
0x96: {  	p0 =	sne.s32 s1, $0x0;
	_ =	strace $0x9000004D  }
0x97: {  	s0 =	sadd.s32 @!p0 $0x100000, s0;
	[bflag:$0x2] =	sbarrier.arrive $0xFFFF  }
0x98: {  	[sflag:s0] =	ssyncadd.tile.s32 @!p0 $0x1;
	_ =	shalt  }
.Lfunc_end2:
_tile_overlayer_lowered:
.L_overlay_start_2:
0x99: {  	(tag) =	ssettag $0x2  }
0x9a: {  	s0 =	rddreg [dreg:$0x0];
	s2 =	stileid.u32  }
0x9b: {  	s1 =	rddreg [dreg:$0x1];
	p0 =	sne.s32 s2, $0x0  }
0x9c: {  	s3 =	rddreg [dreg:$0x2];
	[bflag:$0x3] =	sbarrier.arrive $0xFFFF;
	s2 =	simm.s32 @!p0 $0x1C05  }
0x9d: {  	[timem:s3], [sflag:s2] =	dma.local @!p0 [hbm:s0], s1  }
0x9e: {  	s0 =	simm.s32 @!p0 $0x5  }
0x9f: {  	_ =	swait.ge @!p0 [sflag:s0], s1  }
0xa0: {  	s1 =	ssub.s32 @!p0 $0x0, s1;
	[sflag:s0] =	ssyncset.done @!p0 $0x0  }
0xa1: {  	[sflag:s0] =	ssyncadd.s32 @!p0 s1  }
0xa2: {  	[bflag:$0x3] =	sbarrier.arrive $0xFFFF  }
0xa3: {  	_ =	shalt  }

// kernel: kernel.25.cloned.1.call-start
scs
__scs_entry_jumppad:
0x0: {  	(pc) =	sbr.rel $0x88, $3  }
0x1: {  	(tag) =	ssettag $0x0;
	lr =	simm.s32 $0x1  }
0x2: {  	[smem:$0x3F90] =	sst lr;
	_ =	strace $0xD0000000  }
0x3: {  	_ = 	snop  }
0x4: {  	_ = 	snop  }
0x5: {  	_ = 	snop  }
0x6: {  	_ = 	snop  }
0x7: {  	_ = 	snop  }
__scs_overlays_trampoline_lowered:
0x8: {  	[smem:$0x3F9F] =	sst s0  }
0x9: {  	[smem:$0x3FA0] =	sst s1  }
0xa: {  	[smem:$0x3FA1] =	sst s2  }
0xb: {  	[smem:$0x3FA2] =	sst s3  }
0xc: {  	[smem:$0x3FA3] =	sst s4  }
0xd: {  	[smem:$0x3FA4] =	sst s5  }
0xe: {  	[smem:$0x3FA5] =	sst s6  }
0xf: {  	[smem:$0x3FA6] =	sst s7  }
0x10: {  	[smem:$0x3FA7] =	sst s8  }
0x11: {  	[smem:$0x3FA8] =	sst s9;
	s0 =	simm.s32 @!p0 $0x0  }
0x12: {  	s1 =	sld [smem:$0x3F8E];
	s0 =	simm.s32 @p0 $0x1  }
0x13: {  	[smem:$0x3FA9] =	sst s0;
	s0 =	simm.s32 @!p1 $0x0  }
0x14: {  	s2 =	sld [smem:$0x3F8D];
	s0 =	simm.s32 @p1 $0x1  }
0x15: {  	[smem:$0x3FAA] =	sst s0;
	s0 =	simm.s32 @!p2 $0x0  }
0x16: {  	s3 =	sld [smem:$0x3FDB];
	s0 =	simm.s32 @p2 $0x1  }
0x17: {  	s4 =	simm.s32 $0x1BF5;
	[smem:$0x3FAC] =	sst s0  }
0x18: {  	s0 =	sld [smem:$0x3F8F];
	_ =	swait.ge [sflag:s4], $0x0  }
0x19: {  	s7 =	sld [smem:$0x3F90]  }
0x1a: {  	s8 =	sadd.s32 $0xFFFFE003, lr  }
0x1b: {  	s9 =	sadd.s32 $0xFFFFFEF7, lr;
	s5 =	simm.s32 $0xFFFFFFFF;
	p2 =	slt.u32 s8, $0xFFFFF086  }
0x1c: {  	p1 =	slt.u32 s9, $0xF7A;
	s5 =	simm.s32 @!p2 $0x0  }
0x1d: {  	s5 =	simm.s32 @p1 $0x1;
	p0 =	seq.s32 s7, s2  }
0x1e: {  	s7 =	smul.u32 @!p0 $0xF7A, s2;
	p2 =	seq.s32 @!p0 s5, $0x0  }
0x1f: {  	s9 =	smul.u32 $0xF7A, s1;
	s8 =	simm.s32 @!p0 $0x1BF5;
	p2 =	por !p2, p0  }
0x20: {  	[sflag:s8] =	ssyncset.s32 @!p0 $0xFFFFF086;
	s6 =	sadd.s32 @!p0 s3, s7;
	s7 =	simm.s32 @!p0 $0x108  }
0x21: {  	s3 =	sadd.s32 s3, s9;
	s6 =	sadd.s32 @!p0 $0x88, s6;
	s7 =	simm.s32 @p2 $0x1082  }
0x22: {  	[simem:s7], [sflag:s8] =	dma.local @!p0 [hbm:s6], $0xF7A  }
0x23: {  	s9 =	sor.u32 $0xD0000000, s2;
	s6 =	simm.s32 $0x108;
	_ =	swait.ge @!p0 [sflag:s8], $0x0  }
0x24: {  	s3 =	sadd.s32 $0x88, s3;
	s6 =	simm.s32 @!p1 $0x1082;
	[sflag:s4] =	ssyncset.s32 $0xFFFFF086  }
0x25: {  	[simem:s6], [sflag:s4] =	dma.local [hbm:s3], $0xF7A  }
0x26: {  	[smem:$0x3F90] =	sst s1;
	(tag) =	ssettag s2;
	_ =	strace s9  }
0x27: {  	s1 =	sld [smem:$0x3FA0]  }
0x28: {  	s2 =	sld [smem:$0x3FA1]  }
0x29: {  	s4 =	sld [smem:$0x3FA3]  }
0x2a: {  	p0 =	seq.s32 s5, $0x0;
	s5 =	sld [smem:$0x3FA4]  }
0x2b: {  	s6 =	sld [smem:$0x3FA5]  }
0x2c: {  	s7 =	sld [smem:$0x3FA6]  }
0x2d: {  	s3 =	simm.s32 $0x108;
	s8 =	sld [smem:$0x3FA7]  }
0x2e: {  	s3 =	simm.s32 @!p0 $0x1082;
	s9 =	sld [smem:$0x3FA8]  }
0x2f: {  	lr =	sadd.s32 s0, s3;
	s0 =	sld [smem:$0x3F9F]  }
0x30: {  	s3 =	sld [smem:$0x3FA2]  }
0x31: {  	[smem:$0x3FAB] =	sst s10  }
0x32: {  	s10 =	sld [smem:$0x3FA9];
	_ =	sdelay $0x3  }
0x33: {  	p0 =	seq.s32 s10, $0x1;
	s10 =	sld [smem:$0x3FAB];
	_ =	sdelay $0x3  }
0x34: {  	[smem:$0x3FAB] =	sst s10  }
0x35: {  	s10 =	sld [smem:$0x3FAA];
	_ =	sdelay $0x3  }
0x36: {  	p1 =	seq.s32 s10, $0x1;
	s10 =	sld [smem:$0x3FAB];
	_ =	sdelay $0x3  }
0x37: {  	[smem:$0x3FAB] =	sst s10  }
0x38: {  	s10 =	sld [smem:$0x3FAC]  }
0x39: {  	_ = 	snop;
	(pc) =	sbr.ind lr, $3  }
0x3a: {  	_ = 	snop  }
0x3b: {  	_ = 	snop  }
0x3c: {  	p2 =	seq.s32 s10, $0x1;
	s10 =	sld [smem:$0x3FAB]  }
0x3d: {  	_ =	shalt  }
0x3e: {  	_ =	shalt  }
0x3f: {  	_ =	shalt  }
0x40: {  	_ =	shalt  }
0x41: {  	_ =	shalt  }
0x42: {  	_ =	shalt  }
0x43: {  	_ =	shalt  }
0x44: {  	_ =	shalt  }
0x45: {  	_ =	shalt  }
0x46: {  	_ =	shalt  }
0x47: {  	_ =	shalt  }
0x48: {  	_ =	shalt  }
0x49: {  	_ =	shalt  }
0x4a: {  	_ =	shalt  }
0x4b: {  	_ =	shalt  }
0x4c: {  	_ =	shalt  }
0x4d: {  	_ =	shalt  }
0x4e: {  	_ =	shalt  }
0x4f: {  	_ =	shalt  }
0x50: {  	_ =	shalt  }
0x51: {  	_ =	shalt  }
0x52: {  	_ =	shalt  }
0x53: {  	_ =	shalt  }
0x54: {  	_ =	shalt  }
0x55: {  	_ =	shalt  }
0x56: {  	_ =	shalt  }
0x57: {  	_ =	shalt  }
0x58: {  	_ =	shalt  }
0x59: {  	_ =	shalt  }
0x5a: {  	_ =	shalt  }
0x5b: {  	_ =	shalt  }
0x5c: {  	_ =	shalt  }
0x5d: {  	_ =	shalt  }
0x5e: {  	_ =	shalt  }
0x5f: {  	_ =	shalt  }
0x60: {  	_ =	shalt  }
0x61: {  	_ =	shalt  }
0x62: {  	_ =	shalt  }
0x63: {  	_ =	shalt  }
0x64: {  	_ =	shalt  }
0x65: {  	_ =	shalt  }
0x66: {  	_ =	shalt  }
0x67: {  	_ =	shalt  }
0x68: {  	_ =	shalt  }
0x69: {  	_ =	shalt  }
0x6a: {  	_ =	shalt  }
0x6b: {  	_ =	shalt  }
0x6c: {  	_ =	shalt  }
0x6d: {  	_ =	shalt  }
0x6e: {  	_ =	shalt  }
0x6f: {  	_ =	shalt  }
0x70: {  	_ =	shalt  }
0x71: {  	_ =	shalt  }
0x72: {  	_ =	shalt  }
0x73: {  	_ =	shalt  }
0x74: {  	_ =	shalt  }
0x75: {  	_ =	shalt  }
0x76: {  	_ =	shalt  }
0x77: {  	_ =	shalt  }
0x78: {  	_ =	shalt  }
0x79: {  	_ =	shalt  }
0x7a: {  	_ =	shalt  }
0x7b: {  	_ =	shalt  }
0x7c: {  	_ =	shalt  }
0x7d: {  	_ =	shalt  }
0x7e: {  	_ =	shalt  }
0x7f: {  	_ =	shalt  }
0x80: {  	_ =	shalt  }
0x81: {  	_ =	shalt  }
0x82: {  	_ =	shalt  }
0x83: {  	_ =	shalt  }
0x84: {  	_ =	shalt  }
0x85: {  	_ =	shalt  }
0x86: {  	_ =	shalt  }
0x87: {  	_ =	shalt  }
.Lfunc_end0:
.L_simem_size_0:
called_computation.3_lowered:
.L_overlay_start_0:
0x88: {  	s2 =	sld [smem:$0x3FD9]  }
0x89: {  	s3 =	sld [smem:$0x3FFE];
	_ =	sdelay $0x1  }
0x8a: {  	s1 =	srdreg.scid  }
0x8b: {  	s0 =	sand.u32 $0x1, s1  }
0x8c: {  	s16 =	sshll.u32 s0, $0xA;
	s2 =	sadd.s32 s3, s2  }
0x8d: {  	s2 =	sadd.s32 s2, s16  }
0x8e: {  	[smem:$0x3FB7] =	sst s2  }
0x8f: {  	_ = 	snop  }
0x90: {  	(tm) =	ssettm $0x1  }
0x91: {  	s17 =	sld [smem:$0x3FFB];
	_ =	sdelay $0x3  }
0x92: {  	_ =	strace s17  }
0x93: {  	s2 =	sld [smem:$0x3FFC];
	_ =	sdelay $0x3  }
0x94: {  	_ =	strace s2  }
0x95: {  	s2 =	sld [smem:$0x3FFD];
	_ =	sdelay $0x3  }
0x96: {  	_ =	strace s2  }
0x97: {  	_ =	strace $0x8FFFFFFF  }
0x98: {  	s18 =	sld [smem:$0x3FDB];
	_ =	sdelay $0x1  }
0x99: {  	s19 =	simm.s32 $_scs_section_size  }
0x9a: {  	s4 =	simm.s32 $_size__tile_overlayer_lowered;
	s5 =	simm.s32 $_tile_overlayer_lowered  }
0x9b: {  	s22 =	simm.s32 $0x1BFF;
	s21 =	sshll.u32 s5, $0x1;
	s2 =	sadd.s32 s19, s18  }
0x9c: {  	s6 =	simm.s32 $0x0;
	s20 =	sshll.u32 s4, $0x1;
	s4 =	sadd.s32 s21, s2  }
0x9d: {  	[timem:s6], [sflag:s22] =	dma.local [hbm:s4], s20  }
0x9e: {  	_ =	swait.ge [sflag:s22], s20  }
0x9f: {  	s3 =	ssub.s32 $0x0, s20;
	[sflag:s22] =	ssyncset.done $0x0  }
0xa0: {  	[sflag:s22] =	ssyncadd.s32 s3;
	_ =	sdelay $0x1  }
0xa1: {  	s23 =	simm.s32 $0x1B8B  }
0xa2: {  	_ =	swait.ge [sflag:s23], $0x1  }
0xa3: {  	[sflag:s23] =	ssyncset.done $0x0  }
0xa4: {  	s25 =	simm.s32 $0x1B8E;
	s24 =	sld [smem:$0x3FFE];
	[sflag:s23] =	ssyncadd.s32 $0xFFFFFFFF  }
0xa5: {  	s26 =	simm.s32 $execute0_lowered;
	[smem:$0x3FD2] =	sst s25  }
0xa6: {  	s4 =	sshll.u32 s26, $0x1;
	_ =	strace $0x8000004F;
	[dreg:$0x1] =	wrdreg $0xFFFFFFFF  }
0xa7: {  	s28 =	simm.s32 $_size_execute0_lowered;
	s2 =	sadd.s32 s2, s4;
	[dreg:$0x0] =	wrdreg $0x0  }
0xa8: {  	s4 =	sshll.u32 s28, $0x1;
	[dreg:$0x2] =	wrdreg s2  }
0xa9: {  	[dreg:$0x3] =	wrdreg s4  }
0xaa: {  	[dreg:$0x4] =	wrdreg $0xC0  }
0xab: {  	_ =	task [dreg:s6], $0x5FFFF  }
0xac: {  	[dreg:$0x1] =	wrdreg $0xFFFFFFFF  }
0xad: {  	[dreg:$0x0] =	wrdreg $0x60  }
0xae: {  	[dreg:$0x2] =	wrdreg s24  }
0xaf: {  	[dreg:$0x3] =	wrdreg $0x90000  }
0xb0: {  	[dreg:$0x4] =	wrdreg $0x9  }
0xb1: {  	_ =	task.clear_ibuf [dreg:s6], $0x5FFFF;
	_ =	strace $0x9000004F  }
0xb2: {  	s29 =	simm.s32 $0x9;
	_ =	strace $0x80000051  }
0xb3: {  	_ =	swait.ge [sflag:s29], $0x1  }
0xb4: {  	[sflag:s29] =	ssyncadd.s32 $0xFFFFFFFF  }
0xb5: {  	_ =	strace $0x90000051  }
0xb6: {  	_ =	sfence  }
0xb7: {  	s30 =	sld [smem:$0x0];
	_ =	sdelay $0x2  }
0xb8: {  	s31 =	sshll.u32 s1, $0xD;
	s1 =	sshrl.u32 s1, $0x2  }
0xb9: {  	s3 =	sand.u32 $0x4000, s31;
	s1 =	sadd.s32 s1, s30  }
0xba: {  	s0 =	sor.u32 s3, s0;
	s1 =	sshll.u32 s1, $0x11  }
0xbb: {  	s0 =	sor.u32 s1, s0  }
0xbc: {  	s0 =	sadd.s32 $0x8F2B, s0  }
0xbd: {  	[sflag:s0] =	ssyncadd.remote.s32 $0x1  }
0xbe: {  	_ =	sfence.sel $0xFFFF  }
0xbf: {  	[dreg:$0x0] =	wrdreg $0xFFFFFFFF;
	(pc) =	sbr.abs _section_cstart, $3  }
0xc0: {  	[dreg:$0x1] =	wrdreg $0xFFFFFFFF  }
0xc1: {  	_ =	task.clear_ibuf [dreg:s6], $0x2FFFF;
	_ =	strace $0x9FFFFFFF  }
0xc2: {  	(tm) =	ssettm $0x7FFFFFFF  }
0xc3: {  	_ =	shalt  }
tec
execute0_lowered:
.L_overlay_start_1:
0x0: {  	(tag) =	ssettag $0x1  }
0x1: {  	s6 =	rddreg [dreg:$0x0]  }
0x2: {  	s2 =	rddreg [dreg:$0x1]  }
0x3: {  	s0 =	rddreg [dreg:$0x2];
	s3 =	simm.s32 $0x0;
	s4 =	srdreg.scid  }
0x4: {  	s1 =	stileid.u32;
	s16 =	simm.s32 $0x40;
	s17 =	simm.s32 $0x5000  }
0x5: {  	s18 =	simm.s32 $0x7000;
	s19 =	simm.s32 $0x1;
	s20 =	simm.s32 $0x2  }
0x6: {  	s21 =	simm.s32 $0x3;
	s22 =	simm.s32 $0x4;
	s23 =	simm.s32 $0x0  }
0x7: {  	[smem:$0x7FF] =	sst s3;
	s7 =	sand.u32 $0x1, s4;
	s8 =	smul.u32 $0x2780, s1  }
0x8: {  	s4 =	sadd.s32 $0x1C200, s6;
	s10 =	sadd.s32 $0x92A00, s6;
	s12 =	smul.u32 $0x4F000, s1  }
0x9: {  	s11 =	sadd.s32 $0xA6A00, s6;
	s5 =	sadd.s32 $0x19A00, s6;
	s9 =	smul.u32 $0x27800, s7  }
0xa: {  	s30 =	sshll.u32 s1, $0x6;
	_ =	strace $0x80000050;
	s25 =	sshll.u32 s7, $0x4  }
0xb: {  	s7 =	ssub.s32 $0x2, s7;
	s8 =	sadd.s32 s8, s9;
	s9 =	sor.u32 s1, s25  }
0xc: {  	s26 =	sshrl.u32 s7, $0x1;
	s29 =	sshrl.u32 s12, $0x2;
	s28 =	smul.u32 $0x5000, s9  }
0xd: {  	s14 =	ssub.s32 s7, s26;
	s15 =	sadd.s32 s29, s2;
	s13 =	sadd.s32 s8, s6  }
0xe: {  	s6 =	sor.u32 $0x1C05, s30;
	s12 =	smax.u32 s14, $0x1;
	s9 =	sshrl.u32 s28, $0x3  }
0xf: {  	s14 =	simm.s32 $0x5;
	s7 =	sadd.s32 s10, s9;
	s31 =	sadd.s32 $0x500, s9  }
0x10: {  	s8 =	sadd.s32 s11, s9;
	s9 =	sadd.s32 s10, s31;
	s10 =	sadd.s32 s11, s31  }
0x11: {  	s11 =	sadd.s32 $0x43A00, s13;
	s13 =	sshrl.u32 s15, $0x3;
	s15 =	simm.s32 $0x2800  }
.LBB2_1:
0x12: {  	[spmem:s13], [sflag:s6] =	dma.local [hbm:s5], $0x2780  }
0x13: {  	_ =	swait.ge [sflag:s14], $0x2780  }
0x14: {  	[sflag:s14] =	ssyncset.done $0x0  }
0x15: {  	[sflag:s14] =	ssyncadd.s32 $0xFFFFD880  }
0x16: {  	[bflag:$0x0] =	sbarrier.arrive $0xFFFF  }
0x17: {  	[tilespmem:s3], [sflag:$0x5] =	stream.linear.gather [hbm4b:s7+s3], $0x2800, $0x38;
	[tilespmem:$0x1CC00] =	vst v63  }
0x18: {  	_ =	swait.ge [sflag:s14], $0x2800  }
0x19: {  	[sflag:s14] =	ssyncset.done $0x0  }
0x1a: {  	[sflag:s14] =	ssyncadd.s32 $0xFFFFD800  }
0x1b: {  	[tilespmem:s15], [sflag:$0x5] =	stream.linear.gather [hbm4b:s8+s3], $0x2800, $0x38;
	[tilespmem:$0x1CC00] =	vst v63  }
0x1c: {  	_ =	swait.ge [sflag:s14], $0x2800  }
0x1d: {  	[sflag:s14] =	ssyncset.done $0x0  }
0x1e: {  	s24 =	simm.s32 $0x0;
	[sflag:s14] =	ssyncadd.s32 $0xFFFFD800  }
0x1f: {  	[tilespmem:s17], [sflag:$0x1] =	stream.indirect.gather [hbm4b:s4+s16], $0x80, s24, s16, $0xb8;
	[tilespmem:$0x1CC00] =	vst v63  }
0x20: {  	s29 =	simm.s32 $0x80  }
0x21: {  	[tilespmem:s18], [sflag:$0x2] =	stream.indirect.gather [hbm4b:s4+s16], $0x80, s29, s16, $0xb8;
	[tilespmem:$0x1CC00] =	vst v63  }
0x22: {  	_ =	swait.ge [sflag:s19], $0x2000  }
0x23: {  	[sflag:s19] =	ssyncset.done $0x0  }
0x24: {  	s30 =	simm.s32 $0x2800;
	[sflag:s19] =	ssyncadd.s32 $0xFFFFE000  }
0x25: {  	[spmem:s2] =	stream.indirect.scatter.add.f32 [tilespmem:s17], [sflag:$0x3], $0x80, s30, s16, $0xb8;
	[tilespmem:$0x1CC00] =	vst v63  }
0x26: {  	_ =	swait.ge [sflag:s20], $0x2000  }
0x27: {  	[sflag:s20] =	ssyncset.done $0x0  }
0x28: {  	s31 =	simm.s32 $0x2880;
	[sflag:s20] =	ssyncadd.s32 $0xFFFFE000  }
0x29: {  	[spmem:s2] =	stream.indirect.scatter.add.f32 [tilespmem:s18], [sflag:$0x4], $0x80, s31, s16, $0xb8;
	[tilespmem:$0x1CC00] =	vst v63  }
0x2a: {  	_ =	swait.ge [sflag:s21], $0x2000  }
0x2b: {  	[sflag:s21] =	ssyncset.done $0x0  }
0x2c: {  	[sflag:s21] =	ssyncadd.s32 $0xFFFFE000  }
0x2d: {  	_ =	swait.ge [sflag:s22], $0x2000  }
0x2e: {  	s25 =	simm.s32 $0x800;
	s24 =	simm.s32 $0x400;
	[sflag:s22] =	ssyncset.done $0x0  }
.LBB2_2:
0x2f: {  	s26 =	sshra.s32 s24, $0x2  }
0x30: {  	[sflag:s22] =	ssyncadd.s32 $0xFFFFE000;
	s24 =	smov.u32 s25;
	s28 =	sadd.s32 $0x400, s25  }
0x31: {  	[tilespmem:s17], [sflag:$0x1] =	stream.indirect.gather [hbm4b:s4+s16], $0x80, s26, s16, $0xb8;
	[tilespmem:$0x1CC00] =	vst v63  }
0x32: {  	p0 =	sne.s32 s25, $0x9C00;
	s25 =	sadd.s32 $0x80, s26  }
0x33: {  	[tilespmem:s18], [sflag:$0x2] =	stream.indirect.gather [hbm4b:s4+s16], $0x80, s25, s16, $0xb8;
	[tilespmem:$0x1CC00] =	vst v63  }
0x34: {  	_ =	swait.ge [sflag:s19], $0x2000  }
0x35: {  	[sflag:s19] =	ssyncset.done $0x0  }
0x36: {  	s25 =	sadd.s32 $0x2800, s26;
	[sflag:s19] =	ssyncadd.s32 $0xFFFFE000  }
0x37: {  	[spmem:s2] =	stream.indirect.scatter.add.f32 [tilespmem:s17], [sflag:$0x3], $0x80, s25, s16, $0xb8;
	[tilespmem:$0x1CC00] =	vst v63  }
0x38: {  	_ =	swait.ge [sflag:s20], $0x2000  }
0x39: {  	[sflag:s20] =	ssyncset.done $0x0  }
0x3a: {  	s25 =	sadd.s32 $0x2880, s26;
	[sflag:s20] =	ssyncadd.s32 $0xFFFFE000  }
0x3b: {  	[spmem:s2] =	stream.indirect.scatter.add.f32 [tilespmem:s18], [sflag:$0x4], $0x80, s25, s16, $0xb8;
	[tilespmem:$0x1CC00] =	vst v63  }
.Ltmp0:
0x3c: {  	_ =	swait.ge [sflag:s21], $0x2000;
	(pc) =	sbr.rel @p0 .LBB2_2-.Ltmp0, $4  }
0x3d: {  	[sflag:s21] =	ssyncset.done $0x0  }
0x3e: {  	[sflag:s21] =	ssyncadd.s32 $0xFFFFE000  }
0x3f: {  	_ =	swait.ge [sflag:s22], $0x2000  }
0x40: {  	s25 =	smov.u32 s28;
	[sflag:s22] =	ssyncset.done $0x0  }
0x41: {  	s24 =	sshra.s32 s24, $0x2;
	[sflag:s22] =	ssyncadd.s32 $0xFFFFE000  }
0x42: {  	[tilespmem:s17], [sflag:$0x1] =	stream.indirect.gather [hbm4b:s4+s16], $0x80, s24, s16, $0xb8;
	[tilespmem:$0x1CC00] =	vst v63  }
0x43: {  	s25 =	sadd.s32 $0x80, s24  }
0x44: {  	[tilespmem:s18], [sflag:$0x2] =	stream.indirect.gather [hbm4b:s4+s16], $0x80, s25, s16, $0xb8;
	[tilespmem:$0x1CC00] =	vst v63  }
0x45: {  	_ =	swait.ge [sflag:s19], $0x2000  }
0x46: {  	[sflag:s19] =	ssyncset.done $0x0  }
0x47: {  	s31 =	sadd.s32 $0x2800, s24;
	[sflag:s19] =	ssyncadd.s32 $0xFFFFE000  }
0x48: {  	[spmem:s2] =	stream.indirect.scatter.add.f32 [tilespmem:s17], [sflag:$0x3], $0x80, s31, s16, $0xb8;
	[tilespmem:$0x1CC00] =	vst v63  }
0x49: {  	_ =	swait.ge [sflag:s20], $0x2000  }
0x4a: {  	[sflag:s20] =	ssyncset.done $0x0  }
0x4b: {  	s24 =	sadd.s32 $0x2880, s24;
	[sflag:s20] =	ssyncadd.s32 $0xFFFFE000  }
0x4c: {  	[spmem:s2] =	stream.indirect.scatter.add.f32 [tilespmem:s18], [sflag:$0x4], $0x80, s24, s16, $0xb8;
	[tilespmem:$0x1CC00] =	vst v63  }
0x4d: {  	_ =	swait.ge [sflag:s21], $0x2000  }
0x4e: {  	[sflag:s21] =	ssyncset.done $0x0  }
0x4f: {  	[sflag:s21] =	ssyncadd.s32 $0xFFFFE000  }
0x50: {  	_ =	swait.ge [sflag:s22], $0x2000  }
0x51: {  	[sflag:s22] =	ssyncset.done $0x0  }
0x52: {  	s26 =	simm.s32 $0x0;
	[sflag:s22] =	ssyncadd.s32 $0xFFFFE000  }
0x53: {  	[tilespmem:s26], [sflag:$0x5] =	stream.linear.gather [hbm4b:s9+s26], $0x2800, $0x38;
	[tilespmem:$0x1CC00] =	vst v63  }
0x54: {  	_ =	swait.ge [sflag:s14], $0x2800  }
0x55: {  	[sflag:s14] =	ssyncset.done $0x0  }
0x56: {  	[sflag:s14] =	ssyncadd.s32 $0xFFFFD800  }
0x57: {  	[tilespmem:s15], [sflag:$0x5] =	stream.linear.gather [hbm4b:s10+s26], $0x2800, $0x38;
	[tilespmem:$0x1CC00] =	vst v63  }
0x58: {  	_ =	swait.ge [sflag:s14], $0x2800  }
0x59: {  	[sflag:s14] =	ssyncset.done $0x0  }
0x5a: {  	s28 =	simm.s32 $0x0;
	[sflag:s14] =	ssyncadd.s32 $0xFFFFD800  }
0x5b: {  	[tilespmem:s17], [sflag:$0x1] =	stream.indirect.gather [hbm4b:s4+s16], $0x80, s28, s16, $0xb8;
	[tilespmem:$0x1CC00] =	vst v63  }
0x5c: {  	s29 =	simm.s32 $0x80  }
0x5d: {  	[tilespmem:s18], [sflag:$0x2] =	stream.indirect.gather [hbm4b:s4+s16], $0x80, s29, s16, $0xb8;
	[tilespmem:$0x1CC00] =	vst v63  }
0x5e: {  	_ =	swait.ge [sflag:s19], $0x2000  }
0x5f: {  	[sflag:s19] =	ssyncset.done $0x0  }
0x60: {  	s30 =	simm.s32 $0x2800;
	[sflag:s19] =	ssyncadd.s32 $0xFFFFE000  }
0x61: {  	[spmem:s2] =	stream.indirect.scatter.add.f32 [tilespmem:s17], [sflag:$0x3], $0x80, s30, s16, $0xb8;
	[tilespmem:$0x1CC00] =	vst v63  }
0x62: {  	_ =	swait.ge [sflag:s20], $0x2000  }
0x63: {  	[sflag:s20] =	ssyncset.done $0x0  }
0x64: {  	s31 =	simm.s32 $0x2880;
	[sflag:s20] =	ssyncadd.s32 $0xFFFFE000  }
0x65: {  	[spmem:s2] =	stream.indirect.scatter.add.f32 [tilespmem:s18], [sflag:$0x4], $0x80, s31, s16, $0xb8;
	[tilespmem:$0x1CC00] =	vst v63  }
0x66: {  	_ =	swait.ge [sflag:s21], $0x2000  }
0x67: {  	[sflag:s21] =	ssyncset.done $0x0  }
0x68: {  	[sflag:s21] =	ssyncadd.s32 $0xFFFFE000  }
0x69: {  	_ =	swait.ge [sflag:s22], $0x2000  }
0x6a: {  	s25 =	simm.s32 $0x800;
	s24 =	simm.s32 $0x400;
	[sflag:s22] =	ssyncset.done $0x0  }
.LBB2_4:
0x6b: {  	s26 =	sshra.s32 s24, $0x2  }
0x6c: {  	[sflag:s22] =	ssyncadd.s32 $0xFFFFE000;
	s24 =	smov.u32 s25;
	s28 =	sadd.s32 $0x400, s25  }
0x6d: {  	[tilespmem:s17], [sflag:$0x1] =	stream.indirect.gather [hbm4b:s4+s16], $0x80, s26, s16, $0xb8;
	[tilespmem:$0x1CC00] =	vst v63  }
0x6e: {  	p0 =	sne.s32 s25, $0x9C00;
	s25 =	sadd.s32 $0x80, s26  }
0x6f: {  	[tilespmem:s18], [sflag:$0x2] =	stream.indirect.gather [hbm4b:s4+s16], $0x80, s25, s16, $0xb8;
	[tilespmem:$0x1CC00] =	vst v63  }
0x70: {  	_ =	swait.ge [sflag:s19], $0x2000  }
0x71: {  	[sflag:s19] =	ssyncset.done $0x0  }
0x72: {  	s25 =	sadd.s32 $0x2800, s26;
	[sflag:s19] =	ssyncadd.s32 $0xFFFFE000  }
0x73: {  	[spmem:s2] =	stream.indirect.scatter.add.f32 [tilespmem:s17], [sflag:$0x3], $0x80, s25, s16, $0xb8;
	[tilespmem:$0x1CC00] =	vst v63  }
0x74: {  	_ =	swait.ge [sflag:s20], $0x2000  }
0x75: {  	[sflag:s20] =	ssyncset.done $0x0  }
0x76: {  	s25 =	sadd.s32 $0x2880, s26;
	[sflag:s20] =	ssyncadd.s32 $0xFFFFE000  }
0x77: {  	[spmem:s2] =	stream.indirect.scatter.add.f32 [tilespmem:s18], [sflag:$0x4], $0x80, s25, s16, $0xb8;
	[tilespmem:$0x1CC00] =	vst v63  }
.Ltmp1:
0x78: {  	_ =	swait.ge [sflag:s21], $0x2000;
	(pc) =	sbr.rel @p0 .LBB2_4-.Ltmp1, $4  }
0x79: {  	[sflag:s21] =	ssyncset.done $0x0  }
0x7a: {  	[sflag:s21] =	ssyncadd.s32 $0xFFFFE000  }
0x7b: {  	_ =	swait.ge [sflag:s22], $0x2000  }
0x7c: {  	s25 =	smov.u32 s28;
	[sflag:s22] =	ssyncset.done $0x0  }
0x7d: {  	s24 =	sshra.s32 s24, $0x2;
	[sflag:s22] =	ssyncadd.s32 $0xFFFFE000  }
0x7e: {  	[tilespmem:s17], [sflag:$0x1] =	stream.indirect.gather [hbm4b:s4+s16], $0x80, s24, s16, $0xb8;
	[tilespmem:$0x1CC00] =	vst v63  }
0x7f: {  	s25 =	sadd.s32 $0x80, s24  }
0x80: {  	[tilespmem:s18], [sflag:$0x2] =	stream.indirect.gather [hbm4b:s4+s16], $0x80, s25, s16, $0xb8;
	[tilespmem:$0x1CC00] =	vst v63  }
0x81: {  	_ =	swait.ge [sflag:s19], $0x2000  }
0x82: {  	[sflag:s19] =	ssyncset.done $0x0  }
0x83: {  	s31 =	sadd.s32 $0x2800, s24;
	[sflag:s19] =	ssyncadd.s32 $0xFFFFE000  }
0x84: {  	[spmem:s2] =	stream.indirect.scatter.add.f32 [tilespmem:s17], [sflag:$0x3], $0x80, s31, s16, $0xb8;
	[tilespmem:$0x1CC00] =	vst v63  }
0x85: {  	_ =	swait.ge [sflag:s20], $0x2000  }
0x86: {  	[sflag:s20] =	ssyncset.done $0x0  }
0x87: {  	s24 =	sadd.s32 $0x2880, s24;
	[sflag:s20] =	ssyncadd.s32 $0xFFFFE000  }
0x88: {  	[spmem:s2] =	stream.indirect.scatter.add.f32 [tilespmem:s18], [sflag:$0x4], $0x80, s24, s16, $0xb8;
	[tilespmem:$0x1CC00] =	vst v63  }
0x89: {  	_ =	swait.ge [sflag:s21], $0x2000  }
0x8a: {  	[sflag:s21] =	ssyncset.done $0x0  }
0x8b: {  	[sflag:s21] =	ssyncadd.s32 $0xFFFFE000  }
0x8c: {  	_ =	swait.ge [sflag:s22], $0x2000  }
0x8d: {  	s23 =	sadd.s32 $0x1, s23;
	[sflag:s22] =	ssyncset.done $0x0  }
0x8e: {  	p0 =	sne.s32 s23, s12;
	[sflag:s22] =	ssyncadd.s32 $0xFFFFE000  }
.Ltmp2:
0x8f: {  	[bflag:$0x0] =	sbarrier.arrive $0xFFFF;
	(pc) =	sbr.rel @p0 .LBB2_1-.Ltmp2, $4  }
0x90: {  	[hbm:s11], [sflag:s6] =	dma.local [spmem:s13], $0x2780  }
0x91: {  	_ =	swait.ge [sflag:s14], $0x2780  }
0x92: {  	[sflag:s14] =	ssyncset.done $0x0  }
0x93: {  	[sflag:s14] =	ssyncadd.s32 $0xFFFFD880  }
0x94: {  	_ =	sfence.sel $0x180000  }
0x95: {  	[bflag:$0x0] =	sbarrier.arrive $0xFFFF  }
0x96: {  	p0 =	sne.s32 s1, $0x0;
	_ =	strace $0x90000050  }
0x97: {  	s0 =	sadd.s32 @!p0 $0x100000, s0;
	[bflag:$0x2] =	sbarrier.arrive $0xFFFF  }
0x98: {  	[sflag:s0] =	ssyncadd.tile.s32 @!p0 $0x1;
	_ =	shalt  }
.Lfunc_end2:
_tile_overlayer_lowered:
.L_overlay_start_2:
0x99: {  	(tag) =	ssettag $0x2  }
0x9a: {  	s0 =	rddreg [dreg:$0x0];
	s2 =	stileid.u32  }
0x9b: {  	s1 =	rddreg [dreg:$0x1];
	p0 =	sne.s32 s2, $0x0  }
0x9c: {  	s3 =	rddreg [dreg:$0x2];
	[bflag:$0x3] =	sbarrier.arrive $0xFFFF;
	s2 =	simm.s32 @!p0 $0x1C05  }
0x9d: {  	[timem:s3], [sflag:s2] =	dma.local @!p0 [hbm:s0], s1  }
0x9e: {  	s0 =	simm.s32 @!p0 $0x5  }
0x9f: {  	_ =	swait.ge @!p0 [sflag:s0], s1  }
0xa0: {  	s1 =	ssub.s32 @!p0 $0x0, s1;
	[sflag:s0] =	ssyncset.done @!p0 $0x0  }
0xa1: {  	[sflag:s0] =	ssyncadd.s32 @!p0 s1  }
0xa2: {  	[bflag:$0x3] =	sbarrier.arrive $0xFFFF  }
0xa3: {  	_ =	shalt  }

// kernel: kernel.28.cloned.1.call-start
scs
__scs_entry_jumppad:
0x0: {  	(pc) =	sbr.rel $0x88, $3  }
0x1: {  	(tag) =	ssettag $0x0;
	lr =	simm.s32 $0x1  }
0x2: {  	[smem:$0x3F90] =	sst lr;
	_ =	strace $0xD0000000  }
0x3: {  	_ = 	snop  }
0x4: {  	_ = 	snop  }
0x5: {  	_ = 	snop  }
0x6: {  	_ = 	snop  }
0x7: {  	_ = 	snop  }
__scs_overlays_trampoline_lowered:
0x8: {  	[smem:$0x3F9F] =	sst s0  }
0x9: {  	[smem:$0x3FA0] =	sst s1  }
0xa: {  	[smem:$0x3FA1] =	sst s2  }
0xb: {  	[smem:$0x3FA2] =	sst s3  }
0xc: {  	[smem:$0x3FA3] =	sst s4  }
0xd: {  	[smem:$0x3FA4] =	sst s5  }
0xe: {  	[smem:$0x3FA5] =	sst s6  }
0xf: {  	[smem:$0x3FA6] =	sst s7  }
0x10: {  	[smem:$0x3FA7] =	sst s8  }
0x11: {  	[smem:$0x3FA8] =	sst s9;
	s0 =	simm.s32 @!p0 $0x0  }
0x12: {  	s1 =	sld [smem:$0x3F8E];
	s0 =	simm.s32 @p0 $0x1  }
0x13: {  	[smem:$0x3FA9] =	sst s0;
	s0 =	simm.s32 @!p1 $0x0  }
0x14: {  	s2 =	sld [smem:$0x3F8D];
	s0 =	simm.s32 @p1 $0x1  }
0x15: {  	[smem:$0x3FAA] =	sst s0;
	s0 =	simm.s32 @!p2 $0x0  }
0x16: {  	s3 =	sld [smem:$0x3FDB];
	s0 =	simm.s32 @p2 $0x1  }
0x17: {  	s4 =	simm.s32 $0x1BF5;
	[smem:$0x3FAC] =	sst s0  }
0x18: {  	s0 =	sld [smem:$0x3F8F];
	_ =	swait.ge [sflag:s4], $0x0  }
0x19: {  	s7 =	sld [smem:$0x3F90]  }
0x1a: {  	s8 =	sadd.s32 $0xFFFFE003, lr  }
0x1b: {  	s9 =	sadd.s32 $0xFFFFFEF7, lr;
	s5 =	simm.s32 $0xFFFFFFFF;
	p2 =	slt.u32 s8, $0xFFFFF086  }
0x1c: {  	p1 =	slt.u32 s9, $0xF7A;
	s5 =	simm.s32 @!p2 $0x0  }
0x1d: {  	s5 =	simm.s32 @p1 $0x1;
	p0 =	seq.s32 s7, s2  }
0x1e: {  	s7 =	smul.u32 @!p0 $0xF7A, s2;
	p2 =	seq.s32 @!p0 s5, $0x0  }
0x1f: {  	s9 =	smul.u32 $0xF7A, s1;
	s8 =	simm.s32 @!p0 $0x1BF5;
	p2 =	por !p2, p0  }
0x20: {  	[sflag:s8] =	ssyncset.s32 @!p0 $0xFFFFF086;
	s6 =	sadd.s32 @!p0 s3, s7;
	s7 =	simm.s32 @!p0 $0x108  }
0x21: {  	s3 =	sadd.s32 s3, s9;
	s6 =	sadd.s32 @!p0 $0x88, s6;
	s7 =	simm.s32 @p2 $0x1082  }
0x22: {  	[simem:s7], [sflag:s8] =	dma.local @!p0 [hbm:s6], $0xF7A  }
0x23: {  	s9 =	sor.u32 $0xD0000000, s2;
	s6 =	simm.s32 $0x108;
	_ =	swait.ge @!p0 [sflag:s8], $0x0  }
0x24: {  	s3 =	sadd.s32 $0x88, s3;
	s6 =	simm.s32 @!p1 $0x1082;
	[sflag:s4] =	ssyncset.s32 $0xFFFFF086  }
0x25: {  	[simem:s6], [sflag:s4] =	dma.local [hbm:s3], $0xF7A  }
0x26: {  	[smem:$0x3F90] =	sst s1;
	(tag) =	ssettag s2;
	_ =	strace s9  }
0x27: {  	s1 =	sld [smem:$0x3FA0]  }
0x28: {  	s2 =	sld [smem:$0x3FA1]  }
0x29: {  	s4 =	sld [smem:$0x3FA3]  }
0x2a: {  	p0 =	seq.s32 s5, $0x0;
	s5 =	sld [smem:$0x3FA4]  }
0x2b: {  	s6 =	sld [smem:$0x3FA5]  }
0x2c: {  	s7 =	sld [smem:$0x3FA6]  }
0x2d: {  	s3 =	simm.s32 $0x108;
	s8 =	sld [smem:$0x3FA7]  }
0x2e: {  	s3 =	simm.s32 @!p0 $0x1082;
	s9 =	sld [smem:$0x3FA8]  }
0x2f: {  	lr =	sadd.s32 s0, s3;
	s0 =	sld [smem:$0x3F9F]  }
0x30: {  	s3 =	sld [smem:$0x3FA2]  }
0x31: {  	[smem:$0x3FAB] =	sst s10  }
0x32: {  	s10 =	sld [smem:$0x3FA9];
	_ =	sdelay $0x3  }
0x33: {  	p0 =	seq.s32 s10, $0x1;
	s10 =	sld [smem:$0x3FAB];
	_ =	sdelay $0x3  }
0x34: {  	[smem:$0x3FAB] =	sst s10  }
0x35: {  	s10 =	sld [smem:$0x3FAA];
	_ =	sdelay $0x3  }
0x36: {  	p1 =	seq.s32 s10, $0x1;
	s10 =	sld [smem:$0x3FAB];
	_ =	sdelay $0x3  }
0x37: {  	[smem:$0x3FAB] =	sst s10  }
0x38: {  	s10 =	sld [smem:$0x3FAC]  }
0x39: {  	_ = 	snop;
	(pc) =	sbr.ind lr, $3  }
0x3a: {  	_ = 	snop  }
0x3b: {  	_ = 	snop  }
0x3c: {  	p2 =	seq.s32 s10, $0x1;
	s10 =	sld [smem:$0x3FAB]  }
0x3d: {  	_ =	shalt  }
0x3e: {  	_ =	shalt  }
0x3f: {  	_ =	shalt  }
0x40: {  	_ =	shalt  }
0x41: {  	_ =	shalt  }
0x42: {  	_ =	shalt  }
0x43: {  	_ =	shalt  }
0x44: {  	_ =	shalt  }
0x45: {  	_ =	shalt  }
0x46: {  	_ =	shalt  }
0x47: {  	_ =	shalt  }
0x48: {  	_ =	shalt  }
0x49: {  	_ =	shalt  }
0x4a: {  	_ =	shalt  }
0x4b: {  	_ =	shalt  }
0x4c: {  	_ =	shalt  }
0x4d: {  	_ =	shalt  }
0x4e: {  	_ =	shalt  }
0x4f: {  	_ =	shalt  }
0x50: {  	_ =	shalt  }
0x51: {  	_ =	shalt  }
0x52: {  	_ =	shalt  }
0x53: {  	_ =	shalt  }
0x54: {  	_ =	shalt  }
0x55: {  	_ =	shalt  }
0x56: {  	_ =	shalt  }
0x57: {  	_ =	shalt  }
0x58: {  	_ =	shalt  }
0x59: {  	_ =	shalt  }
0x5a: {  	_ =	shalt  }
0x5b: {  	_ =	shalt  }
0x5c: {  	_ =	shalt  }
0x5d: {  	_ =	shalt  }
0x5e: {  	_ =	shalt  }
0x5f: {  	_ =	shalt  }
0x60: {  	_ =	shalt  }
0x61: {  	_ =	shalt  }
0x62: {  	_ =	shalt  }
0x63: {  	_ =	shalt  }
0x64: {  	_ =	shalt  }
0x65: {  	_ =	shalt  }
0x66: {  	_ =	shalt  }
0x67: {  	_ =	shalt  }
0x68: {  	_ =	shalt  }
0x69: {  	_ =	shalt  }
0x6a: {  	_ =	shalt  }
0x6b: {  	_ =	shalt  }
0x6c: {  	_ =	shalt  }
0x6d: {  	_ =	shalt  }
0x6e: {  	_ =	shalt  }
0x6f: {  	_ =	shalt  }
0x70: {  	_ =	shalt  }
0x71: {  	_ =	shalt  }
0x72: {  	_ =	shalt  }
0x73: {  	_ =	shalt  }
0x74: {  	_ =	shalt  }
0x75: {  	_ =	shalt  }
0x76: {  	_ =	shalt  }
0x77: {  	_ =	shalt  }
0x78: {  	_ =	shalt  }
0x79: {  	_ =	shalt  }
0x7a: {  	_ =	shalt  }
0x7b: {  	_ =	shalt  }
0x7c: {  	_ =	shalt  }
0x7d: {  	_ =	shalt  }
0x7e: {  	_ =	shalt  }
0x7f: {  	_ =	shalt  }
0x80: {  	_ =	shalt  }
0x81: {  	_ =	shalt  }
0x82: {  	_ =	shalt  }
0x83: {  	_ =	shalt  }
0x84: {  	_ =	shalt  }
0x85: {  	_ =	shalt  }
0x86: {  	_ =	shalt  }
0x87: {  	_ =	shalt  }
.Lfunc_end0:
.L_simem_size_0:
called_computation.4_lowered:
.L_overlay_start_0:
0x88: {  	s2 =	sld [smem:$0x3FD9]  }
0x89: {  	s3 =	sld [smem:$0x3FFE];
	_ =	sdelay $0x1  }
0x8a: {  	s1 =	srdreg.scid  }
0x8b: {  	s0 =	sand.u32 $0x1, s1  }
0x8c: {  	s16 =	sshll.u32 s0, $0xA;
	s2 =	sadd.s32 s3, s2  }
0x8d: {  	s2 =	sadd.s32 s2, s16  }
0x8e: {  	[smem:$0x3FB7] =	sst s2  }
0x8f: {  	_ = 	snop  }
0x90: {  	(tm) =	ssettm $0x1  }
0x91: {  	s17 =	sld [smem:$0x3FFB];
	_ =	sdelay $0x3  }
0x92: {  	_ =	strace s17  }
0x93: {  	s2 =	sld [smem:$0x3FFC];
	_ =	sdelay $0x3  }
0x94: {  	_ =	strace s2  }
0x95: {  	s2 =	sld [smem:$0x3FFD];
	_ =	sdelay $0x3  }
0x96: {  	_ =	strace s2  }
0x97: {  	_ =	strace $0x8FFFFFFF  }
0x98: {  	s18 =	sld [smem:$0x3FDB];
	_ =	sdelay $0x1  }
0x99: {  	s19 =	simm.s32 $_scs_section_size  }
0x9a: {  	s4 =	simm.s32 $_size__tile_overlayer_lowered;
	s5 =	simm.s32 $_tile_overlayer_lowered  }
0x9b: {  	s22 =	simm.s32 $0x1BFF;
	s21 =	sshll.u32 s5, $0x1;
	s2 =	sadd.s32 s19, s18  }
0x9c: {  	s6 =	simm.s32 $0x0;
	s20 =	sshll.u32 s4, $0x1;
	s4 =	sadd.s32 s21, s2  }
0x9d: {  	[timem:s6], [sflag:s22] =	dma.local [hbm:s4], s20  }
0x9e: {  	_ =	swait.ge [sflag:s22], s20  }
0x9f: {  	s3 =	ssub.s32 $0x0, s20;
	[sflag:s22] =	ssyncset.done $0x0  }
0xa0: {  	[sflag:s22] =	ssyncadd.s32 s3;
	_ =	sdelay $0x1  }
0xa1: {  	s23 =	simm.s32 $0x1B8B  }
0xa2: {  	_ =	swait.ge [sflag:s23], $0x1  }
0xa3: {  	[sflag:s23] =	ssyncset.done $0x0  }
0xa4: {  	s25 =	simm.s32 $0x1B8E;
	s24 =	sld [smem:$0x3FFE];
	[sflag:s23] =	ssyncadd.s32 $0xFFFFFFFF  }
0xa5: {  	s26 =	simm.s32 $execute0_lowered;
	[smem:$0x3FD2] =	sst s25  }
0xa6: {  	s4 =	sshll.u32 s26, $0x1;
	_ =	strace $0x80000052;
	[dreg:$0x1] =	wrdreg $0xFFFFFFFF  }
0xa7: {  	s28 =	simm.s32 $_size_execute0_lowered;
	s2 =	sadd.s32 s2, s4;
	[dreg:$0x0] =	wrdreg $0x0  }
0xa8: {  	s4 =	sshll.u32 s28, $0x1;
	[dreg:$0x2] =	wrdreg s2  }
0xa9: {  	[dreg:$0x3] =	wrdreg s4  }
0xaa: {  	[dreg:$0x4] =	wrdreg $0xC0  }
0xab: {  	_ =	task [dreg:s6], $0x5FFFF  }
0xac: {  	[dreg:$0x1] =	wrdreg $0xFFFFFFFF  }
0xad: {  	[dreg:$0x0] =	wrdreg $0x60  }
0xae: {  	[dreg:$0x2] =	wrdreg s24  }
0xaf: {  	[dreg:$0x3] =	wrdreg $0x90000  }
0xb0: {  	[dreg:$0x4] =	wrdreg $0x9  }
0xb1: {  	_ =	task.clear_ibuf [dreg:s6], $0x5FFFF;
	_ =	strace $0x90000052  }
0xb2: {  	s29 =	simm.s32 $0x9;
	_ =	strace $0x80000054  }
0xb3: {  	_ =	swait.ge [sflag:s29], $0x1  }
0xb4: {  	[sflag:s29] =	ssyncadd.s32 $0xFFFFFFFF  }
0xb5: {  	_ =	strace $0x90000054  }
0xb6: {  	_ =	sfence  }
0xb7: {  	s30 =	sld [smem:$0x0];
	_ =	sdelay $0x2  }
0xb8: {  	s31 =	sshll.u32 s1, $0xD;
	s1 =	sshrl.u32 s1, $0x2  }
0xb9: {  	s3 =	sand.u32 $0x4000, s31;
	s1 =	sadd.s32 s1, s30  }
0xba: {  	s0 =	sor.u32 s3, s0;
	s1 =	sshll.u32 s1, $0x11  }
0xbb: {  	s0 =	sor.u32 s1, s0  }
0xbc: {  	s0 =	sadd.s32 $0x8F2B, s0  }
0xbd: {  	[sflag:s0] =	ssyncadd.remote.s32 $0x1  }
0xbe: {  	_ =	sfence.sel $0xFFFF  }
0xbf: {  	[dreg:$0x0] =	wrdreg $0xFFFFFFFF;
	(pc) =	sbr.abs _section_cstart, $3  }
0xc0: {  	[dreg:$0x1] =	wrdreg $0xFFFFFFFF  }
0xc1: {  	_ =	task.clear_ibuf [dreg:s6], $0x2FFFF;
	_ =	strace $0x9FFFFFFF  }
0xc2: {  	(tm) =	ssettm $0x7FFFFFFF  }
0xc3: {  	_ =	shalt  }
tec
execute0_lowered:
.L_overlay_start_1:
0x0: {  	(tag) =	ssettag $0x1  }
0x1: {  	s6 =	rddreg [dreg:$0x0]  }
0x2: {  	s2 =	rddreg [dreg:$0x1]  }
0x3: {  	s0 =	rddreg [dreg:$0x2];
	s3 =	simm.s32 $0x0;
	s4 =	srdreg.scid  }
0x4: {  	s1 =	stileid.u32;
	s16 =	simm.s32 $0x40;
	s17 =	simm.s32 $0x5000  }
0x5: {  	s18 =	simm.s32 $0x7000;
	s19 =	simm.s32 $0x1;
	s20 =	simm.s32 $0x2  }
0x6: {  	s21 =	simm.s32 $0x3;
	s22 =	simm.s32 $0x4;
	s23 =	simm.s32 $0x0  }
0x7: {  	[smem:$0x7FF] =	sst s3;
	s7 =	sand.u32 $0x1, s4;
	s8 =	smul.u32 $0x2780, s1  }
0x8: {  	s4 =	sadd.s32 $0x1C200, s6;
	s10 =	sadd.s32 $0xBAA00, s6;
	s12 =	smul.u32 $0x4F000, s1  }
0x9: {  	s11 =	sadd.s32 $0x5A00, s6;
	s5 =	sadd.s32 $0x19A00, s6;
	s9 =	smul.u32 $0x27800, s7  }
0xa: {  	s30 =	sshll.u32 s1, $0x6;
	_ =	strace $0x80000053;
	s25 =	sshll.u32 s7, $0x4  }
0xb: {  	s7 =	ssub.s32 $0x2, s7;
	s8 =	sadd.s32 s8, s9;
	s9 =	sor.u32 s1, s25  }
0xc: {  	s26 =	sshrl.u32 s7, $0x1;
	s29 =	sshrl.u32 s12, $0x2;
	s28 =	smul.u32 $0x5000, s9  }
0xd: {  	s14 =	ssub.s32 s7, s26;
	s15 =	sadd.s32 s29, s2;
	s13 =	sadd.s32 s8, s6  }
0xe: {  	s6 =	sor.u32 $0x1C05, s30;
	s12 =	smax.u32 s14, $0x1;
	s9 =	sshrl.u32 s28, $0x3  }
0xf: {  	s14 =	simm.s32 $0x5;
	s7 =	sadd.s32 s10, s9;
	s31 =	sadd.s32 $0x500, s9  }
0x10: {  	s8 =	sadd.s32 s11, s9;
	s9 =	sadd.s32 s10, s31;
	s10 =	sadd.s32 s11, s31  }
0x11: {  	s11 =	sadd.s32 $0x43A00, s13;
	s13 =	sshrl.u32 s15, $0x3;
	s15 =	simm.s32 $0x2800  }
.LBB2_1:
0x12: {  	[spmem:s13], [sflag:s6] =	dma.local [hbm:s5], $0x2780  }
0x13: {  	_ =	swait.ge [sflag:s14], $0x2780  }
0x14: {  	[sflag:s14] =	ssyncset.done $0x0  }
0x15: {  	[sflag:s14] =	ssyncadd.s32 $0xFFFFD880  }
0x16: {  	[bflag:$0x0] =	sbarrier.arrive $0xFFFF  }
0x17: {  	[tilespmem:s3], [sflag:$0x5] =	stream.linear.gather [hbm4b:s7+s3], $0x2800, $0x38;
	[tilespmem:$0x1CC00] =	vst v63  }
0x18: {  	_ =	swait.ge [sflag:s14], $0x2800  }
0x19: {  	[sflag:s14] =	ssyncset.done $0x0  }
0x1a: {  	[sflag:s14] =	ssyncadd.s32 $0xFFFFD800  }
0x1b: {  	[tilespmem:s15], [sflag:$0x5] =	stream.linear.gather [hbm4b:s8+s3], $0x2800, $0x38;
	[tilespmem:$0x1CC00] =	vst v63  }
0x1c: {  	_ =	swait.ge [sflag:s14], $0x2800  }
0x1d: {  	[sflag:s14] =	ssyncset.done $0x0  }
0x1e: {  	s24 =	simm.s32 $0x0;
	[sflag:s14] =	ssyncadd.s32 $0xFFFFD800  }
0x1f: {  	[tilespmem:s17], [sflag:$0x1] =	stream.indirect.gather [hbm4b:s4+s16], $0x80, s24, s16, $0xb8;
	[tilespmem:$0x1CC00] =	vst v63  }
0x20: {  	s29 =	simm.s32 $0x80  }
0x21: {  	[tilespmem:s18], [sflag:$0x2] =	stream.indirect.gather [hbm4b:s4+s16], $0x80, s29, s16, $0xb8;
	[tilespmem:$0x1CC00] =	vst v63  }
0x22: {  	_ =	swait.ge [sflag:s19], $0x2000  }
0x23: {  	[sflag:s19] =	ssyncset.done $0x0  }
0x24: {  	s30 =	simm.s32 $0x2800;
	[sflag:s19] =	ssyncadd.s32 $0xFFFFE000  }
0x25: {  	[spmem:s2] =	stream.indirect.scatter.add.f32 [tilespmem:s17], [sflag:$0x3], $0x80, s30, s16, $0xb8;
	[tilespmem:$0x1CC00] =	vst v63  }
0x26: {  	_ =	swait.ge [sflag:s20], $0x2000  }
0x27: {  	[sflag:s20] =	ssyncset.done $0x0  }
0x28: {  	s31 =	simm.s32 $0x2880;
	[sflag:s20] =	ssyncadd.s32 $0xFFFFE000  }
0x29: {  	[spmem:s2] =	stream.indirect.scatter.add.f32 [tilespmem:s18], [sflag:$0x4], $0x80, s31, s16, $0xb8;
	[tilespmem:$0x1CC00] =	vst v63  }
0x2a: {  	_ =	swait.ge [sflag:s21], $0x2000  }
0x2b: {  	[sflag:s21] =	ssyncset.done $0x0  }
0x2c: {  	[sflag:s21] =	ssyncadd.s32 $0xFFFFE000  }
0x2d: {  	_ =	swait.ge [sflag:s22], $0x2000  }
0x2e: {  	s25 =	simm.s32 $0x800;
	s24 =	simm.s32 $0x400;
	[sflag:s22] =	ssyncset.done $0x0  }
.LBB2_2:
0x2f: {  	s26 =	sshra.s32 s24, $0x2  }
0x30: {  	[sflag:s22] =	ssyncadd.s32 $0xFFFFE000;
	s24 =	smov.u32 s25;
	s28 =	sadd.s32 $0x400, s25  }
0x31: {  	[tilespmem:s17], [sflag:$0x1] =	stream.indirect.gather [hbm4b:s4+s16], $0x80, s26, s16, $0xb8;
	[tilespmem:$0x1CC00] =	vst v63  }
0x32: {  	p0 =	sne.s32 s25, $0x9C00;
	s25 =	sadd.s32 $0x80, s26  }
0x33: {  	[tilespmem:s18], [sflag:$0x2] =	stream.indirect.gather [hbm4b:s4+s16], $0x80, s25, s16, $0xb8;
	[tilespmem:$0x1CC00] =	vst v63  }
0x34: {  	_ =	swait.ge [sflag:s19], $0x2000  }
0x35: {  	[sflag:s19] =	ssyncset.done $0x0  }
0x36: {  	s25 =	sadd.s32 $0x2800, s26;
	[sflag:s19] =	ssyncadd.s32 $0xFFFFE000  }
0x37: {  	[spmem:s2] =	stream.indirect.scatter.add.f32 [tilespmem:s17], [sflag:$0x3], $0x80, s25, s16, $0xb8;
	[tilespmem:$0x1CC00] =	vst v63  }
0x38: {  	_ =	swait.ge [sflag:s20], $0x2000  }
0x39: {  	[sflag:s20] =	ssyncset.done $0x0  }
0x3a: {  	s25 =	sadd.s32 $0x2880, s26;
	[sflag:s20] =	ssyncadd.s32 $0xFFFFE000  }
0x3b: {  	[spmem:s2] =	stream.indirect.scatter.add.f32 [tilespmem:s18], [sflag:$0x4], $0x80, s25, s16, $0xb8;
	[tilespmem:$0x1CC00] =	vst v63  }
.Ltmp0:
0x3c: {  	_ =	swait.ge [sflag:s21], $0x2000;
	(pc) =	sbr.rel @p0 .LBB2_2-.Ltmp0, $4  }
0x3d: {  	[sflag:s21] =	ssyncset.done $0x0  }
0x3e: {  	[sflag:s21] =	ssyncadd.s32 $0xFFFFE000  }
0x3f: {  	_ =	swait.ge [sflag:s22], $0x2000  }
0x40: {  	s25 =	smov.u32 s28;
	[sflag:s22] =	ssyncset.done $0x0  }
0x41: {  	s24 =	sshra.s32 s24, $0x2;
	[sflag:s22] =	ssyncadd.s32 $0xFFFFE000  }
0x42: {  	[tilespmem:s17], [sflag:$0x1] =	stream.indirect.gather [hbm4b:s4+s16], $0x80, s24, s16, $0xb8;
	[tilespmem:$0x1CC00] =	vst v63  }
0x43: {  	s25 =	sadd.s32 $0x80, s24  }
0x44: {  	[tilespmem:s18], [sflag:$0x2] =	stream.indirect.gather [hbm4b:s4+s16], $0x80, s25, s16, $0xb8;
	[tilespmem:$0x1CC00] =	vst v63  }
0x45: {  	_ =	swait.ge [sflag:s19], $0x2000  }
0x46: {  	[sflag:s19] =	ssyncset.done $0x0  }
0x47: {  	s31 =	sadd.s32 $0x2800, s24;
	[sflag:s19] =	ssyncadd.s32 $0xFFFFE000  }
0x48: {  	[spmem:s2] =	stream.indirect.scatter.add.f32 [tilespmem:s17], [sflag:$0x3], $0x80, s31, s16, $0xb8;
	[tilespmem:$0x1CC00] =	vst v63  }
0x49: {  	_ =	swait.ge [sflag:s20], $0x2000  }
0x4a: {  	[sflag:s20] =	ssyncset.done $0x0  }
0x4b: {  	s24 =	sadd.s32 $0x2880, s24;
	[sflag:s20] =	ssyncadd.s32 $0xFFFFE000  }
0x4c: {  	[spmem:s2] =	stream.indirect.scatter.add.f32 [tilespmem:s18], [sflag:$0x4], $0x80, s24, s16, $0xb8;
	[tilespmem:$0x1CC00] =	vst v63  }
0x4d: {  	_ =	swait.ge [sflag:s21], $0x2000  }
0x4e: {  	[sflag:s21] =	ssyncset.done $0x0  }
0x4f: {  	[sflag:s21] =	ssyncadd.s32 $0xFFFFE000  }
0x50: {  	_ =	swait.ge [sflag:s22], $0x2000  }
0x51: {  	[sflag:s22] =	ssyncset.done $0x0  }
0x52: {  	s26 =	simm.s32 $0x0;
	[sflag:s22] =	ssyncadd.s32 $0xFFFFE000  }
0x53: {  	[tilespmem:s26], [sflag:$0x5] =	stream.linear.gather [hbm4b:s9+s26], $0x2800, $0x38;
	[tilespmem:$0x1CC00] =	vst v63  }
0x54: {  	_ =	swait.ge [sflag:s14], $0x2800  }
0x55: {  	[sflag:s14] =	ssyncset.done $0x0  }
0x56: {  	[sflag:s14] =	ssyncadd.s32 $0xFFFFD800  }
0x57: {  	[tilespmem:s15], [sflag:$0x5] =	stream.linear.gather [hbm4b:s10+s26], $0x2800, $0x38;
	[tilespmem:$0x1CC00] =	vst v63  }
0x58: {  	_ =	swait.ge [sflag:s14], $0x2800  }
0x59: {  	[sflag:s14] =	ssyncset.done $0x0  }
0x5a: {  	s28 =	simm.s32 $0x0;
	[sflag:s14] =	ssyncadd.s32 $0xFFFFD800  }
0x5b: {  	[tilespmem:s17], [sflag:$0x1] =	stream.indirect.gather [hbm4b:s4+s16], $0x80, s28, s16, $0xb8;
	[tilespmem:$0x1CC00] =	vst v63  }
0x5c: {  	s29 =	simm.s32 $0x80  }
0x5d: {  	[tilespmem:s18], [sflag:$0x2] =	stream.indirect.gather [hbm4b:s4+s16], $0x80, s29, s16, $0xb8;
	[tilespmem:$0x1CC00] =	vst v63  }
0x5e: {  	_ =	swait.ge [sflag:s19], $0x2000  }
0x5f: {  	[sflag:s19] =	ssyncset.done $0x0  }
0x60: {  	s30 =	simm.s32 $0x2800;
	[sflag:s19] =	ssyncadd.s32 $0xFFFFE000  }
0x61: {  	[spmem:s2] =	stream.indirect.scatter.add.f32 [tilespmem:s17], [sflag:$0x3], $0x80, s30, s16, $0xb8;
	[tilespmem:$0x1CC00] =	vst v63  }
0x62: {  	_ =	swait.ge [sflag:s20], $0x2000  }
0x63: {  	[sflag:s20] =	ssyncset.done $0x0  }
0x64: {  	s31 =	simm.s32 $0x2880;
	[sflag:s20] =	ssyncadd.s32 $0xFFFFE000  }
0x65: {  	[spmem:s2] =	stream.indirect.scatter.add.f32 [tilespmem:s18], [sflag:$0x4], $0x80, s31, s16, $0xb8;
	[tilespmem:$0x1CC00] =	vst v63  }
0x66: {  	_ =	swait.ge [sflag:s21], $0x2000  }
0x67: {  	[sflag:s21] =	ssyncset.done $0x0  }
0x68: {  	[sflag:s21] =	ssyncadd.s32 $0xFFFFE000  }
0x69: {  	_ =	swait.ge [sflag:s22], $0x2000  }
0x6a: {  	s25 =	simm.s32 $0x800;
	s24 =	simm.s32 $0x400;
	[sflag:s22] =	ssyncset.done $0x0  }
.LBB2_4:
0x6b: {  	s26 =	sshra.s32 s24, $0x2  }
0x6c: {  	[sflag:s22] =	ssyncadd.s32 $0xFFFFE000;
	s24 =	smov.u32 s25;
	s28 =	sadd.s32 $0x400, s25  }
0x6d: {  	[tilespmem:s17], [sflag:$0x1] =	stream.indirect.gather [hbm4b:s4+s16], $0x80, s26, s16, $0xb8;
	[tilespmem:$0x1CC00] =	vst v63  }
0x6e: {  	p0 =	sne.s32 s25, $0x9C00;
	s25 =	sadd.s32 $0x80, s26  }
0x6f: {  	[tilespmem:s18], [sflag:$0x2] =	stream.indirect.gather [hbm4b:s4+s16], $0x80, s25, s16, $0xb8;
	[tilespmem:$0x1CC00] =	vst v63  }
0x70: {  	_ =	swait.ge [sflag:s19], $0x2000  }
0x71: {  	[sflag:s19] =	ssyncset.done $0x0  }
0x72: {  	s25 =	sadd.s32 $0x2800, s26;
	[sflag:s19] =	ssyncadd.s32 $0xFFFFE000  }
0x73: {  	[spmem:s2] =	stream.indirect.scatter.add.f32 [tilespmem:s17], [sflag:$0x3], $0x80, s25, s16, $0xb8;
	[tilespmem:$0x1CC00] =	vst v63  }
0x74: {  	_ =	swait.ge [sflag:s20], $0x2000  }
0x75: {  	[sflag:s20] =	ssyncset.done $0x0  }
0x76: {  	s25 =	sadd.s32 $0x2880, s26;
	[sflag:s20] =	ssyncadd.s32 $0xFFFFE000  }
0x77: {  	[spmem:s2] =	stream.indirect.scatter.add.f32 [tilespmem:s18], [sflag:$0x4], $0x80, s25, s16, $0xb8;
	[tilespmem:$0x1CC00] =	vst v63  }
.Ltmp1:
0x78: {  	_ =	swait.ge [sflag:s21], $0x2000;
	(pc) =	sbr.rel @p0 .LBB2_4-.Ltmp1, $4  }
0x79: {  	[sflag:s21] =	ssyncset.done $0x0  }
0x7a: {  	[sflag:s21] =	ssyncadd.s32 $0xFFFFE000  }
0x7b: {  	_ =	swait.ge [sflag:s22], $0x2000  }
0x7c: {  	s25 =	smov.u32 s28;
	[sflag:s22] =	ssyncset.done $0x0  }
0x7d: {  	s24 =	sshra.s32 s24, $0x2;
	[sflag:s22] =	ssyncadd.s32 $0xFFFFE000  }
0x7e: {  	[tilespmem:s17], [sflag:$0x1] =	stream.indirect.gather [hbm4b:s4+s16], $0x80, s24, s16, $0xb8;
	[tilespmem:$0x1CC00] =	vst v63  }
0x7f: {  	s25 =	sadd.s32 $0x80, s24  }
0x80: {  	[tilespmem:s18], [sflag:$0x2] =	stream.indirect.gather [hbm4b:s4+s16], $0x80, s25, s16, $0xb8;
	[tilespmem:$0x1CC00] =	vst v63  }
0x81: {  	_ =	swait.ge [sflag:s19], $0x2000  }
0x82: {  	[sflag:s19] =	ssyncset.done $0x0  }
0x83: {  	s31 =	sadd.s32 $0x2800, s24;
	[sflag:s19] =	ssyncadd.s32 $0xFFFFE000  }
0x84: {  	[spmem:s2] =	stream.indirect.scatter.add.f32 [tilespmem:s17], [sflag:$0x3], $0x80, s31, s16, $0xb8;
	[tilespmem:$0x1CC00] =	vst v63  }
0x85: {  	_ =	swait.ge [sflag:s20], $0x2000  }
0x86: {  	[sflag:s20] =	ssyncset.done $0x0  }
0x87: {  	s24 =	sadd.s32 $0x2880, s24;
	[sflag:s20] =	ssyncadd.s32 $0xFFFFE000  }
0x88: {  	[spmem:s2] =	stream.indirect.scatter.add.f32 [tilespmem:s18], [sflag:$0x4], $0x80, s24, s16, $0xb8;
	[tilespmem:$0x1CC00] =	vst v63  }
0x89: {  	_ =	swait.ge [sflag:s21], $0x2000  }
0x8a: {  	[sflag:s21] =	ssyncset.done $0x0  }
0x8b: {  	[sflag:s21] =	ssyncadd.s32 $0xFFFFE000  }
0x8c: {  	_ =	swait.ge [sflag:s22], $0x2000  }
0x8d: {  	s23 =	sadd.s32 $0x1, s23;
	[sflag:s22] =	ssyncset.done $0x0  }
0x8e: {  	p0 =	sne.s32 s23, s12;
	[sflag:s22] =	ssyncadd.s32 $0xFFFFE000  }
.Ltmp2:
0x8f: {  	[bflag:$0x0] =	sbarrier.arrive $0xFFFF;
	(pc) =	sbr.rel @p0 .LBB2_1-.Ltmp2, $4  }
0x90: {  	[hbm:s11], [sflag:s6] =	dma.local [spmem:s13], $0x2780  }
0x91: {  	_ =	swait.ge [sflag:s14], $0x2780  }
0x92: {  	[sflag:s14] =	ssyncset.done $0x0  }
0x93: {  	[sflag:s14] =	ssyncadd.s32 $0xFFFFD880  }
0x94: {  	_ =	sfence.sel $0x180000  }
0x95: {  	[bflag:$0x0] =	sbarrier.arrive $0xFFFF  }
0x96: {  	p0 =	sne.s32 s1, $0x0;
	_ =	strace $0x90000053  }
0x97: {  	s0 =	sadd.s32 @!p0 $0x100000, s0;
	[bflag:$0x2] =	sbarrier.arrive $0xFFFF  }
0x98: {  	[sflag:s0] =	ssyncadd.tile.s32 @!p0 $0x1;
	_ =	shalt  }
.Lfunc_end2:
_tile_overlayer_lowered:
.L_overlay_start_2:
0x99: {  	(tag) =	ssettag $0x2  }
0x9a: {  	s0 =	rddreg [dreg:$0x0];
	s2 =	stileid.u32  }
0x9b: {  	s1 =	rddreg [dreg:$0x1];
	p0 =	sne.s32 s2, $0x0  }
0x9c: {  	s3 =	rddreg [dreg:$0x2];
	[bflag:$0x3] =	sbarrier.arrive $0xFFFF;
	s2 =	simm.s32 @!p0 $0x1C05  }
0x9d: {  	[timem:s3], [sflag:s2] =	dma.local @!p0 [hbm:s0], s1  }
0x9e: {  	s0 =	simm.s32 @!p0 $0x5  }
0x9f: {  	_ =	swait.ge @!p0 [sflag:s0], s1  }
0xa0: {  	s1 =	ssub.s32 @!p0 $0x0, s1;
	[sflag:s0] =	ssyncset.done @!p0 $0x0  }
0xa1: {  	[sflag:s0] =	ssyncadd.s32 @!p0 s1  }
0xa2: {  	[bflag:$0x3] =	sbarrier.arrive $0xFFFF  }
0xa3: {  	_ =	shalt  }

// kernel: kernel.31.cloned.1.call-start
scs
__scs_entry_jumppad:
0x0: {  	(pc) =	sbr.rel $0x88, $3  }
0x1: {  	(tag) =	ssettag $0x0;
	lr =	simm.s32 $0x1  }
0x2: {  	[smem:$0x3F90] =	sst lr;
	_ =	strace $0xD0000000  }
0x3: {  	_ = 	snop  }
0x4: {  	_ = 	snop  }
0x5: {  	_ = 	snop  }
0x6: {  	_ = 	snop  }
0x7: {  	_ = 	snop  }
__scs_overlays_trampoline_lowered:
0x8: {  	[smem:$0x3F9F] =	sst s0  }
0x9: {  	[smem:$0x3FA0] =	sst s1  }
0xa: {  	[smem:$0x3FA1] =	sst s2  }
0xb: {  	[smem:$0x3FA2] =	sst s3  }
0xc: {  	[smem:$0x3FA3] =	sst s4  }
0xd: {  	[smem:$0x3FA4] =	sst s5  }
0xe: {  	[smem:$0x3FA5] =	sst s6  }
0xf: {  	[smem:$0x3FA6] =	sst s7  }
0x10: {  	[smem:$0x3FA7] =	sst s8  }
0x11: {  	[smem:$0x3FA8] =	sst s9;
	s0 =	simm.s32 @!p0 $0x0  }
0x12: {  	s1 =	sld [smem:$0x3F8E];
	s0 =	simm.s32 @p0 $0x1  }
0x13: {  	[smem:$0x3FA9] =	sst s0;
	s0 =	simm.s32 @!p1 $0x0  }
0x14: {  	s2 =	sld [smem:$0x3F8D];
	s0 =	simm.s32 @p1 $0x1  }
0x15: {  	[smem:$0x3FAA] =	sst s0;
	s0 =	simm.s32 @!p2 $0x0  }
0x16: {  	s3 =	sld [smem:$0x3FDB];
	s0 =	simm.s32 @p2 $0x1  }
0x17: {  	s4 =	simm.s32 $0x1BF5;
	[smem:$0x3FAC] =	sst s0  }
0x18: {  	s0 =	sld [smem:$0x3F8F];
	_ =	swait.ge [sflag:s4], $0x0  }
0x19: {  	s7 =	sld [smem:$0x3F90]  }
0x1a: {  	s8 =	sadd.s32 $0xFFFFE003, lr  }
0x1b: {  	s9 =	sadd.s32 $0xFFFFFEF7, lr;
	s5 =	simm.s32 $0xFFFFFFFF;
	p2 =	slt.u32 s8, $0xFFFFF086  }
0x1c: {  	p1 =	slt.u32 s9, $0xF7A;
	s5 =	simm.s32 @!p2 $0x0  }
0x1d: {  	s5 =	simm.s32 @p1 $0x1;
	p0 =	seq.s32 s7, s2  }
0x1e: {  	s7 =	smul.u32 @!p0 $0xF7A, s2;
	p2 =	seq.s32 @!p0 s5, $0x0  }
0x1f: {  	s9 =	smul.u32 $0xF7A, s1;
	s8 =	simm.s32 @!p0 $0x1BF5;
	p2 =	por !p2, p0  }
0x20: {  	[sflag:s8] =	ssyncset.s32 @!p0 $0xFFFFF086;
	s6 =	sadd.s32 @!p0 s3, s7;
	s7 =	simm.s32 @!p0 $0x108  }
0x21: {  	s3 =	sadd.s32 s3, s9;
	s6 =	sadd.s32 @!p0 $0x88, s6;
	s7 =	simm.s32 @p2 $0x1082  }
0x22: {  	[simem:s7], [sflag:s8] =	dma.local @!p0 [hbm:s6], $0xF7A  }
0x23: {  	s9 =	sor.u32 $0xD0000000, s2;
	s6 =	simm.s32 $0x108;
	_ =	swait.ge @!p0 [sflag:s8], $0x0  }
0x24: {  	s3 =	sadd.s32 $0x88, s3;
	s6 =	simm.s32 @!p1 $0x1082;
	[sflag:s4] =	ssyncset.s32 $0xFFFFF086  }
0x25: {  	[simem:s6], [sflag:s4] =	dma.local [hbm:s3], $0xF7A  }
0x26: {  	[smem:$0x3F90] =	sst s1;
	(tag) =	ssettag s2;
	_ =	strace s9  }
0x27: {  	s1 =	sld [smem:$0x3FA0]  }
0x28: {  	s2 =	sld [smem:$0x3FA1]  }
0x29: {  	s4 =	sld [smem:$0x3FA3]  }
0x2a: {  	p0 =	seq.s32 s5, $0x0;
	s5 =	sld [smem:$0x3FA4]  }
0x2b: {  	s6 =	sld [smem:$0x3FA5]  }
0x2c: {  	s7 =	sld [smem:$0x3FA6]  }
0x2d: {  	s3 =	simm.s32 $0x108;
	s8 =	sld [smem:$0x3FA7]  }
0x2e: {  	s3 =	simm.s32 @!p0 $0x1082;
	s9 =	sld [smem:$0x3FA8]  }
0x2f: {  	lr =	sadd.s32 s0, s3;
	s0 =	sld [smem:$0x3F9F]  }
0x30: {  	s3 =	sld [smem:$0x3FA2]  }
0x31: {  	[smem:$0x3FAB] =	sst s10  }
0x32: {  	s10 =	sld [smem:$0x3FA9];
	_ =	sdelay $0x3  }
0x33: {  	p0 =	seq.s32 s10, $0x1;
	s10 =	sld [smem:$0x3FAB];
	_ =	sdelay $0x3  }
0x34: {  	[smem:$0x3FAB] =	sst s10  }
0x35: {  	s10 =	sld [smem:$0x3FAA];
	_ =	sdelay $0x3  }
0x36: {  	p1 =	seq.s32 s10, $0x1;
	s10 =	sld [smem:$0x3FAB];
	_ =	sdelay $0x3  }
0x37: {  	[smem:$0x3FAB] =	sst s10  }
0x38: {  	s10 =	sld [smem:$0x3FAC]  }
0x39: {  	_ = 	snop;
	(pc) =	sbr.ind lr, $3  }
0x3a: {  	_ = 	snop  }
0x3b: {  	_ = 	snop  }
0x3c: {  	p2 =	seq.s32 s10, $0x1;
	s10 =	sld [smem:$0x3FAB]  }
0x3d: {  	_ =	shalt  }
0x3e: {  	_ =	shalt  }
0x3f: {  	_ =	shalt  }
0x40: {  	_ =	shalt  }
0x41: {  	_ =	shalt  }
0x42: {  	_ =	shalt  }
0x43: {  	_ =	shalt  }
0x44: {  	_ =	shalt  }
0x45: {  	_ =	shalt  }
0x46: {  	_ =	shalt  }
0x47: {  	_ =	shalt  }
0x48: {  	_ =	shalt  }
0x49: {  	_ =	shalt  }
0x4a: {  	_ =	shalt  }
0x4b: {  	_ =	shalt  }
0x4c: {  	_ =	shalt  }
0x4d: {  	_ =	shalt  }
0x4e: {  	_ =	shalt  }
0x4f: {  	_ =	shalt  }
0x50: {  	_ =	shalt  }
0x51: {  	_ =	shalt  }
0x52: {  	_ =	shalt  }
0x53: {  	_ =	shalt  }
0x54: {  	_ =	shalt  }
0x55: {  	_ =	shalt  }
0x56: {  	_ =	shalt  }
0x57: {  	_ =	shalt  }
0x58: {  	_ =	shalt  }
0x59: {  	_ =	shalt  }
0x5a: {  	_ =	shalt  }
0x5b: {  	_ =	shalt  }
0x5c: {  	_ =	shalt  }
0x5d: {  	_ =	shalt  }
0x5e: {  	_ =	shalt  }
0x5f: {  	_ =	shalt  }
0x60: {  	_ =	shalt  }
0x61: {  	_ =	shalt  }
0x62: {  	_ =	shalt  }
0x63: {  	_ =	shalt  }
0x64: {  	_ =	shalt  }
0x65: {  	_ =	shalt  }
0x66: {  	_ =	shalt  }
0x67: {  	_ =	shalt  }
0x68: {  	_ =	shalt  }
0x69: {  	_ =	shalt  }
0x6a: {  	_ =	shalt  }
0x6b: {  	_ =	shalt  }
0x6c: {  	_ =	shalt  }
0x6d: {  	_ =	shalt  }
0x6e: {  	_ =	shalt  }
0x6f: {  	_ =	shalt  }
0x70: {  	_ =	shalt  }
0x71: {  	_ =	shalt  }
0x72: {  	_ =	shalt  }
0x73: {  	_ =	shalt  }
0x74: {  	_ =	shalt  }
0x75: {  	_ =	shalt  }
0x76: {  	_ =	shalt  }
0x77: {  	_ =	shalt  }
0x78: {  	_ =	shalt  }
0x79: {  	_ =	shalt  }
0x7a: {  	_ =	shalt  }
0x7b: {  	_ =	shalt  }
0x7c: {  	_ =	shalt  }
0x7d: {  	_ =	shalt  }
0x7e: {  	_ =	shalt  }
0x7f: {  	_ =	shalt  }
0x80: {  	_ =	shalt  }
0x81: {  	_ =	shalt  }
0x82: {  	_ =	shalt  }
0x83: {  	_ =	shalt  }
0x84: {  	_ =	shalt  }
0x85: {  	_ =	shalt  }
0x86: {  	_ =	shalt  }
0x87: {  	_ =	shalt  }
.Lfunc_end0:
.L_simem_size_0:
called_computation.5_lowered:
.L_overlay_start_0:
0x88: {  	s2 =	sld [smem:$0x3FD9]  }
0x89: {  	s3 =	sld [smem:$0x3FFE];
	_ =	sdelay $0x1  }
0x8a: {  	s1 =	srdreg.scid  }
0x8b: {  	s0 =	sand.u32 $0x1, s1  }
0x8c: {  	s16 =	sshll.u32 s0, $0xA;
	s2 =	sadd.s32 s3, s2  }
0x8d: {  	s2 =	sadd.s32 s2, s16  }
0x8e: {  	[smem:$0x3FB7] =	sst s2  }
0x8f: {  	_ = 	snop  }
0x90: {  	(tm) =	ssettm $0x1  }
0x91: {  	s17 =	sld [smem:$0x3FFB];
	_ =	sdelay $0x3  }
0x92: {  	_ =	strace s17  }
0x93: {  	s2 =	sld [smem:$0x3FFC];
	_ =	sdelay $0x3  }
0x94: {  	_ =	strace s2  }
0x95: {  	s2 =	sld [smem:$0x3FFD];
	_ =	sdelay $0x3  }
0x96: {  	_ =	strace s2  }
0x97: {  	_ =	strace $0x8FFFFFFF  }
0x98: {  	s18 =	sld [smem:$0x3FDB];
	_ =	sdelay $0x1  }
0x99: {  	s19 =	simm.s32 $_scs_section_size  }
0x9a: {  	s4 =	simm.s32 $_size__tile_overlayer_lowered;
	s5 =	simm.s32 $_tile_overlayer_lowered  }
0x9b: {  	s22 =	simm.s32 $0x1BFF;
	s21 =	sshll.u32 s5, $0x1;
	s2 =	sadd.s32 s19, s18  }
0x9c: {  	s6 =	simm.s32 $0x0;
	s20 =	sshll.u32 s4, $0x1;
	s4 =	sadd.s32 s21, s2  }
0x9d: {  	[timem:s6], [sflag:s22] =	dma.local [hbm:s4], s20  }
0x9e: {  	_ =	swait.ge [sflag:s22], s20  }
0x9f: {  	s3 =	ssub.s32 $0x0, s20;
	[sflag:s22] =	ssyncset.done $0x0  }
0xa0: {  	[sflag:s22] =	ssyncadd.s32 s3;
	_ =	sdelay $0x1  }
0xa1: {  	s23 =	simm.s32 $0x1B8B  }
0xa2: {  	_ =	swait.ge [sflag:s23], $0x1  }
0xa3: {  	[sflag:s23] =	ssyncset.done $0x0  }
0xa4: {  	s25 =	simm.s32 $0x1B8E;
	s24 =	sld [smem:$0x3FFE];
	[sflag:s23] =	ssyncadd.s32 $0xFFFFFFFF  }
0xa5: {  	s26 =	simm.s32 $execute0_lowered;
	[smem:$0x3FD2] =	sst s25  }
0xa6: {  	s4 =	sshll.u32 s26, $0x1;
	_ =	strace $0x80000055;
	[dreg:$0x1] =	wrdreg $0xFFFFFFFF  }
0xa7: {  	s28 =	simm.s32 $_size_execute0_lowered;
	s2 =	sadd.s32 s2, s4;
	[dreg:$0x0] =	wrdreg $0x0  }
0xa8: {  	s4 =	sshll.u32 s28, $0x1;
	[dreg:$0x2] =	wrdreg s2  }
0xa9: {  	[dreg:$0x3] =	wrdreg s4  }
0xaa: {  	[dreg:$0x4] =	wrdreg $0xC0  }
0xab: {  	_ =	task [dreg:s6], $0x5FFFF  }
0xac: {  	[dreg:$0x1] =	wrdreg $0xFFFFFFFF  }
0xad: {  	[dreg:$0x0] =	wrdreg $0x60  }
0xae: {  	[dreg:$0x2] =	wrdreg s24  }
0xaf: {  	[dreg:$0x3] =	wrdreg $0x90000  }
0xb0: {  	[dreg:$0x4] =	wrdreg $0x9  }
0xb1: {  	_ =	task.clear_ibuf [dreg:s6], $0x5FFFF;
	_ =	strace $0x90000055  }
0xb2: {  	s29 =	simm.s32 $0x9;
	_ =	strace $0x80000057  }
0xb3: {  	_ =	swait.ge [sflag:s29], $0x1  }
0xb4: {  	[sflag:s29] =	ssyncadd.s32 $0xFFFFFFFF  }
0xb5: {  	_ =	strace $0x90000057  }
0xb6: {  	_ =	sfence  }
0xb7: {  	s30 =	sld [smem:$0x0];
	_ =	sdelay $0x2  }
0xb8: {  	s31 =	sshll.u32 s1, $0xD;
	s1 =	sshrl.u32 s1, $0x2  }
0xb9: {  	s3 =	sand.u32 $0x4000, s31;
	s1 =	sadd.s32 s1, s30  }
0xba: {  	s0 =	sor.u32 s3, s0;
	s1 =	sshll.u32 s1, $0x11  }
0xbb: {  	s0 =	sor.u32 s1, s0  }
0xbc: {  	s0 =	sadd.s32 $0x8F2B, s0  }
0xbd: {  	[sflag:s0] =	ssyncadd.remote.s32 $0x1  }
0xbe: {  	_ =	sfence.sel $0xFFFF  }
0xbf: {  	[dreg:$0x0] =	wrdreg $0xFFFFFFFF;
	(pc) =	sbr.abs _section_cstart, $3  }
0xc0: {  	[dreg:$0x1] =	wrdreg $0xFFFFFFFF  }
0xc1: {  	_ =	task.clear_ibuf [dreg:s6], $0x2FFFF;
	_ =	strace $0x9FFFFFFF  }
0xc2: {  	(tm) =	ssettm $0x7FFFFFFF  }
0xc3: {  	_ =	shalt  }
tec
execute0_lowered:
.L_overlay_start_1:
0x0: {  	(tag) =	ssettag $0x1  }
0x1: {  	s6 =	rddreg [dreg:$0x0]  }
0x2: {  	s2 =	rddreg [dreg:$0x1]  }
0x3: {  	s0 =	rddreg [dreg:$0x2];
	s3 =	simm.s32 $0x0;
	s4 =	srdreg.scid  }
0x4: {  	s1 =	stileid.u32;
	s16 =	simm.s32 $0x40;
	s17 =	simm.s32 $0x5000  }
0x5: {  	s18 =	simm.s32 $0x7000;
	s19 =	simm.s32 $0x1;
	s20 =	simm.s32 $0x2  }
0x6: {  	s21 =	simm.s32 $0x3;
	s22 =	simm.s32 $0x4;
	s23 =	simm.s32 $0x0  }
0x7: {  	[smem:$0x7FF] =	sst s3;
	s7 =	sand.u32 $0x1, s4;
	s8 =	smul.u32 $0x2780, s1  }
0x8: {  	s4 =	sadd.s32 $0x1C200, s6;
	s10 =	sadd.s32 $0x92A00, s6;
	s12 =	smul.u32 $0x4F000, s1  }
0x9: {  	s11 =	sadd.s32 $0xA6A00, s6;
	s5 =	sadd.s32 $0x19A00, s6;
	s9 =	smul.u32 $0x27800, s7  }
0xa: {  	s30 =	sshll.u32 s1, $0x6;
	_ =	strace $0x80000056;
	s25 =	sshll.u32 s7, $0x4  }
0xb: {  	s7 =	ssub.s32 $0x2, s7;
	s8 =	sadd.s32 s8, s9;
	s9 =	sor.u32 s1, s25  }
0xc: {  	s26 =	sshrl.u32 s7, $0x1;
	s29 =	sshrl.u32 s12, $0x2;
	s28 =	smul.u32 $0x5000, s9  }
0xd: {  	s14 =	ssub.s32 s7, s26;
	s15 =	sadd.s32 s29, s2;
	s13 =	sadd.s32 s8, s6  }
0xe: {  	s6 =	sor.u32 $0x1C05, s30;
	s12 =	smax.u32 s14, $0x1;
	s9 =	sshrl.u32 s28, $0x3  }
0xf: {  	s14 =	simm.s32 $0x5;
	s7 =	sadd.s32 s10, s9;
	s31 =	sadd.s32 $0x500, s9  }
0x10: {  	s8 =	sadd.s32 s11, s9;
	s9 =	sadd.s32 s10, s31;
	s10 =	sadd.s32 s11, s31  }
0x11: {  	s11 =	sadd.s32 $0x43A00, s13;
	s13 =	sshrl.u32 s15, $0x3;
	s15 =	simm.s32 $0x2800  }
.LBB2_1:
0x12: {  	[spmem:s13], [sflag:s6] =	dma.local [hbm:s5], $0x2780  }
0x13: {  	_ =	swait.ge [sflag:s14], $0x2780  }
0x14: {  	[sflag:s14] =	ssyncset.done $0x0  }
0x15: {  	[sflag:s14] =	ssyncadd.s32 $0xFFFFD880  }
0x16: {  	[bflag:$0x0] =	sbarrier.arrive $0xFFFF  }
0x17: {  	[tilespmem:s3], [sflag:$0x5] =	stream.linear.gather [hbm4b:s7+s3], $0x2800, $0x38;
	[tilespmem:$0x1CC00] =	vst v63  }
0x18: {  	_ =	swait.ge [sflag:s14], $0x2800  }
0x19: {  	[sflag:s14] =	ssyncset.done $0x0  }
0x1a: {  	[sflag:s14] =	ssyncadd.s32 $0xFFFFD800  }
0x1b: {  	[tilespmem:s15], [sflag:$0x5] =	stream.linear.gather [hbm4b:s8+s3], $0x2800, $0x38;
	[tilespmem:$0x1CC00] =	vst v63  }
0x1c: {  	_ =	swait.ge [sflag:s14], $0x2800  }
0x1d: {  	[sflag:s14] =	ssyncset.done $0x0  }
0x1e: {  	s24 =	simm.s32 $0x0;
	[sflag:s14] =	ssyncadd.s32 $0xFFFFD800  }
0x1f: {  	[tilespmem:s17], [sflag:$0x1] =	stream.indirect.gather [hbm4b:s4+s16], $0x80, s24, s16, $0xb8;
	[tilespmem:$0x1CC00] =	vst v63  }
0x20: {  	s29 =	simm.s32 $0x80  }
0x21: {  	[tilespmem:s18], [sflag:$0x2] =	stream.indirect.gather [hbm4b:s4+s16], $0x80, s29, s16, $0xb8;
	[tilespmem:$0x1CC00] =	vst v63  }
0x22: {  	_ =	swait.ge [sflag:s19], $0x2000  }
0x23: {  	[sflag:s19] =	ssyncset.done $0x0  }
0x24: {  	s30 =	simm.s32 $0x2800;
	[sflag:s19] =	ssyncadd.s32 $0xFFFFE000  }
0x25: {  	[spmem:s2] =	stream.indirect.scatter.add.f32 [tilespmem:s17], [sflag:$0x3], $0x80, s30, s16, $0xb8;
	[tilespmem:$0x1CC00] =	vst v63  }
0x26: {  	_ =	swait.ge [sflag:s20], $0x2000  }
0x27: {  	[sflag:s20] =	ssyncset.done $0x0  }
0x28: {  	s31 =	simm.s32 $0x2880;
	[sflag:s20] =	ssyncadd.s32 $0xFFFFE000  }
0x29: {  	[spmem:s2] =	stream.indirect.scatter.add.f32 [tilespmem:s18], [sflag:$0x4], $0x80, s31, s16, $0xb8;
	[tilespmem:$0x1CC00] =	vst v63  }
0x2a: {  	_ =	swait.ge [sflag:s21], $0x2000  }
0x2b: {  	[sflag:s21] =	ssyncset.done $0x0  }
0x2c: {  	[sflag:s21] =	ssyncadd.s32 $0xFFFFE000  }
0x2d: {  	_ =	swait.ge [sflag:s22], $0x2000  }
0x2e: {  	s25 =	simm.s32 $0x800;
	s24 =	simm.s32 $0x400;
	[sflag:s22] =	ssyncset.done $0x0  }
.LBB2_2:
0x2f: {  	s26 =	sshra.s32 s24, $0x2  }
0x30: {  	[sflag:s22] =	ssyncadd.s32 $0xFFFFE000;
	s24 =	smov.u32 s25;
	s28 =	sadd.s32 $0x400, s25  }
0x31: {  	[tilespmem:s17], [sflag:$0x1] =	stream.indirect.gather [hbm4b:s4+s16], $0x80, s26, s16, $0xb8;
	[tilespmem:$0x1CC00] =	vst v63  }
0x32: {  	p0 =	sne.s32 s25, $0x9C00;
	s25 =	sadd.s32 $0x80, s26  }
0x33: {  	[tilespmem:s18], [sflag:$0x2] =	stream.indirect.gather [hbm4b:s4+s16], $0x80, s25, s16, $0xb8;
	[tilespmem:$0x1CC00] =	vst v63  }
0x34: {  	_ =	swait.ge [sflag:s19], $0x2000  }
0x35: {  	[sflag:s19] =	ssyncset.done $0x0  }
0x36: {  	s25 =	sadd.s32 $0x2800, s26;
	[sflag:s19] =	ssyncadd.s32 $0xFFFFE000  }
0x37: {  	[spmem:s2] =	stream.indirect.scatter.add.f32 [tilespmem:s17], [sflag:$0x3], $0x80, s25, s16, $0xb8;
	[tilespmem:$0x1CC00] =	vst v63  }
0x38: {  	_ =	swait.ge [sflag:s20], $0x2000  }
0x39: {  	[sflag:s20] =	ssyncset.done $0x0  }
0x3a: {  	s25 =	sadd.s32 $0x2880, s26;
	[sflag:s20] =	ssyncadd.s32 $0xFFFFE000  }
0x3b: {  	[spmem:s2] =	stream.indirect.scatter.add.f32 [tilespmem:s18], [sflag:$0x4], $0x80, s25, s16, $0xb8;
	[tilespmem:$0x1CC00] =	vst v63  }
.Ltmp0:
0x3c: {  	_ =	swait.ge [sflag:s21], $0x2000;
	(pc) =	sbr.rel @p0 .LBB2_2-.Ltmp0, $4  }
0x3d: {  	[sflag:s21] =	ssyncset.done $0x0  }
0x3e: {  	[sflag:s21] =	ssyncadd.s32 $0xFFFFE000  }
0x3f: {  	_ =	swait.ge [sflag:s22], $0x2000  }
0x40: {  	s25 =	smov.u32 s28;
	[sflag:s22] =	ssyncset.done $0x0  }
0x41: {  	s24 =	sshra.s32 s24, $0x2;
	[sflag:s22] =	ssyncadd.s32 $0xFFFFE000  }
0x42: {  	[tilespmem:s17], [sflag:$0x1] =	stream.indirect.gather [hbm4b:s4+s16], $0x80, s24, s16, $0xb8;
	[tilespmem:$0x1CC00] =	vst v63  }
0x43: {  	s25 =	sadd.s32 $0x80, s24  }
0x44: {  	[tilespmem:s18], [sflag:$0x2] =	stream.indirect.gather [hbm4b:s4+s16], $0x80, s25, s16, $0xb8;
	[tilespmem:$0x1CC00] =	vst v63  }
0x45: {  	_ =	swait.ge [sflag:s19], $0x2000  }
0x46: {  	[sflag:s19] =	ssyncset.done $0x0  }
0x47: {  	s31 =	sadd.s32 $0x2800, s24;
	[sflag:s19] =	ssyncadd.s32 $0xFFFFE000  }
0x48: {  	[spmem:s2] =	stream.indirect.scatter.add.f32 [tilespmem:s17], [sflag:$0x3], $0x80, s31, s16, $0xb8;
	[tilespmem:$0x1CC00] =	vst v63  }
0x49: {  	_ =	swait.ge [sflag:s20], $0x2000  }
0x4a: {  	[sflag:s20] =	ssyncset.done $0x0  }
0x4b: {  	s24 =	sadd.s32 $0x2880, s24;
	[sflag:s20] =	ssyncadd.s32 $0xFFFFE000  }
0x4c: {  	[spmem:s2] =	stream.indirect.scatter.add.f32 [tilespmem:s18], [sflag:$0x4], $0x80, s24, s16, $0xb8;
	[tilespmem:$0x1CC00] =	vst v63  }
0x4d: {  	_ =	swait.ge [sflag:s21], $0x2000  }
0x4e: {  	[sflag:s21] =	ssyncset.done $0x0  }
0x4f: {  	[sflag:s21] =	ssyncadd.s32 $0xFFFFE000  }
0x50: {  	_ =	swait.ge [sflag:s22], $0x2000  }
0x51: {  	[sflag:s22] =	ssyncset.done $0x0  }
0x52: {  	s26 =	simm.s32 $0x0;
	[sflag:s22] =	ssyncadd.s32 $0xFFFFE000  }
0x53: {  	[tilespmem:s26], [sflag:$0x5] =	stream.linear.gather [hbm4b:s9+s26], $0x2800, $0x38;
	[tilespmem:$0x1CC00] =	vst v63  }
0x54: {  	_ =	swait.ge [sflag:s14], $0x2800  }
0x55: {  	[sflag:s14] =	ssyncset.done $0x0  }
0x56: {  	[sflag:s14] =	ssyncadd.s32 $0xFFFFD800  }
0x57: {  	[tilespmem:s15], [sflag:$0x5] =	stream.linear.gather [hbm4b:s10+s26], $0x2800, $0x38;
	[tilespmem:$0x1CC00] =	vst v63  }
0x58: {  	_ =	swait.ge [sflag:s14], $0x2800  }
0x59: {  	[sflag:s14] =	ssyncset.done $0x0  }
0x5a: {  	s28 =	simm.s32 $0x0;
	[sflag:s14] =	ssyncadd.s32 $0xFFFFD800  }
0x5b: {  	[tilespmem:s17], [sflag:$0x1] =	stream.indirect.gather [hbm4b:s4+s16], $0x80, s28, s16, $0xb8;
	[tilespmem:$0x1CC00] =	vst v63  }
0x5c: {  	s29 =	simm.s32 $0x80  }
0x5d: {  	[tilespmem:s18], [sflag:$0x2] =	stream.indirect.gather [hbm4b:s4+s16], $0x80, s29, s16, $0xb8;
	[tilespmem:$0x1CC00] =	vst v63  }
0x5e: {  	_ =	swait.ge [sflag:s19], $0x2000  }
0x5f: {  	[sflag:s19] =	ssyncset.done $0x0  }
0x60: {  	s30 =	simm.s32 $0x2800;
	[sflag:s19] =	ssyncadd.s32 $0xFFFFE000  }
0x61: {  	[spmem:s2] =	stream.indirect.scatter.add.f32 [tilespmem:s17], [sflag:$0x3], $0x80, s30, s16, $0xb8;
	[tilespmem:$0x1CC00] =	vst v63  }
0x62: {  	_ =	swait.ge [sflag:s20], $0x2000  }
0x63: {  	[sflag:s20] =	ssyncset.done $0x0  }
0x64: {  	s31 =	simm.s32 $0x2880;
	[sflag:s20] =	ssyncadd.s32 $0xFFFFE000  }
0x65: {  	[spmem:s2] =	stream.indirect.scatter.add.f32 [tilespmem:s18], [sflag:$0x4], $0x80, s31, s16, $0xb8;
	[tilespmem:$0x1CC00] =	vst v63  }
0x66: {  	_ =	swait.ge [sflag:s21], $0x2000  }
0x67: {  	[sflag:s21] =	ssyncset.done $0x0  }
0x68: {  	[sflag:s21] =	ssyncadd.s32 $0xFFFFE000  }
0x69: {  	_ =	swait.ge [sflag:s22], $0x2000  }
0x6a: {  	s25 =	simm.s32 $0x800;
	s24 =	simm.s32 $0x400;
	[sflag:s22] =	ssyncset.done $0x0  }
.LBB2_4:
0x6b: {  	s26 =	sshra.s32 s24, $0x2  }
0x6c: {  	[sflag:s22] =	ssyncadd.s32 $0xFFFFE000;
	s24 =	smov.u32 s25;
	s28 =	sadd.s32 $0x400, s25  }
0x6d: {  	[tilespmem:s17], [sflag:$0x1] =	stream.indirect.gather [hbm4b:s4+s16], $0x80, s26, s16, $0xb8;
	[tilespmem:$0x1CC00] =	vst v63  }
0x6e: {  	p0 =	sne.s32 s25, $0x9C00;
	s25 =	sadd.s32 $0x80, s26  }
0x6f: {  	[tilespmem:s18], [sflag:$0x2] =	stream.indirect.gather [hbm4b:s4+s16], $0x80, s25, s16, $0xb8;
	[tilespmem:$0x1CC00] =	vst v63  }
0x70: {  	_ =	swait.ge [sflag:s19], $0x2000  }
0x71: {  	[sflag:s19] =	ssyncset.done $0x0  }
0x72: {  	s25 =	sadd.s32 $0x2800, s26;
	[sflag:s19] =	ssyncadd.s32 $0xFFFFE000  }
0x73: {  	[spmem:s2] =	stream.indirect.scatter.add.f32 [tilespmem:s17], [sflag:$0x3], $0x80, s25, s16, $0xb8;
	[tilespmem:$0x1CC00] =	vst v63  }
0x74: {  	_ =	swait.ge [sflag:s20], $0x2000  }
0x75: {  	[sflag:s20] =	ssyncset.done $0x0  }
0x76: {  	s25 =	sadd.s32 $0x2880, s26;
	[sflag:s20] =	ssyncadd.s32 $0xFFFFE000  }
0x77: {  	[spmem:s2] =	stream.indirect.scatter.add.f32 [tilespmem:s18], [sflag:$0x4], $0x80, s25, s16, $0xb8;
	[tilespmem:$0x1CC00] =	vst v63  }
.Ltmp1:
0x78: {  	_ =	swait.ge [sflag:s21], $0x2000;
	(pc) =	sbr.rel @p0 .LBB2_4-.Ltmp1, $4  }
0x79: {  	[sflag:s21] =	ssyncset.done $0x0  }
0x7a: {  	[sflag:s21] =	ssyncadd.s32 $0xFFFFE000  }
0x7b: {  	_ =	swait.ge [sflag:s22], $0x2000  }
0x7c: {  	s25 =	smov.u32 s28;
	[sflag:s22] =	ssyncset.done $0x0  }
0x7d: {  	s24 =	sshra.s32 s24, $0x2;
	[sflag:s22] =	ssyncadd.s32 $0xFFFFE000  }
0x7e: {  	[tilespmem:s17], [sflag:$0x1] =	stream.indirect.gather [hbm4b:s4+s16], $0x80, s24, s16, $0xb8;
	[tilespmem:$0x1CC00] =	vst v63  }
0x7f: {  	s25 =	sadd.s32 $0x80, s24  }
0x80: {  	[tilespmem:s18], [sflag:$0x2] =	stream.indirect.gather [hbm4b:s4+s16], $0x80, s25, s16, $0xb8;
	[tilespmem:$0x1CC00] =	vst v63  }
0x81: {  	_ =	swait.ge [sflag:s19], $0x2000  }
0x82: {  	[sflag:s19] =	ssyncset.done $0x0  }
0x83: {  	s31 =	sadd.s32 $0x2800, s24;
	[sflag:s19] =	ssyncadd.s32 $0xFFFFE000  }
0x84: {  	[spmem:s2] =	stream.indirect.scatter.add.f32 [tilespmem:s17], [sflag:$0x3], $0x80, s31, s16, $0xb8;
	[tilespmem:$0x1CC00] =	vst v63  }
0x85: {  	_ =	swait.ge [sflag:s20], $0x2000  }
0x86: {  	[sflag:s20] =	ssyncset.done $0x0  }
0x87: {  	s24 =	sadd.s32 $0x2880, s24;
	[sflag:s20] =	ssyncadd.s32 $0xFFFFE000  }
0x88: {  	[spmem:s2] =	stream.indirect.scatter.add.f32 [tilespmem:s18], [sflag:$0x4], $0x80, s24, s16, $0xb8;
	[tilespmem:$0x1CC00] =	vst v63  }
0x89: {  	_ =	swait.ge [sflag:s21], $0x2000  }
0x8a: {  	[sflag:s21] =	ssyncset.done $0x0  }
0x8b: {  	[sflag:s21] =	ssyncadd.s32 $0xFFFFE000  }
0x8c: {  	_ =	swait.ge [sflag:s22], $0x2000  }
0x8d: {  	s23 =	sadd.s32 $0x1, s23;
	[sflag:s22] =	ssyncset.done $0x0  }
0x8e: {  	p0 =	sne.s32 s23, s12;
	[sflag:s22] =	ssyncadd.s32 $0xFFFFE000  }
.Ltmp2:
0x8f: {  	[bflag:$0x0] =	sbarrier.arrive $0xFFFF;
	(pc) =	sbr.rel @p0 .LBB2_1-.Ltmp2, $4  }
0x90: {  	[hbm:s11], [sflag:s6] =	dma.local [spmem:s13], $0x2780  }
0x91: {  	_ =	swait.ge [sflag:s14], $0x2780  }
0x92: {  	[sflag:s14] =	ssyncset.done $0x0  }
0x93: {  	[sflag:s14] =	ssyncadd.s32 $0xFFFFD880  }
0x94: {  	_ =	sfence.sel $0x180000  }
0x95: {  	[bflag:$0x0] =	sbarrier.arrive $0xFFFF  }
0x96: {  	p0 =	sne.s32 s1, $0x0;
	_ =	strace $0x90000056  }
0x97: {  	s0 =	sadd.s32 @!p0 $0x100000, s0;
	[bflag:$0x2] =	sbarrier.arrive $0xFFFF  }
0x98: {  	[sflag:s0] =	ssyncadd.tile.s32 @!p0 $0x1;
	_ =	shalt  }
.Lfunc_end2:
_tile_overlayer_lowered:
.L_overlay_start_2:
0x99: {  	(tag) =	ssettag $0x2  }
0x9a: {  	s0 =	rddreg [dreg:$0x0];
	s2 =	stileid.u32  }
0x9b: {  	s1 =	rddreg [dreg:$0x1];
	p0 =	sne.s32 s2, $0x0  }
0x9c: {  	s3 =	rddreg [dreg:$0x2];
	[bflag:$0x3] =	sbarrier.arrive $0xFFFF;
	s2 =	simm.s32 @!p0 $0x1C05  }
0x9d: {  	[timem:s3], [sflag:s2] =	dma.local @!p0 [hbm:s0], s1  }
0x9e: {  	s0 =	simm.s32 @!p0 $0x5  }
0x9f: {  	_ =	swait.ge @!p0 [sflag:s0], s1  }
0xa0: {  	s1 =	ssub.s32 @!p0 $0x0, s1;
	[sflag:s0] =	ssyncset.done @!p0 $0x0  }
0xa1: {  	[sflag:s0] =	ssyncadd.s32 @!p0 s1  }
0xa2: {  	[bflag:$0x3] =	sbarrier.arrive $0xFFFF  }
0xa3: {  	_ =	shalt  }

// kernel: kernel.34.cloned.1.call-start
scs
__scs_entry_jumppad:
0x0: {  	(pc) =	sbr.rel $0x88, $3  }
0x1: {  	(tag) =	ssettag $0x0;
	lr =	simm.s32 $0x1  }
0x2: {  	[smem:$0x3F90] =	sst lr;
	_ =	strace $0xD0000000  }
0x3: {  	_ = 	snop  }
0x4: {  	_ = 	snop  }
0x5: {  	_ = 	snop  }
0x6: {  	_ = 	snop  }
0x7: {  	_ = 	snop  }
__scs_overlays_trampoline_lowered:
0x8: {  	[smem:$0x3F9F] =	sst s0  }
0x9: {  	[smem:$0x3FA0] =	sst s1  }
0xa: {  	[smem:$0x3FA1] =	sst s2  }
0xb: {  	[smem:$0x3FA2] =	sst s3  }
0xc: {  	[smem:$0x3FA3] =	sst s4  }
0xd: {  	[smem:$0x3FA4] =	sst s5  }
0xe: {  	[smem:$0x3FA5] =	sst s6  }
0xf: {  	[smem:$0x3FA6] =	sst s7  }
0x10: {  	[smem:$0x3FA7] =	sst s8  }
0x11: {  	[smem:$0x3FA8] =	sst s9;
	s0 =	simm.s32 @!p0 $0x0  }
0x12: {  	s1 =	sld [smem:$0x3F8E];
	s0 =	simm.s32 @p0 $0x1  }
0x13: {  	[smem:$0x3FA9] =	sst s0;
	s0 =	simm.s32 @!p1 $0x0  }
0x14: {  	s2 =	sld [smem:$0x3F8D];
	s0 =	simm.s32 @p1 $0x1  }
0x15: {  	[smem:$0x3FAA] =	sst s0;
	s0 =	simm.s32 @!p2 $0x0  }
0x16: {  	s3 =	sld [smem:$0x3FDB];
	s0 =	simm.s32 @p2 $0x1  }
0x17: {  	s4 =	simm.s32 $0x1BF5;
	[smem:$0x3FAC] =	sst s0  }
0x18: {  	s0 =	sld [smem:$0x3F8F];
	_ =	swait.ge [sflag:s4], $0x0  }
0x19: {  	s7 =	sld [smem:$0x3F90]  }
0x1a: {  	s8 =	sadd.s32 $0xFFFFE003, lr  }
0x1b: {  	s9 =	sadd.s32 $0xFFFFFEF7, lr;
	s5 =	simm.s32 $0xFFFFFFFF;
	p2 =	slt.u32 s8, $0xFFFFF086  }
0x1c: {  	p1 =	slt.u32 s9, $0xF7A;
	s5 =	simm.s32 @!p2 $0x0  }
0x1d: {  	s5 =	simm.s32 @p1 $0x1;
	p0 =	seq.s32 s7, s2  }
0x1e: {  	s7 =	smul.u32 @!p0 $0xF7A, s2;
	p2 =	seq.s32 @!p0 s5, $0x0  }
0x1f: {  	s9 =	smul.u32 $0xF7A, s1;
	s8 =	simm.s32 @!p0 $0x1BF5;
	p2 =	por !p2, p0  }
0x20: {  	[sflag:s8] =	ssyncset.s32 @!p0 $0xFFFFF086;
	s6 =	sadd.s32 @!p0 s3, s7;
	s7 =	simm.s32 @!p0 $0x108  }
0x21: {  	s3 =	sadd.s32 s3, s9;
	s6 =	sadd.s32 @!p0 $0x88, s6;
	s7 =	simm.s32 @p2 $0x1082  }
0x22: {  	[simem:s7], [sflag:s8] =	dma.local @!p0 [hbm:s6], $0xF7A  }
0x23: {  	s9 =	sor.u32 $0xD0000000, s2;
	s6 =	simm.s32 $0x108;
	_ =	swait.ge @!p0 [sflag:s8], $0x0  }
0x24: {  	s3 =	sadd.s32 $0x88, s3;
	s6 =	simm.s32 @!p1 $0x1082;
	[sflag:s4] =	ssyncset.s32 $0xFFFFF086  }
0x25: {  	[simem:s6], [sflag:s4] =	dma.local [hbm:s3], $0xF7A  }
0x26: {  	[smem:$0x3F90] =	sst s1;
	(tag) =	ssettag s2;
	_ =	strace s9  }
0x27: {  	s1 =	sld [smem:$0x3FA0]  }
0x28: {  	s2 =	sld [smem:$0x3FA1]  }
0x29: {  	s4 =	sld [smem:$0x3FA3]  }
0x2a: {  	p0 =	seq.s32 s5, $0x0;
	s5 =	sld [smem:$0x3FA4]  }
0x2b: {  	s6 =	sld [smem:$0x3FA5]  }
0x2c: {  	s7 =	sld [smem:$0x3FA6]  }
0x2d: {  	s3 =	simm.s32 $0x108;
	s8 =	sld [smem:$0x3FA7]  }
0x2e: {  	s3 =	simm.s32 @!p0 $0x1082;
	s9 =	sld [smem:$0x3FA8]  }
0x2f: {  	lr =	sadd.s32 s0, s3;
	s0 =	sld [smem:$0x3F9F]  }
0x30: {  	s3 =	sld [smem:$0x3FA2]  }
0x31: {  	[smem:$0x3FAB] =	sst s10  }
0x32: {  	s10 =	sld [smem:$0x3FA9];
	_ =	sdelay $0x3  }
0x33: {  	p0 =	seq.s32 s10, $0x1;
	s10 =	sld [smem:$0x3FAB];
	_ =	sdelay $0x3  }
0x34: {  	[smem:$0x3FAB] =	sst s10  }
0x35: {  	s10 =	sld [smem:$0x3FAA];
	_ =	sdelay $0x3  }
0x36: {  	p1 =	seq.s32 s10, $0x1;
	s10 =	sld [smem:$0x3FAB];
	_ =	sdelay $0x3  }
0x37: {  	[smem:$0x3FAB] =	sst s10  }
0x38: {  	s10 =	sld [smem:$0x3FAC]  }
0x39: {  	_ = 	snop;
	(pc) =	sbr.ind lr, $3  }
0x3a: {  	_ = 	snop  }
0x3b: {  	_ = 	snop  }
0x3c: {  	p2 =	seq.s32 s10, $0x1;
	s10 =	sld [smem:$0x3FAB]  }
0x3d: {  	_ =	shalt  }
0x3e: {  	_ =	shalt  }
0x3f: {  	_ =	shalt  }
0x40: {  	_ =	shalt  }
0x41: {  	_ =	shalt  }
0x42: {  	_ =	shalt  }
0x43: {  	_ =	shalt  }
0x44: {  	_ =	shalt  }
0x45: {  	_ =	shalt  }
0x46: {  	_ =	shalt  }
0x47: {  	_ =	shalt  }
0x48: {  	_ =	shalt  }
0x49: {  	_ =	shalt  }
0x4a: {  	_ =	shalt  }
0x4b: {  	_ =	shalt  }
0x4c: {  	_ =	shalt  }
0x4d: {  	_ =	shalt  }
0x4e: {  	_ =	shalt  }
0x4f: {  	_ =	shalt  }
0x50: {  	_ =	shalt  }
0x51: {  	_ =	shalt  }
0x52: {  	_ =	shalt  }
0x53: {  	_ =	shalt  }
0x54: {  	_ =	shalt  }
0x55: {  	_ =	shalt  }
0x56: {  	_ =	shalt  }
0x57: {  	_ =	shalt  }
0x58: {  	_ =	shalt  }
0x59: {  	_ =	shalt  }
0x5a: {  	_ =	shalt  }
0x5b: {  	_ =	shalt  }
0x5c: {  	_ =	shalt  }
0x5d: {  	_ =	shalt  }
0x5e: {  	_ =	shalt  }
0x5f: {  	_ =	shalt  }
0x60: {  	_ =	shalt  }
0x61: {  	_ =	shalt  }
0x62: {  	_ =	shalt  }
0x63: {  	_ =	shalt  }
0x64: {  	_ =	shalt  }
0x65: {  	_ =	shalt  }
0x66: {  	_ =	shalt  }
0x67: {  	_ =	shalt  }
0x68: {  	_ =	shalt  }
0x69: {  	_ =	shalt  }
0x6a: {  	_ =	shalt  }
0x6b: {  	_ =	shalt  }
0x6c: {  	_ =	shalt  }
0x6d: {  	_ =	shalt  }
0x6e: {  	_ =	shalt  }
0x6f: {  	_ =	shalt  }
0x70: {  	_ =	shalt  }
0x71: {  	_ =	shalt  }
0x72: {  	_ =	shalt  }
0x73: {  	_ =	shalt  }
0x74: {  	_ =	shalt  }
0x75: {  	_ =	shalt  }
0x76: {  	_ =	shalt  }
0x77: {  	_ =	shalt  }
0x78: {  	_ =	shalt  }
0x79: {  	_ =	shalt  }
0x7a: {  	_ =	shalt  }
0x7b: {  	_ =	shalt  }
0x7c: {  	_ =	shalt  }
0x7d: {  	_ =	shalt  }
0x7e: {  	_ =	shalt  }
0x7f: {  	_ =	shalt  }
0x80: {  	_ =	shalt  }
0x81: {  	_ =	shalt  }
0x82: {  	_ =	shalt  }
0x83: {  	_ =	shalt  }
0x84: {  	_ =	shalt  }
0x85: {  	_ =	shalt  }
0x86: {  	_ =	shalt  }
0x87: {  	_ =	shalt  }
.Lfunc_end0:
.L_simem_size_0:
called_computation.6_lowered:
.L_overlay_start_0:
0x88: {  	s2 =	sld [smem:$0x3FD9]  }
0x89: {  	s3 =	sld [smem:$0x3FFE];
	_ =	sdelay $0x1  }
0x8a: {  	s1 =	srdreg.scid  }
0x8b: {  	s0 =	sand.u32 $0x1, s1  }
0x8c: {  	s16 =	sshll.u32 s0, $0xA;
	s2 =	sadd.s32 s3, s2  }
0x8d: {  	s2 =	sadd.s32 s2, s16  }
0x8e: {  	[smem:$0x3FB7] =	sst s2  }
0x8f: {  	_ = 	snop  }
0x90: {  	(tm) =	ssettm $0x1  }
0x91: {  	s17 =	sld [smem:$0x3FFB];
	_ =	sdelay $0x3  }
0x92: {  	_ =	strace s17  }
0x93: {  	s2 =	sld [smem:$0x3FFC];
	_ =	sdelay $0x3  }
0x94: {  	_ =	strace s2  }
0x95: {  	s2 =	sld [smem:$0x3FFD];
	_ =	sdelay $0x3  }
0x96: {  	_ =	strace s2  }
0x97: {  	_ =	strace $0x8FFFFFFF  }
0x98: {  	s18 =	sld [smem:$0x3FDB];
	_ =	sdelay $0x1  }
0x99: {  	s19 =	simm.s32 $_scs_section_size  }
0x9a: {  	s4 =	simm.s32 $_size__tile_overlayer_lowered;
	s5 =	simm.s32 $_tile_overlayer_lowered  }
0x9b: {  	s22 =	simm.s32 $0x1BFF;
	s21 =	sshll.u32 s5, $0x1;
	s2 =	sadd.s32 s19, s18  }
0x9c: {  	s6 =	simm.s32 $0x0;
	s20 =	sshll.u32 s4, $0x1;
	s4 =	sadd.s32 s21, s2  }
0x9d: {  	[timem:s6], [sflag:s22] =	dma.local [hbm:s4], s20  }
0x9e: {  	_ =	swait.ge [sflag:s22], s20  }
0x9f: {  	s3 =	ssub.s32 $0x0, s20;
	[sflag:s22] =	ssyncset.done $0x0  }
0xa0: {  	[sflag:s22] =	ssyncadd.s32 s3;
	_ =	sdelay $0x1  }
0xa1: {  	s23 =	simm.s32 $0x1B8B  }
0xa2: {  	_ =	swait.ge [sflag:s23], $0x1  }
0xa3: {  	[sflag:s23] =	ssyncset.done $0x0  }
0xa4: {  	s25 =	simm.s32 $0x1B8E;
	s24 =	sld [smem:$0x3FFE];
	[sflag:s23] =	ssyncadd.s32 $0xFFFFFFFF  }
0xa5: {  	s26 =	simm.s32 $execute0_lowered;
	[smem:$0x3FD2] =	sst s25  }
0xa6: {  	s4 =	sshll.u32 s26, $0x1;
	_ =	strace $0x80000058;
	[dreg:$0x1] =	wrdreg $0xFFFFFFFF  }
0xa7: {  	s28 =	simm.s32 $_size_execute0_lowered;
	s2 =	sadd.s32 s2, s4;
	[dreg:$0x0] =	wrdreg $0x0  }
0xa8: {  	s4 =	sshll.u32 s28, $0x1;
	[dreg:$0x2] =	wrdreg s2  }
0xa9: {  	[dreg:$0x3] =	wrdreg s4  }
0xaa: {  	[dreg:$0x4] =	wrdreg $0xC0  }
0xab: {  	_ =	task [dreg:s6], $0x5FFFF  }
0xac: {  	[dreg:$0x1] =	wrdreg $0xFFFFFFFF  }
0xad: {  	[dreg:$0x0] =	wrdreg $0x60  }
0xae: {  	[dreg:$0x2] =	wrdreg s24  }
0xaf: {  	[dreg:$0x3] =	wrdreg $0x90000  }
0xb0: {  	[dreg:$0x4] =	wrdreg $0x9  }
0xb1: {  	_ =	task.clear_ibuf [dreg:s6], $0x5FFFF;
	_ =	strace $0x90000058  }
0xb2: {  	s29 =	simm.s32 $0x9;
	_ =	strace $0x8000005A  }
0xb3: {  	_ =	swait.ge [sflag:s29], $0x1  }
0xb4: {  	[sflag:s29] =	ssyncadd.s32 $0xFFFFFFFF  }
0xb5: {  	_ =	strace $0x9000005A  }
0xb6: {  	_ =	sfence  }
0xb7: {  	s30 =	sld [smem:$0x0];
	_ =	sdelay $0x2  }
0xb8: {  	s31 =	sshll.u32 s1, $0xD;
	s1 =	sshrl.u32 s1, $0x2  }
0xb9: {  	s3 =	sand.u32 $0x4000, s31;
	s1 =	sadd.s32 s1, s30  }
0xba: {  	s0 =	sor.u32 s3, s0;
	s1 =	sshll.u32 s1, $0x11  }
0xbb: {  	s0 =	sor.u32 s1, s0  }
0xbc: {  	s0 =	sadd.s32 $0x8F2B, s0  }
0xbd: {  	[sflag:s0] =	ssyncadd.remote.s32 $0x1  }
0xbe: {  	_ =	sfence.sel $0xFFFF  }
0xbf: {  	[dreg:$0x0] =	wrdreg $0xFFFFFFFF;
	(pc) =	sbr.abs _section_cstart, $3  }
0xc0: {  	[dreg:$0x1] =	wrdreg $0xFFFFFFFF  }
0xc1: {  	_ =	task.clear_ibuf [dreg:s6], $0x2FFFF;
	_ =	strace $0x9FFFFFFF  }
0xc2: {  	(tm) =	ssettm $0x7FFFFFFF  }
0xc3: {  	_ =	shalt  }
tec
execute0_lowered:
.L_overlay_start_1:
0x0: {  	(tag) =	ssettag $0x1  }
0x1: {  	s6 =	rddreg [dreg:$0x0]  }
0x2: {  	s2 =	rddreg [dreg:$0x1]  }
0x3: {  	s0 =	rddreg [dreg:$0x2];
	s3 =	simm.s32 $0x0;
	s4 =	srdreg.scid  }
0x4: {  	s1 =	stileid.u32;
	s16 =	simm.s32 $0x40;
	s17 =	simm.s32 $0x5000  }
0x5: {  	s18 =	simm.s32 $0x7000;
	s19 =	simm.s32 $0x1;
	s20 =	simm.s32 $0x2  }
0x6: {  	s21 =	simm.s32 $0x3;
	s22 =	simm.s32 $0x4;
	s23 =	simm.s32 $0x0  }
0x7: {  	[smem:$0x7FF] =	sst s3;
	s7 =	sand.u32 $0x1, s4;
	s8 =	smul.u32 $0x2780, s1  }
0x8: {  	s4 =	sadd.s32 $0x1C200, s6;
	s10 =	sadd.s32 $0xBAA00, s6;
	s12 =	smul.u32 $0x4F000, s1  }
0x9: {  	s11 =	sadd.s32 $0x5A00, s6;
	s5 =	sadd.s32 $0x19A00, s6;
	s9 =	smul.u32 $0x27800, s7  }
0xa: {  	s30 =	sshll.u32 s1, $0x6;
	_ =	strace $0x80000059;
	s25 =	sshll.u32 s7, $0x4  }
0xb: {  	s7 =	ssub.s32 $0x2, s7;
	s8 =	sadd.s32 s8, s9;
	s9 =	sor.u32 s1, s25  }
0xc: {  	s26 =	sshrl.u32 s7, $0x1;
	s29 =	sshrl.u32 s12, $0x2;
	s28 =	smul.u32 $0x5000, s9  }
0xd: {  	s14 =	ssub.s32 s7, s26;
	s15 =	sadd.s32 s29, s2;
	s13 =	sadd.s32 s8, s6  }
0xe: {  	s6 =	sor.u32 $0x1C05, s30;
	s12 =	smax.u32 s14, $0x1;
	s9 =	sshrl.u32 s28, $0x3  }
0xf: {  	s14 =	simm.s32 $0x5;
	s7 =	sadd.s32 s10, s9;
	s31 =	sadd.s32 $0x500, s9  }
0x10: {  	s8 =	sadd.s32 s11, s9;
	s9 =	sadd.s32 s10, s31;
	s10 =	sadd.s32 s11, s31  }
0x11: {  	s11 =	sadd.s32 $0x43A00, s13;
	s13 =	sshrl.u32 s15, $0x3;
	s15 =	simm.s32 $0x2800  }
.LBB2_1:
0x12: {  	[spmem:s13], [sflag:s6] =	dma.local [hbm:s5], $0x2780  }
0x13: {  	_ =	swait.ge [sflag:s14], $0x2780  }
0x14: {  	[sflag:s14] =	ssyncset.done $0x0  }
0x15: {  	[sflag:s14] =	ssyncadd.s32 $0xFFFFD880  }
0x16: {  	[bflag:$0x0] =	sbarrier.arrive $0xFFFF  }
0x17: {  	[tilespmem:s3], [sflag:$0x5] =	stream.linear.gather [hbm4b:s7+s3], $0x2800, $0x38;
	[tilespmem:$0x1CC00] =	vst v63  }
0x18: {  	_ =	swait.ge [sflag:s14], $0x2800  }
0x19: {  	[sflag:s14] =	ssyncset.done $0x0  }
0x1a: {  	[sflag:s14] =	ssyncadd.s32 $0xFFFFD800  }
0x1b: {  	[tilespmem:s15], [sflag:$0x5] =	stream.linear.gather [hbm4b:s8+s3], $0x2800, $0x38;
	[tilespmem:$0x1CC00] =	vst v63  }
0x1c: {  	_ =	swait.ge [sflag:s14], $0x2800  }
0x1d: {  	[sflag:s14] =	ssyncset.done $0x0  }
0x1e: {  	s24 =	simm.s32 $0x0;
	[sflag:s14] =	ssyncadd.s32 $0xFFFFD800  }
0x1f: {  	[tilespmem:s17], [sflag:$0x1] =	stream.indirect.gather [hbm4b:s4+s16], $0x80, s24, s16, $0xb8;
	[tilespmem:$0x1CC00] =	vst v63  }
0x20: {  	s29 =	simm.s32 $0x80  }
0x21: {  	[tilespmem:s18], [sflag:$0x2] =	stream.indirect.gather [hbm4b:s4+s16], $0x80, s29, s16, $0xb8;
	[tilespmem:$0x1CC00] =	vst v63  }
0x22: {  	_ =	swait.ge [sflag:s19], $0x2000  }
0x23: {  	[sflag:s19] =	ssyncset.done $0x0  }
0x24: {  	s30 =	simm.s32 $0x2800;
	[sflag:s19] =	ssyncadd.s32 $0xFFFFE000  }
0x25: {  	[spmem:s2] =	stream.indirect.scatter.add.f32 [tilespmem:s17], [sflag:$0x3], $0x80, s30, s16, $0xb8;
	[tilespmem:$0x1CC00] =	vst v63  }
0x26: {  	_ =	swait.ge [sflag:s20], $0x2000  }
0x27: {  	[sflag:s20] =	ssyncset.done $0x0  }
0x28: {  	s31 =	simm.s32 $0x2880;
	[sflag:s20] =	ssyncadd.s32 $0xFFFFE000  }
0x29: {  	[spmem:s2] =	stream.indirect.scatter.add.f32 [tilespmem:s18], [sflag:$0x4], $0x80, s31, s16, $0xb8;
	[tilespmem:$0x1CC00] =	vst v63  }
0x2a: {  	_ =	swait.ge [sflag:s21], $0x2000  }
0x2b: {  	[sflag:s21] =	ssyncset.done $0x0  }
0x2c: {  	[sflag:s21] =	ssyncadd.s32 $0xFFFFE000  }
0x2d: {  	_ =	swait.ge [sflag:s22], $0x2000  }
0x2e: {  	s25 =	simm.s32 $0x800;
	s24 =	simm.s32 $0x400;
	[sflag:s22] =	ssyncset.done $0x0  }
.LBB2_2:
0x2f: {  	s26 =	sshra.s32 s24, $0x2  }
0x30: {  	[sflag:s22] =	ssyncadd.s32 $0xFFFFE000;
	s24 =	smov.u32 s25;
	s28 =	sadd.s32 $0x400, s25  }
0x31: {  	[tilespmem:s17], [sflag:$0x1] =	stream.indirect.gather [hbm4b:s4+s16], $0x80, s26, s16, $0xb8;
	[tilespmem:$0x1CC00] =	vst v63  }
0x32: {  	p0 =	sne.s32 s25, $0x9C00;
	s25 =	sadd.s32 $0x80, s26  }
0x33: {  	[tilespmem:s18], [sflag:$0x2] =	stream.indirect.gather [hbm4b:s4+s16], $0x80, s25, s16, $0xb8;
	[tilespmem:$0x1CC00] =	vst v63  }
0x34: {  	_ =	swait.ge [sflag:s19], $0x2000  }
0x35: {  	[sflag:s19] =	ssyncset.done $0x0  }
0x36: {  	s25 =	sadd.s32 $0x2800, s26;
	[sflag:s19] =	ssyncadd.s32 $0xFFFFE000  }
0x37: {  	[spmem:s2] =	stream.indirect.scatter.add.f32 [tilespmem:s17], [sflag:$0x3], $0x80, s25, s16, $0xb8;
	[tilespmem:$0x1CC00] =	vst v63  }
0x38: {  	_ =	swait.ge [sflag:s20], $0x2000  }
0x39: {  	[sflag:s20] =	ssyncset.done $0x0  }
0x3a: {  	s25 =	sadd.s32 $0x2880, s26;
	[sflag:s20] =	ssyncadd.s32 $0xFFFFE000  }
0x3b: {  	[spmem:s2] =	stream.indirect.scatter.add.f32 [tilespmem:s18], [sflag:$0x4], $0x80, s25, s16, $0xb8;
	[tilespmem:$0x1CC00] =	vst v63  }
.Ltmp0:
0x3c: {  	_ =	swait.ge [sflag:s21], $0x2000;
	(pc) =	sbr.rel @p0 .LBB2_2-.Ltmp0, $4  }
0x3d: {  	[sflag:s21] =	ssyncset.done $0x0  }
0x3e: {  	[sflag:s21] =	ssyncadd.s32 $0xFFFFE000  }
0x3f: {  	_ =	swait.ge [sflag:s22], $0x2000  }
0x40: {  	s25 =	smov.u32 s28;
	[sflag:s22] =	ssyncset.done $0x0  }
0x41: {  	s24 =	sshra.s32 s24, $0x2;
	[sflag:s22] =	ssyncadd.s32 $0xFFFFE000  }
0x42: {  	[tilespmem:s17], [sflag:$0x1] =	stream.indirect.gather [hbm4b:s4+s16], $0x80, s24, s16, $0xb8;
	[tilespmem:$0x1CC00] =	vst v63  }
0x43: {  	s25 =	sadd.s32 $0x80, s24  }
0x44: {  	[tilespmem:s18], [sflag:$0x2] =	stream.indirect.gather [hbm4b:s4+s16], $0x80, s25, s16, $0xb8;
	[tilespmem:$0x1CC00] =	vst v63  }
0x45: {  	_ =	swait.ge [sflag:s19], $0x2000  }
0x46: {  	[sflag:s19] =	ssyncset.done $0x0  }
0x47: {  	s31 =	sadd.s32 $0x2800, s24;
	[sflag:s19] =	ssyncadd.s32 $0xFFFFE000  }
0x48: {  	[spmem:s2] =	stream.indirect.scatter.add.f32 [tilespmem:s17], [sflag:$0x3], $0x80, s31, s16, $0xb8;
	[tilespmem:$0x1CC00] =	vst v63  }
0x49: {  	_ =	swait.ge [sflag:s20], $0x2000  }
0x4a: {  	[sflag:s20] =	ssyncset.done $0x0  }
0x4b: {  	s24 =	sadd.s32 $0x2880, s24;
	[sflag:s20] =	ssyncadd.s32 $0xFFFFE000  }
0x4c: {  	[spmem:s2] =	stream.indirect.scatter.add.f32 [tilespmem:s18], [sflag:$0x4], $0x80, s24, s16, $0xb8;
	[tilespmem:$0x1CC00] =	vst v63  }
0x4d: {  	_ =	swait.ge [sflag:s21], $0x2000  }
0x4e: {  	[sflag:s21] =	ssyncset.done $0x0  }
0x4f: {  	[sflag:s21] =	ssyncadd.s32 $0xFFFFE000  }
0x50: {  	_ =	swait.ge [sflag:s22], $0x2000  }
0x51: {  	[sflag:s22] =	ssyncset.done $0x0  }
0x52: {  	s26 =	simm.s32 $0x0;
	[sflag:s22] =	ssyncadd.s32 $0xFFFFE000  }
0x53: {  	[tilespmem:s26], [sflag:$0x5] =	stream.linear.gather [hbm4b:s9+s26], $0x2800, $0x38;
	[tilespmem:$0x1CC00] =	vst v63  }
0x54: {  	_ =	swait.ge [sflag:s14], $0x2800  }
0x55: {  	[sflag:s14] =	ssyncset.done $0x0  }
0x56: {  	[sflag:s14] =	ssyncadd.s32 $0xFFFFD800  }
0x57: {  	[tilespmem:s15], [sflag:$0x5] =	stream.linear.gather [hbm4b:s10+s26], $0x2800, $0x38;
	[tilespmem:$0x1CC00] =	vst v63  }
0x58: {  	_ =	swait.ge [sflag:s14], $0x2800  }
0x59: {  	[sflag:s14] =	ssyncset.done $0x0  }
0x5a: {  	s28 =	simm.s32 $0x0;
	[sflag:s14] =	ssyncadd.s32 $0xFFFFD800  }
0x5b: {  	[tilespmem:s17], [sflag:$0x1] =	stream.indirect.gather [hbm4b:s4+s16], $0x80, s28, s16, $0xb8;
	[tilespmem:$0x1CC00] =	vst v63  }
0x5c: {  	s29 =	simm.s32 $0x80  }
0x5d: {  	[tilespmem:s18], [sflag:$0x2] =	stream.indirect.gather [hbm4b:s4+s16], $0x80, s29, s16, $0xb8;
	[tilespmem:$0x1CC00] =	vst v63  }
0x5e: {  	_ =	swait.ge [sflag:s19], $0x2000  }
0x5f: {  	[sflag:s19] =	ssyncset.done $0x0  }
0x60: {  	s30 =	simm.s32 $0x2800;
	[sflag:s19] =	ssyncadd.s32 $0xFFFFE000  }
0x61: {  	[spmem:s2] =	stream.indirect.scatter.add.f32 [tilespmem:s17], [sflag:$0x3], $0x80, s30, s16, $0xb8;
	[tilespmem:$0x1CC00] =	vst v63  }
0x62: {  	_ =	swait.ge [sflag:s20], $0x2000  }
0x63: {  	[sflag:s20] =	ssyncset.done $0x0  }
0x64: {  	s31 =	simm.s32 $0x2880;
	[sflag:s20] =	ssyncadd.s32 $0xFFFFE000  }
0x65: {  	[spmem:s2] =	stream.indirect.scatter.add.f32 [tilespmem:s18], [sflag:$0x4], $0x80, s31, s16, $0xb8;
	[tilespmem:$0x1CC00] =	vst v63  }
0x66: {  	_ =	swait.ge [sflag:s21], $0x2000  }
0x67: {  	[sflag:s21] =	ssyncset.done $0x0  }
0x68: {  	[sflag:s21] =	ssyncadd.s32 $0xFFFFE000  }
0x69: {  	_ =	swait.ge [sflag:s22], $0x2000  }
0x6a: {  	s25 =	simm.s32 $0x800;
	s24 =	simm.s32 $0x400;
	[sflag:s22] =	ssyncset.done $0x0  }
.LBB2_4:
0x6b: {  	s26 =	sshra.s32 s24, $0x2  }
0x6c: {  	[sflag:s22] =	ssyncadd.s32 $0xFFFFE000;
	s24 =	smov.u32 s25;
	s28 =	sadd.s32 $0x400, s25  }
0x6d: {  	[tilespmem:s17], [sflag:$0x1] =	stream.indirect.gather [hbm4b:s4+s16], $0x80, s26, s16, $0xb8;
	[tilespmem:$0x1CC00] =	vst v63  }
0x6e: {  	p0 =	sne.s32 s25, $0x9C00;
	s25 =	sadd.s32 $0x80, s26  }
0x6f: {  	[tilespmem:s18], [sflag:$0x2] =	stream.indirect.gather [hbm4b:s4+s16], $0x80, s25, s16, $0xb8;
	[tilespmem:$0x1CC00] =	vst v63  }
0x70: {  	_ =	swait.ge [sflag:s19], $0x2000  }
0x71: {  	[sflag:s19] =	ssyncset.done $0x0  }
0x72: {  	s25 =	sadd.s32 $0x2800, s26;
	[sflag:s19] =	ssyncadd.s32 $0xFFFFE000  }
0x73: {  	[spmem:s2] =	stream.indirect.scatter.add.f32 [tilespmem:s17], [sflag:$0x3], $0x80, s25, s16, $0xb8;
	[tilespmem:$0x1CC00] =	vst v63  }
0x74: {  	_ =	swait.ge [sflag:s20], $0x2000  }
0x75: {  	[sflag:s20] =	ssyncset.done $0x0  }
0x76: {  	s25 =	sadd.s32 $0x2880, s26;
	[sflag:s20] =	ssyncadd.s32 $0xFFFFE000  }
0x77: {  	[spmem:s2] =	stream.indirect.scatter.add.f32 [tilespmem:s18], [sflag:$0x4], $0x80, s25, s16, $0xb8;
	[tilespmem:$0x1CC00] =	vst v63  }
.Ltmp1:
0x78: {  	_ =	swait.ge [sflag:s21], $0x2000;
	(pc) =	sbr.rel @p0 .LBB2_4-.Ltmp1, $4  }
0x79: {  	[sflag:s21] =	ssyncset.done $0x0  }
0x7a: {  	[sflag:s21] =	ssyncadd.s32 $0xFFFFE000  }
0x7b: {  	_ =	swait.ge [sflag:s22], $0x2000  }
0x7c: {  	s25 =	smov.u32 s28;
	[sflag:s22] =	ssyncset.done $0x0  }
0x7d: {  	s24 =	sshra.s32 s24, $0x2;
	[sflag:s22] =	ssyncadd.s32 $0xFFFFE000  }
0x7e: {  	[tilespmem:s17], [sflag:$0x1] =	stream.indirect.gather [hbm4b:s4+s16], $0x80, s24, s16, $0xb8;
	[tilespmem:$0x1CC00] =	vst v63  }
0x7f: {  	s25 =	sadd.s32 $0x80, s24  }
0x80: {  	[tilespmem:s18], [sflag:$0x2] =	stream.indirect.gather [hbm4b:s4+s16], $0x80, s25, s16, $0xb8;
	[tilespmem:$0x1CC00] =	vst v63  }
0x81: {  	_ =	swait.ge [sflag:s19], $0x2000  }
0x82: {  	[sflag:s19] =	ssyncset.done $0x0  }
0x83: {  	s31 =	sadd.s32 $0x2800, s24;
	[sflag:s19] =	ssyncadd.s32 $0xFFFFE000  }
0x84: {  	[spmem:s2] =	stream.indirect.scatter.add.f32 [tilespmem:s17], [sflag:$0x3], $0x80, s31, s16, $0xb8;
	[tilespmem:$0x1CC00] =	vst v63  }
0x85: {  	_ =	swait.ge [sflag:s20], $0x2000  }
0x86: {  	[sflag:s20] =	ssyncset.done $0x0  }
0x87: {  	s24 =	sadd.s32 $0x2880, s24;
	[sflag:s20] =	ssyncadd.s32 $0xFFFFE000  }
0x88: {  	[spmem:s2] =	stream.indirect.scatter.add.f32 [tilespmem:s18], [sflag:$0x4], $0x80, s24, s16, $0xb8;
	[tilespmem:$0x1CC00] =	vst v63  }
0x89: {  	_ =	swait.ge [sflag:s21], $0x2000  }
0x8a: {  	[sflag:s21] =	ssyncset.done $0x0  }
0x8b: {  	[sflag:s21] =	ssyncadd.s32 $0xFFFFE000  }
0x8c: {  	_ =	swait.ge [sflag:s22], $0x2000  }
0x8d: {  	s23 =	sadd.s32 $0x1, s23;
	[sflag:s22] =	ssyncset.done $0x0  }
0x8e: {  	p0 =	sne.s32 s23, s12;
	[sflag:s22] =	ssyncadd.s32 $0xFFFFE000  }
.Ltmp2:
0x8f: {  	[bflag:$0x0] =	sbarrier.arrive $0xFFFF;
	(pc) =	sbr.rel @p0 .LBB2_1-.Ltmp2, $4  }
0x90: {  	[hbm:s11], [sflag:s6] =	dma.local [spmem:s13], $0x2780  }
0x91: {  	_ =	swait.ge [sflag:s14], $0x2780  }
0x92: {  	[sflag:s14] =	ssyncset.done $0x0  }
0x93: {  	[sflag:s14] =	ssyncadd.s32 $0xFFFFD880  }
0x94: {  	_ =	sfence.sel $0x180000  }
0x95: {  	[bflag:$0x0] =	sbarrier.arrive $0xFFFF  }
0x96: {  	p0 =	sne.s32 s1, $0x0;
	_ =	strace $0x90000059  }
0x97: {  	s0 =	sadd.s32 @!p0 $0x100000, s0;
	[bflag:$0x2] =	sbarrier.arrive $0xFFFF  }
0x98: {  	[sflag:s0] =	ssyncadd.tile.s32 @!p0 $0x1;
	_ =	shalt  }
.Lfunc_end2:
_tile_overlayer_lowered:
.L_overlay_start_2:
0x99: {  	(tag) =	ssettag $0x2  }
0x9a: {  	s0 =	rddreg [dreg:$0x0];
	s2 =	stileid.u32  }
0x9b: {  	s1 =	rddreg [dreg:$0x1];
	p0 =	sne.s32 s2, $0x0  }
0x9c: {  	s3 =	rddreg [dreg:$0x2];
	[bflag:$0x3] =	sbarrier.arrive $0xFFFF;
	s2 =	simm.s32 @!p0 $0x1C05  }
0x9d: {  	[timem:s3], [sflag:s2] =	dma.local @!p0 [hbm:s0], s1  }
0x9e: {  	s0 =	simm.s32 @!p0 $0x5  }
0x9f: {  	_ =	swait.ge @!p0 [sflag:s0], s1  }
0xa0: {  	s1 =	ssub.s32 @!p0 $0x0, s1;
	[sflag:s0] =	ssyncset.done @!p0 $0x0  }
0xa1: {  	[sflag:s0] =	ssyncadd.s32 @!p0 s1  }
0xa2: {  	[bflag:$0x3] =	sbarrier.arrive $0xFFFF  }
0xa3: {  	_ =	shalt  }

</sc_bundles>
